<compile_context>
chip_gen: v7x
topology: tpu7x:2x2x1
jax: 0.10.2.dev20260603
libtpu: 0.0.44.dev20260713+nightly
codegen_flags: <defaults>
</compile_context>

<pallas_src>
import functools

import jax
import jax.numpy as jnp
from jax import lax
from jax.experimental import pallas as pl
from jax.experimental.pallas import tpu as pltpu
from jax.experimental.pallas import tpu_sc as plsc

N = 10000
E = 320000
G = 64
IN = 128
HID = 200
DH = 128
D = 2 * DH
NPAD = 10080
RB = 336
GRID = NPAD // RB

NC, NS = 2, 16
NW = NC * NS
K = 128
SB = 80
NSB = 2
CPS = NSB * SB
E_PAD = NS * CPS * K
EPW = E_PAD // NW
NCHUNK_D = EPW // K
WROWS = 632
ZR = 8

_mesh = plsc.VectorSubcoreMesh(core_axis_name="c", subcore_axis_name="s")



@functools.partial(
    pl.kernel,
    out_type=jax.ShapeDtypeStruct((NC, NPAD, 16), jnp.float32),
    mesh=_mesh,
    scratch_types=[
        pltpu.VMEM((K,), jnp.int32),
        pltpu.VMEM((K, 16), jnp.float32),
        pltpu.VMEM((ZR, 16), jnp.float32),
        pltpu.VMEM_SHARED((NPAD, 16), jnp.float32),
        pltpu.SemaphoreType.DMA,
    ],
)
def _degree(dst_hbm, out_hbm, idx_d, ones_b, zbuf, acc, sem):
    c = lax.axis_index("c")
    s = lax.axis_index("s")
    one16 = jnp.ones((16,), jnp.float32)
    zero16 = jnp.zeros((16,), jnp.float32)
    for i in range(K):
        ones_b[i, :] = one16
    for i in range(ZR):
        zbuf[i, :] = zero16
    base_row = jnp.minimum(s * WROWS, NPAD - WROWS)

    def zinit(j, carry):
        pltpu.sync_copy(zbuf, acc.at[pl.ds(base_row + j * ZR, ZR)])
        return carry

    lax.fori_loop(0, WROWS // ZR, zinit, 0)
    plsc.subcore_barrier()

    ebase = (c * NS + s) * EPW

    def body(g, carry):
        pltpu.sync_copy(dst_hbm.at[pl.ds(ebase + g * K, K)], idx_d)
        pltpu.sync_copy(ones_b, acc.at[idx_d], add=True)
        return carry

    lax.fori_loop(0, NCHUNK_D, body, 0)
    plsc.subcore_barrier()
    pltpu.sync_copy(acc.at[pl.ds(base_row, WROWS)],
                    out_hbm.at[c, pl.ds(base_row, WROWS)])


@functools.partial(
    pl.kernel,
    out_type=jax.ShapeDtypeStruct((NC, NPAD, DH), jnp.float32),
    mesh=_mesh,
    scratch_types=[
        pltpu.VMEM((K,), jnp.int32),
        pltpu.VMEM((K,), jnp.int32),
        pltpu.VMEM((K,), jnp.int32),
        pltpu.VMEM((K,), jnp.int32),
        pltpu.VMEM((K, DH), jnp.float32),
        pltpu.VMEM((K, DH), jnp.float32),
        pltpu.VMEM((ZR, DH), jnp.float32),
        pltpu.VMEM_SHARED((NPAD, DH), jnp.float32),
        pltpu.SemaphoreType.DMA,
        pltpu.SemaphoreType.DMA,
    ],
)
def _propagate(src_hbm, dst_hbm, p_hbm, out_hbm, idx_s0, idx_d0, idx_s1,
               idx_d1, rows0, rows1, zbuf, acc, gsem0, gsem1):
    c = lax.axis_index("c")
    s = lax.axis_index("s")
    zero16 = jnp.zeros((16,), jnp.float32)
    for i in range(ZR):
        for k in range(DH // 16):
            zbuf[i, pl.ds(k * 16, 16)] = zero16
    base_row = jnp.minimum(s * WROWS, NPAD - WROWS)

    def zinit(j, carry):
        pltpu.sync_copy(zbuf, acc.at[pl.ds(base_row + j * ZR, ZR)])
        return carry

    lax.fori_loop(0, WROWS // ZR, zinit, 0)
    plsc.subcore_barrier()

    ph = p_hbm.at[c]
    ebase = s * CPS * K

    def body(i, carry):
        off = ebase + 2 * i * K
        pltpu.sync_copy(src_hbm.at[pl.ds(off, K)], idx_s0)
        cp0 = pltpu.async_copy(ph.at[idx_s0], rows0, gsem0)
        pltpu.sync_copy(src_hbm.at[pl.ds(off + K, K)], idx_s1)
        cp1 = pltpu.async_copy(ph.at[idx_s1], rows1, gsem1)
        pltpu.sync_copy(dst_hbm.at[pl.ds(off, K)], idx_d0)
        pltpu.sync_copy(dst_hbm.at[pl.ds(off + K, K)], idx_d1)
        cp0.wait()
        pltpu.sync_copy(rows0, acc.at[idx_d0], add=True)
        cp1.wait()
        pltpu.sync_copy(rows1, acc.at[idx_d1], add=True)
        return carry

    lax.fori_loop(0, CPS // 2, body, 0)
    plsc.subcore_barrier()
    pltpu.sync_copy(acc.at[pl.ds(base_row, WROWS)],
                    out_hbm.at[c, pl.ds(base_row, WROWS)])



def _t1_body(dp_ref, x_ref, w_ref, p_ref, dinv_ref):
    pid = pl.program_id(0)
    dp0 = dp_ref[0, :, :]
    dp1 = dp_ref[1, :, :]
    deg = 1.0 + dp0[:, :1] + dp1[:, :1]
    row = pid * RB + lax.broadcasted_iota(jnp.int32, (RB, 1), 0)
    dinv = jnp.where(row < N, lax.rsqrt(deg), 0.0)
    z = jnp.dot(x_ref[...], w_ref[...],
                preferred_element_type=jnp.float32) * dinv
    p_ref[0, :, :] = z[:, :DH]
    p_ref[1, :, :] = z[:, DH:]
    dinv_ref[...] = jnp.broadcast_to(dinv, (RB, 8))


def _t1(degp, xp, w1p):
    return pl.pallas_call(
        _t1_body,
        grid=(GRID,),
        in_specs=[
            pl.BlockSpec((NC, RB, 16), lambda i: (0, i, 0)),
            pl.BlockSpec((RB, IN), lambda i: (i, 0)),
            pl.BlockSpec((IN, D), lambda i: (0, 0)),
        ],
        out_specs=[
            pl.BlockSpec((NC, RB, DH), lambda i: (0, i, 0)),
            pl.BlockSpec((RB, 8), lambda i: (i, 0)),
        ],
        out_shape=[
            jax.ShapeDtypeStruct((NC, NPAD, DH), jnp.float32),
            jax.ShapeDtypeStruct((NPAD, 8), jnp.float32),
        ],
    )(degp, xp, w1p)


def _t2_body(p_ref, s_ref, dinv_ref, b_ref, w_ref, out_ref):
    dinv = dinv_ref[:, :1]
    ps = jnp.concatenate(
        [p_ref[0, :, :] + s_ref[0, :, :], p_ref[1, :, :] + s_ref[1, :, :]],
        axis=1)
    h = jnp.maximum(dinv * ps + b_ref[...], 0.0)
    z = jnp.dot(h, w_ref[...], preferred_element_type=jnp.float32) * dinv
    out_ref[0, :, :] = z[:, :DH]
    out_ref[1, :, :] = z[:, DH:]


def _t2(p, spart, dinv8, bprev, wnext):
    return pl.pallas_call(
        _t2_body,
        grid=(GRID,),
        in_specs=[
            pl.BlockSpec((NC, RB, DH), lambda i: (0, i, 0)),
            pl.BlockSpec((NC, RB, DH), lambda i: (0, i, 0)),
            pl.BlockSpec((RB, 8), lambda i: (i, 0)),
            pl.BlockSpec((1, D), lambda i: (0, 0)),
            pl.BlockSpec((D, D), lambda i: (0, 0)),
        ],
        out_specs=pl.BlockSpec((NC, RB, DH), lambda i: (0, i, 0)),
        out_shape=jax.ShapeDtypeStruct((NC, NPAD, DH), jnp.float32),
    )(p, spart, dinv8, bprev, wnext)


def _t3_body(p_ref, s_ref, dinv_ref, b_ref, wg_ref, bg_ref, batch_ref,
             wc1_ref, bc1_ref, wc2_ref, bc2_ref, out_ref, acc):
    pid = pl.program_id(0)
    dinv = dinv_ref[:, :1]
    ps = jnp.concatenate(
        [p_ref[0, :, :] + s_ref[0, :, :], p_ref[1, :, :] + s_ref[1, :, :]],
        axis=1)
    h3 = jnp.maximum(dinv * ps + b_ref[...], 0.0)
    t = jnp.dot(h3, wg_ref[...],
                preferred_element_type=jnp.float32) + bg_ref[...]
    gate = 1.0 / (1.0 + jnp.exp(-t))
    hg = h3 * gate
    hgx = jnp.concatenate([hg, jnp.ones((RB, 8), jnp.float32)], axis=1)
    m = (batch_ref[...] ==
         lax.broadcasted_iota(jnp.int32, (RB, G), 1)).astype(jnp.float32)
    part = lax.dot_general(m, hgx, (((0,), (0,)), ((), ())),
                           preferred_element_type=jnp.float32)

    @pl.when(pid == 0)
    def _():
        acc[...] = jnp.zeros((G, D + 8), jnp.float32)

    acc[...] += part

    @pl.when(pid == GRID - 1)
    def _():
        av = acc[...]
        sums = av[:, :D]
        counts = av[:, D:D + 1]
        hgr = sums / jnp.maximum(counts, 1.0)
        hc = jnp.maximum(
            jnp.dot(hgr, wc1_ref[...], preferred_element_type=jnp.float32)
            + bc1_ref[...], 0.0)
        out_ref[...] = (jnp.dot(hc, wc2_ref[...],
                                preferred_element_type=jnp.float32)
                        + bc2_ref[...])


def _t3(p, spart, dinv8, b3p, wgp, bgp, batchp, wc1p, bc1p, wc2p, bc2p):
    return pl.pallas_call(
        _t3_body,
        grid=(GRID,),
        in_specs=[
            pl.BlockSpec((NC, RB, DH), lambda i: (0, i, 0)),
            pl.BlockSpec((NC, RB, DH), lambda i: (0, i, 0)),
            pl.BlockSpec((RB, 8), lambda i: (i, 0)),
            pl.BlockSpec((1, D), lambda i: (0, 0)),
            pl.BlockSpec((D, D), lambda i: (0, 0)),
            pl.BlockSpec((1, D), lambda i: (0, 0)),
            pl.BlockSpec((RB, 1), lambda i: (i, 0)),
            pl.BlockSpec((D, 128), lambda i: (0, 0)),
            pl.BlockSpec((1, 128), lambda i: (0, 0)),
            pl.BlockSpec((128, 2), lambda i: (0, 0)),
            pl.BlockSpec((1, 2), lambda i: (0, 0)),
        ],
        out_specs=pl.BlockSpec((G, 2), lambda i: (0, 0)),
        out_shape=jax.ShapeDtypeStruct((G, 2), jnp.float32),
        scratch_shapes=[pltpu.VMEM((G, D + 8), jnp.float32)],
    )(p, spart, dinv8, b3p, wgp, bgp, batchp, wc1p, bc1p, wc2p, bc2p)



def _pad_w(w, r, c):
    out = jnp.zeros((r, c), jnp.float32)
    return out.at[:w.shape[0], :w.shape[1]].set(w)


def _pad_b(b, c):
    return jnp.zeros((1, c), jnp.float32).at[0, :b.shape[0]].set(b)


def kernel(x, edge_index, batch, W1, b1, W2, b2, W3, b3, Wg, bg,
           Wc1, bc1, Wc2, bc2):
    src = jnp.full((E_PAD,), N, jnp.int32).at[:E].set(
        edge_index[0].astype(jnp.int32))
    dst = jnp.full((E_PAD,), N, jnp.int32).at[:E].set(
        edge_index[1].astype(jnp.int32))
    xp = jnp.zeros((NPAD, IN), jnp.float32).at[:N].set(x)
    batchp = jnp.full((NPAD, 1), G, jnp.int32).at[:N, 0].set(
        batch.astype(jnp.int32))
    w1p = _pad_w(W1, IN, D)
    w2p, w3p, wgp = (_pad_w(w, D, D) for w in (W2, W3, Wg))
    b1p, b2p, b3p, bgp = (_pad_b(b, D) for b in (b1, b2, b3, bg))
    wc1p = _pad_w(Wc1, D, 128)
    bc1p = _pad_b(bc1, 128)
    wc2p = _pad_w(Wc2, 128, 2)
    bc2p = _pad_b(bc2, 2)

    degp = _degree(dst)
    p1, dinv8 = _t1(degp, xp, w1p)
    s1 = _propagate(src, dst, p1)
    p2 = _t2(p1, s1, dinv8, b1p, w2p)
    s2 = _propagate(src, dst, p2)
    p3 = _t2(p2, s2, dinv8, b2p, w3p)
    s3 = _propagate(src, dst, p3)
    return _t3(p3, s3, dinv8, b3p, wgp, bgp, batchp, wc1p, bc1p, wc2p, bc2p)

# --- scband reference (transcript-rebuilt; emitter-appended) ---
"""Pipeline reference for scband-devign-baseline-2602750181530 (READ-ONLY COPY).

The authoritative reference and input builder live on the scoring server;
editing this copy changes nothing except your own understanding.
"""

import jax, jax.numpy as jnp
import numpy as np

NUM_NODES = 10000
NUM_EDGES = 320000
NUM_GRAPHS = 64
IN_DIM = 128
HID = 200
OUT_DIM = 2


def setup_inputs(seed: int = 0) -> dict:
    key = jax.random.key(seed)
    ks = jax.random.split(key, 16)
    x = jax.random.normal(ks[0], (NUM_NODES, IN_DIM), dtype=jnp.float32)
    edge_index = jax.random.randint(ks[1], (2, NUM_EDGES), 0, NUM_NODES, dtype=jnp.int64)
    batch = jnp.sort(jax.random.randint(ks[2], (NUM_NODES,), 0, NUM_GRAPHS, dtype=jnp.int64))
    def glorot(k, fan_in, fan_out):
        s = jnp.sqrt(2.0 / (fan_in + fan_out))
        return jax.random.normal(k, (fan_in, fan_out), dtype=jnp.float32) * s
    W1 = glorot(ks[3], IN_DIM, HID); b1 = jnp.zeros((HID,), jnp.float32)
    W2 = glorot(ks[4], HID, HID); b2 = jnp.zeros((HID,), jnp.float32)
    W3 = glorot(ks[5], HID, HID); b3 = jnp.zeros((HID,), jnp.float32)
    Wg = glorot(ks[6], HID, HID); bg = jnp.zeros((HID,), jnp.float32)
    Wc1 = glorot(ks[7], HID, HID // 2); bc1 = jnp.zeros((HID // 2,), jnp.float32)
    Wc2 = glorot(ks[8], HID // 2, OUT_DIM); bc2 = jnp.zeros((OUT_DIM,), jnp.float32)
    return {"x": x, "edge_index": edge_index, "batch": batch,
            "W1": W1, "b1": b1, "W2": W2, "b2": b2, "W3": W3, "b3": b3,
            "Wg": Wg, "bg": bg, "Wc1": Wc1, "bc1": bc1, "Wc2": Wc2, "bc2": bc2}


def _gcn_conv(x, src, dst, norm, W, b):
    # PyG GCNConv: h = x @ W, propagate with sym-norm coefficients, add bias
    h = x @ W
    msg = h[src] * norm[:, None]
    out = jnp.zeros((x.shape[0], W.shape[1]), dtype=x.dtype).at[dst].add(msg)
    return out + b


def _build_norm(edge_index, num_nodes):
    loop = jnp.arange(num_nodes, dtype=edge_index.dtype)
    src = jnp.concatenate([edge_index[0], loop])
    dst = jnp.concatenate([edge_index[1], loop])
    deg = jnp.zeros((num_nodes,), jnp.float32).at[dst].add(1.0)
    dinv = jnp.where(deg > 0, 1.0 / jnp.sqrt(deg), 0.0)
    norm = dinv[src] * dinv[dst]
    return src, dst, norm


def reference(x, edge_index, batch, W1, b1, W2, b2, W3, b3, Wg, bg, Wc1, bc1, Wc2, bc2):
    src, dst, norm = _build_norm(edge_index, x.shape[0])
    h1 = jax.nn.relu(_gcn_conv(x, src, dst, norm, W1, b1))
    h2 = jax.nn.relu(_gcn_conv(h1, src, dst, norm, W2, b2))
    h3 = jax.nn.relu(_gcn_conv(h2, src, dst, norm, W3, b3))
    gate = jax.nn.sigmoid(h3 @ Wg + bg)
    h_gated = h3 * gate
    sums = jax.ops.segment_sum(h_gated, batch, num_segments=NUM_GRAPHS)
    counts = jax.ops.segment_sum(jnp.ones((x.shape[0],), jnp.float32), batch, num_segments=NUM_GRAPHS)
    h_graph = sums / jnp.maximum(counts, 1.0)[:, None]
    # classifier (dropout is identity in eval)
    hc = jax.nn.relu(h_graph @ Wc1 + bc1)
    logits = hc @ Wc2 + bc2
    return logits

if __name__ == "__main__":
    import jax
    _d = setup_inputs()
    print(jax.jit(kernel)(*tuple(_d.values())))

</pallas_src>

<mosaic_0001>
#map = affine_map<(d0, d1) -> (0)>
#map1 = affine_map<(d0, d1) -> (0, 0, 0)>
module attributes {stable_mosaic.version = 14 : i64} {
  func.func @_propagate(%arg0: i32, %arg1: i32, %arg2: memref<327680xi32, #tpu.memory_space<hbm>>, %arg3: memref<327680xi32, #tpu.memory_space<hbm>>, %arg4: memref<2x10080x128xf32, #tpu.memory_space<hbm>>, %arg5: memref<2x10080x128xf32, #tpu.memory_space<hbm>>, %arg6: memref<128xi32, #tpu.memory_space<vmem>>, %arg7: memref<128xi32, #tpu.memory_space<vmem>>, %arg8: memref<128xi32, #tpu.memory_space<vmem>>, %arg9: memref<128xi32, #tpu.memory_space<vmem>>, %arg10: memref<128x128xf32, #tpu.memory_space<vmem>>, %arg11: memref<128x128xf32, #tpu.memory_space<vmem>>, %arg12: memref<8x128xf32, #tpu.memory_space<vmem>>, %arg13: memref<10080x128xf32, #tpu.memory_space<vmem_shared>>, %arg14: memref<!tpu.dma_semaphore, #tpu.memory_space<semaphore_mem>>, %arg15: memref<!tpu.dma_semaphore, #tpu.memory_space<semaphore_mem>>) attributes {dimension_semantics = [#tpu.dimension_semantics<core_parallel>, #tpu.dimension_semantics<subcore_parallel>], iteration_bounds = array<i64: 2, 16>, scalar_prefetch = 0 : i64, scratch_operands = 10 : i64, tpu.core_type = #tpu.core_type<sc_vector_subcore>, window_params = [{transform_indices = #map}, {transform_indices = #map}, {transform_indices = #map1}, {transform_indices = #map1}]} {
    %broadcast_in_dim3A = arith.constant 0.000000e+00 : f32
    %broadcast_in_dim3A_0 = vector.broadcast %broadcast_in_dim3A : f32 to vector<16xf32>
    %swap3A = arith.constant 0 : i32
    %swap3A_1 = arith.index_cast %swap3A : i32 to index
    %swap3A_2 = arith.constant 0 : index
    %swap3A_3 = tpu.vector_load %arg12[%swap3A_1, %swap3A_2] {strides = array<i32>} : memref<8x128xf32, #tpu.memory_space<vmem>>, vector<1x16xf32>,
    %swap3A_4 = vector.shape_cast %swap3A_3 : vector<1x16xf32> to vector<16xf32>
    %swap3A_5 = vector.shape_cast %broadcast_in_dim3A_0 : vector<16xf32> to vector<1x16xf32>
    tpu.vector_store %arg12[%swap3A_1, %swap3A_2], %swap3A_5 {strides = array<i32>} : memref<8x128xf32, #tpu.memory_space<vmem>>, vector<1x16xf32>,
    %swap3A_6 = arith.constant 0 : i32
    %swap3A_7 = arith.index_cast %swap3A_6 : i32 to index
    %swap3A_8 = arith.constant 16 : index
    %swap3A_9 = tpu.vector_load %arg12[%swap3A_7, %swap3A_8] {strides = array<i32>} : memref<8x128xf32, #tpu.memory_space<vmem>>, vector<1x16xf32>,
    %swap3A_10 = vector.shape_cast %swap3A_9 : vector<1x16xf32> to vector<16xf32>
    %swap3A_11 = vector.shape_cast %broadcast_in_dim3A_0 : vector<16xf32> to vector<1x16xf32>
    tpu.vector_store %arg12[%swap3A_7, %swap3A_8], %swap3A_11 {strides = array<i32>} : memref<8x128xf32, #tpu.memory_space<vmem>>, vector<1x16xf32>,
    %swap3A_12 = arith.constant 0 : i32
    %swap3A_13 = arith.index_cast %swap3A_12 : i32 to index
    %swap3A_14 = arith.constant 32 : index
    %swap3A_15 = tpu.vector_load %arg12[%swap3A_13, %swap3A_14] {strides = array<i32>} : memref<8x128xf32, #tpu.memory_space<vmem>>, vector<1x16xf32>,
    %swap3A_16 = vector.shape_cast %swap3A_15 : vector<1x16xf32> to vector<16xf32>
    %swap3A_17 = vector.shape_cast %broadcast_in_dim3A_0 : vector<16xf32> to vector<1x16xf32>
    tpu.vector_store %arg12[%swap3A_13, %swap3A_14], %swap3A_17 {strides = array<i32>} : memref<8x128xf32, #tpu.memory_space<vmem>>, vector<1x16xf32>,
    %swap3A_18 = arith.constant 0 : i32
    %swap3A_19 = arith.index_cast %swap3A_18 : i32 to index
    %swap3A_20 = arith.constant 48 : index
    %swap3A_21 = tpu.vector_load %arg12[%swap3A_19, %swap3A_20] {strides = array<i32>} : memref<8x128xf32, #tpu.memory_space<vmem>>, vector<1x16xf32>,
    %swap3A_22 = vector.shape_cast %swap3A_21 : vector<1x16xf32> to vector<16xf32>
    %swap3A_23 = vector.shape_cast %broadcast_in_dim3A_0 : vector<16xf32> to vector<1x16xf32>
    tpu.vector_store %arg12[%swap3A_19, %swap3A_20], %swap3A_23 {strides = array<i32>} : memref<8x128xf32, #tpu.memory_space<vmem>>, vector<1x16xf32>,
    %swap3A_24 = arith.constant 0 : i32
    %swap3A_25 = arith.index_cast %swap3A_24 : i32 to index
    %swap3A_26 = arith.constant 64 : index
    %swap3A_27 = tpu.vector_load %arg12[%swap3A_25, %swap3A_26] {strides = array<i32>} : memref<8x128xf32, #tpu.memory_space<vmem>>, vector<1x16xf32>,
    %swap3A_28 = vector.shape_cast %swap3A_27 : vector<1x16xf32> to vector<16xf32>
    %swap3A_29 = vector.shape_cast %broadcast_in_dim3A_0 : vector<16xf32> to vector<1x16xf32>
    tpu.vector_store %arg12[%swap3A_25, %swap3A_26], %swap3A_29 {strides = array<i32>} : memref<8x128xf32, #tpu.memory_space<vmem>>, vector<1x16xf32>,
    %swap3A_30 = arith.constant 0 : i32
    %swap3A_31 = arith.index_cast %swap3A_30 : i32 to index
    %swap3A_32 = arith.constant 80 : index
    %swap3A_33 = tpu.vector_load %arg12[%swap3A_31, %swap3A_32] {strides = array<i32>} : memref<8x128xf32, #tpu.memory_space<vmem>>, vector<1x16xf32>,
    %swap3A_34 = vector.shape_cast %swap3A_33 : vector<1x16xf32> to vector<16xf32>
    %swap3A_35 = vector.shape_cast %broadcast_in_dim3A_0 : vector<16xf32> to vector<1x16xf32>
    tpu.vector_store %arg12[%swap3A_31, %swap3A_32], %swap3A_35 {strides = array<i32>} : memref<8x128xf32, #tpu.memory_space<vmem>>, vector<1x16xf32>,
    %swap3A_36 = arith.constant 0 : i32
    %swap3A_37 = arith.index_cast %swap3A_36 : i32 to index
    %swap3A_38 = arith.constant 96 : index
    %swap3A_39 = tpu.vector_load %arg12[%swap3A_37, %swap3A_38] {strides = array<i32>} : memref<8x128xf32, #tpu.memory_space<vmem>>, vector<1x16xf32>,
    %swap3A_40 = vector.shape_cast %swap3A_39 : vector<1x16xf32> to vector<16xf32>
    %swap3A_41 = vector.shape_cast %broadcast_in_dim3A_0 : vector<16xf32> to vector<1x16xf32>
    tpu.vector_store %arg12[%swap3A_37, %swap3A_38], %swap3A_41 {strides = array<i32>} : memref<8x128xf32, #tpu.memory_space<vmem>>, vector<1x16xf32>,
    %swap3A_42 = arith.constant 0 : i32
    %swap3A_43 = arith.index_cast %swap3A_42 : i32 to index
    %swap3A_44 = arith.constant 112 : index
    %swap3A_45 = tpu.vector_load %arg12[%swap3A_43, %swap3A_44] {strides = array<i32>} : memref<8x128xf32, #tpu.memory_space<vmem>>, vector<1x16xf32>,
    %swap3A_46 = vector.shape_cast %swap3A_45 : vector<1x16xf32> to vector<16xf32>
    %swap3A_47 = vector.shape_cast %broadcast_in_dim3A_0 : vector<16xf32> to vector<1x16xf32>
    tpu.vector_store %arg12[%swap3A_43, %swap3A_44], %swap3A_47 {strides = array<i32>} : memref<8x128xf32, #tpu.memory_space<vmem>>, vector<1x16xf32>,
    %swap3A_48 = arith.constant 1 : i32
    %swap3A_49 = arith.index_cast %swap3A_48 : i32 to index
    %swap3A_50 = arith.constant 0 : index
    %swap3A_51 = tpu.vector_load %arg12[%swap3A_49, %swap3A_50] {strides = array<i32>} : memref<8x128xf32, #tpu.memory_space<vmem>>, vector<1x16xf32>,
    %swap3A_52 = vector.shape_cast %swap3A_51 : vector<1x16xf32> to vector<16xf32>
    %swap3A_53 = vector.shape_cast %broadcast_in_dim3A_0 : vector<16xf32> to vector<1x16xf32>
    tpu.vector_store %arg12[%swap3A_49, %swap3A_50], %swap3A_53 {strides = array<i32>} : memref<8x128xf32, #tpu.memory_space<vmem>>, vector<1x16xf32>,
    %swap3A_54 = arith.constant 1 : i32
    %swap3A_55 = arith.index_cast %swap3A_54 : i32 to index
    %swap3A_56 = arith.constant 16 : index
    %swap3A_57 = tpu.vector_load %arg12[%swap3A_55, %swap3A_56] {strides = array<i32>} : memref<8x128xf32, #tpu.memory_space<vmem>>, vector<1x16xf32>,
    %swap3A_58 = vector.shape_cast %swap3A_57 : vector<1x16xf32> to vector<16xf32>
    %swap3A_59 = vector.shape_cast %broadcast_in_dim3A_0 : vector<16xf32> to vector<1x16xf32>
    tpu.vector_store %arg12[%swap3A_55, %swap3A_56], %swap3A_59 {strides = array<i32>} : memref<8x128xf32, #tpu.memory_space<vmem>>, vector<1x16xf32>,
    %swap3A_60 = arith.constant 1 : i32
    %swap3A_61 = arith.index_cast %swap3A_60 : i32 to index
    %swap3A_62 = arith.constant 32 : index
    %swap3A_63 = tpu.vector_load %arg12[%swap3A_61, %swap3A_62] {strides = array<i32>} : memref<8x128xf32, #tpu.memory_space<vmem>>, vector<1x16xf32>,
    %swap3A_64 = vector.shape_cast %swap3A_63 : vector<1x16xf32> to vector<16xf32>
    %swap3A_65 = vector.shape_cast %broadcast_in_dim3A_0 : vector<16xf32> to vector<1x16xf32>
    tpu.vector_store %arg12[%swap3A_61, %swap3A_62], %swap3A_65 {strides = array<i32>} : memref<8x128xf32, #tpu.memory_space<vmem>>, vector<1x16xf32>,
    %swap3A_66 = arith.constant 1 : i32
    %swap3A_67 = arith.index_cast %swap3A_66 : i32 to index
    %swap3A_68 = arith.constant 48 : index
    %swap3A_69 = tpu.vector_load %arg12[%swap3A_67, %swap3A_68] {strides = array<i32>} : memref<8x128xf32, #tpu.memory_space<vmem>>, vector<1x16xf32>,
    %swap3A_70 = vector.shape_cast %swap3A_69 : vector<1x16xf32> to vector<16xf32>
    %swap3A_71 = vector.shape_cast %broadcast_in_dim3A_0 : vector<16xf32> to vector<1x16xf32>
    tpu.vector_store %arg12[%swap3A_67, %swap3A_68], %swap3A_71 {strides = array<i32>} : memref<8x128xf32, #tpu.memory_space<vmem>>, vector<1x16xf32>,
    %swap3A_72 = arith.constant 1 : i32
    %swap3A_73 = arith.index_cast %swap3A_72 : i32 to index
    %swap3A_74 = arith.constant 64 : index
    %swap3A_75 = tpu.vector_load %arg12[%swap3A_73, %swap3A_74] {strides = array<i32>} : memref<8x128xf32, #tpu.memory_space<vmem>>, vector<1x16xf32>,
    %swap3A_76 = vector.shape_cast %swap3A_75 : vector<1x16xf32> to vector<16xf32>
    %swap3A_77 = vector.shape_cast %broadcast_in_dim3A_0 : vector<16xf32> to vector<1x16xf32>
    tpu.vector_store %arg12[%swap3A_73, %swap3A_74], %swap3A_77 {strides = array<i32>} : memref<8x128xf32, #tpu.memory_space<vmem>>, vector<1x16xf32>,
    %swap3A_78 = arith.constant 1 : i32
    %swap3A_79 = arith.index_cast %swap3A_78 : i32 to index
    %swap3A_80 = arith.constant 80 : index
    %swap3A_81 = tpu.vector_load %arg12[%swap3A_79, %swap3A_80] {strides = array<i32>} : memref<8x128xf32, #tpu.memory_space<vmem>>, vector<1x16xf32>,
    %swap3A_82 = vector.shape_cast %swap3A_81 : vector<1x16xf32> to vector<16xf32>
    %swap3A_83 = vector.shape_cast %broadcast_in_dim3A_0 : vector<16xf32> to vector<1x16xf32>
    tpu.vector_store %arg12[%swap3A_79, %swap3A_80], %swap3A_83 {strides = array<i32>} : memref<8x128xf32, #tpu.memory_space<vmem>>, vector<1x16xf32>,
    %swap3A_84 = arith.constant 1 : i32
    %swap3A_85 = arith.index_cast %swap3A_84 : i32 to index
    %swap3A_86 = arith.constant 96 : index
    %swap3A_87 = tpu.vector_load %arg12[%swap3A_85, %swap3A_86] {strides = array<i32>} : memref<8x128xf32, #tpu.memory_space<vmem>>, vector<1x16xf32>,
    %swap3A_88 = vector.shape_cast %swap3A_87 : vector<1x16xf32> to vector<16xf32>
    %swap3A_89 = vector.shape_cast %broadcast_in_dim3A_0 : vector<16xf32> to vector<1x16xf32>
    tpu.vector_store %arg12[%swap3A_85, %swap3A_86], %swap3A_89 {strides = array<i32>} : memref<8x128xf32, #tpu.memory_space<vmem>>, vector<1x16xf32>,
    %swap3A_90 = arith.constant 1 : i32
    %swap3A_91 = arith.index_cast %swap3A_90 : i32 to index
    %swap3A_92 = arith.constant 112 : index
    %swap3A_93 = tpu.vector_load %arg12[%swap3A_91, %swap3A_92] {strides = array<i32>} : memref<8x128xf32, #tpu.memory_space<vmem>>, vector<1x16xf32>,
    %swap3A_94 = vector.shape_cast %swap3A_93 : vector<1x16xf32> to vector<16xf32>
    %swap3A_95 = vector.shape_cast %broadcast_in_dim3A_0 : vector<16xf32> to vector<1x16xf32>
    tpu.vector_store %arg12[%swap3A_91, %swap3A_92], %swap3A_95 {strides = array<i32>} : memref<8x128xf32, #tpu.memory_space<vmem>>, vector<1x16xf32>,
    %swap3A_96 = arith.constant 2 : i32
    %swap3A_97 = arith.index_cast %swap3A_96 : i32 to index
    %swap3A_98 = arith.constant 0 : index
    %swap3A_99 = tpu.vector_load %arg12[%swap3A_97, %swap3A_98] {strides = array<i32>} : memref<8x128xf32, #tpu.memory_space<vmem>>, vector<1x16xf32>,
    %swap3A_100 = vector.shape_cast %swap3A_99 : vector<1x16xf32> to vector<16xf32>
    %swap3A_101 = vector.shape_cast %broadcast_in_dim3A_0 : vector<16xf32> to vector<1x16xf32>
    tpu.vector_store %arg12[%swap3A_97, %swap3A_98], %swap3A_101 {strides = array<i32>} : memref<8x128xf32, #tpu.memory_space<vmem>>, vector<1x16xf32>,
    %swap3A_102 = arith.constant 2 : i32
    %swap3A_103 = arith.index_cast %swap3A_102 : i32 to index
    %swap3A_104 = arith.constant 16 : index
    %swap3A_105 = tpu.vector_load %arg12[%swap3A_103, %swap3A_104] {strides = array<i32>} : memref<8x128xf32, #tpu.memory_space<vmem>>, vector<1x16xf32>,
    %swap3A_106 = vector.shape_cast %swap3A_105 : vector<1x16xf32> to vector<16xf32>
    %swap3A_107 = vector.shape_cast %broadcast_in_dim3A_0 : vector<16xf32> to vector<1x16xf32>
    tpu.vector_store %arg12[%swap3A_103, %swap3A_104], %swap3A_107 {strides = array<i32>} : memref<8x128xf32, #tpu.memory_space<vmem>>, vector<1x16xf32>,
    %swap3A_108 = arith.constant 2 : i32
    %swap3A_109 = arith.index_cast %swap3A_108 : i32 to index
    %swap3A_110 = arith.constant 32 : index
    %swap3A_111 = tpu.vector_load %arg12[%swap3A_109, %swap3A_110] {strides = array<i32>} : memref<8x128xf32, #tpu.memory_space<vmem>>, vector<1x16xf32>,
    %swap3A_112 = vector.shape_cast %swap3A_111 : vector<1x16xf32> to vector<16xf32>
    %swap3A_113 = vector.shape_cast %broadcast_in_dim3A_0 : vector<16xf32> to vector<1x16xf32>
    tpu.vector_store %arg12[%swap3A_109, %swap3A_110], %swap3A_113 {strides = array<i32>} : memref<8x128xf32, #tpu.memory_space<vmem>>, vector<1x16xf32>,
    %swap3A_114 = arith.constant 2 : i32
    %swap3A_115 = arith.index_cast %swap3A_114 : i32 to index
    %swap3A_116 = arith.constant 48 : index
    %swap3A_117 = tpu.vector_load %arg12[%swap3A_115, %swap3A_116] {strides = array<i32>} : memref<8x128xf32, #tpu.memory_space<vmem>>, vector<1x16xf32>,
    %swap3A_118 = vector.shape_cast %swap3A_117 : vector<1x16xf32> to vector<16xf32>
    %swap3A_119 = vector.shape_cast %broadcast_in_dim3A_0 : vector<16xf32> to vector<1x16xf32>
    tpu.vector_store %arg12[%swap3A_115, %swap3A_116], %swap3A_119 {strides = array<i32>} : memref<8x128xf32, #tpu.memory_space<vmem>>, vector<1x16xf32>,
    %swap3A_120 = arith.constant 2 : i32
    %swap3A_121 = arith.index_cast %swap3A_120 : i32 to index
    %swap3A_122 = arith.constant 64 : index
    %swap3A_123 = tpu.vector_load %arg12[%swap3A_121, %swap3A_122] {strides = array<i32>} : memref<8x128xf32, #tpu.memory_space<vmem>>, vector<1x16xf32>,
    %swap3A_124 = vector.shape_cast %swap3A_123 : vector<1x16xf32> to vector<16xf32>
    %swap3A_125 = vector.shape_cast %broadcast_in_dim3A_0 : vector<16xf32> to vector<1x16xf32>
    tpu.vector_store %arg12[%swap3A_121, %swap3A_122], %swap3A_125 {strides = array<i32>} : memref<8x128xf32, #tpu.memory_space<vmem>>, vector<1x16xf32>,
    %swap3A_126 = arith.constant 2 : i32
    %swap3A_127 = arith.index_cast %swap3A_126 : i32 to index
    %swap3A_128 = arith.constant 80 : index
    %swap3A_129 = tpu.vector_load %arg12[%swap3A_127, %swap3A_128] {strides = array<i32>} : memref<8x128xf32, #tpu.memory_space<vmem>>, vector<1x16xf32>,
    %swap3A_130 = vector.shape_cast %swap3A_129 : vector<1x16xf32> to vector<16xf32>
    %swap3A_131 = vector.shape_cast %broadcast_in_dim3A_0 : vector<16xf32> to vector<1x16xf32>
    tpu.vector_store %arg12[%swap3A_127, %swap3A_128], %swap3A_131 {strides = array<i32>} : memref<8x128xf32, #tpu.memory_space<vmem>>, vector<1x16xf32>,
    %swap3A_132 = arith.constant 2 : i32
    %swap3A_133 = arith.index_cast %swap3A_132 : i32 to index
    %swap3A_134 = arith.constant 96 : index
    %swap3A_135 = tpu.vector_load %arg12[%swap3A_133, %swap3A_134] {strides = array<i32>} : memref<8x128xf32, #tpu.memory_space<vmem>>, vector<1x16xf32>,
    %swap3A_136 = vector.shape_cast %swap3A_135 : vector<1x16xf32> to vector<16xf32>
    %swap3A_137 = vector.shape_cast %broadcast_in_dim3A_0 : vector<16xf32> to vector<1x16xf32>
    tpu.vector_store %arg12[%swap3A_133, %swap3A_134], %swap3A_137 {strides = array<i32>} : memref<8x128xf32, #tpu.memory_space<vmem>>, vector<1x16xf32>,
    %swap3A_138 = arith.constant 2 : i32
    %swap3A_139 = arith.index_cast %swap3A_138 : i32 to index
    %swap3A_140 = arith.constant 112 : index
    %swap3A_141 = tpu.vector_load %arg12[%swap3A_139, %swap3A_140] {strides = array<i32>} : memref<8x128xf32, #tpu.memory_space<vmem>>, vector<1x16xf32>,
    %swap3A_142 = vector.shape_cast %swap3A_141 : vector<1x16xf32> to vector<16xf32>
    %swap3A_143 = vector.shape_cast %broadcast_in_dim3A_0 : vector<16xf32> to vector<1x16xf32>
    tpu.vector_store %arg12[%swap3A_139, %swap3A_140], %swap3A_143 {strides = array<i32>} : memref<8x128xf32, #tpu.memory_space<vmem>>, vector<1x16xf32>,
    %swap3A_144 = arith.constant 3 : i32
    %swap3A_145 = arith.index_cast %swap3A_144 : i32 to index
    %swap3A_146 = arith.constant 0 : index
    %swap3A_147 = tpu.vector_load %arg12[%swap3A_145, %swap3A_146] {strides = array<i32>} : memref<8x128xf32, #tpu.memory_space<vmem>>, vector<1x16xf32>,
    %swap3A_148 = vector.shape_cast %swap3A_147 : vector<1x16xf32> to vector<16xf32>
    %swap3A_149 = vector.shape_cast %broadcast_in_dim3A_0 : vector<16xf32> to vector<1x16xf32>
    tpu.vector_store %arg12[%swap3A_145, %swap3A_146], %swap3A_149 {strides = array<i32>} : memref<8x128xf32, #tpu.memory_space<vmem>>, vector<1x16xf32>,
    %swap3A_150 = arith.constant 3 : i32
    %swap3A_151 = arith.index_cast %swap3A_150 : i32 to index
    %swap3A_152 = arith.constant 16 : index
    %swap3A_153 = tpu.vector_load %arg12[%swap3A_151, %swap3A_152] {strides = array<i32>} : memref<8x128xf32, #tpu.memory_space<vmem>>, vector<1x16xf32>,
    %swap3A_154 = vector.shape_cast %swap3A_153 : vector<1x16xf32> to vector<16xf32>
    %swap3A_155 = vector.shape_cast %broadcast_in_dim3A_0 : vector<16xf32> to vector<1x16xf32>
    tpu.vector_store %arg12[%swap3A_151, %swap3A_152], %swap3A_155 {strides = array<i32>} : memref<8x128xf32, #tpu.memory_space<vmem>>, vector<1x16xf32>,
    %swap3A_156 = arith.constant 3 : i32
    %swap3A_157 = arith.index_cast %swap3A_156 : i32 to index
    %swap3A_158 = arith.constant 32 : index
    %swap3A_159 = tpu.vector_load %arg12[%swap3A_157, %swap3A_158] {strides = array<i32>} : memref<8x128xf32, #tpu.memory_space<vmem>>, vector<1x16xf32>,
    %swap3A_160 = vector.shape_cast %swap3A_159 : vector<1x16xf32> to vector<16xf32>
    %swap3A_161 = vector.shape_cast %broadcast_in_dim3A_0 : vector<16xf32> to vector<1x16xf32>
    tpu.vector_store %arg12[%swap3A_157, %swap3A_158], %swap3A_161 {strides = array<i32>} : memref<8x128xf32, #tpu.memory_space<vmem>>, vector<1x16xf32>,
    %swap3A_162 = arith.constant 3 : i32
    %swap3A_163 = arith.index_cast %swap3A_162 : i32 to index
    %swap3A_164 = arith.constant 48 : index
    %swap3A_165 = tpu.vector_load %arg12[%swap3A_163, %swap3A_164] {strides = array<i32>} : memref<8x128xf32, #tpu.memory_space<vmem>>, vector<1x16xf32>,
    %swap3A_166 = vector.shape_cast %swap3A_165 : vector<1x16xf32> to vector<16xf32>
    %swap3A_167 = vector.shape_cast %broadcast_in_dim3A_0 : vector<16xf32> to vector<1x16xf32>
    tpu.vector_store %arg12[%swap3A_163, %swap3A_164], %swap3A_167 {strides = array<i32>} : memref<8x128xf32, #tpu.memory_space<vmem>>, vector<1x16xf32>,
    %swap3A_168 = arith.constant 3 : i32
    %swap3A_169 = arith.index_cast %swap3A_168 : i32 to index
    %swap3A_170 = arith.constant 64 : index
    %swap3A_171 = tpu.vector_load %arg12[%swap3A_169, %swap3A_170] {strides = array<i32>} : memref<8x128xf32, #tpu.memory_space<vmem>>, vector<1x16xf32>,
    %swap3A_172 = vector.shape_cast %swap3A_171 : vector<1x16xf32> to vector<16xf32>
    %swap3A_173 = vector.shape_cast %broadcast_in_dim3A_0 : vector<16xf32> to vector<1x16xf32>
    tpu.vector_store %arg12[%swap3A_169, %swap3A_170], %swap3A_173 {strides = array<i32>} : memref<8x128xf32, #tpu.memory_space<vmem>>, vector<1x16xf32>,
    %swap3A_174 = arith.constant 3 : i32
    %swap3A_175 = arith.index_cast %swap3A_174 : i32 to index
    %swap3A_176 = arith.constant 80 : index
    %swap3A_177 = tpu.vector_load %arg12[%swap3A_175, %swap3A_176] {strides = array<i32>} : memref<8x128xf32, #tpu.memory_space<vmem>>, vector<1x16xf32>,
    %swap3A_178 = vector.shape_cast %swap3A_177 : vector<1x16xf32> to vector<16xf32>
    %swap3A_179 = vector.shape_cast %broadcast_in_dim3A_0 : vector<16xf32> to vector<1x16xf32>
    tpu.vector_store %arg12[%swap3A_175, %swap3A_176], %swap3A_179 {strides = array<i32>} : memref<8x128xf32, #tpu.memory_space<vmem>>, vector<1x16xf32>,
    %swap3A_180 = arith.constant 3 : i32
    %swap3A_181 = arith.index_cast %swap3A_180 : i32 to index
    %swap3A_182 = arith.constant 96 : index
    %swap3A_183 = tpu.vector_load %arg12[%swap3A_181, %swap3A_182] {strides = array<i32>} : memref<8x128xf32, #tpu.memory_space<vmem>>, vector<1x16xf32>,
    %swap3A_184 = vector.shape_cast %swap3A_183 : vector<1x16xf32> to vector<16xf32>
    %swap3A_185 = vector.shape_cast %broadcast_in_dim3A_0 : vector<16xf32> to vector<1x16xf32>
    tpu.vector_store %arg12[%swap3A_181, %swap3A_182], %swap3A_185 {strides = array<i32>} : memref<8x128xf32, #tpu.memory_space<vmem>>, vector<1x16xf32>,
    %swap3A_186 = arith.constant 3 : i32
    %swap3A_187 = arith.index_cast %swap3A_186 : i32 to index
    %swap3A_188 = arith.constant 112 : index
    %swap3A_189 = tpu.vector_load %arg12[%swap3A_187, %swap3A_188] {strides = array<i32>} : memref<8x128xf32, #tpu.memory_space<vmem>>, vector<1x16xf32>,
    %swap3A_190 = vector.shape_cast %swap3A_189 : vector<1x16xf32> to vector<16xf32>
    %swap3A_191 = vector.shape_cast %broadcast_in_dim3A_0 : vector<16xf32> to vector<1x16xf32>
    tpu.vector_store %arg12[%swap3A_187, %swap3A_188], %swap3A_191 {strides = array<i32>} : memref<8x128xf32, #tpu.memory_space<vmem>>, vector<1x16xf32>,
    %swap3A_192 = arith.constant 4 : i32
    %swap3A_193 = arith.index_cast %swap3A_192 : i32 to index
    %swap3A_194 = arith.constant 0 : index
    %swap3A_195 = tpu.vector_load %arg12[%swap3A_193, %swap3A_194] {strides = array<i32>} : memref<8x128xf32, #tpu.memory_space<vmem>>, vector<1x16xf32>,
    %swap3A_196 = vector.shape_cast %swap3A_195 : vector<1x16xf32> to vector<16xf32>
    %swap3A_197 = vector.shape_cast %broadcast_in_dim3A_0 : vector<16xf32> to vector<1x16xf32>
    tpu.vector_store %arg12[%swap3A_193, %swap3A_194], %swap3A_197 {strides = array<i32>} : memref<8x128xf32, #tpu.memory_space<vmem>>, vector<1x16xf32>,
    %swap3A_198 = arith.constant 4 : i32
    %swap3A_199 = arith.index_cast %swap3A_198 : i32 to index
    %swap3A_200 = arith.constant 16 : index
    %swap3A_201 = tpu.vector_load %arg12[%swap3A_199, %swap3A_200] {strides = array<i32>} : memref<8x128xf32, #tpu.memory_space<vmem>>, vector<1x16xf32>,
    %swap3A_202 = vector.shape_cast %swap3A_201 : vector<1x16xf32> to vector<16xf32>
    %swap3A_203 = vector.shape_cast %broadcast_in_dim3A_0 : vector<16xf32> to vector<1x16xf32>
    tpu.vector_store %arg12[%swap3A_199, %swap3A_200], %swap3A_203 {strides = array<i32>} : memref<8x128xf32, #tpu.memory_space<vmem>>, vector<1x16xf32>,
    %swap3A_204 = arith.constant 4 : i32
    %swap3A_205 = arith.index_cast %swap3A_204 : i32 to index
    %swap3A_206 = arith.constant 32 : index
    %swap3A_207 = tpu.vector_load %arg12[%swap3A_205, %swap3A_206] {strides = array<i32>} : memref<8x128xf32, #tpu.memory_space<vmem>>, vector<1x16xf32>,
    %swap3A_208 = vector.shape_cast %swap3A_207 : vector<1x16xf32> to vector<16xf32>
    %swap3A_209 = vector.shape_cast %broadcast_in_dim3A_0 : vector<16xf32> to vector<1x16xf32>
    tpu.vector_store %arg12[%swap3A_205, %swap3A_206], %swap3A_209 {strides = array<i32>} : memref<8x128xf32, #tpu.memory_space<vmem>>, vector<1x16xf32>,
    %swap3A_210 = arith.constant 4 : i32
    %swap3A_211 = arith.index_cast %swap3A_210 : i32 to index
    %swap3A_212 = arith.constant 48 : index
    %swap3A_213 = tpu.vector_load %arg12[%swap3A_211, %swap3A_212] {strides = array<i32>} : memref<8x128xf32, #tpu.memory_space<vmem>>, vector<1x16xf32>,
    %swap3A_214 = vector.shape_cast %swap3A_213 : vector<1x16xf32> to vector<16xf32>
    %swap3A_215 = vector.shape_cast %broadcast_in_dim3A_0 : vector<16xf32> to vector<1x16xf32>
    tpu.vector_store %arg12[%swap3A_211, %swap3A_212], %swap3A_215 {strides = array<i32>} : memref<8x128xf32, #tpu.memory_space<vmem>>, vector<1x16xf32>,
    %swap3A_216 = arith.constant 4 : i32
    %swap3A_217 = arith.index_cast %swap3A_216 : i32 to index
    %swap3A_218 = arith.constant 64 : index
    %swap3A_219 = tpu.vector_load %arg12[%swap3A_217, %swap3A_218] {strides = array<i32>} : memref<8x128xf32, #tpu.memory_space<vmem>>, vector<1x16xf32>,
    %swap3A_220 = vector.shape_cast %swap3A_219 : vector<1x16xf32> to vector<16xf32>
    %swap3A_221 = vector.shape_cast %broadcast_in_dim3A_0 : vector<16xf32> to vector<1x16xf32>
    tpu.vector_store %arg12[%swap3A_217, %swap3A_218], %swap3A_221 {strides = array<i32>} : memref<8x128xf32, #tpu.memory_space<vmem>>, vector<1x16xf32>,
    %swap3A_222 = arith.constant 4 : i32
    %swap3A_223 = arith.index_cast %swap3A_222 : i32 to index
    %swap3A_224 = arith.constant 80 : index
    %swap3A_225 = tpu.vector_load %arg12[%swap3A_223, %swap3A_224] {strides = array<i32>} : memref<8x128xf32, #tpu.memory_space<vmem>>, vector<1x16xf32>,
    %swap3A_226 = vector.shape_cast %swap3A_225 : vector<1x16xf32> to vector<16xf32>
    %swap3A_227 = vector.shape_cast %broadcast_in_dim3A_0 : vector<16xf32> to vector<1x16xf32>
    tpu.vector_store %arg12[%swap3A_223, %swap3A_224], %swap3A_227 {strides = array<i32>} : memref<8x128xf32, #tpu.memory_space<vmem>>, vector<1x16xf32>,
    %swap3A_228 = arith.constant 4 : i32
    %swap3A_229 = arith.index_cast %swap3A_228 : i32 to index
    %swap3A_230 = arith.constant 96 : index
    %swap3A_231 = tpu.vector_load %arg12[%swap3A_229, %swap3A_230] {strides = array<i32>} : memref<8x128xf32, #tpu.memory_space<vmem>>, vector<1x16xf32>,
    %swap3A_232 = vector.shape_cast %swap3A_231 : vector<1x16xf32> to vector<16xf32>
    %swap3A_233 = vector.shape_cast %broadcast_in_dim3A_0 : vector<16xf32> to vector<1x16xf32>
    tpu.vector_store %arg12[%swap3A_229, %swap3A_230], %swap3A_233 {strides = array<i32>} : memref<8x128xf32, #tpu.memory_space<vmem>>, vector<1x16xf32>,
    %swap3A_234 = arith.constant 4 : i32
    %swap3A_235 = arith.index_cast %swap3A_234 : i32 to index
    %swap3A_236 = arith.constant 112 : index
    %swap3A_237 = tpu.vector_load %arg12[%swap3A_235, %swap3A_236] {strides = array<i32>} : memref<8x128xf32, #tpu.memory_space<vmem>>, vector<1x16xf32>,
    %swap3A_238 = vector.shape_cast %swap3A_237 : vector<1x16xf32> to vector<16xf32>
    %swap3A_239 = vector.shape_cast %broadcast_in_dim3A_0 : vector<16xf32> to vector<1x16xf32>
    tpu.vector_store %arg12[%swap3A_235, %swap3A_236], %swap3A_239 {strides = array<i32>} : memref<8x128xf32, #tpu.memory_space<vmem>>, vector<1x16xf32>,
    %swap3A_240 = arith.constant 5 : i32
    %swap3A_241 = arith.index_cast %swap3A_240 : i32 to index
    %swap3A_242 = arith.constant 0 : index
    %swap3A_243 = tpu.vector_load %arg12[%swap3A_241, %swap3A_242] {strides = array<i32>} : memref<8x128xf32, #tpu.memory_space<vmem>>, vector<1x16xf32>,
    %swap3A_244 = vector.shape_cast %swap3A_243 : vector<1x16xf32> to vector<16xf32>
    %swap3A_245 = vector.shape_cast %broadcast_in_dim3A_0 : vector<16xf32> to vector<1x16xf32>
    tpu.vector_store %arg12[%swap3A_241, %swap3A_242], %swap3A_245 {strides = array<i32>} : memref<8x128xf32, #tpu.memory_space<vmem>>, vector<1x16xf32>,
    %swap3A_246 = arith.constant 5 : i32
    %swap3A_247 = arith.index_cast %swap3A_246 : i32 to index
    %swap3A_248 = arith.constant 16 : index
    %swap3A_249 = tpu.vector_load %arg12[%swap3A_247, %swap3A_248] {strides = array<i32>} : memref<8x128xf32, #tpu.memory_space<vmem>>, vector<1x16xf32>,
    %swap3A_250 = vector.shape_cast %swap3A_249 : vector<1x16xf32> to vector<16xf32>
    %swap3A_251 = vector.shape_cast %broadcast_in_dim3A_0 : vector<16xf32> to vector<1x16xf32>
    tpu.vector_store %arg12[%swap3A_247, %swap3A_248], %swap3A_251 {strides = array<i32>} : memref<8x128xf32, #tpu.memory_space<vmem>>, vector<1x16xf32>,
    %swap3A_252 = arith.constant 5 : i32
    %swap3A_253 = arith.index_cast %swap3A_252 : i32 to index
    %swap3A_254 = arith.constant 32 : index
    %swap3A_255 = tpu.vector_load %arg12[%swap3A_253, %swap3A_254] {strides = array<i32>} : memref<8x128xf32, #tpu.memory_space<vmem>>, vector<1x16xf32>,
    %swap3A_256 = vector.shape_cast %swap3A_255 : vector<1x16xf32> to vector<16xf32>
    %swap3A_257 = vector.shape_cast %broadcast_in_dim3A_0 : vector<16xf32> to vector<1x16xf32>
    tpu.vector_store %arg12[%swap3A_253, %swap3A_254], %swap3A_257 {strides = array<i32>} : memref<8x128xf32, #tpu.memory_space<vmem>>, vector<1x16xf32>,
    %swap3A_258 = arith.constant 5 : i32
    %swap3A_259 = arith.index_cast %swap3A_258 : i32 to index
    %swap3A_260 = arith.constant 48 : index
    %swap3A_261 = tpu.vector_load %arg12[%swap3A_259, %swap3A_260] {strides = array<i32>} : memref<8x128xf32, #tpu.memory_space<vmem>>, vector<1x16xf32>,
    %swap3A_262 = vector.shape_cast %swap3A_261 : vector<1x16xf32> to vector<16xf32>
    %swap3A_263 = vector.shape_cast %broadcast_in_dim3A_0 : vector<16xf32> to vector<1x16xf32>
    tpu.vector_store %arg12[%swap3A_259, %swap3A_260], %swap3A_263 {strides = array<i32>} : memref<8x128xf32, #tpu.memory_space<vmem>>, vector<1x16xf32>,
    %swap3A_264 = arith.constant 5 : i32
    %swap3A_265 = arith.index_cast %swap3A_264 : i32 to index
    %swap3A_266 = arith.constant 64 : index
    %swap3A_267 = tpu.vector_load %arg12[%swap3A_265, %swap3A_266] {strides = array<i32>} : memref<8x128xf32, #tpu.memory_space<vmem>>, vector<1x16xf32>,
    %swap3A_268 = vector.shape_cast %swap3A_267 : vector<1x16xf32> to vector<16xf32>
    %swap3A_269 = vector.shape_cast %broadcast_in_dim3A_0 : vector<16xf32> to vector<1x16xf32>
    tpu.vector_store %arg12[%swap3A_265, %swap3A_266], %swap3A_269 {strides = array<i32>} : memref<8x128xf32, #tpu.memory_space<vmem>>, vector<1x16xf32>,
    %swap3A_270 = arith.constant 5 : i32
    %swap3A_271 = arith.index_cast %swap3A_270 : i32 to index
    %swap3A_272 = arith.constant 80 : index
    %swap3A_273 = tpu.vector_load %arg12[%swap3A_271, %swap3A_272] {strides = array<i32>} : memref<8x128xf32, #tpu.memory_space<vmem>>, vector<1x16xf32>,
    %swap3A_274 = vector.shape_cast %swap3A_273 : vector<1x16xf32> to vector<16xf32>
    %swap3A_275 = vector.shape_cast %broadcast_in_dim3A_0 : vector<16xf32> to vector<1x16xf32>
    tpu.vector_store %arg12[%swap3A_271, %swap3A_272], %swap3A_275 {strides = array<i32>} : memref<8x128xf32, #tpu.memory_space<vmem>>, vector<1x16xf32>,
    %swap3A_276 = arith.constant 5 : i32
    %swap3A_277 = arith.index_cast %swap3A_276 : i32 to index
    %swap3A_278 = arith.constant 96 : index
    %swap3A_279 = tpu.vector_load %arg12[%swap3A_277, %swap3A_278] {strides = array<i32>} : memref<8x128xf32, #tpu.memory_space<vmem>>, vector<1x16xf32>,
    %swap3A_280 = vector.shape_cast %swap3A_279 : vector<1x16xf32> to vector<16xf32>
    %swap3A_281 = vector.shape_cast %broadcast_in_dim3A_0 : vector<16xf32> to vector<1x16xf32>
    tpu.vector_store %arg12[%swap3A_277, %swap3A_278], %swap3A_281 {strides = array<i32>} : memref<8x128xf32, #tpu.memory_space<vmem>>, vector<1x16xf32>,
    %swap3A_282 = arith.constant 5 : i32
    %swap3A_283 = arith.index_cast %swap3A_282 : i32 to index
    %swap3A_284 = arith.constant 112 : index
    %swap3A_285 = tpu.vector_load %arg12[%swap3A_283, %swap3A_284] {strides = array<i32>} : memref<8x128xf32, #tpu.memory_space<vmem>>, vector<1x16xf32>,
    %swap3A_286 = vector.shape_cast %swap3A_285 : vector<1x16xf32> to vector<16xf32>
    %swap3A_287 = vector.shape_cast %broadcast_in_dim3A_0 : vector<16xf32> to vector<1x16xf32>
    tpu.vector_store %arg12[%swap3A_283, %swap3A_284], %swap3A_287 {strides = array<i32>} : memref<8x128xf32, #tpu.memory_space<vmem>>, vector<1x16xf32>,
    %swap3A_288 = arith.constant 6 : i32
    %swap3A_289 = arith.index_cast %swap3A_288 : i32 to index
    %swap3A_290 = arith.constant 0 : index
    %swap3A_291 = tpu.vector_load %arg12[%swap3A_289, %swap3A_290] {strides = array<i32>} : memref<8x128xf32, #tpu.memory_space<vmem>>, vector<1x16xf32>,
    %swap3A_292 = vector.shape_cast %swap3A_291 : vector<1x16xf32> to vector<16xf32>
    %swap3A_293 = vector.shape_cast %broadcast_in_dim3A_0 : vector<16xf32> to vector<1x16xf32>
    tpu.vector_store %arg12[%swap3A_289, %swap3A_290], %swap3A_293 {strides = array<i32>} : memref<8x128xf32, #tpu.memory_space<vmem>>, vector<1x16xf32>,
    %swap3A_294 = arith.constant 6 : i32
    %swap3A_295 = arith.index_cast %swap3A_294 : i32 to index
    %swap3A_296 = arith.constant 16 : index
    %swap3A_297 = tpu.vector_load %arg12[%swap3A_295, %swap3A_296] {strides = array<i32>} : memref<8x128xf32, #tpu.memory_space<vmem>>, vector<1x16xf32>,
    %swap3A_298 = vector.shape_cast %swap3A_297 : vector<1x16xf32> to vector<16xf32>
    %swap3A_299 = vector.shape_cast %broadcast_in_dim3A_0 : vector<16xf32> to vector<1x16xf32>
    tpu.vector_store %arg12[%swap3A_295, %swap3A_296], %swap3A_299 {strides = array<i32>} : memref<8x128xf32, #tpu.memory_space<vmem>>, vector<1x16xf32>,
    %swap3A_300 = arith.constant 6 : i32
    %swap3A_301 = arith.index_cast %swap3A_300 : i32 to index
    %swap3A_302 = arith.constant 32 : index
    %swap3A_303 = tpu.vector_load %arg12[%swap3A_301, %swap3A_302] {strides = array<i32>} : memref<8x128xf32, #tpu.memory_space<vmem>>, vector<1x16xf32>,
    %swap3A_304 = vector.shape_cast %swap3A_303 : vector<1x16xf32> to vector<16xf32>
    %swap3A_305 = vector.shape_cast %broadcast_in_dim3A_0 : vector<16xf32> to vector<1x16xf32>
    tpu.vector_store %arg12[%swap3A_301, %swap3A_302], %swap3A_305 {strides = array<i32>} : memref<8x128xf32, #tpu.memory_space<vmem>>, vector<1x16xf32>,
    %swap3A_306 = arith.constant 6 : i32
    %swap3A_307 = arith.index_cast %swap3A_306 : i32 to index
    %swap3A_308 = arith.constant 48 : index
    %swap3A_309 = tpu.vector_load %arg12[%swap3A_307, %swap3A_308] {strides = array<i32>} : memref<8x128xf32, #tpu.memory_space<vmem>>, vector<1x16xf32>,
    %swap3A_310 = vector.shape_cast %swap3A_309 : vector<1x16xf32> to vector<16xf32>
    %swap3A_311 = vector.shape_cast %broadcast_in_dim3A_0 : vector<16xf32> to vector<1x16xf32>
    tpu.vector_store %arg12[%swap3A_307, %swap3A_308], %swap3A_311 {strides = array<i32>} : memref<8x128xf32, #tpu.memory_space<vmem>>, vector<1x16xf32>,
    %swap3A_312 = arith.constant 6 : i32
    %swap3A_313 = arith.index_cast %swap3A_312 : i32 to index
    %swap3A_314 = arith.constant 64 : index
    %swap3A_315 = tpu.vector_load %arg12[%swap3A_313, %swap3A_314] {strides = array<i32>} : memref<8x128xf32, #tpu.memory_space<vmem>>, vector<1x16xf32>,
    %swap3A_316 = vector.shape_cast %swap3A_315 : vector<1x16xf32> to vector<16xf32>
    %swap3A_317 = vector.shape_cast %broadcast_in_dim3A_0 : vector<16xf32> to vector<1x16xf32>
    tpu.vector_store %arg12[%swap3A_313, %swap3A_314], %swap3A_317 {strides = array<i32>} : memref<8x128xf32, #tpu.memory_space<vmem>>, vector<1x16xf32>,
    %swap3A_318 = arith.constant 6 : i32
    %swap3A_319 = arith.index_cast %swap3A_318 : i32 to index
    %swap3A_320 = arith.constant 80 : index
    %swap3A_321 = tpu.vector_load %arg12[%swap3A_319, %swap3A_320] {strides = array<i32>} : memref<8x128xf32, #tpu.memory_space<vmem>>, vector<1x16xf32>,
    %swap3A_322 = vector.shape_cast %swap3A_321 : vector<1x16xf32> to vector<16xf32>
    %swap3A_323 = vector.shape_cast %broadcast_in_dim3A_0 : vector<16xf32> to vector<1x16xf32>
    tpu.vector_store %arg12[%swap3A_319, %swap3A_320], %swap3A_323 {strides = array<i32>} : memref<8x128xf32, #tpu.memory_space<vmem>>, vector<1x16xf32>,
    %swap3A_324 = arith.constant 6 : i32
    %swap3A_325 = arith.index_cast %swap3A_324 : i32 to index
    %swap3A_326 = arith.constant 96 : index
    %swap3A_327 = tpu.vector_load %arg12[%swap3A_325, %swap3A_326] {strides = array<i32>} : memref<8x128xf32, #tpu.memory_space<vmem>>, vector<1x16xf32>,
    %swap3A_328 = vector.shape_cast %swap3A_327 : vector<1x16xf32> to vector<16xf32>
    %swap3A_329 = vector.shape_cast %broadcast_in_dim3A_0 : vector<16xf32> to vector<1x16xf32>
    tpu.vector_store %arg12[%swap3A_325, %swap3A_326], %swap3A_329 {strides = array<i32>} : memref<8x128xf32, #tpu.memory_space<vmem>>, vector<1x16xf32>,
    %swap3A_330 = arith.constant 6 : i32
    %swap3A_331 = arith.index_cast %swap3A_330 : i32 to index
    %swap3A_332 = arith.constant 112 : index
    %swap3A_333 = tpu.vector_load %arg12[%swap3A_331, %swap3A_332] {strides = array<i32>} : memref<8x128xf32, #tpu.memory_space<vmem>>, vector<1x16xf32>,
    %swap3A_334 = vector.shape_cast %swap3A_333 : vector<1x16xf32> to vector<16xf32>
    %swap3A_335 = vector.shape_cast %broadcast_in_dim3A_0 : vector<16xf32> to vector<1x16xf32>
    tpu.vector_store %arg12[%swap3A_331, %swap3A_332], %swap3A_335 {strides = array<i32>} : memref<8x128xf32, #tpu.memory_space<vmem>>, vector<1x16xf32>,
    %swap3A_336 = arith.constant 7 : i32
    %swap3A_337 = arith.index_cast %swap3A_336 : i32 to index
    %swap3A_338 = arith.constant 0 : index
    %swap3A_339 = tpu.vector_load %arg12[%swap3A_337, %swap3A_338] {strides = array<i32>} : memref<8x128xf32, #tpu.memory_space<vmem>>, vector<1x16xf32>,
    %swap3A_340 = vector.shape_cast %swap3A_339 : vector<1x16xf32> to vector<16xf32>
    %swap3A_341 = vector.shape_cast %broadcast_in_dim3A_0 : vector<16xf32> to vector<1x16xf32>
    tpu.vector_store %arg12[%swap3A_337, %swap3A_338], %swap3A_341 {strides = array<i32>} : memref<8x128xf32, #tpu.memory_space<vmem>>, vector<1x16xf32>,
    %swap3A_342 = arith.constant 7 : i32
    %swap3A_343 = arith.index_cast %swap3A_342 : i32 to index
    %swap3A_344 = arith.constant 16 : index
    %swap3A_345 = tpu.vector_load %arg12[%swap3A_343, %swap3A_344] {strides = array<i32>} : memref<8x128xf32, #tpu.memory_space<vmem>>, vector<1x16xf32>,
    %swap3A_346 = vector.shape_cast %swap3A_345 : vector<1x16xf32> to vector<16xf32>
    %swap3A_347 = vector.shape_cast %broadcast_in_dim3A_0 : vector<16xf32> to vector<1x16xf32>
    tpu.vector_store %arg12[%swap3A_343, %swap3A_344], %swap3A_347 {strides = array<i32>} : memref<8x128xf32, #tpu.memory_space<vmem>>, vector<1x16xf32>,
    %swap3A_348 = arith.constant 7 : i32
    %swap3A_349 = arith.index_cast %swap3A_348 : i32 to index
    %swap3A_350 = arith.constant 32 : index
    %swap3A_351 = tpu.vector_load %arg12[%swap3A_349, %swap3A_350] {strides = array<i32>} : memref<8x128xf32, #tpu.memory_space<vmem>>, vector<1x16xf32>,
    %swap3A_352 = vector.shape_cast %swap3A_351 : vector<1x16xf32> to vector<16xf32>
    %swap3A_353 = vector.shape_cast %broadcast_in_dim3A_0 : vector<16xf32> to vector<1x16xf32>
    tpu.vector_store %arg12[%swap3A_349, %swap3A_350], %swap3A_353 {strides = array<i32>} : memref<8x128xf32, #tpu.memory_space<vmem>>, vector<1x16xf32>,
    %swap3A_354 = arith.constant 7 : i32
    %swap3A_355 = arith.index_cast %swap3A_354 : i32 to index
    %swap3A_356 = arith.constant 48 : index
    %swap3A_357 = tpu.vector_load %arg12[%swap3A_355, %swap3A_356] {strides = array<i32>} : memref<8x128xf32, #tpu.memory_space<vmem>>, vector<1x16xf32>,
    %swap3A_358 = vector.shape_cast %swap3A_357 : vector<1x16xf32> to vector<16xf32>
    %swap3A_359 = vector.shape_cast %broadcast_in_dim3A_0 : vector<16xf32> to vector<1x16xf32>
    tpu.vector_store %arg12[%swap3A_355, %swap3A_356], %swap3A_359 {strides = array<i32>} : memref<8x128xf32, #tpu.memory_space<vmem>>, vector<1x16xf32>,
    %swap3A_360 = arith.constant 7 : i32
    %swap3A_361 = arith.index_cast %swap3A_360 : i32 to index
    %swap3A_362 = arith.constant 64 : index
    %swap3A_363 = tpu.vector_load %arg12[%swap3A_361, %swap3A_362] {strides = array<i32>} : memref<8x128xf32, #tpu.memory_space<vmem>>, vector<1x16xf32>,
    %swap3A_364 = vector.shape_cast %swap3A_363 : vector<1x16xf32> to vector<16xf32>
    %swap3A_365 = vector.shape_cast %broadcast_in_dim3A_0 : vector<16xf32> to vector<1x16xf32>
    tpu.vector_store %arg12[%swap3A_361, %swap3A_362], %swap3A_365 {strides = array<i32>} : memref<8x128xf32, #tpu.memory_space<vmem>>, vector<1x16xf32>,
    %swap3A_366 = arith.constant 7 : i32
    %swap3A_367 = arith.index_cast %swap3A_366 : i32 to index
    %swap3A_368 = arith.constant 80 : index
    %swap3A_369 = tpu.vector_load %arg12[%swap3A_367, %swap3A_368] {strides = array<i32>} : memref<8x128xf32, #tpu.memory_space<vmem>>, vector<1x16xf32>,
    %swap3A_370 = vector.shape_cast %swap3A_369 : vector<1x16xf32> to vector<16xf32>
    %swap3A_371 = vector.shape_cast %broadcast_in_dim3A_0 : vector<16xf32> to vector<1x16xf32>
    tpu.vector_store %arg12[%swap3A_367, %swap3A_368], %swap3A_371 {strides = array<i32>} : memref<8x128xf32, #tpu.memory_space<vmem>>, vector<1x16xf32>,
    %swap3A_372 = arith.constant 7 : i32
    %swap3A_373 = arith.index_cast %swap3A_372 : i32 to index
    %swap3A_374 = arith.constant 96 : index
    %swap3A_375 = tpu.vector_load %arg12[%swap3A_373, %swap3A_374] {strides = array<i32>} : memref<8x128xf32, #tpu.memory_space<vmem>>, vector<1x16xf32>,
    %swap3A_376 = vector.shape_cast %swap3A_375 : vector<1x16xf32> to vector<16xf32>
    %swap3A_377 = vector.shape_cast %broadcast_in_dim3A_0 : vector<16xf32> to vector<1x16xf32>
    tpu.vector_store %arg12[%swap3A_373, %swap3A_374], %swap3A_377 {strides = array<i32>} : memref<8x128xf32, #tpu.memory_space<vmem>>, vector<1x16xf32>,
    %swap3A_378 = arith.constant 7 : i32
    %swap3A_379 = arith.index_cast %swap3A_378 : i32 to index
    %swap3A_380 = arith.constant 112 : index
    %swap3A_381 = tpu.vector_load %arg12[%swap3A_379, %swap3A_380] {strides = array<i32>} : memref<8x128xf32, #tpu.memory_space<vmem>>, vector<1x16xf32>,
    %swap3A_382 = vector.shape_cast %swap3A_381 : vector<1x16xf32> to vector<16xf32>
    %swap3A_383 = vector.shape_cast %broadcast_in_dim3A_0 : vector<16xf32> to vector<1x16xf32>
    tpu.vector_store %arg12[%swap3A_379, %swap3A_380], %swap3A_383 {strides = array<i32>} : memref<8x128xf32, #tpu.memory_space<vmem>>, vector<1x16xf32>,
    %mul3A = arith.constant 632 : i32
    %mul3A_384 = arith.muli %arg1, %mul3A : i32
    %min3A = arith.constant 9448 : i32
    %min3A_385 = arith.minsi %mul3A_384, %min3A : i32
    %scan3A = arith.constant 0 : i32
    %scan3A_386 = arith.constant 0 : i32
    %scan3A_387 = arith.constant 79 : i32
    %scan3A_388 = arith.addi %scan3A_386, %scan3A_387 : i32
    %scan3A_389 = arith.constant 1 : i32
    scf.for %scan3A_402 = %scan3A_386 to %scan3A_388 step %scan3A_389  : i32 {
      %mul3A_403 = arith.constant 8 : i32
      %mul3A_404 = arith.muli %scan3A_402, %mul3A_403 : i32
      %add3A = arith.addi %min3A_385, %mul3A_404 : i32
      "tpu.region"() ({
        %run_scoped3A = tpu.sem_alloc : memref<!tpu.dma_semaphore, #tpu.memory_space<semaphore_mem>>
        %dma_start3A = arith.constant 0 : i32
        %dma_start3A_405 = tpu.memref_slice %arg13[%add3A, %dma_start3A] : memref<10080x128xf32, #tpu.memory_space<vmem_shared>> -> memref<8x128xf32, #tpu.memory_space<vmem_shared>>
        %dma_start3A_406 = arith.constant 0 : i32
        %dma_start3A_407 = tpu.memref_slice %arg13[%add3A, %dma_start3A_406] : memref<10080x128xf32, #tpu.memory_space<vmem_shared>> -> memref<8x128xf32, #tpu.memory_space<vmem_shared>>
        tpu.enqueue_dma source(%arg12 : memref<8x128xf32, #tpu.memory_space<vmem>>) target(%dma_start3A_407 : memref<8x128xf32, #tpu.memory_space<vmem_shared>>) target_semaphore(%run_scoped3A : memref<!tpu.dma_semaphore, #tpu.memory_space<semaphore_mem>>)
        %dma_wait3A = arith.constant 0 : i32
        %dma_wait3A_408 = tpu.memref_slice %arg13[%add3A, %dma_wait3A] : memref<10080x128xf32, #tpu.memory_space<vmem_shared>> -> memref<8x128xf32, #tpu.memory_space<vmem_shared>>
        %dma_wait3A_409 = arith.constant 0 : i32
        %dma_wait3A_410 = tpu.memref_slice %arg13[%add3A, %dma_wait3A_409] : memref<10080x128xf32, #tpu.memory_space<vmem_shared>> -> memref<8x128xf32, #tpu.memory_space<vmem_shared>>
        tpu.wait_dma2 semaphore(%run_scoped3A : memref<!tpu.dma_semaphore, #tpu.memory_space<semaphore_mem>>) src(%arg12 : memref<8x128xf32, #tpu.memory_space<vmem>>) dst(%dma_wait3A_410 : memref<8x128xf32, #tpu.memory_space<vmem_shared>>)
        tpu.yield
      }) : () -> ()
    }
    %scan3A_390 = arith.constant 79 : i32
    %barrier3A = arith.constant 0 : index
    tpu.barrier barrier_id(%barrier3A)
    %mul3A_391 = arith.constant 160 : i32
    %mul3A_392 = arith.muli %arg1, %mul3A_391 : i32
    %mul3A_393 = arith.constant 128 : i32
    %mul3A_394 = arith.muli %mul3A_392, %mul3A_393 : i32
    %scan3A_395 = arith.constant 0 : i32
    %scan3A_396 = arith.constant 0 : i32
    %scan3A_397 = arith.constant 80 : i32
    %scan3A_398 = arith.addi %scan3A_396, %scan3A_397 : i32
    %scan3A_399 = arith.constant 1 : i32
    scf.for %scan3A_402 = %scan3A_396 to %scan3A_398 step %scan3A_399  : i32 {
      %mul3A_403 = arith.constant 2 : i32
      %mul3A_404 = arith.muli %mul3A_403, %scan3A_402 : i32
      %mul3A_405 = arith.constant 128 : i32
      %mul3A_406 = arith.muli %mul3A_404, %mul3A_405 : i32
      %add3A = arith.addi %mul3A_394, %mul3A_406 : i32
      "tpu.region"() ({
        %run_scoped3A = tpu.sem_alloc : memref<!tpu.dma_semaphore, #tpu.memory_space<semaphore_mem>>
        %dma_start3A_437 = tpu.memref_slice %arg2[%add3A] : memref<327680xi32, #tpu.memory_space<hbm>> -> memref<128xi32, #tpu.memory_space<hbm>>
        %dma_start3A_438 = tpu.memref_slice %arg2[%add3A] : memref<327680xi32, #tpu.memory_space<hbm>> -> memref<128xi32, #tpu.memory_space<hbm>>
        tpu.enqueue_dma source(%dma_start3A_438 : memref<128xi32, #tpu.memory_space<hbm>>) target(%arg6 : memref<128xi32, #tpu.memory_space<vmem>>) target_semaphore(%run_scoped3A : memref<!tpu.dma_semaphore, #tpu.memory_space<semaphore_mem>>)
        %dma_wait3A_439 = tpu.memref_slice %arg2[%add3A] : memref<327680xi32, #tpu.memory_space<hbm>> -> memref<128xi32, #tpu.memory_space<hbm>>
        %dma_wait3A_440 = tpu.memref_slice %arg2[%add3A] : memref<327680xi32, #tpu.memory_space<hbm>> -> memref<128xi32, #tpu.memory_space<hbm>>
        tpu.wait_dma2 semaphore(%run_scoped3A : memref<!tpu.dma_semaphore, #tpu.memory_space<semaphore_mem>>) src(%dma_wait3A_440 : memref<128xi32, #tpu.memory_space<hbm>>) dst(%arg6 : memref<128xi32, #tpu.memory_space<vmem>>)
        tpu.yield
      }) : () -> ()
      %dma_start3A = arith.constant 0 : i32
      %dma_start3A_407 = arith.constant 0 : i32
      %dma_start3A_408 = tpu.memref_slice %arg4[%arg0, %dma_start3A, %dma_start3A_407] : memref<2x10080x128xf32, #tpu.memory_space<hbm>> -> memref<1x10080x128xf32, #tpu.memory_space<hbm>>
      %dma_start3A_409 = tpu.memref_squeeze %dma_start3A_408 : memref<1x10080x128xf32, #tpu.memory_space<hbm>> -> memref<10080x128xf32, #tpu.memory_space<hbm>>
      %dma_start3A_410 = arith.constant 0 : i32
      %dma_start3A_411 = arith.constant 0 : i32
      %dma_start3A_412 = tpu.memref_slice %dma_start3A_409[%dma_start3A_410, %dma_start3A_411] : memref<10080x128xf32, #tpu.memory_space<hbm>> -> memref<10080x128xf32, #tpu.memory_space<hbm>>
      tpu.enqueue_indirect_dma source(%dma_start3A_412 : memref<10080x128xf32, #tpu.memory_space<hbm>>) target(%arg10 : memref<128x128xf32, #tpu.memory_space<vmem>>) offsets(%arg6 : memref<128xi32, #tpu.memory_space<vmem>>) semaphore(%arg14 : memref<!tpu.dma_semaphore, #tpu.memory_space<semaphore_mem>>)
      %add3A_413 = arith.constant 128 : i32
      %add3A_414 = arith.addi %add3A, %add3A_413 : i32
      "tpu.region"() ({
        %run_scoped3A = tpu.sem_alloc : memref<!tpu.dma_semaphore, #tpu.memory_space<semaphore_mem>>
        %dma_start3A_437 = tpu.memref_slice %arg2[%add3A_414] : memref<327680xi32, #tpu.memory_space<hbm>> -> memref<128xi32, #tpu.memory_space<hbm>>
        %dma_start3A_438 = tpu.memref_slice %arg2[%add3A_414] : memref<327680xi32, #tpu.memory_space<hbm>> -> memref<128xi32, #tpu.memory_space<hbm>>
        tpu.enqueue_dma source(%dma_start3A_438 : memref<128xi32, #tpu.memory_space<hbm>>) target(%arg8 : memref<128xi32, #tpu.memory_space<vmem>>) target_semaphore(%run_scoped3A : memref<!tpu.dma_semaphore, #tpu.memory_space<semaphore_mem>>)
        %dma_wait3A_439 = tpu.memref_slice %arg2[%add3A_414] : memref<327680xi32, #tpu.memory_space<hbm>> -> memref<128xi32, #tpu.memory_space<hbm>>
        %dma_wait3A_440 = tpu.memref_slice %arg2[%add3A_414] : memref<327680xi32, #tpu.memory_space<hbm>> -> memref<128xi32, #tpu.memory_space<hbm>>
        tpu.wait_dma2 semaphore(%run_scoped3A : memref<!tpu.dma_semaphore, #tpu.memory_space<semaphore_mem>>) src(%dma_wait3A_440 : memref<128xi32, #tpu.memory_space<hbm>>) dst(%arg8 : memref<128xi32, #tpu.memory_space<vmem>>)
        tpu.yield
      }) : () -> ()
      %dma_start3A_415 = arith.constant 0 : i32
      %dma_start3A_416 = arith.constant 0 : i32
      %dma_start3A_417 = tpu.memref_slice %arg4[%arg0, %dma_start3A_415, %dma_start3A_416] : memref<2x10080x128xf32, #tpu.memory_space<hbm>> -> memref<1x10080x128xf32, #tpu.memory_space<hbm>>
      %dma_start3A_418 = tpu.memref_squeeze %dma_start3A_417 : memref<1x10080x128xf32, #tpu.memory_space<hbm>> -> memref<10080x128xf32, #tpu.memory_space<hbm>>
      %dma_start3A_419 = arith.constant 0 : i32
      %dma_start3A_420 = arith.constant 0 : i32
      %dma_start3A_421 = tpu.memref_slice %dma_start3A_418[%dma_start3A_419, %dma_start3A_420] : memref<10080x128xf32, #tpu.memory_space<hbm>> -> memref<10080x128xf32, #tpu.memory_space<hbm>>
      tpu.enqueue_indirect_dma source(%dma_start3A_421 : memref<10080x128xf32, #tpu.memory_space<hbm>>) target(%arg11 : memref<128x128xf32, #tpu.memory_space<vmem>>) offsets(%arg8 : memref<128xi32, #tpu.memory_space<vmem>>) semaphore(%arg15 : memref<!tpu.dma_semaphore, #tpu.memory_space<semaphore_mem>>)
      "tpu.region"() ({
        %run_scoped3A = tpu.sem_alloc : memref<!tpu.dma_semaphore, #tpu.memory_space<semaphore_mem>>
        %dma_start3A_437 = tpu.memref_slice %arg3[%add3A] : memref<327680xi32, #tpu.memory_space<hbm>> -> memref<128xi32, #tpu.memory_space<hbm>>
        %dma_start3A_438 = tpu.memref_slice %arg3[%add3A] : memref<327680xi32, #tpu.memory_space<hbm>> -> memref<128xi32, #tpu.memory_space<hbm>>
        tpu.enqueue_dma source(%dma_start3A_438 : memref<128xi32, #tpu.memory_space<hbm>>) target(%arg7 : memref<128xi32, #tpu.memory_space<vmem>>) target_semaphore(%run_scoped3A : memref<!tpu.dma_semaphore, #tpu.memory_space<semaphore_mem>>)
        %dma_wait3A_439 = tpu.memref_slice %arg3[%add3A] : memref<327680xi32, #tpu.memory_space<hbm>> -> memref<128xi32, #tpu.memory_space<hbm>>
        %dma_wait3A_440 = tpu.memref_slice %arg3[%add3A] : memref<327680xi32, #tpu.memory_space<hbm>> -> memref<128xi32, #tpu.memory_space<hbm>>
        tpu.wait_dma2 semaphore(%run_scoped3A : memref<!tpu.dma_semaphore, #tpu.memory_space<semaphore_mem>>) src(%dma_wait3A_440 : memref<128xi32, #tpu.memory_space<hbm>>) dst(%arg7 : memref<128xi32, #tpu.memory_space<vmem>>)
        tpu.yield
      }) : () -> ()
      %add3A_422 = arith.constant 128 : i32
      %add3A_423 = arith.addi %add3A, %add3A_422 : i32
      "tpu.region"() ({
        %run_scoped3A = tpu.sem_alloc : memref<!tpu.dma_semaphore, #tpu.memory_space<semaphore_mem>>
        %dma_start3A_437 = tpu.memref_slice %arg3[%add3A_423] : memref<327680xi32, #tpu.memory_space<hbm>> -> memref<128xi32, #tpu.memory_space<hbm>>
        %dma_start3A_438 = tpu.memref_slice %arg3[%add3A_423] : memref<327680xi32, #tpu.memory_space<hbm>> -> memref<128xi32, #tpu.memory_space<hbm>>
        tpu.enqueue_dma source(%dma_start3A_438 : memref<128xi32, #tpu.memory_space<hbm>>) target(%arg9 : memref<128xi32, #tpu.memory_space<vmem>>) target_semaphore(%run_scoped3A : memref<!tpu.dma_semaphore, #tpu.memory_space<semaphore_mem>>)
        %dma_wait3A_439 = tpu.memref_slice %arg3[%add3A_423] : memref<327680xi32, #tpu.memory_space<hbm>> -> memref<128xi32, #tpu.memory_space<hbm>>
        %dma_wait3A_440 = tpu.memref_slice %arg3[%add3A_423] : memref<327680xi32, #tpu.memory_space<hbm>> -> memref<128xi32, #tpu.memory_space<hbm>>
        tpu.wait_dma2 semaphore(%run_scoped3A : memref<!tpu.dma_semaphore, #tpu.memory_space<semaphore_mem>>) src(%dma_wait3A_440 : memref<128xi32, #tpu.memory_space<hbm>>) dst(%arg9 : memref<128xi32, #tpu.memory_space<vmem>>)
        tpu.yield
      }) : () -> ()
      %dma_wait3A = arith.constant 0 : i32
      %dma_wait3A_424 = arith.constant 0 : i32
      %dma_wait3A_425 = tpu.memref_slice %arg4[%arg0, %dma_wait3A, %dma_wait3A_424] : memref<2x10080x128xf32, #tpu.memory_space<hbm>> -> memref<1x10080x128xf32, #tpu.memory_space<hbm>>
      %dma_wait3A_426 = tpu.memref_squeeze %dma_wait3A_425 : memref<1x10080x128xf32, #tpu.memory_space<hbm>> -> memref<10080x128xf32, #tpu.memory_space<hbm>>
      %dma_wait3A_427 = arith.constant 0 : i32
      %dma_wait3A_428 = arith.constant 0 : i32
      %dma_wait3A_429 = tpu.memref_slice %dma_wait3A_426[%dma_wait3A_427, %dma_wait3A_428] : memref<10080x128xf32, #tpu.memory_space<hbm>> -> memref<10080x128xf32, #tpu.memory_space<hbm>>
      tpu.wait_indirect_dma semaphore(%arg14 : memref<!tpu.dma_semaphore, #tpu.memory_space<semaphore_mem>>) src(%dma_wait3A_429 : memref<10080x128xf32, #tpu.memory_space<hbm>>) dst(%arg10 : memref<128x128xf32, #tpu.memory_space<vmem>>)
      "tpu.region"() ({
        %run_scoped3A = tpu.sem_alloc : memref<!tpu.dma_semaphore, #tpu.memory_space<semaphore_mem>>
        %dma_start3A_437 = arith.constant 0 : i32
        %dma_start3A_438 = arith.constant 0 : i32
        %dma_start3A_439 = tpu.memref_slice %arg13[%dma_start3A_437, %dma_start3A_438] : memref<10080x128xf32, #tpu.memory_space<vmem_shared>> -> memref<10080x128xf32, #tpu.memory_space<vmem_shared>>
        tpu.enqueue_indirect_dma source(%arg10 : memref<128x128xf32, #tpu.memory_space<vmem>>) target(%dma_start3A_439 : memref<10080x128xf32, #tpu.memory_space<vmem_shared>>) offsets(%arg7 : memref<128xi32, #tpu.memory_space<vmem>>) semaphore(%run_scoped3A : memref<!tpu.dma_semaphore, #tpu.memory_space<semaphore_mem>>) {add = true}
        %dma_wait3A_440 = arith.constant 0 : i32
        %dma_wait3A_441 = arith.constant 0 : i32
        %dma_wait3A_442 = tpu.memref_slice %arg13[%dma_wait3A_440, %dma_wait3A_441] : memref<10080x128xf32, #tpu.memory_space<vmem_shared>> -> memref<10080x128xf32, #tpu.memory_space<vmem_shared>>
        tpu.wait_indirect_dma semaphore(%run_scoped3A : memref<!tpu.dma_semaphore, #tpu.memory_space<semaphore_mem>>) src(%arg10 : memref<128x128xf32, #tpu.memory_space<vmem>>) dst(%dma_wait3A_442 : memref<10080x128xf32, #tpu.memory_space<vmem_shared>>)
        tpu.yield
      }) : () -> ()
      %dma_wait3A_430 = arith.constant 0 : i32
      %dma_wait3A_431 = arith.constant 0 : i32
      %dma_wait3A_432 = tpu.memref_slice %arg4[%arg0, %dma_wait3A_430, %dma_wait3A_431] : memref<2x10080x128xf32, #tpu.memory_space<hbm>> -> memref<1x10080x128xf32, #tpu.memory_space<hbm>>
      %dma_wait3A_433 = tpu.memref_squeeze %dma_wait3A_432 : memref<1x10080x128xf32, #tpu.memory_space<hbm>> -> memref<10080x128xf32, #tpu.memory_space<hbm>>
      %dma_wait3A_434 = arith.constant 0 : i32
      %dma_wait3A_435 = arith.constant 0 : i32
      %dma_wait3A_436 = tpu.memref_slice %dma_wait3A_433[%dma_wait3A_434, %dma_wait3A_435] : memref<10080x128xf32, #tpu.memory_space<hbm>> -> memref<10080x128xf32, #tpu.memory_space<hbm>>
      tpu.wait_indirect_dma semaphore(%arg15 : memref<!tpu.dma_semaphore, #tpu.memory_space<semaphore_mem>>) src(%dma_wait3A_436 : memref<10080x128xf32, #tpu.memory_space<hbm>>) dst(%arg11 : memref<128x128xf32, #tpu.memory_space<vmem>>)
      "tpu.region"() ({
        %run_scoped3A = tpu.sem_alloc : memref<!tpu.dma_semaphore, #tpu.memory_space<semaphore_mem>>
        %dma_start3A_437 = arith.constant 0 : i32
        %dma_start3A_438 = arith.constant 0 : i32
        %dma_start3A_439 = tpu.memref_slice %arg13[%dma_start3A_437, %dma_start3A_438] : memref<10080x128xf32, #tpu.memory_space<vmem_shared>> -> memref<10080x128xf32, #tpu.memory_space<vmem_shared>>
        tpu.enqueue_indirect_dma source(%arg11 : memref<128x128xf32, #tpu.memory_space<vmem>>) target(%dma_start3A_439 : memref<10080x128xf32, #tpu.memory_space<vmem_shared>>) offsets(%arg9 : memref<128xi32, #tpu.memory_space<vmem>>) semaphore(%run_scoped3A : memref<!tpu.dma_semaphore, #tpu.memory_space<semaphore_mem>>) {add = true}
        %dma_wait3A_440 = arith.constant 0 : i32
        %dma_wait3A_441 = arith.constant 0 : i32
        %dma_wait3A_442 = tpu.memref_slice %arg13[%dma_wait3A_440, %dma_wait3A_441] : memref<10080x128xf32, #tpu.memory_space<vmem_shared>> -> memref<10080x128xf32, #tpu.memory_space<vmem_shared>>
        tpu.wait_indirect_dma semaphore(%run_scoped3A : memref<!tpu.dma_semaphore, #tpu.memory_space<semaphore_mem>>) src(%arg11 : memref<128x128xf32, #tpu.memory_space<vmem>>) dst(%dma_wait3A_442 : memref<10080x128xf32, #tpu.memory_space<vmem_shared>>)
        tpu.yield
      }) : () -> ()
    }
    %scan3A_400 = arith.constant 80 : i32
    %barrier3A_401 = arith.constant 0 : index
    tpu.barrier barrier_id(%barrier3A_401)
    "tpu.region"() ({
      %run_scoped3A = tpu.sem_alloc : memref<!tpu.dma_semaphore, #tpu.memory_space<semaphore_mem>>
      %dma_start3A = arith.constant 0 : i32
      %dma_start3A_402 = tpu.memref_slice %arg5[%arg0, %min3A_385, %dma_start3A] : memref<2x10080x128xf32, #tpu.memory_space<hbm>> -> memref<1x632x128xf32, #tpu.memory_space<hbm>>
      %dma_start3A_403 = tpu.memref_squeeze %dma_start3A_402 : memref<1x632x128xf32, #tpu.memory_space<hbm>> -> memref<632x128xf32, #tpu.memory_space<hbm>>
      %dma_start3A_404 = arith.constant 0 : i32
      %dma_start3A_405 = tpu.memref_slice %arg13[%min3A_385, %dma_start3A_404] : memref<10080x128xf32, #tpu.memory_space<vmem_shared>> -> memref<632x128xf32, #tpu.memory_space<vmem_shared>>
      tpu.enqueue_dma source(%dma_start3A_405 : memref<632x128xf32, #tpu.memory_space<vmem_shared>>) target(%dma_start3A_403 : memref<632x128xf32, #tpu.memory_space<hbm>>) target_semaphore(%run_scoped3A : memref<!tpu.dma_semaphore, #tpu.memory_space<semaphore_mem>>)
      %dma_wait3A = arith.constant 0 : i32
      %dma_wait3A_406 = tpu.memref_slice %arg5[%arg0, %min3A_385, %dma_wait3A] : memref<2x10080x128xf32, #tpu.memory_space<hbm>> -> memref<1x632x128xf32, #tpu.memory_space<hbm>>
      %dma_wait3A_407 = tpu.memref_squeeze %dma_wait3A_406 : memref<1x632x128xf32, #tpu.memory_space<hbm>> -> memref<632x128xf32, #tpu.memory_space<hbm>>
      %dma_wait3A_408 = arith.constant 0 : i32
      %dma_wait3A_409 = tpu.memref_slice %arg13[%min3A_385, %dma_wait3A_408] : memref<10080x128xf32, #tpu.memory_space<vmem_shared>> -> memref<632x128xf32, #tpu.memory_space<vmem_shared>>
      tpu.wait_dma2 semaphore(%run_scoped3A : memref<!tpu.dma_semaphore, #tpu.memory_space<semaphore_mem>>) src(%dma_wait3A_409 : memref<632x128xf32, #tpu.memory_space<vmem_shared>>) dst(%dma_wait3A_407 : memref<632x128xf32, #tpu.memory_space<hbm>>)
      tpu.yield
    }) : () -> ()
    return
  }
}

#map = affine_map<(d0, d1) -> (0)>
#map1 = affine_map<(d0, d1) -> (0, 0, 0)>
module attributes {stable_mosaic.version = 14 : i64} {
  func.func @_degree(%arg0: i32, %arg1: i32, %arg2: memref<327680xi32, #tpu.memory_space<hbm>>, %arg3: memref<2x10080x16xf32, #tpu.memory_space<hbm>>, %arg4: memref<128xi32, #tpu.memory_space<vmem>>, %arg5: memref<128x16xf32, #tpu.memory_space<vmem>>, %arg6: memref<8x16xf32, #tpu.memory_space<vmem>>, %arg7: memref<10080x16xf32, #tpu.memory_space<vmem_shared>>, %arg8: memref<!tpu.dma_semaphore, #tpu.memory_space<semaphore_mem>>) attributes {dimension_semantics = [#tpu.dimension_semantics<core_parallel>, #tpu.dimension_semantics<subcore_parallel>], iteration_bounds = array<i64: 2, 16>, scalar_prefetch = 0 : i64, scratch_operands = 5 : i64, tpu.core_type = #tpu.core_type<sc_vector_subcore>, window_params = [{transform_indices = #map}, {transform_indices = #map1}]} {
    %broadcast_in_dim3A = arith.constant 1.000000e+00 : f32
    %broadcast_in_dim3A_0 = vector.broadcast %broadcast_in_dim3A : f32 to vector<16xf32>
    %broadcast_in_dim3A_1 = arith.constant 0.000000e+00 : f32
    %broadcast_in_dim3A_2 = vector.broadcast %broadcast_in_dim3A_1 : f32 to vector<16xf32>
    %swap3A = arith.constant 0 : i32
    %swap3A_3 = arith.index_cast %swap3A : i32 to index
    %swap3A_4 = arith.constant 0 : index
    %swap3A_5 = tpu.vector_load %arg5[%swap3A_3, %swap3A_4] {strides = array<i32>} : memref<128x16xf32, #tpu.memory_space<vmem>>, vector<1x16xf32>,
    %swap3A_6 = vector.shape_cast %swap3A_5 : vector<1x16xf32> to vector<16xf32>
    %swap3A_7 = vector.shape_cast %broadcast_in_dim3A_0 : vector<16xf32> to vector<1x16xf32>
    tpu.vector_store %arg5[%swap3A_3, %swap3A_4], %swap3A_7 {strides = array<i32>} : memref<128x16xf32, #tpu.memory_space<vmem>>, vector<1x16xf32>,
    %swap3A_8 = arith.constant 1 : i32
    %swap3A_9 = arith.index_cast %swap3A_8 : i32 to index
    %swap3A_10 = arith.constant 0 : index
    %swap3A_11 = tpu.vector_load %arg5[%swap3A_9, %swap3A_10] {strides = array<i32>} : memref<128x16xf32, #tpu.memory_space<vmem>>, vector<1x16xf32>,
    %swap3A_12 = vector.shape_cast %swap3A_11 : vector<1x16xf32> to vector<16xf32>
    %swap3A_13 = vector.shape_cast %broadcast_in_dim3A_0 : vector<16xf32> to vector<1x16xf32>
    tpu.vector_store %arg5[%swap3A_9, %swap3A_10], %swap3A_13 {strides = array<i32>} : memref<128x16xf32, #tpu.memory_space<vmem>>, vector<1x16xf32>,
    %swap3A_14 = arith.constant 2 : i32
    %swap3A_15 = arith.index_cast %swap3A_14 : i32 to index
    %swap3A_16 = arith.constant 0 : index
    %swap3A_17 = tpu.vector_load %arg5[%swap3A_15, %swap3A_16] {strides = array<i32>} : memref<128x16xf32, #tpu.memory_space<vmem>>, vector<1x16xf32>,
    %swap3A_18 = vector.shape_cast %swap3A_17 : vector<1x16xf32> to vector<16xf32>
    %swap3A_19 = vector.shape_cast %broadcast_in_dim3A_0 : vector<16xf32> to vector<1x16xf32>
    tpu.vector_store %arg5[%swap3A_15, %swap3A_16], %swap3A_19 {strides = array<i32>} : memref<128x16xf32, #tpu.memory_space<vmem>>, vector<1x16xf32>,
    %swap3A_20 = arith.constant 3 : i32
    %swap3A_21 = arith.index_cast %swap3A_20 : i32 to index
    %swap3A_22 = arith.constant 0 : index
    %swap3A_23 = tpu.vector_load %arg5[%swap3A_21, %swap3A_22] {strides = array<i32>} : memref<128x16xf32, #tpu.memory_space<vmem>>, vector<1x16xf32>,
    %swap3A_24 = vector.shape_cast %swap3A_23 : vector<1x16xf32> to vector<16xf32>
    %swap3A_25 = vector.shape_cast %broadcast_in_dim3A_0 : vector<16xf32> to vector<1x16xf32>
    tpu.vector_store %arg5[%swap3A_21, %swap3A_22], %swap3A_25 {strides = array<i32>} : memref<128x16xf32, #tpu.memory_space<vmem>>, vector<1x16xf32>,
    %swap3A_26 = arith.constant 4 : i32
    %swap3A_27 = arith.index_cast %swap3A_26 : i32 to index
    %swap3A_28 = arith.constant 0 : index
    %swap3A_29 = tpu.vector_load %arg5[%swap3A_27, %swap3A_28] {strides = array<i32>} : memref<128x16xf32, #tpu.memory_space<vmem>>, vector<1x16xf32>,
    %swap3A_30 = vector.shape_cast %swap3A_29 : vector<1x16xf32> to vector<16xf32>
    %swap3A_31 = vector.shape_cast %broadcast_in_dim3A_0 : vector<16xf32> to vector<1x16xf32>
    tpu.vector_store %arg5[%swap3A_27, %swap3A_28], %swap3A_31 {strides = array<i32>} : memref<128x16xf32, #tpu.memory_space<vmem>>, vector<1x16xf32>,
    %swap3A_32 = arith.constant 5 : i32
    %swap3A_33 = arith.index_cast %swap3A_32 : i32 to index
    %swap3A_34 = arith.constant 0 : index
    %swap3A_35 = tpu.vector_load %arg5[%swap3A_33, %swap3A_34] {strides = array<i32>} : memref<128x16xf32, #tpu.memory_space<vmem>>, vector<1x16xf32>,
    %swap3A_36 = vector.shape_cast %swap3A_35 : vector<1x16xf32> to vector<16xf32>
    %swap3A_37 = vector.shape_cast %broadcast_in_dim3A_0 : vector<16xf32> to vector<1x16xf32>
    tpu.vector_store %arg5[%swap3A_33, %swap3A_34], %swap3A_37 {strides = array<i32>} : memref<128x16xf32, #tpu.memory_space<vmem>>, vector<1x16xf32>,
    %swap3A_38 = arith.constant 6 : i32
    %swap3A_39 = arith.index_cast %swap3A_38 : i32 to index
    %swap3A_40 = arith.constant 0 : index
    %swap3A_41 = tpu.vector_load %arg5[%swap3A_39, %swap3A_40] {strides = array<i32>} : memref<128x16xf32, #tpu.memory_space<vmem>>, vector<1x16xf32>,
    %swap3A_42 = vector.shape_cast %swap3A_41 : vector<1x16xf32> to vector<16xf32>
    %swap3A_43 = vector.shape_cast %broadcast_in_dim3A_0 : vector<16xf32> to vector<1x16xf32>
    tpu.vector_store %arg5[%swap3A_39, %swap3A_40], %swap3A_43 {strides = array<i32>} : memref<128x16xf32, #tpu.memory_space<vmem>>, vector<1x16xf32>,
    %swap3A_44 = arith.constant 7 : i32
    %swap3A_45 = arith.index_cast %swap3A_44 : i32 to index
    %swap3A_46 = arith.constant 0 : index
    %swap3A_47 = tpu.vector_load %arg5[%swap3A_45, %swap3A_46] {strides = array<i32>} : memref<128x16xf32, #tpu.memory_space<vmem>>, vector<1x16xf32>,
    %swap3A_48 = vector.shape_cast %swap3A_47 : vector<1x16xf32> to vector<16xf32>
    %swap3A_49 = vector.shape_cast %broadcast_in_dim3A_0 : vector<16xf32> to vector<1x16xf32>
    tpu.vector_store %arg5[%swap3A_45, %swap3A_46], %swap3A_49 {strides = array<i32>} : memref<128x16xf32, #tpu.memory_space<vmem>>, vector<1x16xf32>,
    %swap3A_50 = arith.constant 8 : i32
    %swap3A_51 = arith.index_cast %swap3A_50 : i32 to index
    %swap3A_52 = arith.constant 0 : index
    %swap3A_53 = tpu.vector_load %arg5[%swap3A_51, %swap3A_52] {strides = array<i32>} : memref<128x16xf32, #tpu.memory_space<vmem>>, vector<1x16xf32>,
    %swap3A_54 = vector.shape_cast %swap3A_53 : vector<1x16xf32> to vector<16xf32>
    %swap3A_55 = vector.shape_cast %broadcast_in_dim3A_0 : vector<16xf32> to vector<1x16xf32>
    tpu.vector_store %arg5[%swap3A_51, %swap3A_52], %swap3A_55 {strides = array<i32>} : memref<128x16xf32, #tpu.memory_space<vmem>>, vector<1x16xf32>,
    %swap3A_56 = arith.constant 9 : i32
    %swap3A_57 = arith.index_cast %swap3A_56 : i32 to index
    %swap3A_58 = arith.constant 0 : index
    %swap3A_59 = tpu.vector_load %arg5[%swap3A_57, %swap3A_58] {strides = array<i32>} : memref<128x16xf32, #tpu.memory_space<vmem>>, vector<1x16xf32>,
    %swap3A_60 = vector.shape_cast %swap3A_59 : vector<1x16xf32> to vector<16xf32>
    %swap3A_61 = vector.shape_cast %broadcast_in_dim3A_0 : vector<16xf32> to vector<1x16xf32>
    tpu.vector_store %arg5[%swap3A_57, %swap3A_58], %swap3A_61 {strides = array<i32>} : memref<128x16xf32, #tpu.memory_space<vmem>>, vector<1x16xf32>,
    %swap3A_62 = arith.constant 10 : i32
    %swap3A_63 = arith.index_cast %swap3A_62 : i32 to index
    %swap3A_64 = arith.constant 0 : index
    %swap3A_65 = tpu.vector_load %arg5[%swap3A_63, %swap3A_64] {strides = array<i32>} : memref<128x16xf32, #tpu.memory_space<vmem>>, vector<1x16xf32>,
    %swap3A_66 = vector.shape_cast %swap3A_65 : vector<1x16xf32> to vector<16xf32>
    %swap3A_67 = vector.shape_cast %broadcast_in_dim3A_0 : vector<16xf32> to vector<1x16xf32>
    tpu.vector_store %arg5[%swap3A_63, %swap3A_64], %swap3A_67 {strides = array<i32>} : memref<128x16xf32, #tpu.memory_space<vmem>>, vector<1x16xf32>,
    %swap3A_68 = arith.constant 11 : i32
    %swap3A_69 = arith.index_cast %swap3A_68 : i32 to index
    %swap3A_70 = arith.constant 0 : index
    %swap3A_71 = tpu.vector_load %arg5[%swap3A_69, %swap3A_70] {strides = array<i32>} : memref<128x16xf32, #tpu.memory_space<vmem>>, vector<1x16xf32>,
    %swap3A_72 = vector.shape_cast %swap3A_71 : vector<1x16xf32> to vector<16xf32>
    %swap3A_73 = vector.shape_cast %broadcast_in_dim3A_0 : vector<16xf32> to vector<1x16xf32>
    tpu.vector_store %arg5[%swap3A_69, %swap3A_70], %swap3A_73 {strides = array<i32>} : memref<128x16xf32, #tpu.memory_space<vmem>>, vector<1x16xf32>,
    %swap3A_74 = arith.constant 12 : i32
    %swap3A_75 = arith.index_cast %swap3A_74 : i32 to index
    %swap3A_76 = arith.constant 0 : index
    %swap3A_77 = tpu.vector_load %arg5[%swap3A_75, %swap3A_76] {strides = array<i32>} : memref<128x16xf32, #tpu.memory_space<vmem>>, vector<1x16xf32>,
    %swap3A_78 = vector.shape_cast %swap3A_77 : vector<1x16xf32> to vector<16xf32>
    %swap3A_79 = vector.shape_cast %broadcast_in_dim3A_0 : vector<16xf32> to vector<1x16xf32>
    tpu.vector_store %arg5[%swap3A_75, %swap3A_76], %swap3A_79 {strides = array<i32>} : memref<128x16xf32, #tpu.memory_space<vmem>>, vector<1x16xf32>,
    %swap3A_80 = arith.constant 13 : i32
    %swap3A_81 = arith.index_cast %swap3A_80 : i32 to index
    %swap3A_82 = arith.constant 0 : index
    %swap3A_83 = tpu.vector_load %arg5[%swap3A_81, %swap3A_82] {strides = array<i32>} : memref<128x16xf32, #tpu.memory_space<vmem>>, vector<1x16xf32>,
    %swap3A_84 = vector.shape_cast %swap3A_83 : vector<1x16xf32> to vector<16xf32>
    %swap3A_85 = vector.shape_cast %broadcast_in_dim3A_0 : vector<16xf32> to vector<1x16xf32>
    tpu.vector_store %arg5[%swap3A_81, %swap3A_82], %swap3A_85 {strides = array<i32>} : memref<128x16xf32, #tpu.memory_space<vmem>>, vector<1x16xf32>,
    %swap3A_86 = arith.constant 14 : i32
    %swap3A_87 = arith.index_cast %swap3A_86 : i32 to index
    %swap3A_88 = arith.constant 0 : index
    %swap3A_89 = tpu.vector_load %arg5[%swap3A_87, %swap3A_88] {strides = array<i32>} : memref<128x16xf32, #tpu.memory_space<vmem>>, vector<1x16xf32>,
    %swap3A_90 = vector.shape_cast %swap3A_89 : vector<1x16xf32> to vector<16xf32>
    %swap3A_91 = vector.shape_cast %broadcast_in_dim3A_0 : vector<16xf32> to vector<1x16xf32>
    tpu.vector_store %arg5[%swap3A_87, %swap3A_88], %swap3A_91 {strides = array<i32>} : memref<128x16xf32, #tpu.memory_space<vmem>>, vector<1x16xf32>,
    %swap3A_92 = arith.constant 15 : i32
    %swap3A_93 = arith.index_cast %swap3A_92 : i32 to index
    %swap3A_94 = arith.constant 0 : index
    %swap3A_95 = tpu.vector_load %arg5[%swap3A_93, %swap3A_94] {strides = array<i32>} : memref<128x16xf32, #tpu.memory_space<vmem>>, vector<1x16xf32>,
    %swap3A_96 = vector.shape_cast %swap3A_95 : vector<1x16xf32> to vector<16xf32>
    %swap3A_97 = vector.shape_cast %broadcast_in_dim3A_0 : vector<16xf32> to vector<1x16xf32>
    tpu.vector_store %arg5[%swap3A_93, %swap3A_94], %swap3A_97 {strides = array<i32>} : memref<128x16xf32, #tpu.memory_space<vmem>>, vector<1x16xf32>,
    %swap3A_98 = arith.constant 16 : i32
    %swap3A_99 = arith.index_cast %swap3A_98 : i32 to index
    %swap3A_100 = arith.constant 0 : index
    %swap3A_101 = tpu.vector_load %arg5[%swap3A_99, %swap3A_100] {strides = array<i32>} : memref<128x16xf32, #tpu.memory_space<vmem>>, vector<1x16xf32>,
    %swap3A_102 = vector.shape_cast %swap3A_101 : vector<1x16xf32> to vector<16xf32>
    %swap3A_103 = vector.shape_cast %broadcast_in_dim3A_0 : vector<16xf32> to vector<1x16xf32>
    tpu.vector_store %arg5[%swap3A_99, %swap3A_100], %swap3A_103 {strides = array<i32>} : memref<128x16xf32, #tpu.memory_space<vmem>>, vector<1x16xf32>,
    %swap3A_104 = arith.constant 17 : i32
    %swap3A_105 = arith.index_cast %swap3A_104 : i32 to index
    %swap3A_106 = arith.constant 0 : index
    %swap3A_107 = tpu.vector_load %arg5[%swap3A_105, %swap3A_106] {strides = array<i32>} : memref<128x16xf32, #tpu.memory_space<vmem>>, vector<1x16xf32>,
    %swap3A_108 = vector.shape_cast %swap3A_107 : vector<1x16xf32> to vector<16xf32>
    %swap3A_109 = vector.shape_cast %broadcast_in_dim3A_0 : vector<16xf32> to vector<1x16xf32>
    tpu.vector_store %arg5[%swap3A_105, %swap3A_106], %swap3A_109 {strides = array<i32>} : memref<128x16xf32, #tpu.memory_space<vmem>>, vector<1x16xf32>,
    %swap3A_110 = arith.constant 18 : i32
    %swap3A_111 = arith.index_cast %swap3A_110 : i32 to index
    %swap3A_112 = arith.constant 0 : index
    %swap3A_113 = tpu.vector_load %arg5[%swap3A_111, %swap3A_112] {strides = array<i32>} : memref<128x16xf32, #tpu.memory_space<vmem>>, vector<1x16xf32>,
    %swap3A_114 = vector.shape_cast %swap3A_113 : vector<1x16xf32> to vector<16xf32>
    %swap3A_115 = vector.shape_cast %broadcast_in_dim3A_0 : vector<16xf32> to vector<1x16xf32>
    tpu.vector_store %arg5[%swap3A_111, %swap3A_112], %swap3A_115 {strides = array<i32>} : memref<128x16xf32, #tpu.memory_space<vmem>>, vector<1x16xf32>,
    %swap3A_116 = arith.constant 19 : i32
    %swap3A_117 = arith.index_cast %swap3A_116 : i32 to index
    %swap3A_118 = arith.constant 0 : index
    %swap3A_119 = tpu.vector_load %arg5[%swap3A_117, %swap3A_118] {strides = array<i32>} : memref<128x16xf32, #tpu.memory_space<vmem>>, vector<1x16xf32>,
    %swap3A_120 = vector.shape_cast %swap3A_119 : vector<1x16xf32> to vector<16xf32>
    %swap3A_121 = vector.shape_cast %broadcast_in_dim3A_0 : vector<16xf32> to vector<1x16xf32>
    tpu.vector_store %arg5[%swap3A_117, %swap3A_118], %swap3A_121 {strides = array<i32>} : memref<128x16xf32, #tpu.memory_space<vmem>>, vector<1x16xf32>,
    %swap3A_122 = arith.constant 20 : i32
    %swap3A_123 = arith.index_cast %swap3A_122 : i32 to index
    %swap3A_124 = arith.constant 0 : index
    %swap3A_125 = tpu.vector_load %arg5[%swap3A_123, %swap3A_124] {strides = array<i32>} : memref<128x16xf32, #tpu.memory_space<vmem>>, vector<1x16xf32>,
    %swap3A_126 = vector.shape_cast %swap3A_125 : vector<1x16xf32> to vector<16xf32>
    %swap3A_127 = vector.shape_cast %broadcast_in_dim3A_0 : vector<16xf32> to vector<1x16xf32>
    tpu.vector_store %arg5[%swap3A_123, %swap3A_124], %swap3A_127 {strides = array<i32>} : memref<128x16xf32, #tpu.memory_space<vmem>>, vector<1x16xf32>,
    %swap3A_128 = arith.constant 21 : i32
    %swap3A_129 = arith.index_cast %swap3A_128 : i32 to index
    %swap3A_130 = arith.constant 0 : index
    %swap3A_131 = tpu.vector_load %arg5[%swap3A_129, %swap3A_130] {strides = array<i32>} : memref<128x16xf32, #tpu.memory_space<vmem>>, vector<1x16xf32>,
    %swap3A_132 = vector.shape_cast %swap3A_131 : vector<1x16xf32> to vector<16xf32>
    %swap3A_133 = vector.shape_cast %broadcast_in_dim3A_0 : vector<16xf32> to vector<1x16xf32>
    tpu.vector_store %arg5[%swap3A_129, %swap3A_130], %swap3A_133 {strides = array<i32>} : memref<128x16xf32, #tpu.memory_space<vmem>>, vector<1x16xf32>,
    %swap3A_134 = arith.constant 22 : i32
    %swap3A_135 = arith.index_cast %swap3A_134 : i32 to index
    %swap3A_136 = arith.constant 0 : index
    %swap3A_137 = tpu.vector_load %arg5[%swap3A_135, %swap3A_136] {strides = array<i32>} : memref<128x16xf32, #tpu.memory_space<vmem>>, vector<1x16xf32>,
    %swap3A_138 = vector.shape_cast %swap3A_137 : vector<1x16xf32> to vector<16xf32>
    %swap3A_139 = vector.shape_cast %broadcast_in_dim3A_0 : vector<16xf32> to vector<1x16xf32>
    tpu.vector_store %arg5[%swap3A_135, %swap3A_136], %swap3A_139 {strides = array<i32>} : memref<128x16xf32, #tpu.memory_space<vmem>>, vector<1x16xf32>,
    %swap3A_140 = arith.constant 23 : i32
    %swap3A_141 = arith.index_cast %swap3A_140 : i32 to index
    %swap3A_142 = arith.constant 0 : index
    %swap3A_143 = tpu.vector_load %arg5[%swap3A_141, %swap3A_142] {strides = array<i32>} : memref<128x16xf32, #tpu.memory_space<vmem>>, vector<1x16xf32>,
    %swap3A_144 = vector.shape_cast %swap3A_143 : vector<1x16xf32> to vector<16xf32>
    %swap3A_145 = vector.shape_cast %broadcast_in_dim3A_0 : vector<16xf32> to vector<1x16xf32>
    tpu.vector_store %arg5[%swap3A_141, %swap3A_142], %swap3A_145 {strides = array<i32>} : memref<128x16xf32, #tpu.memory_space<vmem>>, vector<1x16xf32>,
    %swap3A_146 = arith.constant 24 : i32
    %swap3A_147 = arith.index_cast %swap3A_146 : i32 to index
    %swap3A_148 = arith.constant 0 : index
    %swap3A_149 = tpu.vector_load %arg5[%swap3A_147, %swap3A_148] {strides = array<i32>} : memref<128x16xf32, #tpu.memory_space<vmem>>, vector<1x16xf32>,
    %swap3A_150 = vector.shape_cast %swap3A_149 : vector<1x16xf32> to vector<16xf32>
    %swap3A_151 = vector.shape_cast %broadcast_in_dim3A_0 : vector<16xf32> to vector<1x16xf32>
    tpu.vector_store %arg5[%swap3A_147, %swap3A_148], %swap3A_151 {strides = array<i32>} : memref<128x16xf32, #tpu.memory_space<vmem>>, vector<1x16xf32>,
    %swap3A_152 = arith.constant 25 : i32
    %swap3A_153 = arith.index_cast %swap3A_152 : i32 to index
    %swap3A_154 = arith.constant 0 : index
    %swap3A_155 = tpu.vector_load %arg5[%swap3A_153, %swap3A_154] {strides = array<i32>} : memref<128x16xf32, #tpu.memory_space<vmem>>, vector<1x16xf32>,
    %swap3A_156 = vector.shape_cast %swap3A_155 : vector<1x16xf32> to vector<16xf32>
    %swap3A_157 = vector.shape_cast %broadcast_in_dim3A_0 : vector<16xf32> to vector<1x16xf32>
    tpu.vector_store %arg5[%swap3A_153, %swap3A_154], %swap3A_157 {strides = array<i32>} : memref<128x16xf32, #tpu.memory_space<vmem>>, vector<1x16xf32>,
    %swap3A_158 = arith.constant 26 : i32
    %swap3A_159 = arith.index_cast %swap3A_158 : i32 to index
    %swap3A_160 = arith.constant 0 : index
    %swap3A_161 = tpu.vector_load %arg5[%swap3A_159, %swap3A_160] {strides = array<i32>} : memref<128x16xf32, #tpu.memory_space<vmem>>, vector<1x16xf32>,
    %swap3A_162 = vector.shape_cast %swap3A_161 : vector<1x16xf32> to vector<16xf32>
    %swap3A_163 = vector.shape_cast %broadcast_in_dim3A_0 : vector<16xf32> to vector<1x16xf32>
    tpu.vector_store %arg5[%swap3A_159, %swap3A_160], %swap3A_163 {strides = array<i32>} : memref<128x16xf32, #tpu.memory_space<vmem>>, vector<1x16xf32>,
    %swap3A_164 = arith.constant 27 : i32
    %swap3A_165 = arith.index_cast %swap3A_164 : i32 to index
    %swap3A_166 = arith.constant 0 : index
    %swap3A_167 = tpu.vector_load %arg5[%swap3A_165, %swap3A_166] {strides = array<i32>} : memref<128x16xf32, #tpu.memory_space<vmem>>, vector<1x16xf32>,
    %swap3A_168 = vector.shape_cast %swap3A_167 : vector<1x16xf32> to vector<16xf32>
    %swap3A_169 = vector.shape_cast %broadcast_in_dim3A_0 : vector<16xf32> to vector<1x16xf32>
    tpu.vector_store %arg5[%swap3A_165, %swap3A_166], %swap3A_169 {strides = array<i32>} : memref<128x16xf32, #tpu.memory_space<vmem>>, vector<1x16xf32>,
    %swap3A_170 = arith.constant 28 : i32
    %swap3A_171 = arith.index_cast %swap3A_170 : i32 to index
    %swap3A_172 = arith.constant 0 : index
    %swap3A_173 = tpu.vector_load %arg5[%swap3A_171, %swap3A_172] {strides = array<i32>} : memref<128x16xf32, #tpu.memory_space<vmem>>, vector<1x16xf32>,
    %swap3A_174 = vector.shape_cast %swap3A_173 : vector<1x16xf32> to vector<16xf32>
    %swap3A_175 = vector.shape_cast %broadcast_in_dim3A_0 : vector<16xf32> to vector<1x16xf32>
    tpu.vector_store %arg5[%swap3A_171, %swap3A_172], %swap3A_175 {strides = array<i32>} : memref<128x16xf32, #tpu.memory_space<vmem>>, vector<1x16xf32>,
    %swap3A_176 = arith.constant 29 : i32
    %swap3A_177 = arith.index_cast %swap3A_176 : i32 to index
    %swap3A_178 = arith.constant 0 : index
    %swap3A_179 = tpu.vector_load %arg5[%swap3A_177, %swap3A_178] {strides = array<i32>} : memref<128x16xf32, #tpu.memory_space<vmem>>, vector<1x16xf32>,
    %swap3A_180 = vector.shape_cast %swap3A_179 : vector<1x16xf32> to vector<16xf32>
    %swap3A_181 = vector.shape_cast %broadcast_in_dim3A_0 : vector<16xf32> to vector<1x16xf32>
    tpu.vector_store %arg5[%swap3A_177, %swap3A_178], %swap3A_181 {strides = array<i32>} : memref<128x16xf32, #tpu.memory_space<vmem>>, vector<1x16xf32>,
    %swap3A_182 = arith.constant 30 : i32
    %swap3A_183 = arith.index_cast %swap3A_182 : i32 to index
    %swap3A_184 = arith.constant 0 : index
    %swap3A_185 = tpu.vector_load %arg5[%swap3A_183, %swap3A_184] {strides = array<i32>} : memref<128x16xf32, #tpu.memory_space<vmem>>, vector<1x16xf32>,
    %swap3A_186 = vector.shape_cast %swap3A_185 : vector<1x16xf32> to vector<16xf32>
    %swap3A_187 = vector.shape_cast %broadcast_in_dim3A_0 : vector<16xf32> to vector<1x16xf32>
    tpu.vector_store %arg5[%swap3A_183, %swap3A_184], %swap3A_187 {strides = array<i32>} : memref<128x16xf32, #tpu.memory_space<vmem>>, vector<1x16xf32>,
    %swap3A_188 = arith.constant 31 : i32
    %swap3A_189 = arith.index_cast %swap3A_188 : i32 to index
    %swap3A_190 = arith.constant 0 : index
    %swap3A_191 = tpu.vector_load %arg5[%swap3A_189, %swap3A_190] {strides = array<i32>} : memref<128x16xf32, #tpu.memory_space<vmem>>, vector<1x16xf32>,
    %swap3A_192 = vector.shape_cast %swap3A_191 : vector<1x16xf32> to vector<16xf32>
    %swap3A_193 = vector.shape_cast %broadcast_in_dim3A_0 : vector<16xf32> to vector<1x16xf32>
    tpu.vector_store %arg5[%swap3A_189, %swap3A_190], %swap3A_193 {strides = array<i32>} : memref<128x16xf32, #tpu.memory_space<vmem>>, vector<1x16xf32>,
    %swap3A_194 = arith.constant 32 : i32
    %swap3A_195 = arith.index_cast %swap3A_194 : i32 to index
    %swap3A_196 = arith.constant 0 : index
    %swap3A_197 = tpu.vector_load %arg5[%swap3A_195, %swap3A_196] {strides = array<i32>} : memref<128x16xf32, #tpu.memory_space<vmem>>, vector<1x16xf32>,
    %swap3A_198 = vector.shape_cast %swap3A_197 : vector<1x16xf32> to vector<16xf32>
    %swap3A_199 = vector.shape_cast %broadcast_in_dim3A_0 : vector<16xf32> to vector<1x16xf32>
    tpu.vector_store %arg5[%swap3A_195, %swap3A_196], %swap3A_199 {strides = array<i32>} : memref<128x16xf32, #tpu.memory_space<vmem>>, vector<1x16xf32>,
    %swap3A_200 = arith.constant 33 : i32
    %swap3A_201 = arith.index_cast %swap3A_200 : i32 to index
    %swap3A_202 = arith.constant 0 : index
    %swap3A_203 = tpu.vector_load %arg5[%swap3A_201, %swap3A_202] {strides = array<i32>} : memref<128x16xf32, #tpu.memory_space<vmem>>, vector<1x16xf32>,
    %swap3A_204 = vector.shape_cast %swap3A_203 : vector<1x16xf32> to vector<16xf32>
    %swap3A_205 = vector.shape_cast %broadcast_in_dim3A_0 : vector<16xf32> to vector<1x16xf32>
    tpu.vector_store %arg5[%swap3A_201, %swap3A_202], %swap3A_205 {strides = array<i32>} : memref<128x16xf32, #tpu.memory_space<vmem>>, vector<1x16xf32>,
    %swap3A_206 = arith.constant 34 : i32
    %swap3A_207 = arith.index_cast %swap3A_206 : i32 to index
    %swap3A_208 = arith.constant 0 : index
    %swap3A_209 = tpu.vector_load %arg5[%swap3A_207, %swap3A_208] {strides = array<i32>} : memref<128x16xf32, #tpu.memory_space<vmem>>, vector<1x16xf32>,
    %swap3A_210 = vector.shape_cast %swap3A_209 : vector<1x16xf32> to vector<16xf32>
    %swap3A_211 = vector.shape_cast %broadcast_in_dim3A_0 : vector<16xf32> to vector<1x16xf32>
    tpu.vector_store %arg5[%swap3A_207, %swap3A_208], %swap3A_211 {strides = array<i32>} : memref<128x16xf32, #tpu.memory_space<vmem>>, vector<1x16xf32>,
    %swap3A_212 = arith.constant 35 : i32
    %swap3A_213 = arith.index_cast %swap3A_212 : i32 to index
    %swap3A_214 = arith.constant 0 : index
    %swap3A_215 = tpu.vector_load %arg5[%swap3A_213, %swap3A_214] {strides = array<i32>} : memref<128x16xf32, #tpu.memory_space<vmem>>, vector<1x16xf32>,
    %swap3A_216 = vector.shape_cast %swap3A_215 : vector<1x16xf32> to vector<16xf32>
    %swap3A_217 = vector.shape_cast %broadcast_in_dim3A_0 : vector<16xf32> to vector<1x16xf32>
    tpu.vector_store %arg5[%swap3A_213, %swap3A_214], %swap3A_217 {strides = array<i32>} : memref<128x16xf32, #tpu.memory_space<vmem>>, vector<1x16xf32>,
    %swap3A_218 = arith.constant 36 : i32
    %swap3A_219 = arith.index_cast %swap3A_218 : i32 to index
    %swap3A_220 = arith.constant 0 : index
    %swap3A_221 = tpu.vector_load %arg5[%swap3A_219, %swap3A_220] {strides = array<i32>} : memref<128x16xf32, #tpu.memory_space<vmem>>, vector<1x16xf32>,
    %swap3A_222 = vector.shape_cast %swap3A_221 : vector<1x16xf32> to vector<16xf32>
    %swap3A_223 = vector.shape_cast %broadcast_in_dim3A_0 : vector<16xf32> to vector<1x16xf32>
    tpu.vector_store %arg5[%swap3A_219, %swap3A_220], %swap3A_223 {strides = array<i32>} : memref<128x16xf32, #tpu.memory_space<vmem>>, vector<1x16xf32>,
    %swap3A_224 = arith.constant 37 : i32
    %swap3A_225 = arith.index_cast %swap3A_224 : i32 to index
    %swap3A_226 = arith.constant 0 : index
    %swap3A_227 = tpu.vector_load %arg5[%swap3A_225, %swap3A_226] {strides = array<i32>} : memref<128x16xf32, #tpu.memory_space<vmem>>, vector<1x16xf32>,
    %swap3A_228 = vector.shape_cast %swap3A_227 : vector<1x16xf32> to vector<16xf32>
    %swap3A_229 = vector.shape_cast %broadcast_in_dim3A_0 : vector<16xf32> to vector<1x16xf32>
    tpu.vector_store %arg5[%swap3A_225, %swap3A_226], %swap3A_229 {strides = array<i32>} : memref<128x16xf32, #tpu.memory_space<vmem>>, vector<1x16xf32>,
    %swap3A_230 = arith.constant 38 : i32
    %swap3A_231 = arith.index_cast %swap3A_230 : i32 to index
    %swap3A_232 = arith.constant 0 : index
    %swap3A_233 = tpu.vector_load %arg5[%swap3A_231, %swap3A_232] {strides = array<i32>} : memref<128x16xf32, #tpu.memory_space<vmem>>, vector<1x16xf32>,
    %swap3A_234 = vector.shape_cast %swap3A_233 : vector<1x16xf32> to vector<16xf32>
    %swap3A_235 = vector.shape_cast %broadcast_in_dim3A_0 : vector<16xf32> to vector<1x16xf32>
    tpu.vector_store %arg5[%swap3A_231, %swap3A_232], %swap3A_235 {strides = array<i32>} : memref<128x16xf32, #tpu.memory_space<vmem>>, vector<1x16xf32>,
    %swap3A_236 = arith.constant 39 : i32
    %swap3A_237 = arith.index_cast %swap3A_236 : i32 to index
    %swap3A_238 = arith.constant 0 : index
    %swap3A_239 = tpu.vector_load %arg5[%swap3A_237, %swap3A_238] {strides = array<i32>} : memref<128x16xf32, #tpu.memory_space<vmem>>, vector<1x16xf32>,
    %swap3A_240 = vector.shape_cast %swap3A_239 : vector<1x16xf32> to vector<16xf32>
    %swap3A_241 = vector.shape_cast %broadcast_in_dim3A_0 : vector<16xf32> to vector<1x16xf32>
    tpu.vector_store %arg5[%swap3A_237, %swap3A_238], %swap3A_241 {strides = array<i32>} : memref<128x16xf32, #tpu.memory_space<vmem>>, vector<1x16xf32>,
    %swap3A_242 = arith.constant 40 : i32
    %swap3A_243 = arith.index_cast %swap3A_242 : i32 to index
    %swap3A_244 = arith.constant 0 : index
    %swap3A_245 = tpu.vector_load %arg5[%swap3A_243, %swap3A_244] {strides = array<i32>} : memref<128x16xf32, #tpu.memory_space<vmem>>, vector<1x16xf32>,
    %swap3A_246 = vector.shape_cast %swap3A_245 : vector<1x16xf32> to vector<16xf32>
    %swap3A_247 = vector.shape_cast %broadcast_in_dim3A_0 : vector<16xf32> to vector<1x16xf32>
    tpu.vector_store %arg5[%swap3A_243, %swap3A_244], %swap3A_247 {strides = array<i32>} : memref<128x16xf32, #tpu.memory_space<vmem>>, vector<1x16xf32>,
    %swap3A_248 = arith.constant 41 : i32
    %swap3A_249 = arith.index_cast %swap3A_248 : i32 to index
    %swap3A_250 = arith.constant 0 : index
    %swap3A_251 = tpu.vector_load %arg5[%swap3A_249, %swap3A_250] {strides = array<i32>} : memref<128x16xf32, #tpu.memory_space<vmem>>, vector<1x16xf32>,
    %swap3A_252 = vector.shape_cast %swap3A_251 : vector<1x16xf32> to vector<16xf32>
    %swap3A_253 = vector.shape_cast %broadcast_in_dim3A_0 : vector<16xf32> to vector<1x16xf32>
    tpu.vector_store %arg5[%swap3A_249, %swap3A_250], %swap3A_253 {strides = array<i32>} : memref<128x16xf32, #tpu.memory_space<vmem>>, vector<1x16xf32>,
    %swap3A_254 = arith.constant 42 : i32
    %swap3A_255 = arith.index_cast %swap3A_254 : i32 to index
    %swap3A_256 = arith.constant 0 : index
    %swap3A_257 = tpu.vector_load %arg5[%swap3A_255, %swap3A_256] {strides = array<i32>} : memref<128x16xf32, #tpu.memory_space<vmem>>, vector<1x16xf32>,
    %swap3A_258 = vector.shape_cast %swap3A_257 : vector<1x16xf32> to vector<16xf32>
    %swap3A_259 = vector.shape_cast %broadcast_in_dim3A_0 : vector<16xf32> to vector<1x16xf32>
    tpu.vector_store %arg5[%swap3A_255, %swap3A_256], %swap3A_259 {strides = array<i32>} : memref<128x16xf32, #tpu.memory_space<vmem>>, vector<1x16xf32>,
    %swap3A_260 = arith.constant 43 : i32
    %swap3A_261 = arith.index_cast %swap3A_260 : i32 to index
    %swap3A_262 = arith.constant 0 : index
    %swap3A_263 = tpu.vector_load %arg5[%swap3A_261, %swap3A_262] {strides = array<i32>} : memref<128x16xf32, #tpu.memory_space<vmem>>, vector<1x16xf32>,
    %swap3A_264 = vector.shape_cast %swap3A_263 : vector<1x16xf32> to vector<16xf32>
    %swap3A_265 = vector.shape_cast %broadcast_in_dim3A_0 : vector<16xf32> to vector<1x16xf32>
    tpu.vector_store %arg5[%swap3A_261, %swap3A_262], %swap3A_265 {strides = array<i32>} : memref<128x16xf32, #tpu.memory_space<vmem>>, vector<1x16xf32>,
    %swap3A_266 = arith.constant 44 : i32
    %swap3A_267 = arith.index_cast %swap3A_266 : i32 to index
    %swap3A_268 = arith.constant 0 : index
    %swap3A_269 = tpu.vector_load %arg5[%swap3A_267, %swap3A_268] {strides = array<i32>} : memref<128x16xf32, #tpu.memory_space<vmem>>, vector<1x16xf32>,
    %swap3A_270 = vector.shape_cast %swap3A_269 : vector<1x16xf32> to vector<16xf32>
    %swap3A_271 = vector.shape_cast %broadcast_in_dim3A_0 : vector<16xf32> to vector<1x16xf32>
    tpu.vector_store %arg5[%swap3A_267, %swap3A_268], %swap3A_271 {strides = array<i32>} : memref<128x16xf32, #tpu.memory_space<vmem>>, vector<1x16xf32>,
    %swap3A_272 = arith.constant 45 : i32
    %swap3A_273 = arith.index_cast %swap3A_272 : i32 to index
    %swap3A_274 = arith.constant 0 : index
    %swap3A_275 = tpu.vector_load %arg5[%swap3A_273, %swap3A_274] {strides = array<i32>} : memref<128x16xf32, #tpu.memory_space<vmem>>, vector<1x16xf32>,
    %swap3A_276 = vector.shape_cast %swap3A_275 : vector<1x16xf32> to vector<16xf32>
    %swap3A_277 = vector.shape_cast %broadcast_in_dim3A_0 : vector<16xf32> to vector<1x16xf32>
    tpu.vector_store %arg5[%swap3A_273, %swap3A_274], %swap3A_277 {strides = array<i32>} : memref<128x16xf32, #tpu.memory_space<vmem>>, vector<1x16xf32>,
    %swap3A_278 = arith.constant 46 : i32
    %swap3A_279 = arith.index_cast %swap3A_278 : i32 to index
    %swap3A_280 = arith.constant 0 : index
    %swap3A_281 = tpu.vector_load %arg5[%swap3A_279, %swap3A_280] {strides = array<i32>} : memref<128x16xf32, #tpu.memory_space<vmem>>, vector<1x16xf32>,
    %swap3A_282 = vector.shape_cast %swap3A_281 : vector<1x16xf32> to vector<16xf32>
    %swap3A_283 = vector.shape_cast %broadcast_in_dim3A_0 : vector<16xf32> to vector<1x16xf32>
    tpu.vector_store %arg5[%swap3A_279, %swap3A_280], %swap3A_283 {strides = array<i32>} : memref<128x16xf32, #tpu.memory_space<vmem>>, vector<1x16xf32>,
    %swap3A_284 = arith.constant 47 : i32
    %swap3A_285 = arith.index_cast %swap3A_284 : i32 to index
    %swap3A_286 = arith.constant 0 : index
    %swap3A_287 = tpu.vector_load %arg5[%swap3A_285, %swap3A_286] {strides = array<i32>} : memref<128x16xf32, #tpu.memory_space<vmem>>, vector<1x16xf32>,
    %swap3A_288 = vector.shape_cast %swap3A_287 : vector<1x16xf32> to vector<16xf32>
    %swap3A_289 = vector.shape_cast %broadcast_in_dim3A_0 : vector<16xf32> to vector<1x16xf32>
    tpu.vector_store %arg5[%swap3A_285, %swap3A_286], %swap3A_289 {strides = array<i32>} : memref<128x16xf32, #tpu.memory_space<vmem>>, vector<1x16xf32>,
    %swap3A_290 = arith.constant 48 : i32
    %swap3A_291 = arith.index_cast %swap3A_290 : i32 to index
    %swap3A_292 = arith.constant 0 : index
    %swap3A_293 = tpu.vector_load %arg5[%swap3A_291, %swap3A_292] {strides = array<i32>} : memref<128x16xf32, #tpu.memory_space<vmem>>, vector<1x16xf32>,
    %swap3A_294 = vector.shape_cast %swap3A_293 : vector<1x16xf32> to vector<16xf32>
    %swap3A_295 = vector.shape_cast %broadcast_in_dim3A_0 : vector<16xf32> to vector<1x16xf32>
    tpu.vector_store %arg5[%swap3A_291, %swap3A_292], %swap3A_295 {strides = array<i32>} : memref<128x16xf32, #tpu.memory_space<vmem>>, vector<1x16xf32>,
    %swap3A_296 = arith.constant 49 : i32
    %swap3A_297 = arith.index_cast %swap3A_296 : i32 to index
    %swap3A_298 = arith.constant 0 : index
    %swap3A_299 = tpu.vector_load %arg5[%swap3A_297, %swap3A_298] {strides = array<i32>} : memref<128x16xf32, #tpu.memory_space<vmem>>, vector<1x16xf32>,
    %swap3A_300 = vector.shape_cast %swap3A_299 : vector<1x16xf32> to vector<16xf32>
    %swap3A_301 = vector.shape_cast %broadcast_in_dim3A_0 : vector<16xf32> to vector<1x16xf32>
    tpu.vector_store %arg5[%swap3A_297, %swap3A_298], %swap3A_301 {strides = array<i32>} : memref<128x16xf32, #tpu.memory_space<vmem>>, vector<1x16xf32>,
    %swap3A_302 = arith.constant 50 : i32
    %swap3A_303 = arith.index_cast %swap3A_302 : i32 to index
    %swap3A_304 = arith.constant 0 : index
    %swap3A_305 = tpu.vector_load %arg5[%swap3A_303, %swap3A_304] {strides = array<i32>} : memref<128x16xf32, #tpu.memory_space<vmem>>, vector<1x16xf32>,
    %swap3A_306 = vector.shape_cast %swap3A_305 : vector<1x16xf32> to vector<16xf32>
    %swap3A_307 = vector.shape_cast %broadcast_in_dim3A_0 : vector<16xf32> to vector<1x16xf32>
    tpu.vector_store %arg5[%swap3A_303, %swap3A_304], %swap3A_307 {strides = array<i32>} : memref<128x16xf32, #tpu.memory_space<vmem>>, vector<1x16xf32>,
    %swap3A_308 = arith.constant 51 : i32
    %swap3A_309 = arith.index_cast %swap3A_308 : i32 to index
    %swap3A_310 = arith.constant 0 : index
    %swap3A_311 = tpu.vector_load %arg5[%swap3A_309, %swap3A_310] {strides = array<i32>} : memref<128x16xf32, #tpu.memory_space<vmem>>, vector<1x16xf32>,
    %swap3A_312 = vector.shape_cast %swap3A_311 : vector<1x16xf32> to vector<16xf32>
    %swap3A_313 = vector.shape_cast %broadcast_in_dim3A_0 : vector<16xf32> to vector<1x16xf32>
    tpu.vector_store %arg5[%swap3A_309, %swap3A_310], %swap3A_313 {strides = array<i32>} : memref<128x16xf32, #tpu.memory_space<vmem>>, vector<1x16xf32>,
    %swap3A_314 = arith.constant 52 : i32
    %swap3A_315 = arith.index_cast %swap3A_314 : i32 to index
    %swap3A_316 = arith.constant 0 : index
    %swap3A_317 = tpu.vector_load %arg5[%swap3A_315, %swap3A_316] {strides = array<i32>} : memref<128x16xf32, #tpu.memory_space<vmem>>, vector<1x16xf32>,
    %swap3A_318 = vector.shape_cast %swap3A_317 : vector<1x16xf32> to vector<16xf32>
    %swap3A_319 = vector.shape_cast %broadcast_in_dim3A_0 : vector<16xf32> to vector<1x16xf32>
    tpu.vector_store %arg5[%swap3A_315, %swap3A_316], %swap3A_319 {strides = array<i32>} : memref<128x16xf32, #tpu.memory_space<vmem>>, vector<1x16xf32>,
    %swap3A_320 = arith.constant 53 : i32
    %swap3A_321 = arith.index_cast %swap3A_320 : i32 to index
    %swap3A_322 = arith.constant 0 : index
    %swap3A_323 = tpu.vector_load %arg5[%swap3A_321, %swap3A_322] {strides = array<i32>} : memref<128x16xf32, #tpu.memory_space<vmem>>, vector<1x16xf32>,
    %swap3A_324 = vector.shape_cast %swap3A_323 : vector<1x16xf32> to vector<16xf32>
    %swap3A_325 = vector.shape_cast %broadcast_in_dim3A_0 : vector<16xf32> to vector<1x16xf32>
    tpu.vector_store %arg5[%swap3A_321, %swap3A_322], %swap3A_325 {strides = array<i32>} : memref<128x16xf32, #tpu.memory_space<vmem>>, vector<1x16xf32>,
    %swap3A_326 = arith.constant 54 : i32
    %swap3A_327 = arith.index_cast %swap3A_326 : i32 to index
    %swap3A_328 = arith.constant 0 : index
    %swap3A_329 = tpu.vector_load %arg5[%swap3A_327, %swap3A_328] {strides = array<i32>} : memref<128x16xf32, #tpu.memory_space<vmem>>, vector<1x16xf32>,
    %swap3A_330 = vector.shape_cast %swap3A_329 : vector<1x16xf32> to vector<16xf32>
    %swap3A_331 = vector.shape_cast %broadcast_in_dim3A_0 : vector<16xf32> to vector<1x16xf32>
    tpu.vector_store %arg5[%swap3A_327, %swap3A_328], %swap3A_331 {strides = array<i32>} : memref<128x16xf32, #tpu.memory_space<vmem>>, vector<1x16xf32>,
    %swap3A_332 = arith.constant 55 : i32
    %swap3A_333 = arith.index_cast %swap3A_332 : i32 to index
    %swap3A_334 = arith.constant 0 : index
    %swap3A_335 = tpu.vector_load %arg5[%swap3A_333, %swap3A_334] {strides = array<i32>} : memref<128x16xf32, #tpu.memory_space<vmem>>, vector<1x16xf32>,
    %swap3A_336 = vector.shape_cast %swap3A_335 : vector<1x16xf32> to vector<16xf32>
    %swap3A_337 = vector.shape_cast %broadcast_in_dim3A_0 : vector<16xf32> to vector<1x16xf32>
    tpu.vector_store %arg5[%swap3A_333, %swap3A_334], %swap3A_337 {strides = array<i32>} : memref<128x16xf32, #tpu.memory_space<vmem>>, vector<1x16xf32>,
    %swap3A_338 = arith.constant 56 : i32
    %swap3A_339 = arith.index_cast %swap3A_338 : i32 to index
    %swap3A_340 = arith.constant 0 : index
    %swap3A_341 = tpu.vector_load %arg5[%swap3A_339, %swap3A_340] {strides = array<i32>} : memref<128x16xf32, #tpu.memory_space<vmem>>, vector<1x16xf32>,
    %swap3A_342 = vector.shape_cast %swap3A_341 : vector<1x16xf32> to vector<16xf32>
    %swap3A_343 = vector.shape_cast %broadcast_in_dim3A_0 : vector<16xf32> to vector<1x16xf32>
    tpu.vector_store %arg5[%swap3A_339, %swap3A_340], %swap3A_343 {strides = array<i32>} : memref<128x16xf32, #tpu.memory_space<vmem>>, vector<1x16xf32>,
    %swap3A_344 = arith.constant 57 : i32
    %swap3A_345 = arith.index_cast %swap3A_344 : i32 to index
    %swap3A_346 = arith.constant 0 : index
    %swap3A_347 = tpu.vector_load %arg5[%swap3A_345, %swap3A_346] {strides = array<i32>} : memref<128x16xf32, #tpu.memory_space<vmem>>, vector<1x16xf32>,
    %swap3A_348 = vector.shape_cast %swap3A_347 : vector<1x16xf32> to vector<16xf32>
    %swap3A_349 = vector.shape_cast %broadcast_in_dim3A_0 : vector<16xf32> to vector<1x16xf32>
    tpu.vector_store %arg5[%swap3A_345, %swap3A_346], %swap3A_349 {strides = array<i32>} : memref<128x16xf32, #tpu.memory_space<vmem>>, vector<1x16xf32>,
    %swap3A_350 = arith.constant 58 : i32
    %swap3A_351 = arith.index_cast %swap3A_350 : i32 to index
    %swap3A_352 = arith.constant 0 : index
    %swap3A_353 = tpu.vector_load %arg5[%swap3A_351, %swap3A_352] {strides = array<i32>} : memref<128x16xf32, #tpu.memory_space<vmem>>, vector<1x16xf32>,
    %swap3A_354 = vector.shape_cast %swap3A_353 : vector<1x16xf32> to vector<16xf32>
    %swap3A_355 = vector.shape_cast %broadcast_in_dim3A_0 : vector<16xf32> to vector<1x16xf32>
    tpu.vector_store %arg5[%swap3A_351, %swap3A_352], %swap3A_355 {strides = array<i32>} : memref<128x16xf32, #tpu.memory_space<vmem>>, vector<1x16xf32>,
    %swap3A_356 = arith.constant 59 : i32
    %swap3A_357 = arith.index_cast %swap3A_356 : i32 to index
    %swap3A_358 = arith.constant 0 : index
    %swap3A_359 = tpu.vector_load %arg5[%swap3A_357, %swap3A_358] {strides = array<i32>} : memref<128x16xf32, #tpu.memory_space<vmem>>, vector<1x16xf32>,
    %swap3A_360 = vector.shape_cast %swap3A_359 : vector<1x16xf32> to vector<16xf32>
    %swap3A_361 = vector.shape_cast %broadcast_in_dim3A_0 : vector<16xf32> to vector<1x16xf32>
    tpu.vector_store %arg5[%swap3A_357, %swap3A_358], %swap3A_361 {strides = array<i32>} : memref<128x16xf32, #tpu.memory_space<vmem>>, vector<1x16xf32>,
    %swap3A_362 = arith.constant 60 : i32
    %swap3A_363 = arith.index_cast %swap3A_362 : i32 to index
    %swap3A_364 = arith.constant 0 : index
    %swap3A_365 = tpu.vector_load %arg5[%swap3A_363, %swap3A_364] {strides = array<i32>} : memref<128x16xf32, #tpu.memory_space<vmem>>, vector<1x16xf32>,
    %swap3A_366 = vector.shape_cast %swap3A_365 : vector<1x16xf32> to vector<16xf32>
    %swap3A_367 = vector.shape_cast %broadcast_in_dim3A_0 : vector<16xf32> to vector<1x16xf32>
    tpu.vector_store %arg5[%swap3A_363, %swap3A_364], %swap3A_367 {strides = array<i32>} : memref<128x16xf32, #tpu.memory_space<vmem>>, vector<1x16xf32>,
    %swap3A_368 = arith.constant 61 : i32
    %swap3A_369 = arith.index_cast %swap3A_368 : i32 to index
    %swap3A_370 = arith.constant 0 : index
    %swap3A_371 = tpu.vector_load %arg5[%swap3A_369, %swap3A_370] {strides = array<i32>} : memref<128x16xf32, #tpu.memory_space<vmem>>, vector<1x16xf32>,
    %swap3A_372 = vector.shape_cast %swap3A_371 : vector<1x16xf32> to vector<16xf32>
    %swap3A_373 = vector.shape_cast %broadcast_in_dim3A_0 : vector<16xf32> to vector<1x16xf32>
    tpu.vector_store %arg5[%swap3A_369, %swap3A_370], %swap3A_373 {strides = array<i32>} : memref<128x16xf32, #tpu.memory_space<vmem>>, vector<1x16xf32>,
    %swap3A_374 = arith.constant 62 : i32
    %swap3A_375 = arith.index_cast %swap3A_374 : i32 to index
    %swap3A_376 = arith.constant 0 : index
    %swap3A_377 = tpu.vector_load %arg5[%swap3A_375, %swap3A_376] {strides = array<i32>} : memref<128x16xf32, #tpu.memory_space<vmem>>, vector<1x16xf32>,
    %swap3A_378 = vector.shape_cast %swap3A_377 : vector<1x16xf32> to vector<16xf32>
    %swap3A_379 = vector.shape_cast %broadcast_in_dim3A_0 : vector<16xf32> to vector<1x16xf32>
    tpu.vector_store %arg5[%swap3A_375, %swap3A_376], %swap3A_379 {strides = array<i32>} : memref<128x16xf32, #tpu.memory_space<vmem>>, vector<1x16xf32>,
    %swap3A_380 = arith.constant 63 : i32
    %swap3A_381 = arith.index_cast %swap3A_380 : i32 to index
    %swap3A_382 = arith.constant 0 : index
    %swap3A_383 = tpu.vector_load %arg5[%swap3A_381, %swap3A_382] {strides = array<i32>} : memref<128x16xf32, #tpu.memory_space<vmem>>, vector<1x16xf32>,
    %swap3A_384 = vector.shape_cast %swap3A_383 : vector<1x16xf32> to vector<16xf32>
    %swap3A_385 = vector.shape_cast %broadcast_in_dim3A_0 : vector<16xf32> to vector<1x16xf32>
    tpu.vector_store %arg5[%swap3A_381, %swap3A_382], %swap3A_385 {strides = array<i32>} : memref<128x16xf32, #tpu.memory_space<vmem>>, vector<1x16xf32>,
    %swap3A_386 = arith.constant 64 : i32
    %swap3A_387 = arith.index_cast %swap3A_386 : i32 to index
    %swap3A_388 = arith.constant 0 : index
    %swap3A_389 = tpu.vector_load %arg5[%swap3A_387, %swap3A_388] {strides = array<i32>} : memref<128x16xf32, #tpu.memory_space<vmem>>, vector<1x16xf32>,
    %swap3A_390 = vector.shape_cast %swap3A_389 : vector<1x16xf32> to vector<16xf32>
    %swap3A_391 = vector.shape_cast %broadcast_in_dim3A_0 : vector<16xf32> to vector<1x16xf32>
    tpu.vector_store %arg5[%swap3A_387, %swap3A_388], %swap3A_391 {strides = array<i32>} : memref<128x16xf32, #tpu.memory_space<vmem>>, vector<1x16xf32>,
    %swap3A_392 = arith.constant 65 : i32
    %swap3A_393 = arith.index_cast %swap3A_392 : i32 to index
    %swap3A_394 = arith.constant 0 : index
    %swap3A_395 = tpu.vector_load %arg5[%swap3A_393, %swap3A_394] {strides = array<i32>} : memref<128x16xf32, #tpu.memory_space<vmem>>, vector<1x16xf32>,
    %swap3A_396 = vector.shape_cast %swap3A_395 : vector<1x16xf32> to vector<16xf32>
    %swap3A_397 = vector.shape_cast %broadcast_in_dim3A_0 : vector<16xf32> to vector<1x16xf32>
    tpu.vector_store %arg5[%swap3A_393, %swap3A_394], %swap3A_397 {strides = array<i32>} : memref<128x16xf32, #tpu.memory_space<vmem>>, vector<1x16xf32>,
    %swap3A_398 = arith.constant 66 : i32
    %swap3A_399 = arith.index_cast %swap3A_398 : i32 to index
    %swap3A_400 = arith.constant 0 : index
    %swap3A_401 = tpu.vector_load %arg5[%swap3A_399, %swap3A_400] {strides = array<i32>} : memref<128x16xf32, #tpu.memory_space<vmem>>, vector<1x16xf32>,
    %swap3A_402 = vector.shape_cast %swap3A_401 : vector<1x16xf32> to vector<16xf32>
    %swap3A_403 = vector.shape_cast %broadcast_in_dim3A_0 : vector<16xf32> to vector<1x16xf32>
    tpu.vector_store %arg5[%swap3A_399, %swap3A_400], %swap3A_403 {strides = array<i32>} : memref<128x16xf32, #tpu.memory_space<vmem>>, vector<1x16xf32>,
    %swap3A_404 = arith.constant 67 : i32
    %swap3A_405 = arith.index_cast %swap3A_404 : i32 to index
    %swap3A_406 = arith.constant 0 : index
    %swap3A_407 = tpu.vector_load %arg5[%swap3A_405, %swap3A_406] {strides = array<i32>} : memref<128x16xf32, #tpu.memory_space<vmem>>, vector<1x16xf32>,
    %swap3A_408 = vector.shape_cast %swap3A_407 : vector<1x16xf32> to vector<16xf32>
    %swap3A_409 = vector.shape_cast %broadcast_in_dim3A_0 : vector<16xf32> to vector<1x16xf32>
    tpu.vector_store %arg5[%swap3A_405, %swap3A_406], %swap3A_409 {strides = array<i32>} : memref<128x16xf32, #tpu.memory_space<vmem>>, vector<1x16xf32>,
    %swap3A_410 = arith.constant 68 : i32
    %swap3A_411 = arith.index_cast %swap3A_410 : i32 to index
    %swap3A_412 = arith.constant 0 : index
    %swap3A_413 = tpu.vector_load %arg5[%swap3A_411, %swap3A_412] {strides = array<i32>} : memref<128x16xf32, #tpu.memory_space<vmem>>, vector<1x16xf32>,
    %swap3A_414 = vector.shape_cast %swap3A_413 : vector<1x16xf32> to vector<16xf32>
    %swap3A_415 = vector.shape_cast %broadcast_in_dim3A_0 : vector<16xf32> to vector<1x16xf32>
    tpu.vector_store %arg5[%swap3A_411, %swap3A_412], %swap3A_415 {strides = array<i32>} : memref<128x16xf32, #tpu.memory_space<vmem>>, vector<1x16xf32>,
    %swap3A_416 = arith.constant 69 : i32
    %swap3A_417 = arith.index_cast %swap3A_416 : i32 to index
    %swap3A_418 = arith.constant 0 : index
    %swap3A_419 = tpu.vector_load %arg5[%swap3A_417, %swap3A_418] {strides = array<i32>} : memref<128x16xf32, #tpu.memory_space<vmem>>, vector<1x16xf32>,
    %swap3A_420 = vector.shape_cast %swap3A_419 : vector<1x16xf32> to vector<16xf32>
    %swap3A_421 = vector.shape_cast %broadcast_in_dim3A_0 : vector<16xf32> to vector<1x16xf32>
    tpu.vector_store %arg5[%swap3A_417, %swap3A_418], %swap3A_421 {strides = array<i32>} : memref<128x16xf32, #tpu.memory_space<vmem>>, vector<1x16xf32>,
    %swap3A_422 = arith.constant 70 : i32
    %swap3A_423 = arith.index_cast %swap3A_422 : i32 to index
    %swap3A_424 = arith.constant 0 : index
    %swap3A_425 = tpu.vector_load %arg5[%swap3A_423, %swap3A_424] {strides = array<i32>} : memref<128x16xf32, #tpu.memory_space<vmem>>, vector<1x16xf32>,
    %swap3A_426 = vector.shape_cast %swap3A_425 : vector<1x16xf32> to vector<16xf32>
    %swap3A_427 = vector.shape_cast %broadcast_in_dim3A_0 : vector<16xf32> to vector<1x16xf32>
    tpu.vector_store %arg5[%swap3A_423, %swap3A_424], %swap3A_427 {strides = array<i32>} : memref<128x16xf32, #tpu.memory_space<vmem>>, vector<1x16xf32>,
    %swap3A_428 = arith.constant 71 : i32
    %swap3A_429 = arith.index_cast %swap3A_428 : i32 to index
    %swap3A_430 = arith.constant 0 : index
    %swap3A_431 = tpu.vector_load %arg5[%swap3A_429, %swap3A_430] {strides = array<i32>} : memref<128x16xf32, #tpu.memory_space<vmem>>, vector<1x16xf32>,
    %swap3A_432 = vector.shape_cast %swap3A_431 : vector<1x16xf32> to vector<16xf32>
    %swap3A_433 = vector.shape_cast %broadcast_in_dim3A_0 : vector<16xf32> to vector<1x16xf32>
    tpu.vector_store %arg5[%swap3A_429, %swap3A_430], %swap3A_433 {strides = array<i32>} : memref<128x16xf32, #tpu.memory_space<vmem>>, vector<1x16xf32>,
    %swap3A_434 = arith.constant 72 : i32
    %swap3A_435 = arith.index_cast %swap3A_434 : i32 to index
    %swap3A_436 = arith.constant 0 : index
    %swap3A_437 = tpu.vector_load %arg5[%swap3A_435, %swap3A_436] {strides = array<i32>} : memref<128x16xf32, #tpu.memory_space<vmem>>, vector<1x16xf32>,
    %swap3A_438 = vector.shape_cast %swap3A_437 : vector<1x16xf32> to vector<16xf32>
    %swap3A_439 = vector.shape_cast %broadcast_in_dim3A_0 : vector<16xf32> to vector<1x16xf32>
    tpu.vector_store %arg5[%swap3A_435, %swap3A_436], %swap3A_439 {strides = array<i32>} : memref<128x16xf32, #tpu.memory_space<vmem>>, vector<1x16xf32>,
    %swap3A_440 = arith.constant 73 : i32
    %swap3A_441 = arith.index_cast %swap3A_440 : i32 to index
    %swap3A_442 = arith.constant 0 : index
    %swap3A_443 = tpu.vector_load %arg5[%swap3A_441, %swap3A_442] {strides = array<i32>} : memref<128x16xf32, #tpu.memory_space<vmem>>, vector<1x16xf32>,
    %swap3A_444 = vector.shape_cast %swap3A_443 : vector<1x16xf32> to vector<16xf32>
    %swap3A_445 = vector.shape_cast %broadcast_in_dim3A_0 : vector<16xf32> to vector<1x16xf32>
    tpu.vector_store %arg5[%swap3A_441, %swap3A_442], %swap3A_445 {strides = array<i32>} : memref<128x16xf32, #tpu.memory_space<vmem>>, vector<1x16xf32>,
    %swap3A_446 = arith.constant 74 : i32
    %swap3A_447 = arith.index_cast %swap3A_446 : i32 to index
    %swap3A_448 = arith.constant 0 : index
    %swap3A_449 = tpu.vector_load %arg5[%swap3A_447, %swap3A_448] {strides = array<i32>} : memref<128x16xf32, #tpu.memory_space<vmem>>, vector<1x16xf32>,
    %swap3A_450 = vector.shape_cast %swap3A_449 : vector<1x16xf32> to vector<16xf32>
    %swap3A_451 = vector.shape_cast %broadcast_in_dim3A_0 : vector<16xf32> to vector<1x16xf32>
    tpu.vector_store %arg5[%swap3A_447, %swap3A_448], %swap3A_451 {strides = array<i32>} : memref<128x16xf32, #tpu.memory_space<vmem>>, vector<1x16xf32>,
    %swap3A_452 = arith.constant 75 : i32
    %swap3A_453 = arith.index_cast %swap3A_452 : i32 to index
    %swap3A_454 = arith.constant 0 : index
    %swap3A_455 = tpu.vector_load %arg5[%swap3A_453, %swap3A_454] {strides = array<i32>} : memref<128x16xf32, #tpu.memory_space<vmem>>, vector<1x16xf32>,
    %swap3A_456 = vector.shape_cast %swap3A_455 : vector<1x16xf32> to vector<16xf32>
    %swap3A_457 = vector.shape_cast %broadcast_in_dim3A_0 : vector<16xf32> to vector<1x16xf32>
    tpu.vector_store %arg5[%swap3A_453, %swap3A_454], %swap3A_457 {strides = array<i32>} : memref<128x16xf32, #tpu.memory_space<vmem>>, vector<1x16xf32>,
    %swap3A_458 = arith.constant 76 : i32
    %swap3A_459 = arith.index_cast %swap3A_458 : i32 to index
    %swap3A_460 = arith.constant 0 : index
    %swap3A_461 = tpu.vector_load %arg5[%swap3A_459, %swap3A_460] {strides = array<i32>} : memref<128x16xf32, #tpu.memory_space<vmem>>, vector<1x16xf32>,
    %swap3A_462 = vector.shape_cast %swap3A_461 : vector<1x16xf32> to vector<16xf32>
    %swap3A_463 = vector.shape_cast %broadcast_in_dim3A_0 : vector<16xf32> to vector<1x16xf32>
    tpu.vector_store %arg5[%swap3A_459, %swap3A_460], %swap3A_463 {strides = array<i32>} : memref<128x16xf32, #tpu.memory_space<vmem>>, vector<1x16xf32>,
    %swap3A_464 = arith.constant 77 : i32
    %swap3A_465 = arith.index_cast %swap3A_464 : i32 to index
    %swap3A_466 = arith.constant 0 : index
    %swap3A_467 = tpu.vector_load %arg5[%swap3A_465, %swap3A_466] {strides = array<i32>} : memref<128x16xf32, #tpu.memory_space<vmem>>, vector<1x16xf32>,
    %swap3A_468 = vector.shape_cast %swap3A_467 : vector<1x16xf32> to vector<16xf32>
    %swap3A_469 = vector.shape_cast %broadcast_in_dim3A_0 : vector<16xf32> to vector<1x16xf32>
    tpu.vector_store %arg5[%swap3A_465, %swap3A_466], %swap3A_469 {strides = array<i32>} : memref<128x16xf32, #tpu.memory_space<vmem>>, vector<1x16xf32>,
    %swap3A_470 = arith.constant 78 : i32
    %swap3A_471 = arith.index_cast %swap3A_470 : i32 to index
    %swap3A_472 = arith.constant 0 : index
    %swap3A_473 = tpu.vector_load %arg5[%swap3A_471, %swap3A_472] {strides = array<i32>} : memref<128x16xf32, #tpu.memory_space<vmem>>, vector<1x16xf32>,
    %swap3A_474 = vector.shape_cast %swap3A_473 : vector<1x16xf32> to vector<16xf32>
    %swap3A_475 = vector.shape_cast %broadcast_in_dim3A_0 : vector<16xf32> to vector<1x16xf32>
    tpu.vector_store %arg5[%swap3A_471, %swap3A_472], %swap3A_475 {strides = array<i32>} : memref<128x16xf32, #tpu.memory_space<vmem>>, vector<1x16xf32>,
    %swap3A_476 = arith.constant 79 : i32
    %swap3A_477 = arith.index_cast %swap3A_476 : i32 to index
    %swap3A_478 = arith.constant 0 : index
    %swap3A_479 = tpu.vector_load %arg5[%swap3A_477, %swap3A_478] {strides = array<i32>} : memref<128x16xf32, #tpu.memory_space<vmem>>, vector<1x16xf32>,
    %swap3A_480 = vector.shape_cast %swap3A_479 : vector<1x16xf32> to vector<16xf32>
    %swap3A_481 = vector.shape_cast %broadcast_in_dim3A_0 : vector<16xf32> to vector<1x16xf32>
    tpu.vector_store %arg5[%swap3A_477, %swap3A_478], %swap3A_481 {strides = array<i32>} : memref<128x16xf32, #tpu.memory_space<vmem>>, vector<1x16xf32>,
    %swap3A_482 = arith.constant 80 : i32
    %swap3A_483 = arith.index_cast %swap3A_482 : i32 to index
    %swap3A_484 = arith.constant 0 : index
    %swap3A_485 = tpu.vector_load %arg5[%swap3A_483, %swap3A_484] {strides = array<i32>} : memref<128x16xf32, #tpu.memory_space<vmem>>, vector<1x16xf32>,
    %swap3A_486 = vector.shape_cast %swap3A_485 : vector<1x16xf32> to vector<16xf32>
    %swap3A_487 = vector.shape_cast %broadcast_in_dim3A_0 : vector<16xf32> to vector<1x16xf32>
    tpu.vector_store %arg5[%swap3A_483, %swap3A_484], %swap3A_487 {strides = array<i32>} : memref<128x16xf32, #tpu.memory_space<vmem>>, vector<1x16xf32>,
    %swap3A_488 = arith.constant 81 : i32
    %swap3A_489 = arith.index_cast %swap3A_488 : i32 to index
    %swap3A_490 = arith.constant 0 : index
    %swap3A_491 = tpu.vector_load %arg5[%swap3A_489, %swap3A_490] {strides = array<i32>} : memref<128x16xf32, #tpu.memory_space<vmem>>, vector<1x16xf32>,
    %swap3A_492 = vector.shape_cast %swap3A_491 : vector<1x16xf32> to vector<16xf32>
    %swap3A_493 = vector.shape_cast %broadcast_in_dim3A_0 : vector<16xf32> to vector<1x16xf32>
    tpu.vector_store %arg5[%swap3A_489, %swap3A_490], %swap3A_493 {strides = array<i32>} : memref<128x16xf32, #tpu.memory_space<vmem>>, vector<1x16xf32>,
    %swap3A_494 = arith.constant 82 : i32
    %swap3A_495 = arith.index_cast %swap3A_494 : i32 to index
    %swap3A_496 = arith.constant 0 : index
    %swap3A_497 = tpu.vector_load %arg5[%swap3A_495, %swap3A_496] {strides = array<i32>} : memref<128x16xf32, #tpu.memory_space<vmem>>, vector<1x16xf32>,
    %swap3A_498 = vector.shape_cast %swap3A_497 : vector<1x16xf32> to vector<16xf32>
    %swap3A_499 = vector.shape_cast %broadcast_in_dim3A_0 : vector<16xf32> to vector<1x16xf32>
    tpu.vector_store %arg5[%swap3A_495, %swap3A_496], %swap3A_499 {strides = array<i32>} : memref<128x16xf32, #tpu.memory_space<vmem>>, vector<1x16xf32>,
    %swap3A_500 = arith.constant 83 : i32
    %swap3A_501 = arith.index_cast %swap3A_500 : i32 to index
    %swap3A_502 = arith.constant 0 : index
    %swap3A_503 = tpu.vector_load %arg5[%swap3A_501, %swap3A_502] {strides = array<i32>} : memref<128x16xf32, #tpu.memory_space<vmem>>, vector<1x16xf32>,
    %swap3A_504 = vector.shape_cast %swap3A_503 : vector<1x16xf32> to vector<16xf32>
    %swap3A_505 = vector.shape_cast %broadcast_in_dim3A_0 : vector<16xf32> to vector<1x16xf32>
    tpu.vector_store %arg5[%swap3A_501, %swap3A_502], %swap3A_505 {strides = array<i32>} : memref<128x16xf32, #tpu.memory_space<vmem>>, vector<1x16xf32>,
    %swap3A_506 = arith.constant 84 : i32
    %swap3A_507 = arith.index_cast %swap3A_506 : i32 to index
    %swap3A_508 = arith.constant 0 : index
    %swap3A_509 = tpu.vector_load %arg5[%swap3A_507, %swap3A_508] {strides = array<i32>} : memref<128x16xf32, #tpu.memory_space<vmem>>, vector<1x16xf32>,
    %swap3A_510 = vector.shape_cast %swap3A_509 : vector<1x16xf32> to vector<16xf32>
    %swap3A_511 = vector.shape_cast %broadcast_in_dim3A_0 : vector<16xf32> to vector<1x16xf32>
    tpu.vector_store %arg5[%swap3A_507, %swap3A_508], %swap3A_511 {strides = array<i32>} : memref<128x16xf32, #tpu.memory_space<vmem>>, vector<1x16xf32>,
    %swap3A_512 = arith.constant 85 : i32
    %swap3A_513 = arith.index_cast %swap3A_512 : i32 to index
    %swap3A_514 = arith.constant 0 : index
    %swap3A_515 = tpu.vector_load %arg5[%swap3A_513, %swap3A_514] {strides = array<i32>} : memref<128x16xf32, #tpu.memory_space<vmem>>, vector<1x16xf32>,
    %swap3A_516 = vector.shape_cast %swap3A_515 : vector<1x16xf32> to vector<16xf32>
    %swap3A_517 = vector.shape_cast %broadcast_in_dim3A_0 : vector<16xf32> to vector<1x16xf32>
    tpu.vector_store %arg5[%swap3A_513, %swap3A_514], %swap3A_517 {strides = array<i32>} : memref<128x16xf32, #tpu.memory_space<vmem>>, vector<1x16xf32>,
    %swap3A_518 = arith.constant 86 : i32
    %swap3A_519 = arith.index_cast %swap3A_518 : i32 to index
    %swap3A_520 = arith.constant 0 : index
    %swap3A_521 = tpu.vector_load %arg5[%swap3A_519, %swap3A_520] {strides = array<i32>} : memref<128x16xf32, #tpu.memory_space<vmem>>, vector<1x16xf32>,
    %swap3A_522 = vector.shape_cast %swap3A_521 : vector<1x16xf32> to vector<16xf32>
    %swap3A_523 = vector.shape_cast %broadcast_in_dim3A_0 : vector<16xf32> to vector<1x16xf32>
    tpu.vector_store %arg5[%swap3A_519, %swap3A_520], %swap3A_523 {strides = array<i32>} : memref<128x16xf32, #tpu.memory_space<vmem>>, vector<1x16xf32>,
    %swap3A_524 = arith.constant 87 : i32
    %swap3A_525 = arith.index_cast %swap3A_524 : i32 to index
    %swap3A_526 = arith.constant 0 : index
    %swap3A_527 = tpu.vector_load %arg5[%swap3A_525, %swap3A_526] {strides = array<i32>} : memref<128x16xf32, #tpu.memory_space<vmem>>, vector<1x16xf32>,
    %swap3A_528 = vector.shape_cast %swap3A_527 : vector<1x16xf32> to vector<16xf32>
    %swap3A_529 = vector.shape_cast %broadcast_in_dim3A_0 : vector<16xf32> to vector<1x16xf32>
    tpu.vector_store %arg5[%swap3A_525, %swap3A_526], %swap3A_529 {strides = array<i32>} : memref<128x16xf32, #tpu.memory_space<vmem>>, vector<1x16xf32>,
    %swap3A_530 = arith.constant 88 : i32
    %swap3A_531 = arith.index_cast %swap3A_530 : i32 to index
    %swap3A_532 = arith.constant 0 : index
    %swap3A_533 = tpu.vector_load %arg5[%swap3A_531, %swap3A_532] {strides = array<i32>} : memref<128x16xf32, #tpu.memory_space<vmem>>, vector<1x16xf32>,
    %swap3A_534 = vector.shape_cast %swap3A_533 : vector<1x16xf32> to vector<16xf32>
    %swap3A_535 = vector.shape_cast %broadcast_in_dim3A_0 : vector<16xf32> to vector<1x16xf32>
    tpu.vector_store %arg5[%swap3A_531, %swap3A_532], %swap3A_535 {strides = array<i32>} : memref<128x16xf32, #tpu.memory_space<vmem>>, vector<1x16xf32>,
    %swap3A_536 = arith.constant 89 : i32
    %swap3A_537 = arith.index_cast %swap3A_536 : i32 to index
    %swap3A_538 = arith.constant 0 : index
    %swap3A_539 = tpu.vector_load %arg5[%swap3A_537, %swap3A_538] {strides = array<i32>} : memref<128x16xf32, #tpu.memory_space<vmem>>, vector<1x16xf32>,
    %swap3A_540 = vector.shape_cast %swap3A_539 : vector<1x16xf32> to vector<16xf32>
    %swap3A_541 = vector.shape_cast %broadcast_in_dim3A_0 : vector<16xf32> to vector<1x16xf32>
    tpu.vector_store %arg5[%swap3A_537, %swap3A_538], %swap3A_541 {strides = array<i32>} : memref<128x16xf32, #tpu.memory_space<vmem>>, vector<1x16xf32>,
    %swap3A_542 = arith.constant 90 : i32
    %swap3A_543 = arith.index_cast %swap3A_542 : i32 to index
    %swap3A_544 = arith.constant 0 : index
    %swap3A_545 = tpu.vector_load %arg5[%swap3A_543, %swap3A_544] {strides = array<i32>} : memref<128x16xf32, #tpu.memory_space<vmem>>, vector<1x16xf32>,
    %swap3A_546 = vector.shape_cast %swap3A_545 : vector<1x16xf32> to vector<16xf32>
    %swap3A_547 = vector.shape_cast %broadcast_in_dim3A_0 : vector<16xf32> to vector<1x16xf32>
    tpu.vector_store %arg5[%swap3A_543, %swap3A_544], %swap3A_547 {strides = array<i32>} : memref<128x16xf32, #tpu.memory_space<vmem>>, vector<1x16xf32>,
    %swap3A_548 = arith.constant 91 : i32
    %swap3A_549 = arith.index_cast %swap3A_548 : i32 to index
    %swap3A_550 = arith.constant 0 : index
    %swap3A_551 = tpu.vector_load %arg5[%swap3A_549, %swap3A_550] {strides = array<i32>} : memref<128x16xf32, #tpu.memory_space<vmem>>, vector<1x16xf32>,
    %swap3A_552 = vector.shape_cast %swap3A_551 : vector<1x16xf32> to vector<16xf32>
    %swap3A_553 = vector.shape_cast %broadcast_in_dim3A_0 : vector<16xf32> to vector<1x16xf32>
    tpu.vector_store %arg5[%swap3A_549, %swap3A_550], %swap3A_553 {strides = array<i32>} : memref<128x16xf32, #tpu.memory_space<vmem>>, vector<1x16xf32>,
    %swap3A_554 = arith.constant 92 : i32
    %swap3A_555 = arith.index_cast %swap3A_554 : i32 to index
    %swap3A_556 = arith.constant 0 : index
    %swap3A_557 = tpu.vector_load %arg5[%swap3A_555, %swap3A_556] {strides = array<i32>} : memref<128x16xf32, #tpu.memory_space<vmem>>, vector<1x16xf32>,
    %swap3A_558 = vector.shape_cast %swap3A_557 : vector<1x16xf32> to vector<16xf32>
    %swap3A_559 = vector.shape_cast %broadcast_in_dim3A_0 : vector<16xf32> to vector<1x16xf32>
    tpu.vector_store %arg5[%swap3A_555, %swap3A_556], %swap3A_559 {strides = array<i32>} : memref<128x16xf32, #tpu.memory_space<vmem>>, vector<1x16xf32>,
    %swap3A_560 = arith.constant 93 : i32
    %swap3A_561 = arith.index_cast %swap3A_560 : i32 to index
    %swap3A_562 = arith.constant 0 : index
    %swap3A_563 = tpu.vector_load %arg5[%swap3A_561, %swap3A_562] {strides = array<i32>} : memref<128x16xf32, #tpu.memory_space<vmem>>, vector<1x16xf32>,
    %swap3A_564 = vector.shape_cast %swap3A_563 : vector<1x16xf32> to vector<16xf32>
    %swap3A_565 = vector.shape_cast %broadcast_in_dim3A_0 : vector<16xf32> to vector<1x16xf32>
    tpu.vector_store %arg5[%swap3A_561, %swap3A_562], %swap3A_565 {strides = array<i32>} : memref<128x16xf32, #tpu.memory_space<vmem>>, vector<1x16xf32>,
    %swap3A_566 = arith.constant 94 : i32
    %swap3A_567 = arith.index_cast %swap3A_566 : i32 to index
    %swap3A_568 = arith.constant 0 : index
    %swap3A_569 = tpu.vector_load %arg5[%swap3A_567, %swap3A_568] {strides = array<i32>} : memref<128x16xf32, #tpu.memory_space<vmem>>, vector<1x16xf32>,
    %swap3A_570 = vector.shape_cast %swap3A_569 : vector<1x16xf32> to vector<16xf32>
    %swap3A_571 = vector.shape_cast %broadcast_in_dim3A_0 : vector<16xf32> to vector<1x16xf32>
    tpu.vector_store %arg5[%swap3A_567, %swap3A_568], %swap3A_571 {strides = array<i32>} : memref<128x16xf32, #tpu.memory_space<vmem>>, vector<1x16xf32>,
    %swap3A_572 = arith.constant 95 : i32
    %swap3A_573 = arith.index_cast %swap3A_572 : i32 to index
    %swap3A_574 = arith.constant 0 : index
    %swap3A_575 = tpu.vector_load %arg5[%swap3A_573, %swap3A_574] {strides = array<i32>} : memref<128x16xf32, #tpu.memory_space<vmem>>, vector<1x16xf32>,
    %swap3A_576 = vector.shape_cast %swap3A_575 : vector<1x16xf32> to vector<16xf32>
    %swap3A_577 = vector.shape_cast %broadcast_in_dim3A_0 : vector<16xf32> to vector<1x16xf32>
    tpu.vector_store %arg5[%swap3A_573, %swap3A_574], %swap3A_577 {strides = array<i32>} : memref<128x16xf32, #tpu.memory_space<vmem>>, vector<1x16xf32>,
    %swap3A_578 = arith.constant 96 : i32
    %swap3A_579 = arith.index_cast %swap3A_578 : i32 to index
    %swap3A_580 = arith.constant 0 : index
    %swap3A_581 = tpu.vector_load %arg5[%swap3A_579, %swap3A_580] {strides = array<i32>} : memref<128x16xf32, #tpu.memory_space<vmem>>, vector<1x16xf32>,
    %swap3A_582 = vector.shape_cast %swap3A_581 : vector<1x16xf32> to vector<16xf32>
    %swap3A_583 = vector.shape_cast %broadcast_in_dim3A_0 : vector<16xf32> to vector<1x16xf32>
    tpu.vector_store %arg5[%swap3A_579, %swap3A_580], %swap3A_583 {strides = array<i32>} : memref<128x16xf32, #tpu.memory_space<vmem>>, vector<1x16xf32>,
    %swap3A_584 = arith.constant 97 : i32
    %swap3A_585 = arith.index_cast %swap3A_584 : i32 to index
    %swap3A_586 = arith.constant 0 : index
    %swap3A_587 = tpu.vector_load %arg5[%swap3A_585, %swap3A_586] {strides = array<i32>} : memref<128x16xf32, #tpu.memory_space<vmem>>, vector<1x16xf32>,
    %swap3A_588 = vector.shape_cast %swap3A_587 : vector<1x16xf32> to vector<16xf32>
    %swap3A_589 = vector.shape_cast %broadcast_in_dim3A_0 : vector<16xf32> to vector<1x16xf32>
    tpu.vector_store %arg5[%swap3A_585, %swap3A_586], %swap3A_589 {strides = array<i32>} : memref<128x16xf32, #tpu.memory_space<vmem>>, vector<1x16xf32>,
    %swap3A_590 = arith.constant 98 : i32
    %swap3A_591 = arith.index_cast %swap3A_590 : i32 to index
    %swap3A_592 = arith.constant 0 : index
    %swap3A_593 = tpu.vector_load %arg5[%swap3A_591, %swap3A_592] {strides = array<i32>} : memref<128x16xf32, #tpu.memory_space<vmem>>, vector<1x16xf32>,
    %swap3A_594 = vector.shape_cast %swap3A_593 : vector<1x16xf32> to vector<16xf32>
    %swap3A_595 = vector.shape_cast %broadcast_in_dim3A_0 : vector<16xf32> to vector<1x16xf32>
    tpu.vector_store %arg5[%swap3A_591, %swap3A_592], %swap3A_595 {strides = array<i32>} : memref<128x16xf32, #tpu.memory_space<vmem>>, vector<1x16xf32>,
    %swap3A_596 = arith.constant 99 : i32
    %swap3A_597 = arith.index_cast %swap3A_596 : i32 to index
    %swap3A_598 = arith.constant 0 : index
    %swap3A_599 = tpu.vector_load %arg5[%swap3A_597, %swap3A_598] {strides = array<i32>} : memref<128x16xf32, #tpu.memory_space<vmem>>, vector<1x16xf32>,
    %swap3A_600 = vector.shape_cast %swap3A_599 : vector<1x16xf32> to vector<16xf32>
    %swap3A_601 = vector.shape_cast %broadcast_in_dim3A_0 : vector<16xf32> to vector<1x16xf32>
    tpu.vector_store %arg5[%swap3A_597, %swap3A_598], %swap3A_601 {strides = array<i32>} : memref<128x16xf32, #tpu.memory_space<vmem>>, vector<1x16xf32>,
    %swap3A_602 = arith.constant 100 : i32
    %swap3A_603 = arith.index_cast %swap3A_602 : i32 to index
    %swap3A_604 = arith.constant 0 : index
    %swap3A_605 = tpu.vector_load %arg5[%swap3A_603, %swap3A_604] {strides = array<i32>} : memref<128x16xf32, #tpu.memory_space<vmem>>, vector<1x16xf32>,
    %swap3A_606 = vector.shape_cast %swap3A_605 : vector<1x16xf32> to vector<16xf32>
    %swap3A_607 = vector.shape_cast %broadcast_in_dim3A_0 : vector<16xf32> to vector<1x16xf32>
    tpu.vector_store %arg5[%swap3A_603, %swap3A_604], %swap3A_607 {strides = array<i32>} : memref<128x16xf32, #tpu.memory_space<vmem>>, vector<1x16xf32>,
    %swap3A_608 = arith.constant 101 : i32
    %swap3A_609 = arith.index_cast %swap3A_608 : i32 to index
    %swap3A_610 = arith.constant 0 : index
    %swap3A_611 = tpu.vector_load %arg5[%swap3A_609, %swap3A_610] {strides = array<i32>} : memref<128x16xf32, #tpu.memory_space<vmem>>, vector<1x16xf32>,
    %swap3A_612 = vector.shape_cast %swap3A_611 : vector<1x16xf32> to vector<16xf32>
    %swap3A_613 = vector.shape_cast %broadcast_in_dim3A_0 : vector<16xf32> to vector<1x16xf32>
    tpu.vector_store %arg5[%swap3A_609, %swap3A_610], %swap3A_613 {strides = array<i32>} : memref<128x16xf32, #tpu.memory_space<vmem>>, vector<1x16xf32>,
    %swap3A_614 = arith.constant 102 : i32
    %swap3A_615 = arith.index_cast %swap3A_614 : i32 to index
    %swap3A_616 = arith.constant 0 : index
    %swap3A_617 = tpu.vector_load %arg5[%swap3A_615, %swap3A_616] {strides = array<i32>} : memref<128x16xf32, #tpu.memory_space<vmem>>, vector<1x16xf32>,
    %swap3A_618 = vector.shape_cast %swap3A_617 : vector<1x16xf32> to vector<16xf32>
    %swap3A_619 = vector.shape_cast %broadcast_in_dim3A_0 : vector<16xf32> to vector<1x16xf32>
    tpu.vector_store %arg5[%swap3A_615, %swap3A_616], %swap3A_619 {strides = array<i32>} : memref<128x16xf32, #tpu.memory_space<vmem>>, vector<1x16xf32>,
    %swap3A_620 = arith.constant 103 : i32
    %swap3A_621 = arith.index_cast %swap3A_620 : i32 to index
    %swap3A_622 = arith.constant 0 : index
    %swap3A_623 = tpu.vector_load %arg5[%swap3A_621, %swap3A_622] {strides = array<i32>} : memref<128x16xf32, #tpu.memory_space<vmem>>, vector<1x16xf32>,
    %swap3A_624 = vector.shape_cast %swap3A_623 : vector<1x16xf32> to vector<16xf32>
    %swap3A_625 = vector.shape_cast %broadcast_in_dim3A_0 : vector<16xf32> to vector<1x16xf32>
    tpu.vector_store %arg5[%swap3A_621, %swap3A_622], %swap3A_625 {strides = array<i32>} : memref<128x16xf32, #tpu.memory_space<vmem>>, vector<1x16xf32>,
    %swap3A_626 = arith.constant 104 : i32
    %swap3A_627 = arith.index_cast %swap3A_626 : i32 to index
    %swap3A_628 = arith.constant 0 : index
    %swap3A_629 = tpu.vector_load %arg5[%swap3A_627, %swap3A_628] {strides = array<i32>} : memref<128x16xf32, #tpu.memory_space<vmem>>, vector<1x16xf32>,
    %swap3A_630 = vector.shape_cast %swap3A_629 : vector<1x16xf32> to vector<16xf32>
    %swap3A_631 = vector.shape_cast %broadcast_in_dim3A_0 : vector<16xf32> to vector<1x16xf32>
    tpu.vector_store %arg5[%swap3A_627, %swap3A_628], %swap3A_631 {strides = array<i32>} : memref<128x16xf32, #tpu.memory_space<vmem>>, vector<1x16xf32>,
    %swap3A_632 = arith.constant 105 : i32
    %swap3A_633 = arith.index_cast %swap3A_632 : i32 to index
    %swap3A_634 = arith.constant 0 : index
    %swap3A_635 = tpu.vector_load %arg5[%swap3A_633, %swap3A_634] {strides = array<i32>} : memref<128x16xf32, #tpu.memory_space<vmem>>, vector<1x16xf32>,
    %swap3A_636 = vector.shape_cast %swap3A_635 : vector<1x16xf32> to vector<16xf32>
    %swap3A_637 = vector.shape_cast %broadcast_in_dim3A_0 : vector<16xf32> to vector<1x16xf32>
    tpu.vector_store %arg5[%swap3A_633, %swap3A_634], %swap3A_637 {strides = array<i32>} : memref<128x16xf32, #tpu.memory_space<vmem>>, vector<1x16xf32>,
    %swap3A_638 = arith.constant 106 : i32
    %swap3A_639 = arith.index_cast %swap3A_638 : i32 to index
    %swap3A_640 = arith.constant 0 : index
    %swap3A_641 = tpu.vector_load %arg5[%swap3A_639, %swap3A_640] {strides = array<i32>} : memref<128x16xf32, #tpu.memory_space<vmem>>, vector<1x16xf32>,
    %swap3A_642 = vector.shape_cast %swap3A_641 : vector<1x16xf32> to vector<16xf32>
    %swap3A_643 = vector.shape_cast %broadcast_in_dim3A_0 : vector<16xf32> to vector<1x16xf32>
    tpu.vector_store %arg5[%swap3A_639, %swap3A_640], %swap3A_643 {strides = array<i32>} : memref<128x16xf32, #tpu.memory_space<vmem>>, vector<1x16xf32>,
    %swap3A_644 = arith.constant 107 : i32
    %swap3A_645 = arith.index_cast %swap3A_644 : i32 to index
    %swap3A_646 = arith.constant 0 : index
    %swap3A_647 = tpu.vector_load %arg5[%swap3A_645, %swap3A_646] {strides = array<i32>} : memref<128x16xf32, #tpu.memory_space<vmem>>, vector<1x16xf32>,
    %swap3A_648 = vector.shape_cast %swap3A_647 : vector<1x16xf32> to vector<16xf32>
    %swap3A_649 = vector.shape_cast %broadcast_in_dim3A_0 : vector<16xf32> to vector<1x16xf32>
    tpu.vector_store %arg5[%swap3A_645, %swap3A_646], %swap3A_649 {strides = array<i32>} : memref<128x16xf32, #tpu.memory_space<vmem>>, vector<1x16xf32>,
    %swap3A_650 = arith.constant 108 : i32
    %swap3A_651 = arith.index_cast %swap3A_650 : i32 to index
    %swap3A_652 = arith.constant 0 : index
    %swap3A_653 = tpu.vector_load %arg5[%swap3A_651, %swap3A_652] {strides = array<i32>} : memref<128x16xf32, #tpu.memory_space<vmem>>, vector<1x16xf32>,
    %swap3A_654 = vector.shape_cast %swap3A_653 : vector<1x16xf32> to vector<16xf32>
    %swap3A_655 = vector.shape_cast %broadcast_in_dim3A_0 : vector<16xf32> to vector<1x16xf32>
    tpu.vector_store %arg5[%swap3A_651, %swap3A_652], %swap3A_655 {strides = array<i32>} : memref<128x16xf32, #tpu.memory_space<vmem>>, vector<1x16xf32>,
    %swap3A_656 = arith.constant 109 : i32
    %swap3A_657 = arith.index_cast %swap3A_656 : i32 to index
    %swap3A_658 = arith.constant 0 : index
    %swap3A_659 = tpu.vector_load %arg5[%swap3A_657, %swap3A_658] {strides = array<i32>} : memref<128x16xf32, #tpu.memory_space<vmem>>, vector<1x16xf32>,
    %swap3A_660 = vector.shape_cast %swap3A_659 : vector<1x16xf32> to vector<16xf32>
    %swap3A_661 = vector.shape_cast %broadcast_in_dim3A_0 : vector<16xf32> to vector<1x16xf32>
    tpu.vector_store %arg5[%swap3A_657, %swap3A_658], %swap3A_661 {strides = array<i32>} : memref<128x16xf32, #tpu.memory_space<vmem>>, vector<1x16xf32>,
    %swap3A_662 = arith.constant 110 : i32
    %swap3A_663 = arith.index_cast %swap3A_662 : i32 to index
    %swap3A_664 = arith.constant 0 : index
    %swap3A_665 = tpu.vector_load %arg5[%swap3A_663, %swap3A_664] {strides = array<i32>} : memref<128x16xf32, #tpu.memory_space<vmem>>, vector<1x16xf32>,
    %swap3A_666 = vector.shape_cast %swap3A_665 : vector<1x16xf32> to vector<16xf32>
    %swap3A_667 = vector.shape_cast %broadcast_in_dim3A_0 : vector<16xf32> to vector<1x16xf32>
    tpu.vector_store %arg5[%swap3A_663, %swap3A_664], %swap3A_667 {strides = array<i32>} : memref<128x16xf32, #tpu.memory_space<vmem>>, vector<1x16xf32>,
    %swap3A_668 = arith.constant 111 : i32
    %swap3A_669 = arith.index_cast %swap3A_668 : i32 to index
    %swap3A_670 = arith.constant 0 : index
    %swap3A_671 = tpu.vector_load %arg5[%swap3A_669, %swap3A_670] {strides = array<i32>} : memref<128x16xf32, #tpu.memory_space<vmem>>, vector<1x16xf32>,
    %swap3A_672 = vector.shape_cast %swap3A_671 : vector<1x16xf32> to vector<16xf32>
    %swap3A_673 = vector.shape_cast %broadcast_in_dim3A_0 : vector<16xf32> to vector<1x16xf32>
    tpu.vector_store %arg5[%swap3A_669, %swap3A_670], %swap3A_673 {strides = array<i32>} : memref<128x16xf32, #tpu.memory_space<vmem>>, vector<1x16xf32>,
    %swap3A_674 = arith.constant 112 : i32
    %swap3A_675 = arith.index_cast %swap3A_674 : i32 to index
    %swap3A_676 = arith.constant 0 : index
    %swap3A_677 = tpu.vector_load %arg5[%swap3A_675, %swap3A_676] {strides = array<i32>} : memref<128x16xf32, #tpu.memory_space<vmem>>, vector<1x16xf32>,
    %swap3A_678 = vector.shape_cast %swap3A_677 : vector<1x16xf32> to vector<16xf32>
    %swap3A_679 = vector.shape_cast %broadcast_in_dim3A_0 : vector<16xf32> to vector<1x16xf32>
    tpu.vector_store %arg5[%swap3A_675, %swap3A_676], %swap3A_679 {strides = array<i32>} : memref<128x16xf32, #tpu.memory_space<vmem>>, vector<1x16xf32>,
    %swap3A_680 = arith.constant 113 : i32
    %swap3A_681 = arith.index_cast %swap3A_680 : i32 to index
    %swap3A_682 = arith.constant 0 : index
    %swap3A_683 = tpu.vector_load %arg5[%swap3A_681, %swap3A_682] {strides = array<i32>} : memref<128x16xf32, #tpu.memory_space<vmem>>, vector<1x16xf32>,
    %swap3A_684 = vector.shape_cast %swap3A_683 : vector<1x16xf32> to vector<16xf32>
    %swap3A_685 = vector.shape_cast %broadcast_in_dim3A_0 : vector<16xf32> to vector<1x16xf32>
    tpu.vector_store %arg5[%swap3A_681, %swap3A_682], %swap3A_685 {strides = array<i32>} : memref<128x16xf32, #tpu.memory_space<vmem>>, vector<1x16xf32>,
    %swap3A_686 = arith.constant 114 : i32
    %swap3A_687 = arith.index_cast %swap3A_686 : i32 to index
    %swap3A_688 = arith.constant 0 : index
    %swap3A_689 = tpu.vector_load %arg5[%swap3A_687, %swap3A_688] {strides = array<i32>} : memref<128x16xf32, #tpu.memory_space<vmem>>, vector<1x16xf32>,
    %swap3A_690 = vector.shape_cast %swap3A_689 : vector<1x16xf32> to vector<16xf32>
    %swap3A_691 = vector.shape_cast %broadcast_in_dim3A_0 : vector<16xf32> to vector<1x16xf32>
    tpu.vector_store %arg5[%swap3A_687, %swap3A_688], %swap3A_691 {strides = array<i32>} : memref<128x16xf32, #tpu.memory_space<vmem>>, vector<1x16xf32>,
    %swap3A_692 = arith.constant 115 : i32
    %swap3A_693 = arith.index_cast %swap3A_692 : i32 to index
    %swap3A_694 = arith.constant 0 : index
    %swap3A_695 = tpu.vector_load %arg5[%swap3A_693, %swap3A_694] {strides = array<i32>} : memref<128x16xf32, #tpu.memory_space<vmem>>, vector<1x16xf32>,
    %swap3A_696 = vector.shape_cast %swap3A_695 : vector<1x16xf32> to vector<16xf32>
    %swap3A_697 = vector.shape_cast %broadcast_in_dim3A_0 : vector<16xf32> to vector<1x16xf32>
    tpu.vector_store %arg5[%swap3A_693, %swap3A_694], %swap3A_697 {strides = array<i32>} : memref<128x16xf32, #tpu.memory_space<vmem>>, vector<1x16xf32>,
    %swap3A_698 = arith.constant 116 : i32
    %swap3A_699 = arith.index_cast %swap3A_698 : i32 to index
    %swap3A_700 = arith.constant 0 : index
    %swap3A_701 = tpu.vector_load %arg5[%swap3A_699, %swap3A_700] {strides = array<i32>} : memref<128x16xf32, #tpu.memory_space<vmem>>, vector<1x16xf32>,
    %swap3A_702 = vector.shape_cast %swap3A_701 : vector<1x16xf32> to vector<16xf32>
    %swap3A_703 = vector.shape_cast %broadcast_in_dim3A_0 : vector<16xf32> to vector<1x16xf32>
    tpu.vector_store %arg5[%swap3A_699, %swap3A_700], %swap3A_703 {strides = array<i32>} : memref<128x16xf32, #tpu.memory_space<vmem>>, vector<1x16xf32>,
    %swap3A_704 = arith.constant 117 : i32
    %swap3A_705 = arith.index_cast %swap3A_704 : i32 to index
    %swap3A_706 = arith.constant 0 : index
    %swap3A_707 = tpu.vector_load %arg5[%swap3A_705, %swap3A_706] {strides = array<i32>} : memref<128x16xf32, #tpu.memory_space<vmem>>, vector<1x16xf32>,
    %swap3A_708 = vector.shape_cast %swap3A_707 : vector<1x16xf32> to vector<16xf32>
    %swap3A_709 = vector.shape_cast %broadcast_in_dim3A_0 : vector<16xf32> to vector<1x16xf32>
    tpu.vector_store %arg5[%swap3A_705, %swap3A_706], %swap3A_709 {strides = array<i32>} : memref<128x16xf32, #tpu.memory_space<vmem>>, vector<1x16xf32>,
    %swap3A_710 = arith.constant 118 : i32
    %swap3A_711 = arith.index_cast %swap3A_710 : i32 to index
    %swap3A_712 = arith.constant 0 : index
    %swap3A_713 = tpu.vector_load %arg5[%swap3A_711, %swap3A_712] {strides = array<i32>} : memref<128x16xf32, #tpu.memory_space<vmem>>, vector<1x16xf32>,
    %swap3A_714 = vector.shape_cast %swap3A_713 : vector<1x16xf32> to vector<16xf32>
    %swap3A_715 = vector.shape_cast %broadcast_in_dim3A_0 : vector<16xf32> to vector<1x16xf32>
    tpu.vector_store %arg5[%swap3A_711, %swap3A_712], %swap3A_715 {strides = array<i32>} : memref<128x16xf32, #tpu.memory_space<vmem>>, vector<1x16xf32>,
    %swap3A_716 = arith.constant 119 : i32
    %swap3A_717 = arith.index_cast %swap3A_716 : i32 to index
    %swap3A_718 = arith.constant 0 : index
    %swap3A_719 = tpu.vector_load %arg5[%swap3A_717, %swap3A_718] {strides = array<i32>} : memref<128x16xf32, #tpu.memory_space<vmem>>, vector<1x16xf32>,
    %swap3A_720 = vector.shape_cast %swap3A_719 : vector<1x16xf32> to vector<16xf32>
    %swap3A_721 = vector.shape_cast %broadcast_in_dim3A_0 : vector<16xf32> to vector<1x16xf32>
    tpu.vector_store %arg5[%swap3A_717, %swap3A_718], %swap3A_721 {strides = array<i32>} : memref<128x16xf32, #tpu.memory_space<vmem>>, vector<1x16xf32>,
    %swap3A_722 = arith.constant 120 : i32
    %swap3A_723 = arith.index_cast %swap3A_722 : i32 to index
    %swap3A_724 = arith.constant 0 : index
    %swap3A_725 = tpu.vector_load %arg5[%swap3A_723, %swap3A_724] {strides = array<i32>} : memref<128x16xf32, #tpu.memory_space<vmem>>, vector<1x16xf32>,
    %swap3A_726 = vector.shape_cast %swap3A_725 : vector<1x16xf32> to vector<16xf32>
    %swap3A_727 = vector.shape_cast %broadcast_in_dim3A_0 : vector<16xf32> to vector<1x16xf32>
    tpu.vector_store %arg5[%swap3A_723, %swap3A_724], %swap3A_727 {strides = array<i32>} : memref<128x16xf32, #tpu.memory_space<vmem>>, vector<1x16xf32>,
    %swap3A_728 = arith.constant 121 : i32
    %swap3A_729 = arith.index_cast %swap3A_728 : i32 to index
    %swap3A_730 = arith.constant 0 : index
    %swap3A_731 = tpu.vector_load %arg5[%swap3A_729, %swap3A_730] {strides = array<i32>} : memref<128x16xf32, #tpu.memory_space<vmem>>, vector<1x16xf32>,
    %swap3A_732 = vector.shape_cast %swap3A_731 : vector<1x16xf32> to vector<16xf32>
    %swap3A_733 = vector.shape_cast %broadcast_in_dim3A_0 : vector<16xf32> to vector<1x16xf32>
    tpu.vector_store %arg5[%swap3A_729, %swap3A_730], %swap3A_733 {strides = array<i32>} : memref<128x16xf32, #tpu.memory_space<vmem>>, vector<1x16xf32>,
    %swap3A_734 = arith.constant 122 : i32
    %swap3A_735 = arith.index_cast %swap3A_734 : i32 to index
    %swap3A_736 = arith.constant 0 : index
    %swap3A_737 = tpu.vector_load %arg5[%swap3A_735, %swap3A_736] {strides = array<i32>} : memref<128x16xf32, #tpu.memory_space<vmem>>, vector<1x16xf32>,
    %swap3A_738 = vector.shape_cast %swap3A_737 : vector<1x16xf32> to vector<16xf32>
    %swap3A_739 = vector.shape_cast %broadcast_in_dim3A_0 : vector<16xf32> to vector<1x16xf32>
    tpu.vector_store %arg5[%swap3A_735, %swap3A_736], %swap3A_739 {strides = array<i32>} : memref<128x16xf32, #tpu.memory_space<vmem>>, vector<1x16xf32>,
    %swap3A_740 = arith.constant 123 : i32
    %swap3A_741 = arith.index_cast %swap3A_740 : i32 to index
    %swap3A_742 = arith.constant 0 : index
    %swap3A_743 = tpu.vector_load %arg5[%swap3A_741, %swap3A_742] {strides = array<i32>} : memref<128x16xf32, #tpu.memory_space<vmem>>, vector<1x16xf32>,
    %swap3A_744 = vector.shape_cast %swap3A_743 : vector<1x16xf32> to vector<16xf32>
    %swap3A_745 = vector.shape_cast %broadcast_in_dim3A_0 : vector<16xf32> to vector<1x16xf32>
    tpu.vector_store %arg5[%swap3A_741, %swap3A_742], %swap3A_745 {strides = array<i32>} : memref<128x16xf32, #tpu.memory_space<vmem>>, vector<1x16xf32>,
    %swap3A_746 = arith.constant 124 : i32
    %swap3A_747 = arith.index_cast %swap3A_746 : i32 to index
    %swap3A_748 = arith.constant 0 : index
    %swap3A_749 = tpu.vector_load %arg5[%swap3A_747, %swap3A_748] {strides = array<i32>} : memref<128x16xf32, #tpu.memory_space<vmem>>, vector<1x16xf32>,
    %swap3A_750 = vector.shape_cast %swap3A_749 : vector<1x16xf32> to vector<16xf32>
    %swap3A_751 = vector.shape_cast %broadcast_in_dim3A_0 : vector<16xf32> to vector<1x16xf32>
    tpu.vector_store %arg5[%swap3A_747, %swap3A_748], %swap3A_751 {strides = array<i32>} : memref<128x16xf32, #tpu.memory_space<vmem>>, vector<1x16xf32>,
    %swap3A_752 = arith.constant 125 : i32
    %swap3A_753 = arith.index_cast %swap3A_752 : i32 to index
    %swap3A_754 = arith.constant 0 : index
    %swap3A_755 = tpu.vector_load %arg5[%swap3A_753, %swap3A_754] {strides = array<i32>} : memref<128x16xf32, #tpu.memory_space<vmem>>, vector<1x16xf32>,
    %swap3A_756 = vector.shape_cast %swap3A_755 : vector<1x16xf32> to vector<16xf32>
    %swap3A_757 = vector.shape_cast %broadcast_in_dim3A_0 : vector<16xf32> to vector<1x16xf32>
    tpu.vector_store %arg5[%swap3A_753, %swap3A_754], %swap3A_757 {strides = array<i32>} : memref<128x16xf32, #tpu.memory_space<vmem>>, vector<1x16xf32>,
    %swap3A_758 = arith.constant 126 : i32
    %swap3A_759 = arith.index_cast %swap3A_758 : i32 to index
    %swap3A_760 = arith.constant 0 : index
    %swap3A_761 = tpu.vector_load %arg5[%swap3A_759, %swap3A_760] {strides = array<i32>} : memref<128x16xf32, #tpu.memory_space<vmem>>, vector<1x16xf32>,
    %swap3A_762 = vector.shape_cast %swap3A_761 : vector<1x16xf32> to vector<16xf32>
    %swap3A_763 = vector.shape_cast %broadcast_in_dim3A_0 : vector<16xf32> to vector<1x16xf32>
    tpu.vector_store %arg5[%swap3A_759, %swap3A_760], %swap3A_763 {strides = array<i32>} : memref<128x16xf32, #tpu.memory_space<vmem>>, vector<1x16xf32>,
    %swap3A_764 = arith.constant 127 : i32
    %swap3A_765 = arith.index_cast %swap3A_764 : i32 to index
    %swap3A_766 = arith.constant 0 : index
    %swap3A_767 = tpu.vector_load %arg5[%swap3A_765, %swap3A_766] {strides = array<i32>} : memref<128x16xf32, #tpu.memory_space<vmem>>, vector<1x16xf32>,
    %swap3A_768 = vector.shape_cast %swap3A_767 : vector<1x16xf32> to vector<16xf32>
    %swap3A_769 = vector.shape_cast %broadcast_in_dim3A_0 : vector<16xf32> to vector<1x16xf32>
    tpu.vector_store %arg5[%swap3A_765, %swap3A_766], %swap3A_769 {strides = array<i32>} : memref<128x16xf32, #tpu.memory_space<vmem>>, vector<1x16xf32>,
    %swap3A_770 = arith.constant 0 : i32
    %swap3A_771 = arith.index_cast %swap3A_770 : i32 to index
    %swap3A_772 = arith.constant 0 : index
    %swap3A_773 = tpu.vector_load %arg6[%swap3A_771, %swap3A_772] {strides = array<i32>} : memref<8x16xf32, #tpu.memory_space<vmem>>, vector<1x16xf32>,
    %swap3A_774 = vector.shape_cast %swap3A_773 : vector<1x16xf32> to vector<16xf32>
    %swap3A_775 = vector.shape_cast %broadcast_in_dim3A_2 : vector<16xf32> to vector<1x16xf32>
    tpu.vector_store %arg6[%swap3A_771, %swap3A_772], %swap3A_775 {strides = array<i32>} : memref<8x16xf32, #tpu.memory_space<vmem>>, vector<1x16xf32>,
    %swap3A_776 = arith.constant 1 : i32
    %swap3A_777 = arith.index_cast %swap3A_776 : i32 to index
    %swap3A_778 = arith.constant 0 : index
    %swap3A_779 = tpu.vector_load %arg6[%swap3A_777, %swap3A_778] {strides = array<i32>} : memref<8x16xf32, #tpu.memory_space<vmem>>, vector<1x16xf32>,
    %swap3A_780 = vector.shape_cast %swap3A_779 : vector<1x16xf32> to vector<16xf32>
    %swap3A_781 = vector.shape_cast %broadcast_in_dim3A_2 : vector<16xf32> to vector<1x16xf32>
    tpu.vector_store %arg6[%swap3A_777, %swap3A_778], %swap3A_781 {strides = array<i32>} : memref<8x16xf32, #tpu.memory_space<vmem>>, vector<1x16xf32>,
    %swap3A_782 = arith.constant 2 : i32
    %swap3A_783 = arith.index_cast %swap3A_782 : i32 to index
    %swap3A_784 = arith.constant 0 : index
    %swap3A_785 = tpu.vector_load %arg6[%swap3A_783, %swap3A_784] {strides = array<i32>} : memref<8x16xf32, #tpu.memory_space<vmem>>, vector<1x16xf32>,
    %swap3A_786 = vector.shape_cast %swap3A_785 : vector<1x16xf32> to vector<16xf32>
    %swap3A_787 = vector.shape_cast %broadcast_in_dim3A_2 : vector<16xf32> to vector<1x16xf32>
    tpu.vector_store %arg6[%swap3A_783, %swap3A_784], %swap3A_787 {strides = array<i32>} : memref<8x16xf32, #tpu.memory_space<vmem>>, vector<1x16xf32>,
    %swap3A_788 = arith.constant 3 : i32
    %swap3A_789 = arith.index_cast %swap3A_788 : i32 to index
    %swap3A_790 = arith.constant 0 : index
    %swap3A_791 = tpu.vector_load %arg6[%swap3A_789, %swap3A_790] {strides = array<i32>} : memref<8x16xf32, #tpu.memory_space<vmem>>, vector<1x16xf32>,
    %swap3A_792 = vector.shape_cast %swap3A_791 : vector<1x16xf32> to vector<16xf32>
    %swap3A_793 = vector.shape_cast %broadcast_in_dim3A_2 : vector<16xf32> to vector<1x16xf32>
    tpu.vector_store %arg6[%swap3A_789, %swap3A_790], %swap3A_793 {strides = array<i32>} : memref<8x16xf32, #tpu.memory_space<vmem>>, vector<1x16xf32>,
    %swap3A_794 = arith.constant 4 : i32
    %swap3A_795 = arith.index_cast %swap3A_794 : i32 to index
    %swap3A_796 = arith.constant 0 : index
    %swap3A_797 = tpu.vector_load %arg6[%swap3A_795, %swap3A_796] {strides = array<i32>} : memref<8x16xf32, #tpu.memory_space<vmem>>, vector<1x16xf32>,
    %swap3A_798 = vector.shape_cast %swap3A_797 : vector<1x16xf32> to vector<16xf32>
    %swap3A_799 = vector.shape_cast %broadcast_in_dim3A_2 : vector<16xf32> to vector<1x16xf32>
    tpu.vector_store %arg6[%swap3A_795, %swap3A_796], %swap3A_799 {strides = array<i32>} : memref<8x16xf32, #tpu.memory_space<vmem>>, vector<1x16xf32>,
    %swap3A_800 = arith.constant 5 : i32
    %swap3A_801 = arith.index_cast %swap3A_800 : i32 to index
    %swap3A_802 = arith.constant 0 : index
    %swap3A_803 = tpu.vector_load %arg6[%swap3A_801, %swap3A_802] {strides = array<i32>} : memref<8x16xf32, #tpu.memory_space<vmem>>, vector<1x16xf32>,
    %swap3A_804 = vector.shape_cast %swap3A_803 : vector<1x16xf32> to vector<16xf32>
    %swap3A_805 = vector.shape_cast %broadcast_in_dim3A_2 : vector<16xf32> to vector<1x16xf32>
    tpu.vector_store %arg6[%swap3A_801, %swap3A_802], %swap3A_805 {strides = array<i32>} : memref<8x16xf32, #tpu.memory_space<vmem>>, vector<1x16xf32>,
    %swap3A_806 = arith.constant 6 : i32
    %swap3A_807 = arith.index_cast %swap3A_806 : i32 to index
    %swap3A_808 = arith.constant 0 : index
    %swap3A_809 = tpu.vector_load %arg6[%swap3A_807, %swap3A_808] {strides = array<i32>} : memref<8x16xf32, #tpu.memory_space<vmem>>, vector<1x16xf32>,
    %swap3A_810 = vector.shape_cast %swap3A_809 : vector<1x16xf32> to vector<16xf32>
    %swap3A_811 = vector.shape_cast %broadcast_in_dim3A_2 : vector<16xf32> to vector<1x16xf32>
    tpu.vector_store %arg6[%swap3A_807, %swap3A_808], %swap3A_811 {strides = array<i32>} : memref<8x16xf32, #tpu.memory_space<vmem>>, vector<1x16xf32>,
    %swap3A_812 = arith.constant 7 : i32
    %swap3A_813 = arith.index_cast %swap3A_812 : i32 to index
    %swap3A_814 = arith.constant 0 : index
    %swap3A_815 = tpu.vector_load %arg6[%swap3A_813, %swap3A_814] {strides = array<i32>} : memref<8x16xf32, #tpu.memory_space<vmem>>, vector<1x16xf32>,
    %swap3A_816 = vector.shape_cast %swap3A_815 : vector<1x16xf32> to vector<16xf32>
    %swap3A_817 = vector.shape_cast %broadcast_in_dim3A_2 : vector<16xf32> to vector<1x16xf32>
    tpu.vector_store %arg6[%swap3A_813, %swap3A_814], %swap3A_817 {strides = array<i32>} : memref<8x16xf32, #tpu.memory_space<vmem>>, vector<1x16xf32>,
    %mul3A = arith.constant 632 : i32
    %mul3A_818 = arith.muli %arg1, %mul3A : i32
    %min3A = arith.constant 9448 : i32
    %min3A_819 = arith.minsi %mul3A_818, %min3A : i32
    %scan3A = arith.constant 0 : i32
    %scan3A_820 = arith.constant 0 : i32
    %scan3A_821 = arith.constant 79 : i32
    %scan3A_822 = arith.addi %scan3A_820, %scan3A_821 : i32
    %scan3A_823 = arith.constant 1 : i32
    scf.for %scan3A_836 = %scan3A_820 to %scan3A_822 step %scan3A_823  : i32 {
      %mul3A_837 = arith.constant 8 : i32
      %mul3A_838 = arith.muli %scan3A_836, %mul3A_837 : i32
      %add3A_839 = arith.addi %min3A_819, %mul3A_838 : i32
      "tpu.region"() ({
        %run_scoped3A = tpu.sem_alloc : memref<!tpu.dma_semaphore, #tpu.memory_space<semaphore_mem>>
        %dma_start3A = arith.constant 0 : i32
        %dma_start3A_840 = tpu.memref_slice %arg7[%add3A_839, %dma_start3A] : memref<10080x16xf32, #tpu.memory_space<vmem_shared>> -> memref<8x16xf32, #tpu.memory_space<vmem_shared>>
        %dma_start3A_841 = arith.constant 0 : i32
        %dma_start3A_842 = tpu.memref_slice %arg7[%add3A_839, %dma_start3A_841] : memref<10080x16xf32, #tpu.memory_space<vmem_shared>> -> memref<8x16xf32, #tpu.memory_space<vmem_shared>>
        tpu.enqueue_dma source(%arg6 : memref<8x16xf32, #tpu.memory_space<vmem>>) target(%dma_start3A_842 : memref<8x16xf32, #tpu.memory_space<vmem_shared>>) target_semaphore(%run_scoped3A : memref<!tpu.dma_semaphore, #tpu.memory_space<semaphore_mem>>)
        %dma_wait3A = arith.constant 0 : i32
        %dma_wait3A_843 = tpu.memref_slice %arg7[%add3A_839, %dma_wait3A] : memref<10080x16xf32, #tpu.memory_space<vmem_shared>> -> memref<8x16xf32, #tpu.memory_space<vmem_shared>>
        %dma_wait3A_844 = arith.constant 0 : i32
        %dma_wait3A_845 = tpu.memref_slice %arg7[%add3A_839, %dma_wait3A_844] : memref<10080x16xf32, #tpu.memory_space<vmem_shared>> -> memref<8x16xf32, #tpu.memory_space<vmem_shared>>
        tpu.wait_dma2 semaphore(%run_scoped3A : memref<!tpu.dma_semaphore, #tpu.memory_space<semaphore_mem>>) src(%arg6 : memref<8x16xf32, #tpu.memory_space<vmem>>) dst(%dma_wait3A_845 : memref<8x16xf32, #tpu.memory_space<vmem_shared>>)
        tpu.yield
      }) : () -> ()
    }
    %scan3A_824 = arith.constant 79 : i32
    %barrier3A = arith.constant 0 : index
    tpu.barrier barrier_id(%barrier3A)
    %mul3A_825 = arith.constant 16 : i32
    %mul3A_826 = arith.muli %arg0, %mul3A_825 : i32
    %add3A = arith.addi %mul3A_826, %arg1 : i32
    %mul3A_827 = arith.constant 10240 : i32
    %mul3A_828 = arith.muli %add3A, %mul3A_827 : i32
    %scan3A_829 = arith.constant 0 : i32
    %scan3A_830 = arith.constant 0 : i32
    %scan3A_831 = arith.constant 80 : i32
    %scan3A_832 = arith.addi %scan3A_830, %scan3A_831 : i32
    %scan3A_833 = arith.constant 1 : i32
    scf.for %scan3A_836 = %scan3A_830 to %scan3A_832 step %scan3A_833  : i32 {
      %mul3A_837 = arith.constant 128 : i32
      %mul3A_838 = arith.muli %scan3A_836, %mul3A_837 : i32
      %add3A_839 = arith.addi %mul3A_828, %mul3A_838 : i32
      "tpu.region"() ({
        %run_scoped3A = tpu.sem_alloc : memref<!tpu.dma_semaphore, #tpu.memory_space<semaphore_mem>>
        %dma_start3A = tpu.memref_slice %arg2[%add3A_839] : memref<327680xi32, #tpu.memory_space<hbm>> -> memref<128xi32, #tpu.memory_space<hbm>>
        %dma_start3A_840 = tpu.memref_slice %arg2[%add3A_839] : memref<327680xi32, #tpu.memory_space<hbm>> -> memref<128xi32, #tpu.memory_space<hbm>>
        tpu.enqueue_dma source(%dma_start3A_840 : memref<128xi32, #tpu.memory_space<hbm>>) target(%arg4 : memref<128xi32, #tpu.memory_space<vmem>>) target_semaphore(%run_scoped3A : memref<!tpu.dma_semaphore, #tpu.memory_space<semaphore_mem>>)
        %dma_wait3A = tpu.memref_slice %arg2[%add3A_839] : memref<327680xi32, #tpu.memory_space<hbm>> -> memref<128xi32, #tpu.memory_space<hbm>>
        %dma_wait3A_841 = tpu.memref_slice %arg2[%add3A_839] : memref<327680xi32, #tpu.memory_space<hbm>> -> memref<128xi32, #tpu.memory_space<hbm>>
        tpu.wait_dma2 semaphore(%run_scoped3A : memref<!tpu.dma_semaphore, #tpu.memory_space<semaphore_mem>>) src(%dma_wait3A_841 : memref<128xi32, #tpu.memory_space<hbm>>) dst(%arg4 : memref<128xi32, #tpu.memory_space<vmem>>)
        tpu.yield
      }) : () -> ()
      "tpu.region"() ({
        %run_scoped3A = tpu.sem_alloc : memref<!tpu.dma_semaphore, #tpu.memory_space<semaphore_mem>>
        %dma_start3A = arith.constant 0 : i32
        %dma_start3A_840 = arith.constant 0 : i32
        %dma_start3A_841 = tpu.memref_slice %arg7[%dma_start3A, %dma_start3A_840] : memref<10080x16xf32, #tpu.memory_space<vmem_shared>> -> memref<10080x16xf32, #tpu.memory_space<vmem_shared>>
        tpu.enqueue_indirect_dma source(%arg5 : memref<128x16xf32, #tpu.memory_space<vmem>>) target(%dma_start3A_841 : memref<10080x16xf32, #tpu.memory_space<vmem_shared>>) offsets(%arg4 : memref<128xi32, #tpu.memory_space<vmem>>) semaphore(%run_scoped3A : memref<!tpu.dma_semaphore, #tpu.memory_space<semaphore_mem>>) {add = true}
        %dma_wait3A = arith.constant 0 : i32
        %dma_wait3A_842 = arith.constant 0 : i32
        %dma_wait3A_843 = tpu.memref_slice %arg7[%dma_wait3A, %dma_wait3A_842] : memref<10080x16xf32, #tpu.memory_space<vmem_shared>> -> memref<10080x16xf32, #tpu.memory_space<vmem_shared>>
        tpu.wait_indirect_dma semaphore(%run_scoped3A : memref<!tpu.dma_semaphore, #tpu.memory_space<semaphore_mem>>) src(%arg5 : memref<128x16xf32, #tpu.memory_space<vmem>>) dst(%dma_wait3A_843 : memref<10080x16xf32, #tpu.memory_space<vmem_shared>>)
        tpu.yield
      }) : () -> ()
    }
    %scan3A_834 = arith.constant 80 : i32
    %barrier3A_835 = arith.constant 0 : index
    tpu.barrier barrier_id(%barrier3A_835)
    "tpu.region"() ({
      %run_scoped3A = tpu.sem_alloc : memref<!tpu.dma_semaphore, #tpu.memory_space<semaphore_mem>>
      %dma_start3A = arith.constant 0 : i32
      %dma_start3A_836 = tpu.memref_slice %arg3[%arg0, %min3A_819, %dma_start3A] : memref<2x10080x16xf32, #tpu.memory_space<hbm>> -> memref<1x632x16xf32, #tpu.memory_space<hbm>>
      %dma_start3A_837 = tpu.memref_squeeze %dma_start3A_836 : memref<1x632x16xf32, #tpu.memory_space<hbm>> -> memref<632x16xf32, #tpu.memory_space<hbm>>
      %dma_start3A_838 = arith.constant 0 : i32
      %dma_start3A_839 = tpu.memref_slice %arg7[%min3A_819, %dma_start3A_838] : memref<10080x16xf32, #tpu.memory_space<vmem_shared>> -> memref<632x16xf32, #tpu.memory_space<vmem_shared>>
      tpu.enqueue_dma source(%dma_start3A_839 : memref<632x16xf32, #tpu.memory_space<vmem_shared>>) target(%dma_start3A_837 : memref<632x16xf32, #tpu.memory_space<hbm>>) target_semaphore(%run_scoped3A : memref<!tpu.dma_semaphore, #tpu.memory_space<semaphore_mem>>)
      %dma_wait3A = arith.constant 0 : i32
      %dma_wait3A_840 = tpu.memref_slice %arg3[%arg0, %min3A_819, %dma_wait3A] : memref<2x10080x16xf32, #tpu.memory_space<hbm>> -> memref<1x632x16xf32, #tpu.memory_space<hbm>>
      %dma_wait3A_841 = tpu.memref_squeeze %dma_wait3A_840 : memref<1x632x16xf32, #tpu.memory_space<hbm>> -> memref<632x16xf32, #tpu.memory_space<hbm>>
      %dma_wait3A_842 = arith.constant 0 : i32
      %dma_wait3A_843 = tpu.memref_slice %arg7[%min3A_819, %dma_wait3A_842] : memref<10080x16xf32, #tpu.memory_space<vmem_shared>> -> memref<632x16xf32, #tpu.memory_space<vmem_shared>>
      tpu.wait_dma2 semaphore(%run_scoped3A : memref<!tpu.dma_semaphore, #tpu.memory_space<semaphore_mem>>) src(%dma_wait3A_843 : memref<632x16xf32, #tpu.memory_space<vmem_shared>>) dst(%dma_wait3A_841 : memref<632x16xf32, #tpu.memory_space<hbm>>)
      tpu.yield
    }) : () -> ()
    return
  }
}

#map = affine_map<(d0, d1) -> (0)>
#map1 = affine_map<(d0, d1) -> (0, 0, 0)>
module attributes {stable_mosaic.version = 14 : i64} {
  func.func @_propagate(%arg0: i32, %arg1: i32, %arg2: memref<327680xi32, #tpu.memory_space<hbm>>, %arg3: memref<327680xi32, #tpu.memory_space<hbm>>, %arg4: memref<2x10080x128xf32, #tpu.memory_space<hbm>>, %arg5: memref<2x10080x128xf32, #tpu.memory_space<hbm>>, %arg6: memref<128xi32, #tpu.memory_space<vmem>>, %arg7: memref<128xi32, #tpu.memory_space<vmem>>, %arg8: memref<128xi32, #tpu.memory_space<vmem>>, %arg9: memref<128xi32, #tpu.memory_space<vmem>>, %arg10: memref<128x128xf32, #tpu.memory_space<vmem>>, %arg11: memref<128x128xf32, #tpu.memory_space<vmem>>, %arg12: memref<8x128xf32, #tpu.memory_space<vmem>>, %arg13: memref<10080x128xf32, #tpu.memory_space<vmem_shared>>, %arg14: memref<!tpu.dma_semaphore, #tpu.memory_space<semaphore_mem>>, %arg15: memref<!tpu.dma_semaphore, #tpu.memory_space<semaphore_mem>>) attributes {dimension_semantics = [#tpu.dimension_semantics<core_parallel>, #tpu.dimension_semantics<subcore_parallel>], iteration_bounds = array<i64: 2, 16>, scalar_prefetch = 0 : i64, scratch_operands = 10 : i64, tpu.core_type = #tpu.core_type<sc_vector_subcore>, window_params = [{transform_indices = #map}, {transform_indices = #map}, {transform_indices = #map1}, {transform_indices = #map1}]} {
    %broadcast_in_dim3A = arith.constant 0.000000e+00 : f32
    %broadcast_in_dim3A_0 = vector.broadcast %broadcast_in_dim3A : f32 to vector<16xf32>
    %swap3A = arith.constant 0 : i32
    %swap3A_1 = arith.index_cast %swap3A : i32 to index
    %swap3A_2 = arith.constant 0 : index
    %swap3A_3 = tpu.vector_load %arg12[%swap3A_1, %swap3A_2] {strides = array<i32>} : memref<8x128xf32, #tpu.memory_space<vmem>>, vector<1x16xf32>,
    %swap3A_4 = vector.shape_cast %swap3A_3 : vector<1x16xf32> to vector<16xf32>
    %swap3A_5 = vector.shape_cast %broadcast_in_dim3A_0 : vector<16xf32> to vector<1x16xf32>
    tpu.vector_store %arg12[%swap3A_1, %swap3A_2], %swap3A_5 {strides = array<i32>} : memref<8x128xf32, #tpu.memory_space<vmem>>, vector<1x16xf32>,
    %swap3A_6 = arith.constant 0 : i32
    %swap3A_7 = arith.index_cast %swap3A_6 : i32 to index
    %swap3A_8 = arith.constant 16 : index
    %swap3A_9 = tpu.vector_load %arg12[%swap3A_7, %swap3A_8] {strides = array<i32>} : memref<8x128xf32, #tpu.memory_space<vmem>>, vector<1x16xf32>,
    %swap3A_10 = vector.shape_cast %swap3A_9 : vector<1x16xf32> to vector<16xf32>
    %swap3A_11 = vector.shape_cast %broadcast_in_dim3A_0 : vector<16xf32> to vector<1x16xf32>
    tpu.vector_store %arg12[%swap3A_7, %swap3A_8], %swap3A_11 {strides = array<i32>} : memref<8x128xf32, #tpu.memory_space<vmem>>, vector<1x16xf32>,
    %swap3A_12 = arith.constant 0 : i32
    %swap3A_13 = arith.index_cast %swap3A_12 : i32 to index
    %swap3A_14 = arith.constant 32 : index
    %swap3A_15 = tpu.vector_load %arg12[%swap3A_13, %swap3A_14] {strides = array<i32>} : memref<8x128xf32, #tpu.memory_space<vmem>>, vector<1x16xf32>,
    %swap3A_16 = vector.shape_cast %swap3A_15 : vector<1x16xf32> to vector<16xf32>
    %swap3A_17 = vector.shape_cast %broadcast_in_dim3A_0 : vector<16xf32> to vector<1x16xf32>
    tpu.vector_store %arg12[%swap3A_13, %swap3A_14], %swap3A_17 {strides = array<i32>} : memref<8x128xf32, #tpu.memory_space<vmem>>, vector<1x16xf32>,
    %swap3A_18 = arith.constant 0 : i32
    %swap3A_19 = arith.index_cast %swap3A_18 : i32 to index
    %swap3A_20 = arith.constant 48 : index
    %swap3A_21 = tpu.vector_load %arg12[%swap3A_19, %swap3A_20] {strides = array<i32>} : memref<8x128xf32, #tpu.memory_space<vmem>>, vector<1x16xf32>,
    %swap3A_22 = vector.shape_cast %swap3A_21 : vector<1x16xf32> to vector<16xf32>
    %swap3A_23 = vector.shape_cast %broadcast_in_dim3A_0 : vector<16xf32> to vector<1x16xf32>
    tpu.vector_store %arg12[%swap3A_19, %swap3A_20], %swap3A_23 {strides = array<i32>} : memref<8x128xf32, #tpu.memory_space<vmem>>, vector<1x16xf32>,
    %swap3A_24 = arith.constant 0 : i32
    %swap3A_25 = arith.index_cast %swap3A_24 : i32 to index
    %swap3A_26 = arith.constant 64 : index
    %swap3A_27 = tpu.vector_load %arg12[%swap3A_25, %swap3A_26] {strides = array<i32>} : memref<8x128xf32, #tpu.memory_space<vmem>>, vector<1x16xf32>,
    %swap3A_28 = vector.shape_cast %swap3A_27 : vector<1x16xf32> to vector<16xf32>
    %swap3A_29 = vector.shape_cast %broadcast_in_dim3A_0 : vector<16xf32> to vector<1x16xf32>
    tpu.vector_store %arg12[%swap3A_25, %swap3A_26], %swap3A_29 {strides = array<i32>} : memref<8x128xf32, #tpu.memory_space<vmem>>, vector<1x16xf32>,
    %swap3A_30 = arith.constant 0 : i32
    %swap3A_31 = arith.index_cast %swap3A_30 : i32 to index
    %swap3A_32 = arith.constant 80 : index
    %swap3A_33 = tpu.vector_load %arg12[%swap3A_31, %swap3A_32] {strides = array<i32>} : memref<8x128xf32, #tpu.memory_space<vmem>>, vector<1x16xf32>,
    %swap3A_34 = vector.shape_cast %swap3A_33 : vector<1x16xf32> to vector<16xf32>
    %swap3A_35 = vector.shape_cast %broadcast_in_dim3A_0 : vector<16xf32> to vector<1x16xf32>
    tpu.vector_store %arg12[%swap3A_31, %swap3A_32], %swap3A_35 {strides = array<i32>} : memref<8x128xf32, #tpu.memory_space<vmem>>, vector<1x16xf32>,
    %swap3A_36 = arith.constant 0 : i32
    %swap3A_37 = arith.index_cast %swap3A_36 : i32 to index
    %swap3A_38 = arith.constant 96 : index
    %swap3A_39 = tpu.vector_load %arg12[%swap3A_37, %swap3A_38] {strides = array<i32>} : memref<8x128xf32, #tpu.memory_space<vmem>>, vector<1x16xf32>,
    %swap3A_40 = vector.shape_cast %swap3A_39 : vector<1x16xf32> to vector<16xf32>
    %swap3A_41 = vector.shape_cast %broadcast_in_dim3A_0 : vector<16xf32> to vector<1x16xf32>
    tpu.vector_store %arg12[%swap3A_37, %swap3A_38], %swap3A_41 {strides = array<i32>} : memref<8x128xf32, #tpu.memory_space<vmem>>, vector<1x16xf32>,
    %swap3A_42 = arith.constant 0 : i32
    %swap3A_43 = arith.index_cast %swap3A_42 : i32 to index
    %swap3A_44 = arith.constant 112 : index
    %swap3A_45 = tpu.vector_load %arg12[%swap3A_43, %swap3A_44] {strides = array<i32>} : memref<8x128xf32, #tpu.memory_space<vmem>>, vector<1x16xf32>,
    %swap3A_46 = vector.shape_cast %swap3A_45 : vector<1x16xf32> to vector<16xf32>
    %swap3A_47 = vector.shape_cast %broadcast_in_dim3A_0 : vector<16xf32> to vector<1x16xf32>
    tpu.vector_store %arg12[%swap3A_43, %swap3A_44], %swap3A_47 {strides = array<i32>} : memref<8x128xf32, #tpu.memory_space<vmem>>, vector<1x16xf32>,
    %swap3A_48 = arith.constant 1 : i32
    %swap3A_49 = arith.index_cast %swap3A_48 : i32 to index
    %swap3A_50 = arith.constant 0 : index
    %swap3A_51 = tpu.vector_load %arg12[%swap3A_49, %swap3A_50] {strides = array<i32>} : memref<8x128xf32, #tpu.memory_space<vmem>>, vector<1x16xf32>,
    %swap3A_52 = vector.shape_cast %swap3A_51 : vector<1x16xf32> to vector<16xf32>
    %swap3A_53 = vector.shape_cast %broadcast_in_dim3A_0 : vector<16xf32> to vector<1x16xf32>
    tpu.vector_store %arg12[%swap3A_49, %swap3A_50], %swap3A_53 {strides = array<i32>} : memref<8x128xf32, #tpu.memory_space<vmem>>, vector<1x16xf32>,
    %swap3A_54 = arith.constant 1 : i32
    %swap3A_55 = arith.index_cast %swap3A_54 : i32 to index
    %swap3A_56 = arith.constant 16 : index
    %swap3A_57 = tpu.vector_load %arg12[%swap3A_55, %swap3A_56] {strides = array<i32>} : memref<8x128xf32, #tpu.memory_space<vmem>>, vector<1x16xf32>,
    %swap3A_58 = vector.shape_cast %swap3A_57 : vector<1x16xf32> to vector<16xf32>
    %swap3A_59 = vector.shape_cast %broadcast_in_dim3A_0 : vector<16xf32> to vector<1x16xf32>
    tpu.vector_store %arg12[%swap3A_55, %swap3A_56], %swap3A_59 {strides = array<i32>} : memref<8x128xf32, #tpu.memory_space<vmem>>, vector<1x16xf32>,
    %swap3A_60 = arith.constant 1 : i32
    %swap3A_61 = arith.index_cast %swap3A_60 : i32 to index
    %swap3A_62 = arith.constant 32 : index
    %swap3A_63 = tpu.vector_load %arg12[%swap3A_61, %swap3A_62] {strides = array<i32>} : memref<8x128xf32, #tpu.memory_space<vmem>>, vector<1x16xf32>,
    %swap3A_64 = vector.shape_cast %swap3A_63 : vector<1x16xf32> to vector<16xf32>
    %swap3A_65 = vector.shape_cast %broadcast_in_dim3A_0 : vector<16xf32> to vector<1x16xf32>
    tpu.vector_store %arg12[%swap3A_61, %swap3A_62], %swap3A_65 {strides = array<i32>} : memref<8x128xf32, #tpu.memory_space<vmem>>, vector<1x16xf32>,
    %swap3A_66 = arith.constant 1 : i32
    %swap3A_67 = arith.index_cast %swap3A_66 : i32 to index
    %swap3A_68 = arith.constant 48 : index
    %swap3A_69 = tpu.vector_load %arg12[%swap3A_67, %swap3A_68] {strides = array<i32>} : memref<8x128xf32, #tpu.memory_space<vmem>>, vector<1x16xf32>,
    %swap3A_70 = vector.shape_cast %swap3A_69 : vector<1x16xf32> to vector<16xf32>
    %swap3A_71 = vector.shape_cast %broadcast_in_dim3A_0 : vector<16xf32> to vector<1x16xf32>
    tpu.vector_store %arg12[%swap3A_67, %swap3A_68], %swap3A_71 {strides = array<i32>} : memref<8x128xf32, #tpu.memory_space<vmem>>, vector<1x16xf32>,
    %swap3A_72 = arith.constant 1 : i32
    %swap3A_73 = arith.index_cast %swap3A_72 : i32 to index
    %swap3A_74 = arith.constant 64 : index
    %swap3A_75 = tpu.vector_load %arg12[%swap3A_73, %swap3A_74] {strides = array<i32>} : memref<8x128xf32, #tpu.memory_space<vmem>>, vector<1x16xf32>,
    %swap3A_76 = vector.shape_cast %swap3A_75 : vector<1x16xf32> to vector<16xf32>
    %swap3A_77 = vector.shape_cast %broadcast_in_dim3A_0 : vector<16xf32> to vector<1x16xf32>
    tpu.vector_store %arg12[%swap3A_73, %swap3A_74], %swap3A_77 {strides = array<i32>} : memref<8x128xf32, #tpu.memory_space<vmem>>, vector<1x16xf32>,
    %swap3A_78 = arith.constant 1 : i32
    %swap3A_79 = arith.index_cast %swap3A_78 : i32 to index
    %swap3A_80 = arith.constant 80 : index
    %swap3A_81 = tpu.vector_load %arg12[%swap3A_79, %swap3A_80] {strides = array<i32>} : memref<8x128xf32, #tpu.memory_space<vmem>>, vector<1x16xf32>,
    %swap3A_82 = vector.shape_cast %swap3A_81 : vector<1x16xf32> to vector<16xf32>
    %swap3A_83 = vector.shape_cast %broadcast_in_dim3A_0 : vector<16xf32> to vector<1x16xf32>
    tpu.vector_store %arg12[%swap3A_79, %swap3A_80], %swap3A_83 {strides = array<i32>} : memref<8x128xf32, #tpu.memory_space<vmem>>, vector<1x16xf32>,
    %swap3A_84 = arith.constant 1 : i32
    %swap3A_85 = arith.index_cast %swap3A_84 : i32 to index
    %swap3A_86 = arith.constant 96 : index
    %swap3A_87 = tpu.vector_load %arg12[%swap3A_85, %swap3A_86] {strides = array<i32>} : memref<8x128xf32, #tpu.memory_space<vmem>>, vector<1x16xf32>,
    %swap3A_88 = vector.shape_cast %swap3A_87 : vector<1x16xf32> to vector<16xf32>
    %swap3A_89 = vector.shape_cast %broadcast_in_dim3A_0 : vector<16xf32> to vector<1x16xf32>
    tpu.vector_store %arg12[%swap3A_85, %swap3A_86], %swap3A_89 {strides = array<i32>} : memref<8x128xf32, #tpu.memory_space<vmem>>, vector<1x16xf32>,
    %swap3A_90 = arith.constant 1 : i32
    %swap3A_91 = arith.index_cast %swap3A_90 : i32 to index
    %swap3A_92 = arith.constant 112 : index
    %swap3A_93 = tpu.vector_load %arg12[%swap3A_91, %swap3A_92] {strides = array<i32>} : memref<8x128xf32, #tpu.memory_space<vmem>>, vector<1x16xf32>,
    %swap3A_94 = vector.shape_cast %swap3A_93 : vector<1x16xf32> to vector<16xf32>
    %swap3A_95 = vector.shape_cast %broadcast_in_dim3A_0 : vector<16xf32> to vector<1x16xf32>
    tpu.vector_store %arg12[%swap3A_91, %swap3A_92], %swap3A_95 {strides = array<i32>} : memref<8x128xf32, #tpu.memory_space<vmem>>, vector<1x16xf32>,
    %swap3A_96 = arith.constant 2 : i32
    %swap3A_97 = arith.index_cast %swap3A_96 : i32 to index
    %swap3A_98 = arith.constant 0 : index
    %swap3A_99 = tpu.vector_load %arg12[%swap3A_97, %swap3A_98] {strides = array<i32>} : memref<8x128xf32, #tpu.memory_space<vmem>>, vector<1x16xf32>,
    %swap3A_100 = vector.shape_cast %swap3A_99 : vector<1x16xf32> to vector<16xf32>
    %swap3A_101 = vector.shape_cast %broadcast_in_dim3A_0 : vector<16xf32> to vector<1x16xf32>
    tpu.vector_store %arg12[%swap3A_97, %swap3A_98], %swap3A_101 {strides = array<i32>} : memref<8x128xf32, #tpu.memory_space<vmem>>, vector<1x16xf32>,
    %swap3A_102 = arith.constant 2 : i32
    %swap3A_103 = arith.index_cast %swap3A_102 : i32 to index
    %swap3A_104 = arith.constant 16 : index
    %swap3A_105 = tpu.vector_load %arg12[%swap3A_103, %swap3A_104] {strides = array<i32>} : memref<8x128xf32, #tpu.memory_space<vmem>>, vector<1x16xf32>,
    %swap3A_106 = vector.shape_cast %swap3A_105 : vector<1x16xf32> to vector<16xf32>
    %swap3A_107 = vector.shape_cast %broadcast_in_dim3A_0 : vector<16xf32> to vector<1x16xf32>
    tpu.vector_store %arg12[%swap3A_103, %swap3A_104], %swap3A_107 {strides = array<i32>} : memref<8x128xf32, #tpu.memory_space<vmem>>, vector<1x16xf32>,
    %swap3A_108 = arith.constant 2 : i32
    %swap3A_109 = arith.index_cast %swap3A_108 : i32 to index
    %swap3A_110 = arith.constant 32 : index
    %swap3A_111 = tpu.vector_load %arg12[%swap3A_109, %swap3A_110] {strides = array<i32>} : memref<8x128xf32, #tpu.memory_space<vmem>>, vector<1x16xf32>,
    %swap3A_112 = vector.shape_cast %swap3A_111 : vector<1x16xf32> to vector<16xf32>
    %swap3A_113 = vector.shape_cast %broadcast_in_dim3A_0 : vector<16xf32> to vector<1x16xf32>
    tpu.vector_store %arg12[%swap3A_109, %swap3A_110], %swap3A_113 {strides = array<i32>} : memref<8x128xf32, #tpu.memory_space<vmem>>, vector<1x16xf32>,
    %swap3A_114 = arith.constant 2 : i32
    %swap3A_115 = arith.index_cast %swap3A_114 : i32 to index
    %swap3A_116 = arith.constant 48 : index
    %swap3A_117 = tpu.vector_load %arg12[%swap3A_115, %swap3A_116] {strides = array<i32>} : memref<8x128xf32, #tpu.memory_space<vmem>>, vector<1x16xf32>,
    %swap3A_118 = vector.shape_cast %swap3A_117 : vector<1x16xf32> to vector<16xf32>
    %swap3A_119 = vector.shape_cast %broadcast_in_dim3A_0 : vector<16xf32> to vector<1x16xf32>
    tpu.vector_store %arg12[%swap3A_115, %swap3A_116], %swap3A_119 {strides = array<i32>} : memref<8x128xf32, #tpu.memory_space<vmem>>, vector<1x16xf32>,
    %swap3A_120 = arith.constant 2 : i32
    %swap3A_121 = arith.index_cast %swap3A_120 : i32 to index
    %swap3A_122 = arith.constant 64 : index
    %swap3A_123 = tpu.vector_load %arg12[%swap3A_121, %swap3A_122] {strides = array<i32>} : memref<8x128xf32, #tpu.memory_space<vmem>>, vector<1x16xf32>,
    %swap3A_124 = vector.shape_cast %swap3A_123 : vector<1x16xf32> to vector<16xf32>
    %swap3A_125 = vector.shape_cast %broadcast_in_dim3A_0 : vector<16xf32> to vector<1x16xf32>
    tpu.vector_store %arg12[%swap3A_121, %swap3A_122], %swap3A_125 {strides = array<i32>} : memref<8x128xf32, #tpu.memory_space<vmem>>, vector<1x16xf32>,
    %swap3A_126 = arith.constant 2 : i32
    %swap3A_127 = arith.index_cast %swap3A_126 : i32 to index
    %swap3A_128 = arith.constant 80 : index
    %swap3A_129 = tpu.vector_load %arg12[%swap3A_127, %swap3A_128] {strides = array<i32>} : memref<8x128xf32, #tpu.memory_space<vmem>>, vector<1x16xf32>,
    %swap3A_130 = vector.shape_cast %swap3A_129 : vector<1x16xf32> to vector<16xf32>
    %swap3A_131 = vector.shape_cast %broadcast_in_dim3A_0 : vector<16xf32> to vector<1x16xf32>
    tpu.vector_store %arg12[%swap3A_127, %swap3A_128], %swap3A_131 {strides = array<i32>} : memref<8x128xf32, #tpu.memory_space<vmem>>, vector<1x16xf32>,
    %swap3A_132 = arith.constant 2 : i32
    %swap3A_133 = arith.index_cast %swap3A_132 : i32 to index
    %swap3A_134 = arith.constant 96 : index
    %swap3A_135 = tpu.vector_load %arg12[%swap3A_133, %swap3A_134] {strides = array<i32>} : memref<8x128xf32, #tpu.memory_space<vmem>>, vector<1x16xf32>,
    %swap3A_136 = vector.shape_cast %swap3A_135 : vector<1x16xf32> to vector<16xf32>
    %swap3A_137 = vector.shape_cast %broadcast_in_dim3A_0 : vector<16xf32> to vector<1x16xf32>
    tpu.vector_store %arg12[%swap3A_133, %swap3A_134], %swap3A_137 {strides = array<i32>} : memref<8x128xf32, #tpu.memory_space<vmem>>, vector<1x16xf32>,
    %swap3A_138 = arith.constant 2 : i32
    %swap3A_139 = arith.index_cast %swap3A_138 : i32 to index
    %swap3A_140 = arith.constant 112 : index
    %swap3A_141 = tpu.vector_load %arg12[%swap3A_139, %swap3A_140] {strides = array<i32>} : memref<8x128xf32, #tpu.memory_space<vmem>>, vector<1x16xf32>,
    %swap3A_142 = vector.shape_cast %swap3A_141 : vector<1x16xf32> to vector<16xf32>
    %swap3A_143 = vector.shape_cast %broadcast_in_dim3A_0 : vector<16xf32> to vector<1x16xf32>
    tpu.vector_store %arg12[%swap3A_139, %swap3A_140], %swap3A_143 {strides = array<i32>} : memref<8x128xf32, #tpu.memory_space<vmem>>, vector<1x16xf32>,
    %swap3A_144 = arith.constant 3 : i32
    %swap3A_145 = arith.index_cast %swap3A_144 : i32 to index
    %swap3A_146 = arith.constant 0 : index
    %swap3A_147 = tpu.vector_load %arg12[%swap3A_145, %swap3A_146] {strides = array<i32>} : memref<8x128xf32, #tpu.memory_space<vmem>>, vector<1x16xf32>,
    %swap3A_148 = vector.shape_cast %swap3A_147 : vector<1x16xf32> to vector<16xf32>
    %swap3A_149 = vector.shape_cast %broadcast_in_dim3A_0 : vector<16xf32> to vector<1x16xf32>
    tpu.vector_store %arg12[%swap3A_145, %swap3A_146], %swap3A_149 {strides = array<i32>} : memref<8x128xf32, #tpu.memory_space<vmem>>, vector<1x16xf32>,
    %swap3A_150 = arith.constant 3 : i32
    %swap3A_151 = arith.index_cast %swap3A_150 : i32 to index
    %swap3A_152 = arith.constant 16 : index
    %swap3A_153 = tpu.vector_load %arg12[%swap3A_151, %swap3A_152] {strides = array<i32>} : memref<8x128xf32, #tpu.memory_space<vmem>>, vector<1x16xf32>,
    %swap3A_154 = vector.shape_cast %swap3A_153 : vector<1x16xf32> to vector<16xf32>
    %swap3A_155 = vector.shape_cast %broadcast_in_dim3A_0 : vector<16xf32> to vector<1x16xf32>
    tpu.vector_store %arg12[%swap3A_151, %swap3A_152], %swap3A_155 {strides = array<i32>} : memref<8x128xf32, #tpu.memory_space<vmem>>, vector<1x16xf32>,
    %swap3A_156 = arith.constant 3 : i32
    %swap3A_157 = arith.index_cast %swap3A_156 : i32 to index
    %swap3A_158 = arith.constant 32 : index
    %swap3A_159 = tpu.vector_load %arg12[%swap3A_157, %swap3A_158] {strides = array<i32>} : memref<8x128xf32, #tpu.memory_space<vmem>>, vector<1x16xf32>,
    %swap3A_160 = vector.shape_cast %swap3A_159 : vector<1x16xf32> to vector<16xf32>
    %swap3A_161 = vector.shape_cast %broadcast_in_dim3A_0 : vector<16xf32> to vector<1x16xf32>
    tpu.vector_store %arg12[%swap3A_157, %swap3A_158], %swap3A_161 {strides = array<i32>} : memref<8x128xf32, #tpu.memory_space<vmem>>, vector<1x16xf32>,
    %swap3A_162 = arith.constant 3 : i32
    %swap3A_163 = arith.index_cast %swap3A_162 : i32 to index
    %swap3A_164 = arith.constant 48 : index
    %swap3A_165 = tpu.vector_load %arg12[%swap3A_163, %swap3A_164] {strides = array<i32>} : memref<8x128xf32, #tpu.memory_space<vmem>>, vector<1x16xf32>,
    %swap3A_166 = vector.shape_cast %swap3A_165 : vector<1x16xf32> to vector<16xf32>
    %swap3A_167 = vector.shape_cast %broadcast_in_dim3A_0 : vector<16xf32> to vector<1x16xf32>
    tpu.vector_store %arg12[%swap3A_163, %swap3A_164], %swap3A_167 {strides = array<i32>} : memref<8x128xf32, #tpu.memory_space<vmem>>, vector<1x16xf32>,
    %swap3A_168 = arith.constant 3 : i32
    %swap3A_169 = arith.index_cast %swap3A_168 : i32 to index
    %swap3A_170 = arith.constant 64 : index
    %swap3A_171 = tpu.vector_load %arg12[%swap3A_169, %swap3A_170] {strides = array<i32>} : memref<8x128xf32, #tpu.memory_space<vmem>>, vector<1x16xf32>,
    %swap3A_172 = vector.shape_cast %swap3A_171 : vector<1x16xf32> to vector<16xf32>
    %swap3A_173 = vector.shape_cast %broadcast_in_dim3A_0 : vector<16xf32> to vector<1x16xf32>
    tpu.vector_store %arg12[%swap3A_169, %swap3A_170], %swap3A_173 {strides = array<i32>} : memref<8x128xf32, #tpu.memory_space<vmem>>, vector<1x16xf32>,
    %swap3A_174 = arith.constant 3 : i32
    %swap3A_175 = arith.index_cast %swap3A_174 : i32 to index
    %swap3A_176 = arith.constant 80 : index
    %swap3A_177 = tpu.vector_load %arg12[%swap3A_175, %swap3A_176] {strides = array<i32>} : memref<8x128xf32, #tpu.memory_space<vmem>>, vector<1x16xf32>,
    %swap3A_178 = vector.shape_cast %swap3A_177 : vector<1x16xf32> to vector<16xf32>
    %swap3A_179 = vector.shape_cast %broadcast_in_dim3A_0 : vector<16xf32> to vector<1x16xf32>
    tpu.vector_store %arg12[%swap3A_175, %swap3A_176], %swap3A_179 {strides = array<i32>} : memref<8x128xf32, #tpu.memory_space<vmem>>, vector<1x16xf32>,
    %swap3A_180 = arith.constant 3 : i32
    %swap3A_181 = arith.index_cast %swap3A_180 : i32 to index
    %swap3A_182 = arith.constant 96 : index
    %swap3A_183 = tpu.vector_load %arg12[%swap3A_181, %swap3A_182] {strides = array<i32>} : memref<8x128xf32, #tpu.memory_space<vmem>>, vector<1x16xf32>,
    %swap3A_184 = vector.shape_cast %swap3A_183 : vector<1x16xf32> to vector<16xf32>
    %swap3A_185 = vector.shape_cast %broadcast_in_dim3A_0 : vector<16xf32> to vector<1x16xf32>
    tpu.vector_store %arg12[%swap3A_181, %swap3A_182], %swap3A_185 {strides = array<i32>} : memref<8x128xf32, #tpu.memory_space<vmem>>, vector<1x16xf32>,
    %swap3A_186 = arith.constant 3 : i32
    %swap3A_187 = arith.index_cast %swap3A_186 : i32 to index
    %swap3A_188 = arith.constant 112 : index
    %swap3A_189 = tpu.vector_load %arg12[%swap3A_187, %swap3A_188] {strides = array<i32>} : memref<8x128xf32, #tpu.memory_space<vmem>>, vector<1x16xf32>,
    %swap3A_190 = vector.shape_cast %swap3A_189 : vector<1x16xf32> to vector<16xf32>
    %swap3A_191 = vector.shape_cast %broadcast_in_dim3A_0 : vector<16xf32> to vector<1x16xf32>
    tpu.vector_store %arg12[%swap3A_187, %swap3A_188], %swap3A_191 {strides = array<i32>} : memref<8x128xf32, #tpu.memory_space<vmem>>, vector<1x16xf32>,
    %swap3A_192 = arith.constant 4 : i32
    %swap3A_193 = arith.index_cast %swap3A_192 : i32 to index
    %swap3A_194 = arith.constant 0 : index
    %swap3A_195 = tpu.vector_load %arg12[%swap3A_193, %swap3A_194] {strides = array<i32>} : memref<8x128xf32, #tpu.memory_space<vmem>>, vector<1x16xf32>,
    %swap3A_196 = vector.shape_cast %swap3A_195 : vector<1x16xf32> to vector<16xf32>
    %swap3A_197 = vector.shape_cast %broadcast_in_dim3A_0 : vector<16xf32> to vector<1x16xf32>
    tpu.vector_store %arg12[%swap3A_193, %swap3A_194], %swap3A_197 {strides = array<i32>} : memref<8x128xf32, #tpu.memory_space<vmem>>, vector<1x16xf32>,
    %swap3A_198 = arith.constant 4 : i32
    %swap3A_199 = arith.index_cast %swap3A_198 : i32 to index
    %swap3A_200 = arith.constant 16 : index
    %swap3A_201 = tpu.vector_load %arg12[%swap3A_199, %swap3A_200] {strides = array<i32>} : memref<8x128xf32, #tpu.memory_space<vmem>>, vector<1x16xf32>,
    %swap3A_202 = vector.shape_cast %swap3A_201 : vector<1x16xf32> to vector<16xf32>
    %swap3A_203 = vector.shape_cast %broadcast_in_dim3A_0 : vector<16xf32> to vector<1x16xf32>
    tpu.vector_store %arg12[%swap3A_199, %swap3A_200], %swap3A_203 {strides = array<i32>} : memref<8x128xf32, #tpu.memory_space<vmem>>, vector<1x16xf32>,
    %swap3A_204 = arith.constant 4 : i32
    %swap3A_205 = arith.index_cast %swap3A_204 : i32 to index
    %swap3A_206 = arith.constant 32 : index
    %swap3A_207 = tpu.vector_load %arg12[%swap3A_205, %swap3A_206] {strides = array<i32>} : memref<8x128xf32, #tpu.memory_space<vmem>>, vector<1x16xf32>,
    %swap3A_208 = vector.shape_cast %swap3A_207 : vector<1x16xf32> to vector<16xf32>
    %swap3A_209 = vector.shape_cast %broadcast_in_dim3A_0 : vector<16xf32> to vector<1x16xf32>
    tpu.vector_store %arg12[%swap3A_205, %swap3A_206], %swap3A_209 {strides = array<i32>} : memref<8x128xf32, #tpu.memory_space<vmem>>, vector<1x16xf32>,
    %swap3A_210 = arith.constant 4 : i32
    %swap3A_211 = arith.index_cast %swap3A_210 : i32 to index
    %swap3A_212 = arith.constant 48 : index
    %swap3A_213 = tpu.vector_load %arg12[%swap3A_211, %swap3A_212] {strides = array<i32>} : memref<8x128xf32, #tpu.memory_space<vmem>>, vector<1x16xf32>,
    %swap3A_214 = vector.shape_cast %swap3A_213 : vector<1x16xf32> to vector<16xf32>
    %swap3A_215 = vector.shape_cast %broadcast_in_dim3A_0 : vector<16xf32> to vector<1x16xf32>
    tpu.vector_store %arg12[%swap3A_211, %swap3A_212], %swap3A_215 {strides = array<i32>} : memref<8x128xf32, #tpu.memory_space<vmem>>, vector<1x16xf32>,
    %swap3A_216 = arith.constant 4 : i32
    %swap3A_217 = arith.index_cast %swap3A_216 : i32 to index
    %swap3A_218 = arith.constant 64 : index
    %swap3A_219 = tpu.vector_load %arg12[%swap3A_217, %swap3A_218] {strides = array<i32>} : memref<8x128xf32, #tpu.memory_space<vmem>>, vector<1x16xf32>,
    %swap3A_220 = vector.shape_cast %swap3A_219 : vector<1x16xf32> to vector<16xf32>
    %swap3A_221 = vector.shape_cast %broadcast_in_dim3A_0 : vector<16xf32> to vector<1x16xf32>
    tpu.vector_store %arg12[%swap3A_217, %swap3A_218], %swap3A_221 {strides = array<i32>} : memref<8x128xf32, #tpu.memory_space<vmem>>, vector<1x16xf32>,
    %swap3A_222 = arith.constant 4 : i32
    %swap3A_223 = arith.index_cast %swap3A_222 : i32 to index
    %swap3A_224 = arith.constant 80 : index
    %swap3A_225 = tpu.vector_load %arg12[%swap3A_223, %swap3A_224] {strides = array<i32>} : memref<8x128xf32, #tpu.memory_space<vmem>>, vector<1x16xf32>,
    %swap3A_226 = vector.shape_cast %swap3A_225 : vector<1x16xf32> to vector<16xf32>
    %swap3A_227 = vector.shape_cast %broadcast_in_dim3A_0 : vector<16xf32> to vector<1x16xf32>
    tpu.vector_store %arg12[%swap3A_223, %swap3A_224], %swap3A_227 {strides = array<i32>} : memref<8x128xf32, #tpu.memory_space<vmem>>, vector<1x16xf32>,
    %swap3A_228 = arith.constant 4 : i32
    %swap3A_229 = arith.index_cast %swap3A_228 : i32 to index
    %swap3A_230 = arith.constant 96 : index
    %swap3A_231 = tpu.vector_load %arg12[%swap3A_229, %swap3A_230] {strides = array<i32>} : memref<8x128xf32, #tpu.memory_space<vmem>>, vector<1x16xf32>,
    %swap3A_232 = vector.shape_cast %swap3A_231 : vector<1x16xf32> to vector<16xf32>
    %swap3A_233 = vector.shape_cast %broadcast_in_dim3A_0 : vector<16xf32> to vector<1x16xf32>
    tpu.vector_store %arg12[%swap3A_229, %swap3A_230], %swap3A_233 {strides = array<i32>} : memref<8x128xf32, #tpu.memory_space<vmem>>, vector<1x16xf32>,
    %swap3A_234 = arith.constant 4 : i32
    %swap3A_235 = arith.index_cast %swap3A_234 : i32 to index
    %swap3A_236 = arith.constant 112 : index
    %swap3A_237 = tpu.vector_load %arg12[%swap3A_235, %swap3A_236] {strides = array<i32>} : memref<8x128xf32, #tpu.memory_space<vmem>>, vector<1x16xf32>,
    %swap3A_238 = vector.shape_cast %swap3A_237 : vector<1x16xf32> to vector<16xf32>
    %swap3A_239 = vector.shape_cast %broadcast_in_dim3A_0 : vector<16xf32> to vector<1x16xf32>
    tpu.vector_store %arg12[%swap3A_235, %swap3A_236], %swap3A_239 {strides = array<i32>} : memref<8x128xf32, #tpu.memory_space<vmem>>, vector<1x16xf32>,
    %swap3A_240 = arith.constant 5 : i32
    %swap3A_241 = arith.index_cast %swap3A_240 : i32 to index
    %swap3A_242 = arith.constant 0 : index
    %swap3A_243 = tpu.vector_load %arg12[%swap3A_241, %swap3A_242] {strides = array<i32>} : memref<8x128xf32, #tpu.memory_space<vmem>>, vector<1x16xf32>,
    %swap3A_244 = vector.shape_cast %swap3A_243 : vector<1x16xf32> to vector<16xf32>
    %swap3A_245 = vector.shape_cast %broadcast_in_dim3A_0 : vector<16xf32> to vector<1x16xf32>
    tpu.vector_store %arg12[%swap3A_241, %swap3A_242], %swap3A_245 {strides = array<i32>} : memref<8x128xf32, #tpu.memory_space<vmem>>, vector<1x16xf32>,
    %swap3A_246 = arith.constant 5 : i32
    %swap3A_247 = arith.index_cast %swap3A_246 : i32 to index
    %swap3A_248 = arith.constant 16 : index
    %swap3A_249 = tpu.vector_load %arg12[%swap3A_247, %swap3A_248] {strides = array<i32>} : memref<8x128xf32, #tpu.memory_space<vmem>>, vector<1x16xf32>,
    %swap3A_250 = vector.shape_cast %swap3A_249 : vector<1x16xf32> to vector<16xf32>
    %swap3A_251 = vector.shape_cast %broadcast_in_dim3A_0 : vector<16xf32> to vector<1x16xf32>
    tpu.vector_store %arg12[%swap3A_247, %swap3A_248], %swap3A_251 {strides = array<i32>} : memref<8x128xf32, #tpu.memory_space<vmem>>, vector<1x16xf32>,
    %swap3A_252 = arith.constant 5 : i32
    %swap3A_253 = arith.index_cast %swap3A_252 : i32 to index
    %swap3A_254 = arith.constant 32 : index
    %swap3A_255 = tpu.vector_load %arg12[%swap3A_253, %swap3A_254] {strides = array<i32>} : memref<8x128xf32, #tpu.memory_space<vmem>>, vector<1x16xf32>,
    %swap3A_256 = vector.shape_cast %swap3A_255 : vector<1x16xf32> to vector<16xf32>
    %swap3A_257 = vector.shape_cast %broadcast_in_dim3A_0 : vector<16xf32> to vector<1x16xf32>
    tpu.vector_store %arg12[%swap3A_253, %swap3A_254], %swap3A_257 {strides = array<i32>} : memref<8x128xf32, #tpu.memory_space<vmem>>, vector<1x16xf32>,
    %swap3A_258 = arith.constant 5 : i32
    %swap3A_259 = arith.index_cast %swap3A_258 : i32 to index
    %swap3A_260 = arith.constant 48 : index
    %swap3A_261 = tpu.vector_load %arg12[%swap3A_259, %swap3A_260] {strides = array<i32>} : memref<8x128xf32, #tpu.memory_space<vmem>>, vector<1x16xf32>,
    %swap3A_262 = vector.shape_cast %swap3A_261 : vector<1x16xf32> to vector<16xf32>
    %swap3A_263 = vector.shape_cast %broadcast_in_dim3A_0 : vector<16xf32> to vector<1x16xf32>
    tpu.vector_store %arg12[%swap3A_259, %swap3A_260], %swap3A_263 {strides = array<i32>} : memref<8x128xf32, #tpu.memory_space<vmem>>, vector<1x16xf32>,
    %swap3A_264 = arith.constant 5 : i32
    %swap3A_265 = arith.index_cast %swap3A_264 : i32 to index
    %swap3A_266 = arith.constant 64 : index
    %swap3A_267 = tpu.vector_load %arg12[%swap3A_265, %swap3A_266] {strides = array<i32>} : memref<8x128xf32, #tpu.memory_space<vmem>>, vector<1x16xf32>,
    %swap3A_268 = vector.shape_cast %swap3A_267 : vector<1x16xf32> to vector<16xf32>
    %swap3A_269 = vector.shape_cast %broadcast_in_dim3A_0 : vector<16xf32> to vector<1x16xf32>
    tpu.vector_store %arg12[%swap3A_265, %swap3A_266], %swap3A_269 {strides = array<i32>} : memref<8x128xf32, #tpu.memory_space<vmem>>, vector<1x16xf32>,
    %swap3A_270 = arith.constant 5 : i32
    %swap3A_271 = arith.index_cast %swap3A_270 : i32 to index
    %swap3A_272 = arith.constant 80 : index
    %swap3A_273 = tpu.vector_load %arg12[%swap3A_271, %swap3A_272] {strides = array<i32>} : memref<8x128xf32, #tpu.memory_space<vmem>>, vector<1x16xf32>,
    %swap3A_274 = vector.shape_cast %swap3A_273 : vector<1x16xf32> to vector<16xf32>
    %swap3A_275 = vector.shape_cast %broadcast_in_dim3A_0 : vector<16xf32> to vector<1x16xf32>
    tpu.vector_store %arg12[%swap3A_271, %swap3A_272], %swap3A_275 {strides = array<i32>} : memref<8x128xf32, #tpu.memory_space<vmem>>, vector<1x16xf32>,
    %swap3A_276 = arith.constant 5 : i32
    %swap3A_277 = arith.index_cast %swap3A_276 : i32 to index
    %swap3A_278 = arith.constant 96 : index
    %swap3A_279 = tpu.vector_load %arg12[%swap3A_277, %swap3A_278] {strides = array<i32>} : memref<8x128xf32, #tpu.memory_space<vmem>>, vector<1x16xf32>,
    %swap3A_280 = vector.shape_cast %swap3A_279 : vector<1x16xf32> to vector<16xf32>
    %swap3A_281 = vector.shape_cast %broadcast_in_dim3A_0 : vector<16xf32> to vector<1x16xf32>
    tpu.vector_store %arg12[%swap3A_277, %swap3A_278], %swap3A_281 {strides = array<i32>} : memref<8x128xf32, #tpu.memory_space<vmem>>, vector<1x16xf32>,
    %swap3A_282 = arith.constant 5 : i32
    %swap3A_283 = arith.index_cast %swap3A_282 : i32 to index
    %swap3A_284 = arith.constant 112 : index
    %swap3A_285 = tpu.vector_load %arg12[%swap3A_283, %swap3A_284] {strides = array<i32>} : memref<8x128xf32, #tpu.memory_space<vmem>>, vector<1x16xf32>,
    %swap3A_286 = vector.shape_cast %swap3A_285 : vector<1x16xf32> to vector<16xf32>
    %swap3A_287 = vector.shape_cast %broadcast_in_dim3A_0 : vector<16xf32> to vector<1x16xf32>
    tpu.vector_store %arg12[%swap3A_283, %swap3A_284], %swap3A_287 {strides = array<i32>} : memref<8x128xf32, #tpu.memory_space<vmem>>, vector<1x16xf32>,
    %swap3A_288 = arith.constant 6 : i32
    %swap3A_289 = arith.index_cast %swap3A_288 : i32 to index
    %swap3A_290 = arith.constant 0 : index
    %swap3A_291 = tpu.vector_load %arg12[%swap3A_289, %swap3A_290] {strides = array<i32>} : memref<8x128xf32, #tpu.memory_space<vmem>>, vector<1x16xf32>,
    %swap3A_292 = vector.shape_cast %swap3A_291 : vector<1x16xf32> to vector<16xf32>
    %swap3A_293 = vector.shape_cast %broadcast_in_dim3A_0 : vector<16xf32> to vector<1x16xf32>
    tpu.vector_store %arg12[%swap3A_289, %swap3A_290], %swap3A_293 {strides = array<i32>} : memref<8x128xf32, #tpu.memory_space<vmem>>, vector<1x16xf32>,
    %swap3A_294 = arith.constant 6 : i32
    %swap3A_295 = arith.index_cast %swap3A_294 : i32 to index
    %swap3A_296 = arith.constant 16 : index
    %swap3A_297 = tpu.vector_load %arg12[%swap3A_295, %swap3A_296] {strides = array<i32>} : memref<8x128xf32, #tpu.memory_space<vmem>>, vector<1x16xf32>,
    %swap3A_298 = vector.shape_cast %swap3A_297 : vector<1x16xf32> to vector<16xf32>
    %swap3A_299 = vector.shape_cast %broadcast_in_dim3A_0 : vector<16xf32> to vector<1x16xf32>
    tpu.vector_store %arg12[%swap3A_295, %swap3A_296], %swap3A_299 {strides = array<i32>} : memref<8x128xf32, #tpu.memory_space<vmem>>, vector<1x16xf32>,
    %swap3A_300 = arith.constant 6 : i32
    %swap3A_301 = arith.index_cast %swap3A_300 : i32 to index
    %swap3A_302 = arith.constant 32 : index
    %swap3A_303 = tpu.vector_load %arg12[%swap3A_301, %swap3A_302] {strides = array<i32>} : memref<8x128xf32, #tpu.memory_space<vmem>>, vector<1x16xf32>,
    %swap3A_304 = vector.shape_cast %swap3A_303 : vector<1x16xf32> to vector<16xf32>
    %swap3A_305 = vector.shape_cast %broadcast_in_dim3A_0 : vector<16xf32> to vector<1x16xf32>
    tpu.vector_store %arg12[%swap3A_301, %swap3A_302], %swap3A_305 {strides = array<i32>} : memref<8x128xf32, #tpu.memory_space<vmem>>, vector<1x16xf32>,
    %swap3A_306 = arith.constant 6 : i32
    %swap3A_307 = arith.index_cast %swap3A_306 : i32 to index
    %swap3A_308 = arith.constant 48 : index
    %swap3A_309 = tpu.vector_load %arg12[%swap3A_307, %swap3A_308] {strides = array<i32>} : memref<8x128xf32, #tpu.memory_space<vmem>>, vector<1x16xf32>,
    %swap3A_310 = vector.shape_cast %swap3A_309 : vector<1x16xf32> to vector<16xf32>
    %swap3A_311 = vector.shape_cast %broadcast_in_dim3A_0 : vector<16xf32> to vector<1x16xf32>
    tpu.vector_store %arg12[%swap3A_307, %swap3A_308], %swap3A_311 {strides = array<i32>} : memref<8x128xf32, #tpu.memory_space<vmem>>, vector<1x16xf32>,
    %swap3A_312 = arith.constant 6 : i32
    %swap3A_313 = arith.index_cast %swap3A_312 : i32 to index
    %swap3A_314 = arith.constant 64 : index
    %swap3A_315 = tpu.vector_load %arg12[%swap3A_313, %swap3A_314] {strides = array<i32>} : memref<8x128xf32, #tpu.memory_space<vmem>>, vector<1x16xf32>,
    %swap3A_316 = vector.shape_cast %swap3A_315 : vector<1x16xf32> to vector<16xf32>
    %swap3A_317 = vector.shape_cast %broadcast_in_dim3A_0 : vector<16xf32> to vector<1x16xf32>
    tpu.vector_store %arg12[%swap3A_313, %swap3A_314], %swap3A_317 {strides = array<i32>} : memref<8x128xf32, #tpu.memory_space<vmem>>, vector<1x16xf32>,
    %swap3A_318 = arith.constant 6 : i32
    %swap3A_319 = arith.index_cast %swap3A_318 : i32 to index
    %swap3A_320 = arith.constant 80 : index
    %swap3A_321 = tpu.vector_load %arg12[%swap3A_319, %swap3A_320] {strides = array<i32>} : memref<8x128xf32, #tpu.memory_space<vmem>>, vector<1x16xf32>,
    %swap3A_322 = vector.shape_cast %swap3A_321 : vector<1x16xf32> to vector<16xf32>
    %swap3A_323 = vector.shape_cast %broadcast_in_dim3A_0 : vector<16xf32> to vector<1x16xf32>
    tpu.vector_store %arg12[%swap3A_319, %swap3A_320], %swap3A_323 {strides = array<i32>} : memref<8x128xf32, #tpu.memory_space<vmem>>, vector<1x16xf32>,
    %swap3A_324 = arith.constant 6 : i32
    %swap3A_325 = arith.index_cast %swap3A_324 : i32 to index
    %swap3A_326 = arith.constant 96 : index
    %swap3A_327 = tpu.vector_load %arg12[%swap3A_325, %swap3A_326] {strides = array<i32>} : memref<8x128xf32, #tpu.memory_space<vmem>>, vector<1x16xf32>,
    %swap3A_328 = vector.shape_cast %swap3A_327 : vector<1x16xf32> to vector<16xf32>
    %swap3A_329 = vector.shape_cast %broadcast_in_dim3A_0 : vector<16xf32> to vector<1x16xf32>
    tpu.vector_store %arg12[%swap3A_325, %swap3A_326], %swap3A_329 {strides = array<i32>} : memref<8x128xf32, #tpu.memory_space<vmem>>, vector<1x16xf32>,
    %swap3A_330 = arith.constant 6 : i32
    %swap3A_331 = arith.index_cast %swap3A_330 : i32 to index
    %swap3A_332 = arith.constant 112 : index
    %swap3A_333 = tpu.vector_load %arg12[%swap3A_331, %swap3A_332] {strides = array<i32>} : memref<8x128xf32, #tpu.memory_space<vmem>>, vector<1x16xf32>,
    %swap3A_334 = vector.shape_cast %swap3A_333 : vector<1x16xf32> to vector<16xf32>
    %swap3A_335 = vector.shape_cast %broadcast_in_dim3A_0 : vector<16xf32> to vector<1x16xf32>
    tpu.vector_store %arg12[%swap3A_331, %swap3A_332], %swap3A_335 {strides = array<i32>} : memref<8x128xf32, #tpu.memory_space<vmem>>, vector<1x16xf32>,
    %swap3A_336 = arith.constant 7 : i32
    %swap3A_337 = arith.index_cast %swap3A_336 : i32 to index
    %swap3A_338 = arith.constant 0 : index
    %swap3A_339 = tpu.vector_load %arg12[%swap3A_337, %swap3A_338] {strides = array<i32>} : memref<8x128xf32, #tpu.memory_space<vmem>>, vector<1x16xf32>,
    %swap3A_340 = vector.shape_cast %swap3A_339 : vector<1x16xf32> to vector<16xf32>
    %swap3A_341 = vector.shape_cast %broadcast_in_dim3A_0 : vector<16xf32> to vector<1x16xf32>
    tpu.vector_store %arg12[%swap3A_337, %swap3A_338], %swap3A_341 {strides = array<i32>} : memref<8x128xf32, #tpu.memory_space<vmem>>, vector<1x16xf32>,
    %swap3A_342 = arith.constant 7 : i32
    %swap3A_343 = arith.index_cast %swap3A_342 : i32 to index
    %swap3A_344 = arith.constant 16 : index
    %swap3A_345 = tpu.vector_load %arg12[%swap3A_343, %swap3A_344] {strides = array<i32>} : memref<8x128xf32, #tpu.memory_space<vmem>>, vector<1x16xf32>,
    %swap3A_346 = vector.shape_cast %swap3A_345 : vector<1x16xf32> to vector<16xf32>
    %swap3A_347 = vector.shape_cast %broadcast_in_dim3A_0 : vector<16xf32> to vector<1x16xf32>
    tpu.vector_store %arg12[%swap3A_343, %swap3A_344], %swap3A_347 {strides = array<i32>} : memref<8x128xf32, #tpu.memory_space<vmem>>, vector<1x16xf32>,
    %swap3A_348 = arith.constant 7 : i32
    %swap3A_349 = arith.index_cast %swap3A_348 : i32 to index
    %swap3A_350 = arith.constant 32 : index
    %swap3A_351 = tpu.vector_load %arg12[%swap3A_349, %swap3A_350] {strides = array<i32>} : memref<8x128xf32, #tpu.memory_space<vmem>>, vector<1x16xf32>,
    %swap3A_352 = vector.shape_cast %swap3A_351 : vector<1x16xf32> to vector<16xf32>
    %swap3A_353 = vector.shape_cast %broadcast_in_dim3A_0 : vector<16xf32> to vector<1x16xf32>
    tpu.vector_store %arg12[%swap3A_349, %swap3A_350], %swap3A_353 {strides = array<i32>} : memref<8x128xf32, #tpu.memory_space<vmem>>, vector<1x16xf32>,
    %swap3A_354 = arith.constant 7 : i32
    %swap3A_355 = arith.index_cast %swap3A_354 : i32 to index
    %swap3A_356 = arith.constant 48 : index
    %swap3A_357 = tpu.vector_load %arg12[%swap3A_355, %swap3A_356] {strides = array<i32>} : memref<8x128xf32, #tpu.memory_space<vmem>>, vector<1x16xf32>,
    %swap3A_358 = vector.shape_cast %swap3A_357 : vector<1x16xf32> to vector<16xf32>
    %swap3A_359 = vector.shape_cast %broadcast_in_dim3A_0 : vector<16xf32> to vector<1x16xf32>
    tpu.vector_store %arg12[%swap3A_355, %swap3A_356], %swap3A_359 {strides = array<i32>} : memref<8x128xf32, #tpu.memory_space<vmem>>, vector<1x16xf32>,
    %swap3A_360 = arith.constant 7 : i32
    %swap3A_361 = arith.index_cast %swap3A_360 : i32 to index
    %swap3A_362 = arith.constant 64 : index
    %swap3A_363 = tpu.vector_load %arg12[%swap3A_361, %swap3A_362] {strides = array<i32>} : memref<8x128xf32, #tpu.memory_space<vmem>>, vector<1x16xf32>,
    %swap3A_364 = vector.shape_cast %swap3A_363 : vector<1x16xf32> to vector<16xf32>
    %swap3A_365 = vector.shape_cast %broadcast_in_dim3A_0 : vector<16xf32> to vector<1x16xf32>
    tpu.vector_store %arg12[%swap3A_361, %swap3A_362], %swap3A_365 {strides = array<i32>} : memref<8x128xf32, #tpu.memory_space<vmem>>, vector<1x16xf32>,
    %swap3A_366 = arith.constant 7 : i32
    %swap3A_367 = arith.index_cast %swap3A_366 : i32 to index
    %swap3A_368 = arith.constant 80 : index
    %swap3A_369 = tpu.vector_load %arg12[%swap3A_367, %swap3A_368] {strides = array<i32>} : memref<8x128xf32, #tpu.memory_space<vmem>>, vector<1x16xf32>,
    %swap3A_370 = vector.shape_cast %swap3A_369 : vector<1x16xf32> to vector<16xf32>
    %swap3A_371 = vector.shape_cast %broadcast_in_dim3A_0 : vector<16xf32> to vector<1x16xf32>
    tpu.vector_store %arg12[%swap3A_367, %swap3A_368], %swap3A_371 {strides = array<i32>} : memref<8x128xf32, #tpu.memory_space<vmem>>, vector<1x16xf32>,
    %swap3A_372 = arith.constant 7 : i32
    %swap3A_373 = arith.index_cast %swap3A_372 : i32 to index
    %swap3A_374 = arith.constant 96 : index
    %swap3A_375 = tpu.vector_load %arg12[%swap3A_373, %swap3A_374] {strides = array<i32>} : memref<8x128xf32, #tpu.memory_space<vmem>>, vector<1x16xf32>,
    %swap3A_376 = vector.shape_cast %swap3A_375 : vector<1x16xf32> to vector<16xf32>
    %swap3A_377 = vector.shape_cast %broadcast_in_dim3A_0 : vector<16xf32> to vector<1x16xf32>
    tpu.vector_store %arg12[%swap3A_373, %swap3A_374], %swap3A_377 {strides = array<i32>} : memref<8x128xf32, #tpu.memory_space<vmem>>, vector<1x16xf32>,
    %swap3A_378 = arith.constant 7 : i32
    %swap3A_379 = arith.index_cast %swap3A_378 : i32 to index
    %swap3A_380 = arith.constant 112 : index
    %swap3A_381 = tpu.vector_load %arg12[%swap3A_379, %swap3A_380] {strides = array<i32>} : memref<8x128xf32, #tpu.memory_space<vmem>>, vector<1x16xf32>,
    %swap3A_382 = vector.shape_cast %swap3A_381 : vector<1x16xf32> to vector<16xf32>
    %swap3A_383 = vector.shape_cast %broadcast_in_dim3A_0 : vector<16xf32> to vector<1x16xf32>
    tpu.vector_store %arg12[%swap3A_379, %swap3A_380], %swap3A_383 {strides = array<i32>} : memref<8x128xf32, #tpu.memory_space<vmem>>, vector<1x16xf32>,
    %mul3A = arith.constant 632 : i32
    %mul3A_384 = arith.muli %arg1, %mul3A : i32
    %min3A = arith.constant 9448 : i32
    %min3A_385 = arith.minsi %mul3A_384, %min3A : i32
    %scan3A = arith.constant 0 : i32
    %scan3A_386 = arith.constant 0 : i32
    %scan3A_387 = arith.constant 79 : i32
    %scan3A_388 = arith.addi %scan3A_386, %scan3A_387 : i32
    %scan3A_389 = arith.constant 1 : i32
    scf.for %scan3A_402 = %scan3A_386 to %scan3A_388 step %scan3A_389  : i32 {
      %mul3A_403 = arith.constant 8 : i32
      %mul3A_404 = arith.muli %scan3A_402, %mul3A_403 : i32
      %add3A = arith.addi %min3A_385, %mul3A_404 : i32
      "tpu.region"() ({
        %run_scoped3A = tpu.sem_alloc : memref<!tpu.dma_semaphore, #tpu.memory_space<semaphore_mem>>
        %dma_start3A = arith.constant 0 : i32
        %dma_start3A_405 = tpu.memref_slice %arg13[%add3A, %dma_start3A] : memref<10080x128xf32, #tpu.memory_space<vmem_shared>> -> memref<8x128xf32, #tpu.memory_space<vmem_shared>>
        %dma_start3A_406 = arith.constant 0 : i32
        %dma_start3A_407 = tpu.memref_slice %arg13[%add3A, %dma_start3A_406] : memref<10080x128xf32, #tpu.memory_space<vmem_shared>> -> memref<8x128xf32, #tpu.memory_space<vmem_shared>>
        tpu.enqueue_dma source(%arg12 : memref<8x128xf32, #tpu.memory_space<vmem>>) target(%dma_start3A_407 : memref<8x128xf32, #tpu.memory_space<vmem_shared>>) target_semaphore(%run_scoped3A : memref<!tpu.dma_semaphore, #tpu.memory_space<semaphore_mem>>)
        %dma_wait3A = arith.constant 0 : i32
        %dma_wait3A_408 = tpu.memref_slice %arg13[%add3A, %dma_wait3A] : memref<10080x128xf32, #tpu.memory_space<vmem_shared>> -> memref<8x128xf32, #tpu.memory_space<vmem_shared>>
        %dma_wait3A_409 = arith.constant 0 : i32
        %dma_wait3A_410 = tpu.memref_slice %arg13[%add3A, %dma_wait3A_409] : memref<10080x128xf32, #tpu.memory_space<vmem_shared>> -> memref<8x128xf32, #tpu.memory_space<vmem_shared>>
        tpu.wait_dma2 semaphore(%run_scoped3A : memref<!tpu.dma_semaphore, #tpu.memory_space<semaphore_mem>>) src(%arg12 : memref<8x128xf32, #tpu.memory_space<vmem>>) dst(%dma_wait3A_410 : memref<8x128xf32, #tpu.memory_space<vmem_shared>>)
        tpu.yield
      }) : () -> ()
    }
    %scan3A_390 = arith.constant 79 : i32
    %barrier3A = arith.constant 0 : index
    tpu.barrier barrier_id(%barrier3A)
    %mul3A_391 = arith.constant 160 : i32
    %mul3A_392 = arith.muli %arg1, %mul3A_391 : i32
    %mul3A_393 = arith.constant 128 : i32
    %mul3A_394 = arith.muli %mul3A_392, %mul3A_393 : i32
    %scan3A_395 = arith.constant 0 : i32
    %scan3A_396 = arith.constant 0 : i32
    %scan3A_397 = arith.constant 80 : i32
    %scan3A_398 = arith.addi %scan3A_396, %scan3A_397 : i32
    %scan3A_399 = arith.constant 1 : i32
    scf.for %scan3A_402 = %scan3A_396 to %scan3A_398 step %scan3A_399  : i32 {
      %mul3A_403 = arith.constant 2 : i32
      %mul3A_404 = arith.muli %mul3A_403, %scan3A_402 : i32
      %mul3A_405 = arith.constant 128 : i32
      %mul3A_406 = arith.muli %mul3A_404, %mul3A_405 : i32
      %add3A = arith.addi %mul3A_394, %mul3A_406 : i32
      "tpu.region"() ({
        %run_scoped3A = tpu.sem_alloc : memref<!tpu.dma_semaphore, #tpu.memory_space<semaphore_mem>>
        %dma_start3A_437 = tpu.memref_slice %arg2[%add3A] : memref<327680xi32, #tpu.memory_space<hbm>> -> memref<128xi32, #tpu.memory_space<hbm>>
        %dma_start3A_438 = tpu.memref_slice %arg2[%add3A] : memref<327680xi32, #tpu.memory_space<hbm>> -> memref<128xi32, #tpu.memory_space<hbm>>
        tpu.enqueue_dma source(%dma_start3A_438 : memref<128xi32, #tpu.memory_space<hbm>>) target(%arg6 : memref<128xi32, #tpu.memory_space<vmem>>) target_semaphore(%run_scoped3A : memref<!tpu.dma_semaphore, #tpu.memory_space<semaphore_mem>>)
        %dma_wait3A_439 = tpu.memref_slice %arg2[%add3A] : memref<327680xi32, #tpu.memory_space<hbm>> -> memref<128xi32, #tpu.memory_space<hbm>>
        %dma_wait3A_440 = tpu.memref_slice %arg2[%add3A] : memref<327680xi32, #tpu.memory_space<hbm>> -> memref<128xi32, #tpu.memory_space<hbm>>
        tpu.wait_dma2 semaphore(%run_scoped3A : memref<!tpu.dma_semaphore, #tpu.memory_space<semaphore_mem>>) src(%dma_wait3A_440 : memref<128xi32, #tpu.memory_space<hbm>>) dst(%arg6 : memref<128xi32, #tpu.memory_space<vmem>>)
        tpu.yield
      }) : () -> ()
      %dma_start3A = arith.constant 0 : i32
      %dma_start3A_407 = arith.constant 0 : i32
      %dma_start3A_408 = tpu.memref_slice %arg4[%arg0, %dma_start3A, %dma_start3A_407] : memref<2x10080x128xf32, #tpu.memory_space<hbm>> -> memref<1x10080x128xf32, #tpu.memory_space<hbm>>
      %dma_start3A_409 = tpu.memref_squeeze %dma_start3A_408 : memref<1x10080x128xf32, #tpu.memory_space<hbm>> -> memref<10080x128xf32, #tpu.memory_space<hbm>>
      %dma_start3A_410 = arith.constant 0 : i32
      %dma_start3A_411 = arith.constant 0 : i32
      %dma_start3A_412 = tpu.memref_slice %dma_start3A_409[%dma_start3A_410, %dma_start3A_411] : memref<10080x128xf32, #tpu.memory_space<hbm>> -> memref<10080x128xf32, #tpu.memory_space<hbm>>
      tpu.enqueue_indirect_dma source(%dma_start3A_412 : memref<10080x128xf32, #tpu.memory_space<hbm>>) target(%arg10 : memref<128x128xf32, #tpu.memory_space<vmem>>) offsets(%arg6 : memref<128xi32, #tpu.memory_space<vmem>>) semaphore(%arg14 : memref<!tpu.dma_semaphore, #tpu.memory_space<semaphore_mem>>)
      %add3A_413 = arith.constant 128 : i32
      %add3A_414 = arith.addi %add3A, %add3A_413 : i32
      "tpu.region"() ({
        %run_scoped3A = tpu.sem_alloc : memref<!tpu.dma_semaphore, #tpu.memory_space<semaphore_mem>>
        %dma_start3A_437 = tpu.memref_slice %arg2[%add3A_414] : memref<327680xi32, #tpu.memory_space<hbm>> -> memref<128xi32, #tpu.memory_space<hbm>>
        %dma_start3A_438 = tpu.memref_slice %arg2[%add3A_414] : memref<327680xi32, #tpu.memory_space<hbm>> -> memref<128xi32, #tpu.memory_space<hbm>>
        tpu.enqueue_dma source(%dma_start3A_438 : memref<128xi32, #tpu.memory_space<hbm>>) target(%arg8 : memref<128xi32, #tpu.memory_space<vmem>>) target_semaphore(%run_scoped3A : memref<!tpu.dma_semaphore, #tpu.memory_space<semaphore_mem>>)
        %dma_wait3A_439 = tpu.memref_slice %arg2[%add3A_414] : memref<327680xi32, #tpu.memory_space<hbm>> -> memref<128xi32, #tpu.memory_space<hbm>>
        %dma_wait3A_440 = tpu.memref_slice %arg2[%add3A_414] : memref<327680xi32, #tpu.memory_space<hbm>> -> memref<128xi32, #tpu.memory_space<hbm>>
        tpu.wait_dma2 semaphore(%run_scoped3A : memref<!tpu.dma_semaphore, #tpu.memory_space<semaphore_mem>>) src(%dma_wait3A_440 : memref<128xi32, #tpu.memory_space<hbm>>) dst(%arg8 : memref<128xi32, #tpu.memory_space<vmem>>)
        tpu.yield
      }) : () -> ()
      %dma_start3A_415 = arith.constant 0 : i32
      %dma_start3A_416 = arith.constant 0 : i32
      %dma_start3A_417 = tpu.memref_slice %arg4[%arg0, %dma_start3A_415, %dma_start3A_416] : memref<2x10080x128xf32, #tpu.memory_space<hbm>> -> memref<1x10080x128xf32, #tpu.memory_space<hbm>>
      %dma_start3A_418 = tpu.memref_squeeze %dma_start3A_417 : memref<1x10080x128xf32, #tpu.memory_space<hbm>> -> memref<10080x128xf32, #tpu.memory_space<hbm>>
      %dma_start3A_419 = arith.constant 0 : i32
      %dma_start3A_420 = arith.constant 0 : i32
      %dma_start3A_421 = tpu.memref_slice %dma_start3A_418[%dma_start3A_419, %dma_start3A_420] : memref<10080x128xf32, #tpu.memory_space<hbm>> -> memref<10080x128xf32, #tpu.memory_space<hbm>>
      tpu.enqueue_indirect_dma source(%dma_start3A_421 : memref<10080x128xf32, #tpu.memory_space<hbm>>) target(%arg11 : memref<128x128xf32, #tpu.memory_space<vmem>>) offsets(%arg8 : memref<128xi32, #tpu.memory_space<vmem>>) semaphore(%arg15 : memref<!tpu.dma_semaphore, #tpu.memory_space<semaphore_mem>>)
      "tpu.region"() ({
        %run_scoped3A = tpu.sem_alloc : memref<!tpu.dma_semaphore, #tpu.memory_space<semaphore_mem>>
        %dma_start3A_437 = tpu.memref_slice %arg3[%add3A] : memref<327680xi32, #tpu.memory_space<hbm>> -> memref<128xi32, #tpu.memory_space<hbm>>
        %dma_start3A_438 = tpu.memref_slice %arg3[%add3A] : memref<327680xi32, #tpu.memory_space<hbm>> -> memref<128xi32, #tpu.memory_space<hbm>>
        tpu.enqueue_dma source(%dma_start3A_438 : memref<128xi32, #tpu.memory_space<hbm>>) target(%arg7 : memref<128xi32, #tpu.memory_space<vmem>>) target_semaphore(%run_scoped3A : memref<!tpu.dma_semaphore, #tpu.memory_space<semaphore_mem>>)
        %dma_wait3A_439 = tpu.memref_slice %arg3[%add3A] : memref<327680xi32, #tpu.memory_space<hbm>> -> memref<128xi32, #tpu.memory_space<hbm>>
        %dma_wait3A_440 = tpu.memref_slice %arg3[%add3A] : memref<327680xi32, #tpu.memory_space<hbm>> -> memref<128xi32, #tpu.memory_space<hbm>>
        tpu.wait_dma2 semaphore(%run_scoped3A : memref<!tpu.dma_semaphore, #tpu.memory_space<semaphore_mem>>) src(%dma_wait3A_440 : memref<128xi32, #tpu.memory_space<hbm>>) dst(%arg7 : memref<128xi32, #tpu.memory_space<vmem>>)
        tpu.yield
      }) : () -> ()
      %add3A_422 = arith.constant 128 : i32
      %add3A_423 = arith.addi %add3A, %add3A_422 : i32
      "tpu.region"() ({
        %run_scoped3A = tpu.sem_alloc : memref<!tpu.dma_semaphore, #tpu.memory_space<semaphore_mem>>
        %dma_start3A_437 = tpu.memref_slice %arg3[%add3A_423] : memref<327680xi32, #tpu.memory_space<hbm>> -> memref<128xi32, #tpu.memory_space<hbm>>
        %dma_start3A_438 = tpu.memref_slice %arg3[%add3A_423] : memref<327680xi32, #tpu.memory_space<hbm>> -> memref<128xi32, #tpu.memory_space<hbm>>
        tpu.enqueue_dma source(%dma_start3A_438 : memref<128xi32, #tpu.memory_space<hbm>>) target(%arg9 : memref<128xi32, #tpu.memory_space<vmem>>) target_semaphore(%run_scoped3A : memref<!tpu.dma_semaphore, #tpu.memory_space<semaphore_mem>>)
        %dma_wait3A_439 = tpu.memref_slice %arg3[%add3A_423] : memref<327680xi32, #tpu.memory_space<hbm>> -> memref<128xi32, #tpu.memory_space<hbm>>
        %dma_wait3A_440 = tpu.memref_slice %arg3[%add3A_423] : memref<327680xi32, #tpu.memory_space<hbm>> -> memref<128xi32, #tpu.memory_space<hbm>>
        tpu.wait_dma2 semaphore(%run_scoped3A : memref<!tpu.dma_semaphore, #tpu.memory_space<semaphore_mem>>) src(%dma_wait3A_440 : memref<128xi32, #tpu.memory_space<hbm>>) dst(%arg9 : memref<128xi32, #tpu.memory_space<vmem>>)
        tpu.yield
      }) : () -> ()
      %dma_wait3A = arith.constant 0 : i32
      %dma_wait3A_424 = arith.constant 0 : i32
      %dma_wait3A_425 = tpu.memref_slice %arg4[%arg0, %dma_wait3A, %dma_wait3A_424] : memref<2x10080x128xf32, #tpu.memory_space<hbm>> -> memref<1x10080x128xf32, #tpu.memory_space<hbm>>
      %dma_wait3A_426 = tpu.memref_squeeze %dma_wait3A_425 : memref<1x10080x128xf32, #tpu.memory_space<hbm>> -> memref<10080x128xf32, #tpu.memory_space<hbm>>
      %dma_wait3A_427 = arith.constant 0 : i32
      %dma_wait3A_428 = arith.constant 0 : i32
      %dma_wait3A_429 = tpu.memref_slice %dma_wait3A_426[%dma_wait3A_427, %dma_wait3A_428] : memref<10080x128xf32, #tpu.memory_space<hbm>> -> memref<10080x128xf32, #tpu.memory_space<hbm>>
      tpu.wait_indirect_dma semaphore(%arg14 : memref<!tpu.dma_semaphore, #tpu.memory_space<semaphore_mem>>) src(%dma_wait3A_429 : memref<10080x128xf32, #tpu.memory_space<hbm>>) dst(%arg10 : memref<128x128xf32, #tpu.memory_space<vmem>>)
      "tpu.region"() ({
        %run_scoped3A = tpu.sem_alloc : memref<!tpu.dma_semaphore, #tpu.memory_space<semaphore_mem>>
        %dma_start3A_437 = arith.constant 0 : i32
        %dma_start3A_438 = arith.constant 0 : i32
        %dma_start3A_439 = tpu.memref_slice %arg13[%dma_start3A_437, %dma_start3A_438] : memref<10080x128xf32, #tpu.memory_space<vmem_shared>> -> memref<10080x128xf32, #tpu.memory_space<vmem_shared>>
        tpu.enqueue_indirect_dma source(%arg10 : memref<128x128xf32, #tpu.memory_space<vmem>>) target(%dma_start3A_439 : memref<10080x128xf32, #tpu.memory_space<vmem_shared>>) offsets(%arg7 : memref<128xi32, #tpu.memory_space<vmem>>) semaphore(%run_scoped3A : memref<!tpu.dma_semaphore, #tpu.memory_space<semaphore_mem>>) {add = true}
        %dma_wait3A_440 = arith.constant 0 : i32
        %dma_wait3A_441 = arith.constant 0 : i32
        %dma_wait3A_442 = tpu.memref_slice %arg13[%dma_wait3A_440, %dma_wait3A_441] : memref<10080x128xf32, #tpu.memory_space<vmem_shared>> -> memref<10080x128xf32, #tpu.memory_space<vmem_shared>>
        tpu.wait_indirect_dma semaphore(%run_scoped3A : memref<!tpu.dma_semaphore, #tpu.memory_space<semaphore_mem>>) src(%arg10 : memref<128x128xf32, #tpu.memory_space<vmem>>) dst(%dma_wait3A_442 : memref<10080x128xf32, #tpu.memory_space<vmem_shared>>)
        tpu.yield
      }) : () -> ()
      %dma_wait3A_430 = arith.constant 0 : i32
      %dma_wait3A_431 = arith.constant 0 : i32
      %dma_wait3A_432 = tpu.memref_slice %arg4[%arg0, %dma_wait3A_430, %dma_wait3A_431] : memref<2x10080x128xf32, #tpu.memory_space<hbm>> -> memref<1x10080x128xf32, #tpu.memory_space<hbm>>
      %dma_wait3A_433 = tpu.memref_squeeze %dma_wait3A_432 : memref<1x10080x128xf32, #tpu.memory_space<hbm>> -> memref<10080x128xf32, #tpu.memory_space<hbm>>
      %dma_wait3A_434 = arith.constant 0 : i32
      %dma_wait3A_435 = arith.constant 0 : i32
      %dma_wait3A_436 = tpu.memref_slice %dma_wait3A_433[%dma_wait3A_434, %dma_wait3A_435] : memref<10080x128xf32, #tpu.memory_space<hbm>> -> memref<10080x128xf32, #tpu.memory_space<hbm>>
      tpu.wait_indirect_dma semaphore(%arg15 : memref<!tpu.dma_semaphore, #tpu.memory_space<semaphore_mem>>) src(%dma_wait3A_436 : memref<10080x128xf32, #tpu.memory_space<hbm>>) dst(%arg11 : memref<128x128xf32, #tpu.memory_space<vmem>>)
      "tpu.region"() ({
        %run_scoped3A = tpu.sem_alloc : memref<!tpu.dma_semaphore, #tpu.memory_space<semaphore_mem>>
        %dma_start3A_437 = arith.constant 0 : i32
        %dma_start3A_438 = arith.constant 0 : i32
        %dma_start3A_439 = tpu.memref_slice %arg13[%dma_start3A_437, %dma_start3A_438] : memref<10080x128xf32, #tpu.memory_space<vmem_shared>> -> memref<10080x128xf32, #tpu.memory_space<vmem_shared>>
        tpu.enqueue_indirect_dma source(%arg11 : memref<128x128xf32, #tpu.memory_space<vmem>>) target(%dma_start3A_439 : memref<10080x128xf32, #tpu.memory_space<vmem_shared>>) offsets(%arg9 : memref<128xi32, #tpu.memory_space<vmem>>) semaphore(%run_scoped3A : memref<!tpu.dma_semaphore, #tpu.memory_space<semaphore_mem>>) {add = true}
        %dma_wait3A_440 = arith.constant 0 : i32
        %dma_wait3A_441 = arith.constant 0 : i32
        %dma_wait3A_442 = tpu.memref_slice %arg13[%dma_wait3A_440, %dma_wait3A_441] : memref<10080x128xf32, #tpu.memory_space<vmem_shared>> -> memref<10080x128xf32, #tpu.memory_space<vmem_shared>>
        tpu.wait_indirect_dma semaphore(%run_scoped3A : memref<!tpu.dma_semaphore, #tpu.memory_space<semaphore_mem>>) src(%arg11 : memref<128x128xf32, #tpu.memory_space<vmem>>) dst(%dma_wait3A_442 : memref<10080x128xf32, #tpu.memory_space<vmem_shared>>)
        tpu.yield
      }) : () -> ()
    }
    %scan3A_400 = arith.constant 80 : i32
    %barrier3A_401 = arith.constant 0 : index
    tpu.barrier barrier_id(%barrier3A_401)
    "tpu.region"() ({
      %run_scoped3A = tpu.sem_alloc : memref<!tpu.dma_semaphore, #tpu.memory_space<semaphore_mem>>
      %dma_start3A = arith.constant 0 : i32
      %dma_start3A_402 = tpu.memref_slice %arg5[%arg0, %min3A_385, %dma_start3A] : memref<2x10080x128xf32, #tpu.memory_space<hbm>> -> memref<1x632x128xf32, #tpu.memory_space<hbm>>
      %dma_start3A_403 = tpu.memref_squeeze %dma_start3A_402 : memref<1x632x128xf32, #tpu.memory_space<hbm>> -> memref<632x128xf32, #tpu.memory_space<hbm>>
      %dma_start3A_404 = arith.constant 0 : i32
      %dma_start3A_405 = tpu.memref_slice %arg13[%min3A_385, %dma_start3A_404] : memref<10080x128xf32, #tpu.memory_space<vmem_shared>> -> memref<632x128xf32, #tpu.memory_space<vmem_shared>>
      tpu.enqueue_dma source(%dma_start3A_405 : memref<632x128xf32, #tpu.memory_space<vmem_shared>>) target(%dma_start3A_403 : memref<632x128xf32, #tpu.memory_space<hbm>>) target_semaphore(%run_scoped3A : memref<!tpu.dma_semaphore, #tpu.memory_space<semaphore_mem>>)
      %dma_wait3A = arith.constant 0 : i32
      %dma_wait3A_406 = tpu.memref_slice %arg5[%arg0, %min3A_385, %dma_wait3A] : memref<2x10080x128xf32, #tpu.memory_space<hbm>> -> memref<1x632x128xf32, #tpu.memory_space<hbm>>
      %dma_wait3A_407 = tpu.memref_squeeze %dma_wait3A_406 : memref<1x632x128xf32, #tpu.memory_space<hbm>> -> memref<632x128xf32, #tpu.memory_space<hbm>>
      %dma_wait3A_408 = arith.constant 0 : i32
      %dma_wait3A_409 = tpu.memref_slice %arg13[%min3A_385, %dma_wait3A_408] : memref<10080x128xf32, #tpu.memory_space<vmem_shared>> -> memref<632x128xf32, #tpu.memory_space<vmem_shared>>
      tpu.wait_dma2 semaphore(%run_scoped3A : memref<!tpu.dma_semaphore, #tpu.memory_space<semaphore_mem>>) src(%dma_wait3A_409 : memref<632x128xf32, #tpu.memory_space<vmem_shared>>) dst(%dma_wait3A_407 : memref<632x128xf32, #tpu.memory_space<hbm>>)
      tpu.yield
    }) : () -> ()
    return
  }
}

#map = affine_map<(d0, d1) -> (0)>
#map1 = affine_map<(d0, d1) -> (0, 0, 0)>
module attributes {stable_mosaic.version = 14 : i64} {
  func.func @_propagate(%arg0: i32, %arg1: i32, %arg2: memref<327680xi32, #tpu.memory_space<hbm>>, %arg3: memref<327680xi32, #tpu.memory_space<hbm>>, %arg4: memref<2x10080x128xf32, #tpu.memory_space<hbm>>, %arg5: memref<2x10080x128xf32, #tpu.memory_space<hbm>>, %arg6: memref<128xi32, #tpu.memory_space<vmem>>, %arg7: memref<128xi32, #tpu.memory_space<vmem>>, %arg8: memref<128xi32, #tpu.memory_space<vmem>>, %arg9: memref<128xi32, #tpu.memory_space<vmem>>, %arg10: memref<128x128xf32, #tpu.memory_space<vmem>>, %arg11: memref<128x128xf32, #tpu.memory_space<vmem>>, %arg12: memref<8x128xf32, #tpu.memory_space<vmem>>, %arg13: memref<10080x128xf32, #tpu.memory_space<vmem_shared>>, %arg14: memref<!tpu.dma_semaphore, #tpu.memory_space<semaphore_mem>>, %arg15: memref<!tpu.dma_semaphore, #tpu.memory_space<semaphore_mem>>) attributes {dimension_semantics = [#tpu.dimension_semantics<core_parallel>, #tpu.dimension_semantics<subcore_parallel>], iteration_bounds = array<i64: 2, 16>, scalar_prefetch = 0 : i64, scratch_operands = 10 : i64, tpu.core_type = #tpu.core_type<sc_vector_subcore>, window_params = [{transform_indices = #map}, {transform_indices = #map}, {transform_indices = #map1}, {transform_indices = #map1}]} {
    %broadcast_in_dim3A = arith.constant 0.000000e+00 : f32
    %broadcast_in_dim3A_0 = vector.broadcast %broadcast_in_dim3A : f32 to vector<16xf32>
    %swap3A = arith.constant 0 : i32
    %swap3A_1 = arith.index_cast %swap3A : i32 to index
    %swap3A_2 = arith.constant 0 : index
    %swap3A_3 = tpu.vector_load %arg12[%swap3A_1, %swap3A_2] {strides = array<i32>} : memref<8x128xf32, #tpu.memory_space<vmem>>, vector<1x16xf32>,
    %swap3A_4 = vector.shape_cast %swap3A_3 : vector<1x16xf32> to vector<16xf32>
    %swap3A_5 = vector.shape_cast %broadcast_in_dim3A_0 : vector<16xf32> to vector<1x16xf32>
    tpu.vector_store %arg12[%swap3A_1, %swap3A_2], %swap3A_5 {strides = array<i32>} : memref<8x128xf32, #tpu.memory_space<vmem>>, vector<1x16xf32>,
    %swap3A_6 = arith.constant 0 : i32
    %swap3A_7 = arith.index_cast %swap3A_6 : i32 to index
    %swap3A_8 = arith.constant 16 : index
    %swap3A_9 = tpu.vector_load %arg12[%swap3A_7, %swap3A_8] {strides = array<i32>} : memref<8x128xf32, #tpu.memory_space<vmem>>, vector<1x16xf32>,
    %swap3A_10 = vector.shape_cast %swap3A_9 : vector<1x16xf32> to vector<16xf32>
    %swap3A_11 = vector.shape_cast %broadcast_in_dim3A_0 : vector<16xf32> to vector<1x16xf32>
    tpu.vector_store %arg12[%swap3A_7, %swap3A_8], %swap3A_11 {strides = array<i32>} : memref<8x128xf32, #tpu.memory_space<vmem>>, vector<1x16xf32>,
    %swap3A_12 = arith.constant 0 : i32
    %swap3A_13 = arith.index_cast %swap3A_12 : i32 to index
    %swap3A_14 = arith.constant 32 : index
    %swap3A_15 = tpu.vector_load %arg12[%swap3A_13, %swap3A_14] {strides = array<i32>} : memref<8x128xf32, #tpu.memory_space<vmem>>, vector<1x16xf32>,
    %swap3A_16 = vector.shape_cast %swap3A_15 : vector<1x16xf32> to vector<16xf32>
    %swap3A_17 = vector.shape_cast %broadcast_in_dim3A_0 : vector<16xf32> to vector<1x16xf32>
    tpu.vector_store %arg12[%swap3A_13, %swap3A_14], %swap3A_17 {strides = array<i32>} : memref<8x128xf32, #tpu.memory_space<vmem>>, vector<1x16xf32>,
    %swap3A_18 = arith.constant 0 : i32
    %swap3A_19 = arith.index_cast %swap3A_18 : i32 to index
    %swap3A_20 = arith.constant 48 : index
    %swap3A_21 = tpu.vector_load %arg12[%swap3A_19, %swap3A_20] {strides = array<i32>} : memref<8x128xf32, #tpu.memory_space<vmem>>, vector<1x16xf32>,
    %swap3A_22 = vector.shape_cast %swap3A_21 : vector<1x16xf32> to vector<16xf32>
    %swap3A_23 = vector.shape_cast %broadcast_in_dim3A_0 : vector<16xf32> to vector<1x16xf32>
    tpu.vector_store %arg12[%swap3A_19, %swap3A_20], %swap3A_23 {strides = array<i32>} : memref<8x128xf32, #tpu.memory_space<vmem>>, vector<1x16xf32>,
    %swap3A_24 = arith.constant 0 : i32
    %swap3A_25 = arith.index_cast %swap3A_24 : i32 to index
    %swap3A_26 = arith.constant 64 : index
    %swap3A_27 = tpu.vector_load %arg12[%swap3A_25, %swap3A_26] {strides = array<i32>} : memref<8x128xf32, #tpu.memory_space<vmem>>, vector<1x16xf32>,
    %swap3A_28 = vector.shape_cast %swap3A_27 : vector<1x16xf32> to vector<16xf32>
    %swap3A_29 = vector.shape_cast %broadcast_in_dim3A_0 : vector<16xf32> to vector<1x16xf32>
    tpu.vector_store %arg12[%swap3A_25, %swap3A_26], %swap3A_29 {strides = array<i32>} : memref<8x128xf32, #tpu.memory_space<vmem>>, vector<1x16xf32>,
    %swap3A_30 = arith.constant 0 : i32
    %swap3A_31 = arith.index_cast %swap3A_30 : i32 to index
    %swap3A_32 = arith.constant 80 : index
    %swap3A_33 = tpu.vector_load %arg12[%swap3A_31, %swap3A_32] {strides = array<i32>} : memref<8x128xf32, #tpu.memory_space<vmem>>, vector<1x16xf32>,
    %swap3A_34 = vector.shape_cast %swap3A_33 : vector<1x16xf32> to vector<16xf32>
    %swap3A_35 = vector.shape_cast %broadcast_in_dim3A_0 : vector<16xf32> to vector<1x16xf32>
    tpu.vector_store %arg12[%swap3A_31, %swap3A_32], %swap3A_35 {strides = array<i32>} : memref<8x128xf32, #tpu.memory_space<vmem>>, vector<1x16xf32>,
    %swap3A_36 = arith.constant 0 : i32
    %swap3A_37 = arith.index_cast %swap3A_36 : i32 to index
    %swap3A_38 = arith.constant 96 : index
    %swap3A_39 = tpu.vector_load %arg12[%swap3A_37, %swap3A_38] {strides = array<i32>} : memref<8x128xf32, #tpu.memory_space<vmem>>, vector<1x16xf32>,
    %swap3A_40 = vector.shape_cast %swap3A_39 : vector<1x16xf32> to vector<16xf32>
    %swap3A_41 = vector.shape_cast %broadcast_in_dim3A_0 : vector<16xf32> to vector<1x16xf32>
    tpu.vector_store %arg12[%swap3A_37, %swap3A_38], %swap3A_41 {strides = array<i32>} : memref<8x128xf32, #tpu.memory_space<vmem>>, vector<1x16xf32>,
    %swap3A_42 = arith.constant 0 : i32
    %swap3A_43 = arith.index_cast %swap3A_42 : i32 to index
    %swap3A_44 = arith.constant 112 : index
    %swap3A_45 = tpu.vector_load %arg12[%swap3A_43, %swap3A_44] {strides = array<i32>} : memref<8x128xf32, #tpu.memory_space<vmem>>, vector<1x16xf32>,
    %swap3A_46 = vector.shape_cast %swap3A_45 : vector<1x16xf32> to vector<16xf32>
    %swap3A_47 = vector.shape_cast %broadcast_in_dim3A_0 : vector<16xf32> to vector<1x16xf32>
    tpu.vector_store %arg12[%swap3A_43, %swap3A_44], %swap3A_47 {strides = array<i32>} : memref<8x128xf32, #tpu.memory_space<vmem>>, vector<1x16xf32>,
    %swap3A_48 = arith.constant 1 : i32
    %swap3A_49 = arith.index_cast %swap3A_48 : i32 to index
    %swap3A_50 = arith.constant 0 : index
    %swap3A_51 = tpu.vector_load %arg12[%swap3A_49, %swap3A_50] {strides = array<i32>} : memref<8x128xf32, #tpu.memory_space<vmem>>, vector<1x16xf32>,
    %swap3A_52 = vector.shape_cast %swap3A_51 : vector<1x16xf32> to vector<16xf32>
    %swap3A_53 = vector.shape_cast %broadcast_in_dim3A_0 : vector<16xf32> to vector<1x16xf32>
    tpu.vector_store %arg12[%swap3A_49, %swap3A_50], %swap3A_53 {strides = array<i32>} : memref<8x128xf32, #tpu.memory_space<vmem>>, vector<1x16xf32>,
    %swap3A_54 = arith.constant 1 : i32
    %swap3A_55 = arith.index_cast %swap3A_54 : i32 to index
    %swap3A_56 = arith.constant 16 : index
    %swap3A_57 = tpu.vector_load %arg12[%swap3A_55, %swap3A_56] {strides = array<i32>} : memref<8x128xf32, #tpu.memory_space<vmem>>, vector<1x16xf32>,
    %swap3A_58 = vector.shape_cast %swap3A_57 : vector<1x16xf32> to vector<16xf32>
    %swap3A_59 = vector.shape_cast %broadcast_in_dim3A_0 : vector<16xf32> to vector<1x16xf32>
    tpu.vector_store %arg12[%swap3A_55, %swap3A_56], %swap3A_59 {strides = array<i32>} : memref<8x128xf32, #tpu.memory_space<vmem>>, vector<1x16xf32>,
    %swap3A_60 = arith.constant 1 : i32
    %swap3A_61 = arith.index_cast %swap3A_60 : i32 to index
    %swap3A_62 = arith.constant 32 : index
    %swap3A_63 = tpu.vector_load %arg12[%swap3A_61, %swap3A_62] {strides = array<i32>} : memref<8x128xf32, #tpu.memory_space<vmem>>, vector<1x16xf32>,
    %swap3A_64 = vector.shape_cast %swap3A_63 : vector<1x16xf32> to vector<16xf32>
    %swap3A_65 = vector.shape_cast %broadcast_in_dim3A_0 : vector<16xf32> to vector<1x16xf32>
    tpu.vector_store %arg12[%swap3A_61, %swap3A_62], %swap3A_65 {strides = array<i32>} : memref<8x128xf32, #tpu.memory_space<vmem>>, vector<1x16xf32>,
    %swap3A_66 = arith.constant 1 : i32
    %swap3A_67 = arith.index_cast %swap3A_66 : i32 to index
    %swap3A_68 = arith.constant 48 : index
    %swap3A_69 = tpu.vector_load %arg12[%swap3A_67, %swap3A_68] {strides = array<i32>} : memref<8x128xf32, #tpu.memory_space<vmem>>, vector<1x16xf32>,
    %swap3A_70 = vector.shape_cast %swap3A_69 : vector<1x16xf32> to vector<16xf32>
    %swap3A_71 = vector.shape_cast %broadcast_in_dim3A_0 : vector<16xf32> to vector<1x16xf32>
    tpu.vector_store %arg12[%swap3A_67, %swap3A_68], %swap3A_71 {strides = array<i32>} : memref<8x128xf32, #tpu.memory_space<vmem>>, vector<1x16xf32>,
    %swap3A_72 = arith.constant 1 : i32
    %swap3A_73 = arith.index_cast %swap3A_72 : i32 to index
    %swap3A_74 = arith.constant 64 : index
    %swap3A_75 = tpu.vector_load %arg12[%swap3A_73, %swap3A_74] {strides = array<i32>} : memref<8x128xf32, #tpu.memory_space<vmem>>, vector<1x16xf32>,
    %swap3A_76 = vector.shape_cast %swap3A_75 : vector<1x16xf32> to vector<16xf32>
    %swap3A_77 = vector.shape_cast %broadcast_in_dim3A_0 : vector<16xf32> to vector<1x16xf32>
    tpu.vector_store %arg12[%swap3A_73, %swap3A_74], %swap3A_77 {strides = array<i32>} : memref<8x128xf32, #tpu.memory_space<vmem>>, vector<1x16xf32>,
    %swap3A_78 = arith.constant 1 : i32
    %swap3A_79 = arith.index_cast %swap3A_78 : i32 to index
    %swap3A_80 = arith.constant 80 : index
    %swap3A_81 = tpu.vector_load %arg12[%swap3A_79, %swap3A_80] {strides = array<i32>} : memref<8x128xf32, #tpu.memory_space<vmem>>, vector<1x16xf32>,
    %swap3A_82 = vector.shape_cast %swap3A_81 : vector<1x16xf32> to vector<16xf32>
    %swap3A_83 = vector.shape_cast %broadcast_in_dim3A_0 : vector<16xf32> to vector<1x16xf32>
    tpu.vector_store %arg12[%swap3A_79, %swap3A_80], %swap3A_83 {strides = array<i32>} : memref<8x128xf32, #tpu.memory_space<vmem>>, vector<1x16xf32>,
    %swap3A_84 = arith.constant 1 : i32
    %swap3A_85 = arith.index_cast %swap3A_84 : i32 to index
    %swap3A_86 = arith.constant 96 : index
    %swap3A_87 = tpu.vector_load %arg12[%swap3A_85, %swap3A_86] {strides = array<i32>} : memref<8x128xf32, #tpu.memory_space<vmem>>, vector<1x16xf32>,
    %swap3A_88 = vector.shape_cast %swap3A_87 : vector<1x16xf32> to vector<16xf32>
    %swap3A_89 = vector.shape_cast %broadcast_in_dim3A_0 : vector<16xf32> to vector<1x16xf32>
    tpu.vector_store %arg12[%swap3A_85, %swap3A_86], %swap3A_89 {strides = array<i32>} : memref<8x128xf32, #tpu.memory_space<vmem>>, vector<1x16xf32>,
    %swap3A_90 = arith.constant 1 : i32
    %swap3A_91 = arith.index_cast %swap3A_90 : i32 to index
    %swap3A_92 = arith.constant 112 : index
    %swap3A_93 = tpu.vector_load %arg12[%swap3A_91, %swap3A_92] {strides = array<i32>} : memref<8x128xf32, #tpu.memory_space<vmem>>, vector<1x16xf32>,
    %swap3A_94 = vector.shape_cast %swap3A_93 : vector<1x16xf32> to vector<16xf32>
    %swap3A_95 = vector.shape_cast %broadcast_in_dim3A_0 : vector<16xf32> to vector<1x16xf32>
    tpu.vector_store %arg12[%swap3A_91, %swap3A_92], %swap3A_95 {strides = array<i32>} : memref<8x128xf32, #tpu.memory_space<vmem>>, vector<1x16xf32>,
    %swap3A_96 = arith.constant 2 : i32
    %swap3A_97 = arith.index_cast %swap3A_96 : i32 to index
    %swap3A_98 = arith.constant 0 : index
    %swap3A_99 = tpu.vector_load %arg12[%swap3A_97, %swap3A_98] {strides = array<i32>} : memref<8x128xf32, #tpu.memory_space<vmem>>, vector<1x16xf32>,
    %swap3A_100 = vector.shape_cast %swap3A_99 : vector<1x16xf32> to vector<16xf32>
    %swap3A_101 = vector.shape_cast %broadcast_in_dim3A_0 : vector<16xf32> to vector<1x16xf32>
    tpu.vector_store %arg12[%swap3A_97, %swap3A_98], %swap3A_101 {strides = array<i32>} : memref<8x128xf32, #tpu.memory_space<vmem>>, vector<1x16xf32>,
    %swap3A_102 = arith.constant 2 : i32
    %swap3A_103 = arith.index_cast %swap3A_102 : i32 to index
    %swap3A_104 = arith.constant 16 : index
    %swap3A_105 = tpu.vector_load %arg12[%swap3A_103, %swap3A_104] {strides = array<i32>} : memref<8x128xf32, #tpu.memory_space<vmem>>, vector<1x16xf32>,
    %swap3A_106 = vector.shape_cast %swap3A_105 : vector<1x16xf32> to vector<16xf32>
    %swap3A_107 = vector.shape_cast %broadcast_in_dim3A_0 : vector<16xf32> to vector<1x16xf32>
    tpu.vector_store %arg12[%swap3A_103, %swap3A_104], %swap3A_107 {strides = array<i32>} : memref<8x128xf32, #tpu.memory_space<vmem>>, vector<1x16xf32>,
    %swap3A_108 = arith.constant 2 : i32
    %swap3A_109 = arith.index_cast %swap3A_108 : i32 to index
    %swap3A_110 = arith.constant 32 : index
    %swap3A_111 = tpu.vector_load %arg12[%swap3A_109, %swap3A_110] {strides = array<i32>} : memref<8x128xf32, #tpu.memory_space<vmem>>, vector<1x16xf32>,
    %swap3A_112 = vector.shape_cast %swap3A_111 : vector<1x16xf32> to vector<16xf32>
    %swap3A_113 = vector.shape_cast %broadcast_in_dim3A_0 : vector<16xf32> to vector<1x16xf32>
    tpu.vector_store %arg12[%swap3A_109, %swap3A_110], %swap3A_113 {strides = array<i32>} : memref<8x128xf32, #tpu.memory_space<vmem>>, vector<1x16xf32>,
    %swap3A_114 = arith.constant 2 : i32
    %swap3A_115 = arith.index_cast %swap3A_114 : i32 to index
    %swap3A_116 = arith.constant 48 : index
    %swap3A_117 = tpu.vector_load %arg12[%swap3A_115, %swap3A_116] {strides = array<i32>} : memref<8x128xf32, #tpu.memory_space<vmem>>, vector<1x16xf32>,
    %swap3A_118 = vector.shape_cast %swap3A_117 : vector<1x16xf32> to vector<16xf32>
    %swap3A_119 = vector.shape_cast %broadcast_in_dim3A_0 : vector<16xf32> to vector<1x16xf32>
    tpu.vector_store %arg12[%swap3A_115, %swap3A_116], %swap3A_119 {strides = array<i32>} : memref<8x128xf32, #tpu.memory_space<vmem>>, vector<1x16xf32>,
    %swap3A_120 = arith.constant 2 : i32
    %swap3A_121 = arith.index_cast %swap3A_120 : i32 to index
    %swap3A_122 = arith.constant 64 : index
    %swap3A_123 = tpu.vector_load %arg12[%swap3A_121, %swap3A_122] {strides = array<i32>} : memref<8x128xf32, #tpu.memory_space<vmem>>, vector<1x16xf32>,
    %swap3A_124 = vector.shape_cast %swap3A_123 : vector<1x16xf32> to vector<16xf32>
    %swap3A_125 = vector.shape_cast %broadcast_in_dim3A_0 : vector<16xf32> to vector<1x16xf32>
    tpu.vector_store %arg12[%swap3A_121, %swap3A_122], %swap3A_125 {strides = array<i32>} : memref<8x128xf32, #tpu.memory_space<vmem>>, vector<1x16xf32>,
    %swap3A_126 = arith.constant 2 : i32
    %swap3A_127 = arith.index_cast %swap3A_126 : i32 to index
    %swap3A_128 = arith.constant 80 : index
    %swap3A_129 = tpu.vector_load %arg12[%swap3A_127, %swap3A_128] {strides = array<i32>} : memref<8x128xf32, #tpu.memory_space<vmem>>, vector<1x16xf32>,
    %swap3A_130 = vector.shape_cast %swap3A_129 : vector<1x16xf32> to vector<16xf32>
    %swap3A_131 = vector.shape_cast %broadcast_in_dim3A_0 : vector<16xf32> to vector<1x16xf32>
    tpu.vector_store %arg12[%swap3A_127, %swap3A_128], %swap3A_131 {strides = array<i32>} : memref<8x128xf32, #tpu.memory_space<vmem>>, vector<1x16xf32>,
    %swap3A_132 = arith.constant 2 : i32
    %swap3A_133 = arith.index_cast %swap3A_132 : i32 to index
    %swap3A_134 = arith.constant 96 : index
    %swap3A_135 = tpu.vector_load %arg12[%swap3A_133, %swap3A_134] {strides = array<i32>} : memref<8x128xf32, #tpu.memory_space<vmem>>, vector<1x16xf32>,
    %swap3A_136 = vector.shape_cast %swap3A_135 : vector<1x16xf32> to vector<16xf32>
    %swap3A_137 = vector.shape_cast %broadcast_in_dim3A_0 : vector<16xf32> to vector<1x16xf32>
    tpu.vector_store %arg12[%swap3A_133, %swap3A_134], %swap3A_137 {strides = array<i32>} : memref<8x128xf32, #tpu.memory_space<vmem>>, vector<1x16xf32>,
    %swap3A_138 = arith.constant 2 : i32
    %swap3A_139 = arith.index_cast %swap3A_138 : i32 to index
    %swap3A_140 = arith.constant 112 : index
    %swap3A_141 = tpu.vector_load %arg12[%swap3A_139, %swap3A_140] {strides = array<i32>} : memref<8x128xf32, #tpu.memory_space<vmem>>, vector<1x16xf32>,
    %swap3A_142 = vector.shape_cast %swap3A_141 : vector<1x16xf32> to vector<16xf32>
    %swap3A_143 = vector.shape_cast %broadcast_in_dim3A_0 : vector<16xf32> to vector<1x16xf32>
    tpu.vector_store %arg12[%swap3A_139, %swap3A_140], %swap3A_143 {strides = array<i32>} : memref<8x128xf32, #tpu.memory_space<vmem>>, vector<1x16xf32>,
    %swap3A_144 = arith.constant 3 : i32
    %swap3A_145 = arith.index_cast %swap3A_144 : i32 to index
    %swap3A_146 = arith.constant 0 : index
    %swap3A_147 = tpu.vector_load %arg12[%swap3A_145, %swap3A_146] {strides = array<i32>} : memref<8x128xf32, #tpu.memory_space<vmem>>, vector<1x16xf32>,
    %swap3A_148 = vector.shape_cast %swap3A_147 : vector<1x16xf32> to vector<16xf32>
    %swap3A_149 = vector.shape_cast %broadcast_in_dim3A_0 : vector<16xf32> to vector<1x16xf32>
    tpu.vector_store %arg12[%swap3A_145, %swap3A_146], %swap3A_149 {strides = array<i32>} : memref<8x128xf32, #tpu.memory_space<vmem>>, vector<1x16xf32>,
    %swap3A_150 = arith.constant 3 : i32
    %swap3A_151 = arith.index_cast %swap3A_150 : i32 to index
    %swap3A_152 = arith.constant 16 : index
    %swap3A_153 = tpu.vector_load %arg12[%swap3A_151, %swap3A_152] {strides = array<i32>} : memref<8x128xf32, #tpu.memory_space<vmem>>, vector<1x16xf32>,
    %swap3A_154 = vector.shape_cast %swap3A_153 : vector<1x16xf32> to vector<16xf32>
    %swap3A_155 = vector.shape_cast %broadcast_in_dim3A_0 : vector<16xf32> to vector<1x16xf32>
    tpu.vector_store %arg12[%swap3A_151, %swap3A_152], %swap3A_155 {strides = array<i32>} : memref<8x128xf32, #tpu.memory_space<vmem>>, vector<1x16xf32>,
    %swap3A_156 = arith.constant 3 : i32
    %swap3A_157 = arith.index_cast %swap3A_156 : i32 to index
    %swap3A_158 = arith.constant 32 : index
    %swap3A_159 = tpu.vector_load %arg12[%swap3A_157, %swap3A_158] {strides = array<i32>} : memref<8x128xf32, #tpu.memory_space<vmem>>, vector<1x16xf32>,
    %swap3A_160 = vector.shape_cast %swap3A_159 : vector<1x16xf32> to vector<16xf32>
    %swap3A_161 = vector.shape_cast %broadcast_in_dim3A_0 : vector<16xf32> to vector<1x16xf32>
    tpu.vector_store %arg12[%swap3A_157, %swap3A_158], %swap3A_161 {strides = array<i32>} : memref<8x128xf32, #tpu.memory_space<vmem>>, vector<1x16xf32>,
    %swap3A_162 = arith.constant 3 : i32
    %swap3A_163 = arith.index_cast %swap3A_162 : i32 to index
    %swap3A_164 = arith.constant 48 : index
    %swap3A_165 = tpu.vector_load %arg12[%swap3A_163, %swap3A_164] {strides = array<i32>} : memref<8x128xf32, #tpu.memory_space<vmem>>, vector<1x16xf32>,
    %swap3A_166 = vector.shape_cast %swap3A_165 : vector<1x16xf32> to vector<16xf32>
    %swap3A_167 = vector.shape_cast %broadcast_in_dim3A_0 : vector<16xf32> to vector<1x16xf32>
    tpu.vector_store %arg12[%swap3A_163, %swap3A_164], %swap3A_167 {strides = array<i32>} : memref<8x128xf32, #tpu.memory_space<vmem>>, vector<1x16xf32>,
    %swap3A_168 = arith.constant 3 : i32
    %swap3A_169 = arith.index_cast %swap3A_168 : i32 to index
    %swap3A_170 = arith.constant 64 : index
    %swap3A_171 = tpu.vector_load %arg12[%swap3A_169, %swap3A_170] {strides = array<i32>} : memref<8x128xf32, #tpu.memory_space<vmem>>, vector<1x16xf32>,
    %swap3A_172 = vector.shape_cast %swap3A_171 : vector<1x16xf32> to vector<16xf32>
    %swap3A_173 = vector.shape_cast %broadcast_in_dim3A_0 : vector<16xf32> to vector<1x16xf32>
    tpu.vector_store %arg12[%swap3A_169, %swap3A_170], %swap3A_173 {strides = array<i32>} : memref<8x128xf32, #tpu.memory_space<vmem>>, vector<1x16xf32>,
    %swap3A_174 = arith.constant 3 : i32
    %swap3A_175 = arith.index_cast %swap3A_174 : i32 to index
    %swap3A_176 = arith.constant 80 : index
    %swap3A_177 = tpu.vector_load %arg12[%swap3A_175, %swap3A_176] {strides = array<i32>} : memref<8x128xf32, #tpu.memory_space<vmem>>, vector<1x16xf32>,
    %swap3A_178 = vector.shape_cast %swap3A_177 : vector<1x16xf32> to vector<16xf32>
    %swap3A_179 = vector.shape_cast %broadcast_in_dim3A_0 : vector<16xf32> to vector<1x16xf32>
    tpu.vector_store %arg12[%swap3A_175, %swap3A_176], %swap3A_179 {strides = array<i32>} : memref<8x128xf32, #tpu.memory_space<vmem>>, vector<1x16xf32>,
    %swap3A_180 = arith.constant 3 : i32
    %swap3A_181 = arith.index_cast %swap3A_180 : i32 to index
    %swap3A_182 = arith.constant 96 : index
    %swap3A_183 = tpu.vector_load %arg12[%swap3A_181, %swap3A_182] {strides = array<i32>} : memref<8x128xf32, #tpu.memory_space<vmem>>, vector<1x16xf32>,
    %swap3A_184 = vector.shape_cast %swap3A_183 : vector<1x16xf32> to vector<16xf32>
    %swap3A_185 = vector.shape_cast %broadcast_in_dim3A_0 : vector<16xf32> to vector<1x16xf32>
    tpu.vector_store %arg12[%swap3A_181, %swap3A_182], %swap3A_185 {strides = array<i32>} : memref<8x128xf32, #tpu.memory_space<vmem>>, vector<1x16xf32>,
    %swap3A_186 = arith.constant 3 : i32
    %swap3A_187 = arith.index_cast %swap3A_186 : i32 to index
    %swap3A_188 = arith.constant 112 : index
    %swap3A_189 = tpu.vector_load %arg12[%swap3A_187, %swap3A_188] {strides = array<i32>} : memref<8x128xf32, #tpu.memory_space<vmem>>, vector<1x16xf32>,
    %swap3A_190 = vector.shape_cast %swap3A_189 : vector<1x16xf32> to vector<16xf32>
    %swap3A_191 = vector.shape_cast %broadcast_in_dim3A_0 : vector<16xf32> to vector<1x16xf32>
    tpu.vector_store %arg12[%swap3A_187, %swap3A_188], %swap3A_191 {strides = array<i32>} : memref<8x128xf32, #tpu.memory_space<vmem>>, vector<1x16xf32>,
    %swap3A_192 = arith.constant 4 : i32
    %swap3A_193 = arith.index_cast %swap3A_192 : i32 to index
    %swap3A_194 = arith.constant 0 : index
    %swap3A_195 = tpu.vector_load %arg12[%swap3A_193, %swap3A_194] {strides = array<i32>} : memref<8x128xf32, #tpu.memory_space<vmem>>, vector<1x16xf32>,
    %swap3A_196 = vector.shape_cast %swap3A_195 : vector<1x16xf32> to vector<16xf32>
    %swap3A_197 = vector.shape_cast %broadcast_in_dim3A_0 : vector<16xf32> to vector<1x16xf32>
    tpu.vector_store %arg12[%swap3A_193, %swap3A_194], %swap3A_197 {strides = array<i32>} : memref<8x128xf32, #tpu.memory_space<vmem>>, vector<1x16xf32>,
    %swap3A_198 = arith.constant 4 : i32
    %swap3A_199 = arith.index_cast %swap3A_198 : i32 to index
    %swap3A_200 = arith.constant 16 : index
    %swap3A_201 = tpu.vector_load %arg12[%swap3A_199, %swap3A_200] {strides = array<i32>} : memref<8x128xf32, #tpu.memory_space<vmem>>, vector<1x16xf32>,
    %swap3A_202 = vector.shape_cast %swap3A_201 : vector<1x16xf32> to vector<16xf32>
    %swap3A_203 = vector.shape_cast %broadcast_in_dim3A_0 : vector<16xf32> to vector<1x16xf32>
    tpu.vector_store %arg12[%swap3A_199, %swap3A_200], %swap3A_203 {strides = array<i32>} : memref<8x128xf32, #tpu.memory_space<vmem>>, vector<1x16xf32>,
    %swap3A_204 = arith.constant 4 : i32
    %swap3A_205 = arith.index_cast %swap3A_204 : i32 to index
    %swap3A_206 = arith.constant 32 : index
    %swap3A_207 = tpu.vector_load %arg12[%swap3A_205, %swap3A_206] {strides = array<i32>} : memref<8x128xf32, #tpu.memory_space<vmem>>, vector<1x16xf32>,
    %swap3A_208 = vector.shape_cast %swap3A_207 : vector<1x16xf32> to vector<16xf32>
    %swap3A_209 = vector.shape_cast %broadcast_in_dim3A_0 : vector<16xf32> to vector<1x16xf32>
    tpu.vector_store %arg12[%swap3A_205, %swap3A_206], %swap3A_209 {strides = array<i32>} : memref<8x128xf32, #tpu.memory_space<vmem>>, vector<1x16xf32>,
    %swap3A_210 = arith.constant 4 : i32
    %swap3A_211 = arith.index_cast %swap3A_210 : i32 to index
    %swap3A_212 = arith.constant 48 : index
    %swap3A_213 = tpu.vector_load %arg12[%swap3A_211, %swap3A_212] {strides = array<i32>} : memref<8x128xf32, #tpu.memory_space<vmem>>, vector<1x16xf32>,
    %swap3A_214 = vector.shape_cast %swap3A_213 : vector<1x16xf32> to vector<16xf32>
    %swap3A_215 = vector.shape_cast %broadcast_in_dim3A_0 : vector<16xf32> to vector<1x16xf32>
    tpu.vector_store %arg12[%swap3A_211, %swap3A_212], %swap3A_215 {strides = array<i32>} : memref<8x128xf32, #tpu.memory_space<vmem>>, vector<1x16xf32>,
    %swap3A_216 = arith.constant 4 : i32
    %swap3A_217 = arith.index_cast %swap3A_216 : i32 to index
    %swap3A_218 = arith.constant 64 : index
    %swap3A_219 = tpu.vector_load %arg12[%swap3A_217, %swap3A_218] {strides = array<i32>} : memref<8x128xf32, #tpu.memory_space<vmem>>, vector<1x16xf32>,
    %swap3A_220 = vector.shape_cast %swap3A_219 : vector<1x16xf32> to vector<16xf32>
    %swap3A_221 = vector.shape_cast %broadcast_in_dim3A_0 : vector<16xf32> to vector<1x16xf32>
    tpu.vector_store %arg12[%swap3A_217, %swap3A_218], %swap3A_221 {strides = array<i32>} : memref<8x128xf32, #tpu.memory_space<vmem>>, vector<1x16xf32>,
    %swap3A_222 = arith.constant 4 : i32
    %swap3A_223 = arith.index_cast %swap3A_222 : i32 to index
    %swap3A_224 = arith.constant 80 : index
    %swap3A_225 = tpu.vector_load %arg12[%swap3A_223, %swap3A_224] {strides = array<i32>} : memref<8x128xf32, #tpu.memory_space<vmem>>, vector<1x16xf32>,
    %swap3A_226 = vector.shape_cast %swap3A_225 : vector<1x16xf32> to vector<16xf32>
    %swap3A_227 = vector.shape_cast %broadcast_in_dim3A_0 : vector<16xf32> to vector<1x16xf32>
    tpu.vector_store %arg12[%swap3A_223, %swap3A_224], %swap3A_227 {strides = array<i32>} : memref<8x128xf32, #tpu.memory_space<vmem>>, vector<1x16xf32>,
    %swap3A_228 = arith.constant 4 : i32
    %swap3A_229 = arith.index_cast %swap3A_228 : i32 to index
    %swap3A_230 = arith.constant 96 : index
    %swap3A_231 = tpu.vector_load %arg12[%swap3A_229, %swap3A_230] {strides = array<i32>} : memref<8x128xf32, #tpu.memory_space<vmem>>, vector<1x16xf32>,
    %swap3A_232 = vector.shape_cast %swap3A_231 : vector<1x16xf32> to vector<16xf32>
    %swap3A_233 = vector.shape_cast %broadcast_in_dim3A_0 : vector<16xf32> to vector<1x16xf32>
    tpu.vector_store %arg12[%swap3A_229, %swap3A_230], %swap3A_233 {strides = array<i32>} : memref<8x128xf32, #tpu.memory_space<vmem>>, vector<1x16xf32>,
    %swap3A_234 = arith.constant 4 : i32
    %swap3A_235 = arith.index_cast %swap3A_234 : i32 to index
    %swap3A_236 = arith.constant 112 : index
    %swap3A_237 = tpu.vector_load %arg12[%swap3A_235, %swap3A_236] {strides = array<i32>} : memref<8x128xf32, #tpu.memory_space<vmem>>, vector<1x16xf32>,
    %swap3A_238 = vector.shape_cast %swap3A_237 : vector<1x16xf32> to vector<16xf32>
    %swap3A_239 = vector.shape_cast %broadcast_in_dim3A_0 : vector<16xf32> to vector<1x16xf32>
    tpu.vector_store %arg12[%swap3A_235, %swap3A_236], %swap3A_239 {strides = array<i32>} : memref<8x128xf32, #tpu.memory_space<vmem>>, vector<1x16xf32>,
    %swap3A_240 = arith.constant 5 : i32
    %swap3A_241 = arith.index_cast %swap3A_240 : i32 to index
    %swap3A_242 = arith.constant 0 : index
    %swap3A_243 = tpu.vector_load %arg12[%swap3A_241, %swap3A_242] {strides = array<i32>} : memref<8x128xf32, #tpu.memory_space<vmem>>, vector<1x16xf32>,
    %swap3A_244 = vector.shape_cast %swap3A_243 : vector<1x16xf32> to vector<16xf32>
    %swap3A_245 = vector.shape_cast %broadcast_in_dim3A_0 : vector<16xf32> to vector<1x16xf32>
    tpu.vector_store %arg12[%swap3A_241, %swap3A_242], %swap3A_245 {strides = array<i32>} : memref<8x128xf32, #tpu.memory_space<vmem>>, vector<1x16xf32>,
    %swap3A_246 = arith.constant 5 : i32
    %swap3A_247 = arith.index_cast %swap3A_246 : i32 to index
    %swap3A_248 = arith.constant 16 : index
    %swap3A_249 = tpu.vector_load %arg12[%swap3A_247, %swap3A_248] {strides = array<i32>} : memref<8x128xf32, #tpu.memory_space<vmem>>, vector<1x16xf32>,
    %swap3A_250 = vector.shape_cast %swap3A_249 : vector<1x16xf32> to vector<16xf32>
    %swap3A_251 = vector.shape_cast %broadcast_in_dim3A_0 : vector<16xf32> to vector<1x16xf32>
    tpu.vector_store %arg12[%swap3A_247, %swap3A_248], %swap3A_251 {strides = array<i32>} : memref<8x128xf32, #tpu.memory_space<vmem>>, vector<1x16xf32>,
    %swap3A_252 = arith.constant 5 : i32
    %swap3A_253 = arith.index_cast %swap3A_252 : i32 to index
    %swap3A_254 = arith.constant 32 : index
    %swap3A_255 = tpu.vector_load %arg12[%swap3A_253, %swap3A_254] {strides = array<i32>} : memref<8x128xf32, #tpu.memory_space<vmem>>, vector<1x16xf32>,
    %swap3A_256 = vector.shape_cast %swap3A_255 : vector<1x16xf32> to vector<16xf32>
    %swap3A_257 = vector.shape_cast %broadcast_in_dim3A_0 : vector<16xf32> to vector<1x16xf32>
    tpu.vector_store %arg12[%swap3A_253, %swap3A_254], %swap3A_257 {strides = array<i32>} : memref<8x128xf32, #tpu.memory_space<vmem>>, vector<1x16xf32>,
    %swap3A_258 = arith.constant 5 : i32
    %swap3A_259 = arith.index_cast %swap3A_258 : i32 to index
    %swap3A_260 = arith.constant 48 : index
    %swap3A_261 = tpu.vector_load %arg12[%swap3A_259, %swap3A_260] {strides = array<i32>} : memref<8x128xf32, #tpu.memory_space<vmem>>, vector<1x16xf32>,
    %swap3A_262 = vector.shape_cast %swap3A_261 : vector<1x16xf32> to vector<16xf32>
    %swap3A_263 = vector.shape_cast %broadcast_in_dim3A_0 : vector<16xf32> to vector<1x16xf32>
    tpu.vector_store %arg12[%swap3A_259, %swap3A_260], %swap3A_263 {strides = array<i32>} : memref<8x128xf32, #tpu.memory_space<vmem>>, vector<1x16xf32>,
    %swap3A_264 = arith.constant 5 : i32
    %swap3A_265 = arith.index_cast %swap3A_264 : i32 to index
    %swap3A_266 = arith.constant 64 : index
    %swap3A_267 = tpu.vector_load %arg12[%swap3A_265, %swap3A_266] {strides = array<i32>} : memref<8x128xf32, #tpu.memory_space<vmem>>, vector<1x16xf32>,
    %swap3A_268 = vector.shape_cast %swap3A_267 : vector<1x16xf32> to vector<16xf32>
    %swap3A_269 = vector.shape_cast %broadcast_in_dim3A_0 : vector<16xf32> to vector<1x16xf32>
    tpu.vector_store %arg12[%swap3A_265, %swap3A_266], %swap3A_269 {strides = array<i32>} : memref<8x128xf32, #tpu.memory_space<vmem>>, vector<1x16xf32>,
    %swap3A_270 = arith.constant 5 : i32
    %swap3A_271 = arith.index_cast %swap3A_270 : i32 to index
    %swap3A_272 = arith.constant 80 : index
    %swap3A_273 = tpu.vector_load %arg12[%swap3A_271, %swap3A_272] {strides = array<i32>} : memref<8x128xf32, #tpu.memory_space<vmem>>, vector<1x16xf32>,
    %swap3A_274 = vector.shape_cast %swap3A_273 : vector<1x16xf32> to vector<16xf32>
    %swap3A_275 = vector.shape_cast %broadcast_in_dim3A_0 : vector<16xf32> to vector<1x16xf32>
    tpu.vector_store %arg12[%swap3A_271, %swap3A_272], %swap3A_275 {strides = array<i32>} : memref<8x128xf32, #tpu.memory_space<vmem>>, vector<1x16xf32>,
    %swap3A_276 = arith.constant 5 : i32
    %swap3A_277 = arith.index_cast %swap3A_276 : i32 to index
    %swap3A_278 = arith.constant 96 : index
    %swap3A_279 = tpu.vector_load %arg12[%swap3A_277, %swap3A_278] {strides = array<i32>} : memref<8x128xf32, #tpu.memory_space<vmem>>, vector<1x16xf32>,
    %swap3A_280 = vector.shape_cast %swap3A_279 : vector<1x16xf32> to vector<16xf32>
    %swap3A_281 = vector.shape_cast %broadcast_in_dim3A_0 : vector<16xf32> to vector<1x16xf32>
    tpu.vector_store %arg12[%swap3A_277, %swap3A_278], %swap3A_281 {strides = array<i32>} : memref<8x128xf32, #tpu.memory_space<vmem>>, vector<1x16xf32>,
    %swap3A_282 = arith.constant 5 : i32
    %swap3A_283 = arith.index_cast %swap3A_282 : i32 to index
    %swap3A_284 = arith.constant 112 : index
    %swap3A_285 = tpu.vector_load %arg12[%swap3A_283, %swap3A_284] {strides = array<i32>} : memref<8x128xf32, #tpu.memory_space<vmem>>, vector<1x16xf32>,
    %swap3A_286 = vector.shape_cast %swap3A_285 : vector<1x16xf32> to vector<16xf32>
    %swap3A_287 = vector.shape_cast %broadcast_in_dim3A_0 : vector<16xf32> to vector<1x16xf32>
    tpu.vector_store %arg12[%swap3A_283, %swap3A_284], %swap3A_287 {strides = array<i32>} : memref<8x128xf32, #tpu.memory_space<vmem>>, vector<1x16xf32>,
    %swap3A_288 = arith.constant 6 : i32
    %swap3A_289 = arith.index_cast %swap3A_288 : i32 to index
    %swap3A_290 = arith.constant 0 : index
    %swap3A_291 = tpu.vector_load %arg12[%swap3A_289, %swap3A_290] {strides = array<i32>} : memref<8x128xf32, #tpu.memory_space<vmem>>, vector<1x16xf32>,
    %swap3A_292 = vector.shape_cast %swap3A_291 : vector<1x16xf32> to vector<16xf32>
    %swap3A_293 = vector.shape_cast %broadcast_in_dim3A_0 : vector<16xf32> to vector<1x16xf32>
    tpu.vector_store %arg12[%swap3A_289, %swap3A_290], %swap3A_293 {strides = array<i32>} : memref<8x128xf32, #tpu.memory_space<vmem>>, vector<1x16xf32>,
    %swap3A_294 = arith.constant 6 : i32
    %swap3A_295 = arith.index_cast %swap3A_294 : i32 to index
    %swap3A_296 = arith.constant 16 : index
    %swap3A_297 = tpu.vector_load %arg12[%swap3A_295, %swap3A_296] {strides = array<i32>} : memref<8x128xf32, #tpu.memory_space<vmem>>, vector<1x16xf32>,
    %swap3A_298 = vector.shape_cast %swap3A_297 : vector<1x16xf32> to vector<16xf32>
    %swap3A_299 = vector.shape_cast %broadcast_in_dim3A_0 : vector<16xf32> to vector<1x16xf32>
    tpu.vector_store %arg12[%swap3A_295, %swap3A_296], %swap3A_299 {strides = array<i32>} : memref<8x128xf32, #tpu.memory_space<vmem>>, vector<1x16xf32>,
    %swap3A_300 = arith.constant 6 : i32
    %swap3A_301 = arith.index_cast %swap3A_300 : i32 to index
    %swap3A_302 = arith.constant 32 : index
    %swap3A_303 = tpu.vector_load %arg12[%swap3A_301, %swap3A_302] {strides = array<i32>} : memref<8x128xf32, #tpu.memory_space<vmem>>, vector<1x16xf32>,
    %swap3A_304 = vector.shape_cast %swap3A_303 : vector<1x16xf32> to vector<16xf32>
    %swap3A_305 = vector.shape_cast %broadcast_in_dim3A_0 : vector<16xf32> to vector<1x16xf32>
    tpu.vector_store %arg12[%swap3A_301, %swap3A_302], %swap3A_305 {strides = array<i32>} : memref<8x128xf32, #tpu.memory_space<vmem>>, vector<1x16xf32>,
    %swap3A_306 = arith.constant 6 : i32
    %swap3A_307 = arith.index_cast %swap3A_306 : i32 to index
    %swap3A_308 = arith.constant 48 : index
    %swap3A_309 = tpu.vector_load %arg12[%swap3A_307, %swap3A_308] {strides = array<i32>} : memref<8x128xf32, #tpu.memory_space<vmem>>, vector<1x16xf32>,
    %swap3A_310 = vector.shape_cast %swap3A_309 : vector<1x16xf32> to vector<16xf32>
    %swap3A_311 = vector.shape_cast %broadcast_in_dim3A_0 : vector<16xf32> to vector<1x16xf32>
    tpu.vector_store %arg12[%swap3A_307, %swap3A_308], %swap3A_311 {strides = array<i32>} : memref<8x128xf32, #tpu.memory_space<vmem>>, vector<1x16xf32>,
    %swap3A_312 = arith.constant 6 : i32
    %swap3A_313 = arith.index_cast %swap3A_312 : i32 to index
    %swap3A_314 = arith.constant 64 : index
    %swap3A_315 = tpu.vector_load %arg12[%swap3A_313, %swap3A_314] {strides = array<i32>} : memref<8x128xf32, #tpu.memory_space<vmem>>, vector<1x16xf32>,
    %swap3A_316 = vector.shape_cast %swap3A_315 : vector<1x16xf32> to vector<16xf32>
    %swap3A_317 = vector.shape_cast %broadcast_in_dim3A_0 : vector<16xf32> to vector<1x16xf32>
    tpu.vector_store %arg12[%swap3A_313, %swap3A_314], %swap3A_317 {strides = array<i32>} : memref<8x128xf32, #tpu.memory_space<vmem>>, vector<1x16xf32>,
    %swap3A_318 = arith.constant 6 : i32
    %swap3A_319 = arith.index_cast %swap3A_318 : i32 to index
    %swap3A_320 = arith.constant 80 : index
    %swap3A_321 = tpu.vector_load %arg12[%swap3A_319, %swap3A_320] {strides = array<i32>} : memref<8x128xf32, #tpu.memory_space<vmem>>, vector<1x16xf32>,
    %swap3A_322 = vector.shape_cast %swap3A_321 : vector<1x16xf32> to vector<16xf32>
    %swap3A_323 = vector.shape_cast %broadcast_in_dim3A_0 : vector<16xf32> to vector<1x16xf32>
    tpu.vector_store %arg12[%swap3A_319, %swap3A_320], %swap3A_323 {strides = array<i32>} : memref<8x128xf32, #tpu.memory_space<vmem>>, vector<1x16xf32>,
    %swap3A_324 = arith.constant 6 : i32
    %swap3A_325 = arith.index_cast %swap3A_324 : i32 to index
    %swap3A_326 = arith.constant 96 : index
    %swap3A_327 = tpu.vector_load %arg12[%swap3A_325, %swap3A_326] {strides = array<i32>} : memref<8x128xf32, #tpu.memory_space<vmem>>, vector<1x16xf32>,
    %swap3A_328 = vector.shape_cast %swap3A_327 : vector<1x16xf32> to vector<16xf32>
    %swap3A_329 = vector.shape_cast %broadcast_in_dim3A_0 : vector<16xf32> to vector<1x16xf32>
    tpu.vector_store %arg12[%swap3A_325, %swap3A_326], %swap3A_329 {strides = array<i32>} : memref<8x128xf32, #tpu.memory_space<vmem>>, vector<1x16xf32>,
    %swap3A_330 = arith.constant 6 : i32
    %swap3A_331 = arith.index_cast %swap3A_330 : i32 to index
    %swap3A_332 = arith.constant 112 : index
    %swap3A_333 = tpu.vector_load %arg12[%swap3A_331, %swap3A_332] {strides = array<i32>} : memref<8x128xf32, #tpu.memory_space<vmem>>, vector<1x16xf32>,
    %swap3A_334 = vector.shape_cast %swap3A_333 : vector<1x16xf32> to vector<16xf32>
    %swap3A_335 = vector.shape_cast %broadcast_in_dim3A_0 : vector<16xf32> to vector<1x16xf32>
    tpu.vector_store %arg12[%swap3A_331, %swap3A_332], %swap3A_335 {strides = array<i32>} : memref<8x128xf32, #tpu.memory_space<vmem>>, vector<1x16xf32>,
    %swap3A_336 = arith.constant 7 : i32
    %swap3A_337 = arith.index_cast %swap3A_336 : i32 to index
    %swap3A_338 = arith.constant 0 : index
    %swap3A_339 = tpu.vector_load %arg12[%swap3A_337, %swap3A_338] {strides = array<i32>} : memref<8x128xf32, #tpu.memory_space<vmem>>, vector<1x16xf32>,
    %swap3A_340 = vector.shape_cast %swap3A_339 : vector<1x16xf32> to vector<16xf32>
    %swap3A_341 = vector.shape_cast %broadcast_in_dim3A_0 : vector<16xf32> to vector<1x16xf32>
    tpu.vector_store %arg12[%swap3A_337, %swap3A_338], %swap3A_341 {strides = array<i32>} : memref<8x128xf32, #tpu.memory_space<vmem>>, vector<1x16xf32>,
    %swap3A_342 = arith.constant 7 : i32
    %swap3A_343 = arith.index_cast %swap3A_342 : i32 to index
    %swap3A_344 = arith.constant 16 : index
    %swap3A_345 = tpu.vector_load %arg12[%swap3A_343, %swap3A_344] {strides = array<i32>} : memref<8x128xf32, #tpu.memory_space<vmem>>, vector<1x16xf32>,
    %swap3A_346 = vector.shape_cast %swap3A_345 : vector<1x16xf32> to vector<16xf32>
    %swap3A_347 = vector.shape_cast %broadcast_in_dim3A_0 : vector<16xf32> to vector<1x16xf32>
    tpu.vector_store %arg12[%swap3A_343, %swap3A_344], %swap3A_347 {strides = array<i32>} : memref<8x128xf32, #tpu.memory_space<vmem>>, vector<1x16xf32>,
    %swap3A_348 = arith.constant 7 : i32
    %swap3A_349 = arith.index_cast %swap3A_348 : i32 to index
    %swap3A_350 = arith.constant 32 : index
    %swap3A_351 = tpu.vector_load %arg12[%swap3A_349, %swap3A_350] {strides = array<i32>} : memref<8x128xf32, #tpu.memory_space<vmem>>, vector<1x16xf32>,
    %swap3A_352 = vector.shape_cast %swap3A_351 : vector<1x16xf32> to vector<16xf32>
    %swap3A_353 = vector.shape_cast %broadcast_in_dim3A_0 : vector<16xf32> to vector<1x16xf32>
    tpu.vector_store %arg12[%swap3A_349, %swap3A_350], %swap3A_353 {strides = array<i32>} : memref<8x128xf32, #tpu.memory_space<vmem>>, vector<1x16xf32>,
    %swap3A_354 = arith.constant 7 : i32
    %swap3A_355 = arith.index_cast %swap3A_354 : i32 to index
    %swap3A_356 = arith.constant 48 : index
    %swap3A_357 = tpu.vector_load %arg12[%swap3A_355, %swap3A_356] {strides = array<i32>} : memref<8x128xf32, #tpu.memory_space<vmem>>, vector<1x16xf32>,
    %swap3A_358 = vector.shape_cast %swap3A_357 : vector<1x16xf32> to vector<16xf32>
    %swap3A_359 = vector.shape_cast %broadcast_in_dim3A_0 : vector<16xf32> to vector<1x16xf32>
    tpu.vector_store %arg12[%swap3A_355, %swap3A_356], %swap3A_359 {strides = array<i32>} : memref<8x128xf32, #tpu.memory_space<vmem>>, vector<1x16xf32>,
    %swap3A_360 = arith.constant 7 : i32
    %swap3A_361 = arith.index_cast %swap3A_360 : i32 to index
    %swap3A_362 = arith.constant 64 : index
    %swap3A_363 = tpu.vector_load %arg12[%swap3A_361, %swap3A_362] {strides = array<i32>} : memref<8x128xf32, #tpu.memory_space<vmem>>, vector<1x16xf32>,
    %swap3A_364 = vector.shape_cast %swap3A_363 : vector<1x16xf32> to vector<16xf32>
    %swap3A_365 = vector.shape_cast %broadcast_in_dim3A_0 : vector<16xf32> to vector<1x16xf32>
    tpu.vector_store %arg12[%swap3A_361, %swap3A_362], %swap3A_365 {strides = array<i32>} : memref<8x128xf32, #tpu.memory_space<vmem>>, vector<1x16xf32>,
    %swap3A_366 = arith.constant 7 : i32
    %swap3A_367 = arith.index_cast %swap3A_366 : i32 to index
    %swap3A_368 = arith.constant 80 : index
    %swap3A_369 = tpu.vector_load %arg12[%swap3A_367, %swap3A_368] {strides = array<i32>} : memref<8x128xf32, #tpu.memory_space<vmem>>, vector<1x16xf32>,
    %swap3A_370 = vector.shape_cast %swap3A_369 : vector<1x16xf32> to vector<16xf32>
    %swap3A_371 = vector.shape_cast %broadcast_in_dim3A_0 : vector<16xf32> to vector<1x16xf32>
    tpu.vector_store %arg12[%swap3A_367, %swap3A_368], %swap3A_371 {strides = array<i32>} : memref<8x128xf32, #tpu.memory_space<vmem>>, vector<1x16xf32>,
    %swap3A_372 = arith.constant 7 : i32
    %swap3A_373 = arith.index_cast %swap3A_372 : i32 to index
    %swap3A_374 = arith.constant 96 : index
    %swap3A_375 = tpu.vector_load %arg12[%swap3A_373, %swap3A_374] {strides = array<i32>} : memref<8x128xf32, #tpu.memory_space<vmem>>, vector<1x16xf32>,
    %swap3A_376 = vector.shape_cast %swap3A_375 : vector<1x16xf32> to vector<16xf32>
    %swap3A_377 = vector.shape_cast %broadcast_in_dim3A_0 : vector<16xf32> to vector<1x16xf32>
    tpu.vector_store %arg12[%swap3A_373, %swap3A_374], %swap3A_377 {strides = array<i32>} : memref<8x128xf32, #tpu.memory_space<vmem>>, vector<1x16xf32>,
    %swap3A_378 = arith.constant 7 : i32
    %swap3A_379 = arith.index_cast %swap3A_378 : i32 to index
    %swap3A_380 = arith.constant 112 : index
    %swap3A_381 = tpu.vector_load %arg12[%swap3A_379, %swap3A_380] {strides = array<i32>} : memref<8x128xf32, #tpu.memory_space<vmem>>, vector<1x16xf32>,
    %swap3A_382 = vector.shape_cast %swap3A_381 : vector<1x16xf32> to vector<16xf32>
    %swap3A_383 = vector.shape_cast %broadcast_in_dim3A_0 : vector<16xf32> to vector<1x16xf32>
    tpu.vector_store %arg12[%swap3A_379, %swap3A_380], %swap3A_383 {strides = array<i32>} : memref<8x128xf32, #tpu.memory_space<vmem>>, vector<1x16xf32>,
    %mul3A = arith.constant 632 : i32
    %mul3A_384 = arith.muli %arg1, %mul3A : i32
    %min3A = arith.constant 9448 : i32
    %min3A_385 = arith.minsi %mul3A_384, %min3A : i32
    %scan3A = arith.constant 0 : i32
    %scan3A_386 = arith.constant 0 : i32
    %scan3A_387 = arith.constant 79 : i32
    %scan3A_388 = arith.addi %scan3A_386, %scan3A_387 : i32
    %scan3A_389 = arith.constant 1 : i32
    scf.for %scan3A_402 = %scan3A_386 to %scan3A_388 step %scan3A_389  : i32 {
      %mul3A_403 = arith.constant 8 : i32
      %mul3A_404 = arith.muli %scan3A_402, %mul3A_403 : i32
      %add3A = arith.addi %min3A_385, %mul3A_404 : i32
      "tpu.region"() ({
        %run_scoped3A = tpu.sem_alloc : memref<!tpu.dma_semaphore, #tpu.memory_space<semaphore_mem>>
        %dma_start3A = arith.constant 0 : i32
        %dma_start3A_405 = tpu.memref_slice %arg13[%add3A, %dma_start3A] : memref<10080x128xf32, #tpu.memory_space<vmem_shared>> -> memref<8x128xf32, #tpu.memory_space<vmem_shared>>
        %dma_start3A_406 = arith.constant 0 : i32
        %dma_start3A_407 = tpu.memref_slice %arg13[%add3A, %dma_start3A_406] : memref<10080x128xf32, #tpu.memory_space<vmem_shared>> -> memref<8x128xf32, #tpu.memory_space<vmem_shared>>
        tpu.enqueue_dma source(%arg12 : memref<8x128xf32, #tpu.memory_space<vmem>>) target(%dma_start3A_407 : memref<8x128xf32, #tpu.memory_space<vmem_shared>>) target_semaphore(%run_scoped3A : memref<!tpu.dma_semaphore, #tpu.memory_space<semaphore_mem>>)
        %dma_wait3A = arith.constant 0 : i32
        %dma_wait3A_408 = tpu.memref_slice %arg13[%add3A, %dma_wait3A] : memref<10080x128xf32, #tpu.memory_space<vmem_shared>> -> memref<8x128xf32, #tpu.memory_space<vmem_shared>>
        %dma_wait3A_409 = arith.constant 0 : i32
        %dma_wait3A_410 = tpu.memref_slice %arg13[%add3A, %dma_wait3A_409] : memref<10080x128xf32, #tpu.memory_space<vmem_shared>> -> memref<8x128xf32, #tpu.memory_space<vmem_shared>>
        tpu.wait_dma2 semaphore(%run_scoped3A : memref<!tpu.dma_semaphore, #tpu.memory_space<semaphore_mem>>) src(%arg12 : memref<8x128xf32, #tpu.memory_space<vmem>>) dst(%dma_wait3A_410 : memref<8x128xf32, #tpu.memory_space<vmem_shared>>)
        tpu.yield
      }) : () -> ()
    }
    %scan3A_390 = arith.constant 79 : i32
    %barrier3A = arith.constant 0 : index
    tpu.barrier barrier_id(%barrier3A)
    %mul3A_391 = arith.constant 160 : i32
    %mul3A_392 = arith.muli %arg1, %mul3A_391 : i32
    %mul3A_393 = arith.constant 128 : i32
    %mul3A_394 = arith.muli %mul3A_392, %mul3A_393 : i32
    %scan3A_395 = arith.constant 0 : i32
    %scan3A_396 = arith.constant 0 : i32
    %scan3A_397 = arith.constant 80 : i32
    %scan3A_398 = arith.addi %scan3A_396, %scan3A_397 : i32
    %scan3A_399 = arith.constant 1 : i32
    scf.for %scan3A_402 = %scan3A_396 to %scan3A_398 step %scan3A_399  : i32 {
      %mul3A_403 = arith.constant 2 : i32
      %mul3A_404 = arith.muli %mul3A_403, %scan3A_402 : i32
      %mul3A_405 = arith.constant 128 : i32
      %mul3A_406 = arith.muli %mul3A_404, %mul3A_405 : i32
      %add3A = arith.addi %mul3A_394, %mul3A_406 : i32
      "tpu.region"() ({
        %run_scoped3A = tpu.sem_alloc : memref<!tpu.dma_semaphore, #tpu.memory_space<semaphore_mem>>
        %dma_start3A_437 = tpu.memref_slice %arg2[%add3A] : memref<327680xi32, #tpu.memory_space<hbm>> -> memref<128xi32, #tpu.memory_space<hbm>>
        %dma_start3A_438 = tpu.memref_slice %arg2[%add3A] : memref<327680xi32, #tpu.memory_space<hbm>> -> memref<128xi32, #tpu.memory_space<hbm>>
        tpu.enqueue_dma source(%dma_start3A_438 : memref<128xi32, #tpu.memory_space<hbm>>) target(%arg6 : memref<128xi32, #tpu.memory_space<vmem>>) target_semaphore(%run_scoped3A : memref<!tpu.dma_semaphore, #tpu.memory_space<semaphore_mem>>)
        %dma_wait3A_439 = tpu.memref_slice %arg2[%add3A] : memref<327680xi32, #tpu.memory_space<hbm>> -> memref<128xi32, #tpu.memory_space<hbm>>
        %dma_wait3A_440 = tpu.memref_slice %arg2[%add3A] : memref<327680xi32, #tpu.memory_space<hbm>> -> memref<128xi32, #tpu.memory_space<hbm>>
        tpu.wait_dma2 semaphore(%run_scoped3A : memref<!tpu.dma_semaphore, #tpu.memory_space<semaphore_mem>>) src(%dma_wait3A_440 : memref<128xi32, #tpu.memory_space<hbm>>) dst(%arg6 : memref<128xi32, #tpu.memory_space<vmem>>)
        tpu.yield
      }) : () -> ()
      %dma_start3A = arith.constant 0 : i32
      %dma_start3A_407 = arith.constant 0 : i32
      %dma_start3A_408 = tpu.memref_slice %arg4[%arg0, %dma_start3A, %dma_start3A_407] : memref<2x10080x128xf32, #tpu.memory_space<hbm>> -> memref<1x10080x128xf32, #tpu.memory_space<hbm>>
      %dma_start3A_409 = tpu.memref_squeeze %dma_start3A_408 : memref<1x10080x128xf32, #tpu.memory_space<hbm>> -> memref<10080x128xf32, #tpu.memory_space<hbm>>
      %dma_start3A_410 = arith.constant 0 : i32
      %dma_start3A_411 = arith.constant 0 : i32
      %dma_start3A_412 = tpu.memref_slice %dma_start3A_409[%dma_start3A_410, %dma_start3A_411] : memref<10080x128xf32, #tpu.memory_space<hbm>> -> memref<10080x128xf32, #tpu.memory_space<hbm>>
      tpu.enqueue_indirect_dma source(%dma_start3A_412 : memref<10080x128xf32, #tpu.memory_space<hbm>>) target(%arg10 : memref<128x128xf32, #tpu.memory_space<vmem>>) offsets(%arg6 : memref<128xi32, #tpu.memory_space<vmem>>) semaphore(%arg14 : memref<!tpu.dma_semaphore, #tpu.memory_space<semaphore_mem>>)
      %add3A_413 = arith.constant 128 : i32
      %add3A_414 = arith.addi %add3A, %add3A_413 : i32
      "tpu.region"() ({
        %run_scoped3A = tpu.sem_alloc : memref<!tpu.dma_semaphore, #tpu.memory_space<semaphore_mem>>
        %dma_start3A_437 = tpu.memref_slice %arg2[%add3A_414] : memref<327680xi32, #tpu.memory_space<hbm>> -> memref<128xi32, #tpu.memory_space<hbm>>
        %dma_start3A_438 = tpu.memref_slice %arg2[%add3A_414] : memref<327680xi32, #tpu.memory_space<hbm>> -> memref<128xi32, #tpu.memory_space<hbm>>
        tpu.enqueue_dma source(%dma_start3A_438 : memref<128xi32, #tpu.memory_space<hbm>>) target(%arg8 : memref<128xi32, #tpu.memory_space<vmem>>) target_semaphore(%run_scoped3A : memref<!tpu.dma_semaphore, #tpu.memory_space<semaphore_mem>>)
        %dma_wait3A_439 = tpu.memref_slice %arg2[%add3A_414] : memref<327680xi32, #tpu.memory_space<hbm>> -> memref<128xi32, #tpu.memory_space<hbm>>
        %dma_wait3A_440 = tpu.memref_slice %arg2[%add3A_414] : memref<327680xi32, #tpu.memory_space<hbm>> -> memref<128xi32, #tpu.memory_space<hbm>>
        tpu.wait_dma2 semaphore(%run_scoped3A : memref<!tpu.dma_semaphore, #tpu.memory_space<semaphore_mem>>) src(%dma_wait3A_440 : memref<128xi32, #tpu.memory_space<hbm>>) dst(%arg8 : memref<128xi32, #tpu.memory_space<vmem>>)
        tpu.yield
      }) : () -> ()
      %dma_start3A_415 = arith.constant 0 : i32
      %dma_start3A_416 = arith.constant 0 : i32
      %dma_start3A_417 = tpu.memref_slice %arg4[%arg0, %dma_start3A_415, %dma_start3A_416] : memref<2x10080x128xf32, #tpu.memory_space<hbm>> -> memref<1x10080x128xf32, #tpu.memory_space<hbm>>
      %dma_start3A_418 = tpu.memref_squeeze %dma_start3A_417 : memref<1x10080x128xf32, #tpu.memory_space<hbm>> -> memref<10080x128xf32, #tpu.memory_space<hbm>>
      %dma_start3A_419 = arith.constant 0 : i32
      %dma_start3A_420 = arith.constant 0 : i32
      %dma_start3A_421 = tpu.memref_slice %dma_start3A_418[%dma_start3A_419, %dma_start3A_420] : memref<10080x128xf32, #tpu.memory_space<hbm>> -> memref<10080x128xf32, #tpu.memory_space<hbm>>
      tpu.enqueue_indirect_dma source(%dma_start3A_421 : memref<10080x128xf32, #tpu.memory_space<hbm>>) target(%arg11 : memref<128x128xf32, #tpu.memory_space<vmem>>) offsets(%arg8 : memref<128xi32, #tpu.memory_space<vmem>>) semaphore(%arg15 : memref<!tpu.dma_semaphore, #tpu.memory_space<semaphore_mem>>)
      "tpu.region"() ({
        %run_scoped3A = tpu.sem_alloc : memref<!tpu.dma_semaphore, #tpu.memory_space<semaphore_mem>>
        %dma_start3A_437 = tpu.memref_slice %arg3[%add3A] : memref<327680xi32, #tpu.memory_space<hbm>> -> memref<128xi32, #tpu.memory_space<hbm>>
        %dma_start3A_438 = tpu.memref_slice %arg3[%add3A] : memref<327680xi32, #tpu.memory_space<hbm>> -> memref<128xi32, #tpu.memory_space<hbm>>
        tpu.enqueue_dma source(%dma_start3A_438 : memref<128xi32, #tpu.memory_space<hbm>>) target(%arg7 : memref<128xi32, #tpu.memory_space<vmem>>) target_semaphore(%run_scoped3A : memref<!tpu.dma_semaphore, #tpu.memory_space<semaphore_mem>>)
        %dma_wait3A_439 = tpu.memref_slice %arg3[%add3A] : memref<327680xi32, #tpu.memory_space<hbm>> -> memref<128xi32, #tpu.memory_space<hbm>>
        %dma_wait3A_440 = tpu.memref_slice %arg3[%add3A] : memref<327680xi32, #tpu.memory_space<hbm>> -> memref<128xi32, #tpu.memory_space<hbm>>
        tpu.wait_dma2 semaphore(%run_scoped3A : memref<!tpu.dma_semaphore, #tpu.memory_space<semaphore_mem>>) src(%dma_wait3A_440 : memref<128xi32, #tpu.memory_space<hbm>>) dst(%arg7 : memref<128xi32, #tpu.memory_space<vmem>>)
        tpu.yield
      }) : () -> ()
      %add3A_422 = arith.constant 128 : i32
      %add3A_423 = arith.addi %add3A, %add3A_422 : i32
      "tpu.region"() ({
        %run_scoped3A = tpu.sem_alloc : memref<!tpu.dma_semaphore, #tpu.memory_space<semaphore_mem>>
        %dma_start3A_437 = tpu.memref_slice %arg3[%add3A_423] : memref<327680xi32, #tpu.memory_space<hbm>> -> memref<128xi32, #tpu.memory_space<hbm>>
        %dma_start3A_438 = tpu.memref_slice %arg3[%add3A_423] : memref<327680xi32, #tpu.memory_space<hbm>> -> memref<128xi32, #tpu.memory_space<hbm>>
        tpu.enqueue_dma source(%dma_start3A_438 : memref<128xi32, #tpu.memory_space<hbm>>) target(%arg9 : memref<128xi32, #tpu.memory_space<vmem>>) target_semaphore(%run_scoped3A : memref<!tpu.dma_semaphore, #tpu.memory_space<semaphore_mem>>)
        %dma_wait3A_439 = tpu.memref_slice %arg3[%add3A_423] : memref<327680xi32, #tpu.memory_space<hbm>> -> memref<128xi32, #tpu.memory_space<hbm>>
        %dma_wait3A_440 = tpu.memref_slice %arg3[%add3A_423] : memref<327680xi32, #tpu.memory_space<hbm>> -> memref<128xi32, #tpu.memory_space<hbm>>
        tpu.wait_dma2 semaphore(%run_scoped3A : memref<!tpu.dma_semaphore, #tpu.memory_space<semaphore_mem>>) src(%dma_wait3A_440 : memref<128xi32, #tpu.memory_space<hbm>>) dst(%arg9 : memref<128xi32, #tpu.memory_space<vmem>>)
        tpu.yield
      }) : () -> ()
      %dma_wait3A = arith.constant 0 : i32
      %dma_wait3A_424 = arith.constant 0 : i32
      %dma_wait3A_425 = tpu.memref_slice %arg4[%arg0, %dma_wait3A, %dma_wait3A_424] : memref<2x10080x128xf32, #tpu.memory_space<hbm>> -> memref<1x10080x128xf32, #tpu.memory_space<hbm>>
      %dma_wait3A_426 = tpu.memref_squeeze %dma_wait3A_425 : memref<1x10080x128xf32, #tpu.memory_space<hbm>> -> memref<10080x128xf32, #tpu.memory_space<hbm>>
      %dma_wait3A_427 = arith.constant 0 : i32
      %dma_wait3A_428 = arith.constant 0 : i32
      %dma_wait3A_429 = tpu.memref_slice %dma_wait3A_426[%dma_wait3A_427, %dma_wait3A_428] : memref<10080x128xf32, #tpu.memory_space<hbm>> -> memref<10080x128xf32, #tpu.memory_space<hbm>>
      tpu.wait_indirect_dma semaphore(%arg14 : memref<!tpu.dma_semaphore, #tpu.memory_space<semaphore_mem>>) src(%dma_wait3A_429 : memref<10080x128xf32, #tpu.memory_space<hbm>>) dst(%arg10 : memref<128x128xf32, #tpu.memory_space<vmem>>)
      "tpu.region"() ({
        %run_scoped3A = tpu.sem_alloc : memref<!tpu.dma_semaphore, #tpu.memory_space<semaphore_mem>>
        %dma_start3A_437 = arith.constant 0 : i32
        %dma_start3A_438 = arith.constant 0 : i32
        %dma_start3A_439 = tpu.memref_slice %arg13[%dma_start3A_437, %dma_start3A_438] : memref<10080x128xf32, #tpu.memory_space<vmem_shared>> -> memref<10080x128xf32, #tpu.memory_space<vmem_shared>>
        tpu.enqueue_indirect_dma source(%arg10 : memref<128x128xf32, #tpu.memory_space<vmem>>) target(%dma_start3A_439 : memref<10080x128xf32, #tpu.memory_space<vmem_shared>>) offsets(%arg7 : memref<128xi32, #tpu.memory_space<vmem>>) semaphore(%run_scoped3A : memref<!tpu.dma_semaphore, #tpu.memory_space<semaphore_mem>>) {add = true}
        %dma_wait3A_440 = arith.constant 0 : i32
        %dma_wait3A_441 = arith.constant 0 : i32
        %dma_wait3A_442 = tpu.memref_slice %arg13[%dma_wait3A_440, %dma_wait3A_441] : memref<10080x128xf32, #tpu.memory_space<vmem_shared>> -> memref<10080x128xf32, #tpu.memory_space<vmem_shared>>
        tpu.wait_indirect_dma semaphore(%run_scoped3A : memref<!tpu.dma_semaphore, #tpu.memory_space<semaphore_mem>>) src(%arg10 : memref<128x128xf32, #tpu.memory_space<vmem>>) dst(%dma_wait3A_442 : memref<10080x128xf32, #tpu.memory_space<vmem_shared>>)
        tpu.yield
      }) : () -> ()
      %dma_wait3A_430 = arith.constant 0 : i32
      %dma_wait3A_431 = arith.constant 0 : i32
      %dma_wait3A_432 = tpu.memref_slice %arg4[%arg0, %dma_wait3A_430, %dma_wait3A_431] : memref<2x10080x128xf32, #tpu.memory_space<hbm>> -> memref<1x10080x128xf32, #tpu.memory_space<hbm>>
      %dma_wait3A_433 = tpu.memref_squeeze %dma_wait3A_432 : memref<1x10080x128xf32, #tpu.memory_space<hbm>> -> memref<10080x128xf32, #tpu.memory_space<hbm>>
      %dma_wait3A_434 = arith.constant 0 : i32
      %dma_wait3A_435 = arith.constant 0 : i32
      %dma_wait3A_436 = tpu.memref_slice %dma_wait3A_433[%dma_wait3A_434, %dma_wait3A_435] : memref<10080x128xf32, #tpu.memory_space<hbm>> -> memref<10080x128xf32, #tpu.memory_space<hbm>>
      tpu.wait_indirect_dma semaphore(%arg15 : memref<!tpu.dma_semaphore, #tpu.memory_space<semaphore_mem>>) src(%dma_wait3A_436 : memref<10080x128xf32, #tpu.memory_space<hbm>>) dst(%arg11 : memref<128x128xf32, #tpu.memory_space<vmem>>)
      "tpu.region"() ({
        %run_scoped3A = tpu.sem_alloc : memref<!tpu.dma_semaphore, #tpu.memory_space<semaphore_mem>>
        %dma_start3A_437 = arith.constant 0 : i32
        %dma_start3A_438 = arith.constant 0 : i32
        %dma_start3A_439 = tpu.memref_slice %arg13[%dma_start3A_437, %dma_start3A_438] : memref<10080x128xf32, #tpu.memory_space<vmem_shared>> -> memref<10080x128xf32, #tpu.memory_space<vmem_shared>>
        tpu.enqueue_indirect_dma source(%arg11 : memref<128x128xf32, #tpu.memory_space<vmem>>) target(%dma_start3A_439 : memref<10080x128xf32, #tpu.memory_space<vmem_shared>>) offsets(%arg9 : memref<128xi32, #tpu.memory_space<vmem>>) semaphore(%run_scoped3A : memref<!tpu.dma_semaphore, #tpu.memory_space<semaphore_mem>>) {add = true}
        %dma_wait3A_440 = arith.constant 0 : i32
        %dma_wait3A_441 = arith.constant 0 : i32
        %dma_wait3A_442 = tpu.memref_slice %arg13[%dma_wait3A_440, %dma_wait3A_441] : memref<10080x128xf32, #tpu.memory_space<vmem_shared>> -> memref<10080x128xf32, #tpu.memory_space<vmem_shared>>
        tpu.wait_indirect_dma semaphore(%run_scoped3A : memref<!tpu.dma_semaphore, #tpu.memory_space<semaphore_mem>>) src(%arg11 : memref<128x128xf32, #tpu.memory_space<vmem>>) dst(%dma_wait3A_442 : memref<10080x128xf32, #tpu.memory_space<vmem_shared>>)
        tpu.yield
      }) : () -> ()
    }
    %scan3A_400 = arith.constant 80 : i32
    %barrier3A_401 = arith.constant 0 : index
    tpu.barrier barrier_id(%barrier3A_401)
    "tpu.region"() ({
      %run_scoped3A = tpu.sem_alloc : memref<!tpu.dma_semaphore, #tpu.memory_space<semaphore_mem>>
      %dma_start3A = arith.constant 0 : i32
      %dma_start3A_402 = tpu.memref_slice %arg5[%arg0, %min3A_385, %dma_start3A] : memref<2x10080x128xf32, #tpu.memory_space<hbm>> -> memref<1x632x128xf32, #tpu.memory_space<hbm>>
      %dma_start3A_403 = tpu.memref_squeeze %dma_start3A_402 : memref<1x632x128xf32, #tpu.memory_space<hbm>> -> memref<632x128xf32, #tpu.memory_space<hbm>>
      %dma_start3A_404 = arith.constant 0 : i32
      %dma_start3A_405 = tpu.memref_slice %arg13[%min3A_385, %dma_start3A_404] : memref<10080x128xf32, #tpu.memory_space<vmem_shared>> -> memref<632x128xf32, #tpu.memory_space<vmem_shared>>
      tpu.enqueue_dma source(%dma_start3A_405 : memref<632x128xf32, #tpu.memory_space<vmem_shared>>) target(%dma_start3A_403 : memref<632x128xf32, #tpu.memory_space<hbm>>) target_semaphore(%run_scoped3A : memref<!tpu.dma_semaphore, #tpu.memory_space<semaphore_mem>>)
      %dma_wait3A = arith.constant 0 : i32
      %dma_wait3A_406 = tpu.memref_slice %arg5[%arg0, %min3A_385, %dma_wait3A] : memref<2x10080x128xf32, #tpu.memory_space<hbm>> -> memref<1x632x128xf32, #tpu.memory_space<hbm>>
      %dma_wait3A_407 = tpu.memref_squeeze %dma_wait3A_406 : memref<1x632x128xf32, #tpu.memory_space<hbm>> -> memref<632x128xf32, #tpu.memory_space<hbm>>
      %dma_wait3A_408 = arith.constant 0 : i32
      %dma_wait3A_409 = tpu.memref_slice %arg13[%min3A_385, %dma_wait3A_408] : memref<10080x128xf32, #tpu.memory_space<vmem_shared>> -> memref<632x128xf32, #tpu.memory_space<vmem_shared>>
      tpu.wait_dma2 semaphore(%run_scoped3A : memref<!tpu.dma_semaphore, #tpu.memory_space<semaphore_mem>>) src(%dma_wait3A_409 : memref<632x128xf32, #tpu.memory_space<vmem_shared>>) dst(%dma_wait3A_407 : memref<632x128xf32, #tpu.memory_space<hbm>>)
      tpu.yield
    }) : () -> ()
    return
  }
}

module attributes {stable_mosaic.version = 14 : i64} {
  func.func @_t1_body(%arg0: i32, %arg1: memref<2x336x16xf32, #tpu.memory_space<vmem>>, %arg2: memref<336x128xf32, #tpu.memory_space<vmem>>, %arg3: memref<128x256xf32, #tpu.memory_space<vmem>>, %arg4: memref<2x336x128xf32, #tpu.memory_space<vmem>>, %arg5: memref<336x8xf32, #tpu.memory_space<vmem>>) attributes {dimension_semantics = [#tpu.dimension_semantics<arbitrary>], iteration_bounds = array<i64: 30>, scalar_prefetch = 0 : i64, scratch_operands = 0 : i64, tpu.core_type = #tpu.core_type<tc>, window_params = [{transform_indices = @transform_0, window_bounds = array<i64: 2, 336, 16>}, {transform_indices = @transform_1, window_bounds = array<i64: 336, 128>}, {pipeline_mode = #tpu.pipeline_mode<synchronous>, transform_indices = @transform_2, window_bounds = array<i64: 128, 256>}, {transform_indices = @transform_3, window_bounds = array<i64: 2, 336, 128>}, {transform_indices = @transform_4, window_bounds = array<i64: 336, 8>}]} {
    %get3A = arith.constant 0 : index
    %get3A_0 = arith.constant 0 : index
    %get3A_1 = arith.constant 0 : index
    %get3A_2 = vector.load %arg1[%get3A, %get3A_0, %get3A_1] : memref<2x336x16xf32, #tpu.memory_space<vmem>>, vector<1x336x16xf32>
    %get3A_3 = vector.shape_cast %get3A_2 : vector<1x336x16xf32> to vector<336x16xf32>
    %get3A_4 = arith.constant 1 : index
    %get3A_5 = arith.constant 0 : index
    %get3A_6 = arith.constant 0 : index
    %get3A_7 = vector.load %arg1[%get3A_4, %get3A_5, %get3A_6] : memref<2x336x16xf32, #tpu.memory_space<vmem>>, vector<1x336x16xf32>
    %get3A_8 = vector.shape_cast %get3A_7 : vector<1x336x16xf32> to vector<336x16xf32>
    %slice3A = vector.extract_strided_slice %get3A_3 {offsets = [0, 0], sizes = [336, 1], strides = [1, 1]} : vector<336x16xf32> to vector<336x1xf32>
    %add3A = arith.constant 1.000000e+00 : f32
    %add3A_9 = vector.broadcast %add3A : f32 to vector<336x1xf32>
    %add3A_10 = arith.addf %add3A_9, %slice3A : vector<336x1xf32>
    %slice3A_11 = vector.extract_strided_slice %get3A_8 {offsets = [0, 0], sizes = [336, 1], strides = [1, 1]} : vector<336x16xf32> to vector<336x1xf32>
    %add3A_12 = arith.addf %add3A_10, %slice3A_11 : vector<336x1xf32>
    %mul3A = arith.constant 336 : i32
    %mul3A_13 = arith.muli %arg0, %mul3A : i32
    %iota3A = tpu.iota {dimensions = array<i32: 0>} : vector<336x1xi32>
    %add3A_14 = vector.broadcast %mul3A_13 : i32 to vector<336x1xi32>
    %add3A_15 = arith.addi %add3A_14, %iota3A : vector<336x1xi32>
    %lt3A = arith.constant 10000 : i32
    %lt3A_16 = vector.broadcast %lt3A : i32 to vector<336x1xi32>
    %lt3A_17 = arith.cmpi slt, %add3A_15, %lt3A_16 : vector<336x1xi32>
    %rsqrt3A = math.rsqrt %add3A_12 : vector<336x1xf32>
    %jit3A = arith.constant 0.000000e+00 : f32
    %broadcast_in_dim3A = vector.broadcast %jit3A : f32 to vector<336x1xf32>
    %select_n3A = arith.select %lt3A_17, %rsqrt3A, %broadcast_in_dim3A : vector<336x1xi1>, vector<336x1xf32>
    %get3A_18 = arith.constant 0 : index
    %get3A_19 = arith.constant 0 : index
    %get3A_20 = vector.load %arg2[%get3A_18, %get3A_19] : memref<336x128xf32, #tpu.memory_space<vmem>>, vector<336x128xf32>
    %get3A_21 = arith.constant 0 : index
    %get3A_22 = arith.constant 0 : index
    %get3A_23 = vector.load %arg3[%get3A_21, %get3A_22] : memref<128x256xf32, #tpu.memory_space<vmem>>, vector<128x256xf32>
    %dot_general3A = arith.constant dense<0.000000e+00> : vector<336x256xf32>
    %dot_general3A_24 = tpu.matmul %get3A_20, %get3A_23, %dot_general3A {dimension_numbers = #tpu.dot_dimension_numbers<[1], [0], [0], [1], [0, 0, 1, 1], [], []>, transpose_lhs_hint = false} : vector<336x128xf32>, vector<128x256xf32>, vector<336x256xf32> -> vector<336x256xf32>
    %mul3A_25 = vector.broadcast %select_n3A : vector<336x1xf32> to vector<336x256xf32>
    %mul3A_26 = arith.mulf %dot_general3A_24, %mul3A_25 : vector<336x256xf32>
    %slice3A_27 = vector.extract_strided_slice %mul3A_26 {offsets = [0, 0], sizes = [336, 128], strides = [1, 1]} : vector<336x256xf32> to vector<336x128xf32>
    %swap3A = arith.constant 0 : index
    %swap3A_28 = arith.constant 0 : index
    %swap3A_29 = arith.constant 0 : index
    %swap3A_30 = vector.load %arg4[%swap3A, %swap3A_28, %swap3A_29] : memref<2x336x128xf32, #tpu.memory_space<vmem>>, vector<1x336x128xf32>
    %swap3A_31 = vector.shape_cast %swap3A_30 : vector<1x336x128xf32> to vector<336x128xf32>
    %swap3A_32 = vector.shape_cast %slice3A_27 : vector<336x128xf32> to vector<1x336x128xf32>
    tpu.vector_store %arg4[%swap3A, %swap3A_28, %swap3A_29], %swap3A_32 {strides = array<i32>} : memref<2x336x128xf32, #tpu.memory_space<vmem>>, vector<1x336x128xf32>,
    %slice3A_33 = vector.extract_strided_slice %mul3A_26 {offsets = [0, 128], sizes = [336, 128], strides = [1, 1]} : vector<336x256xf32> to vector<336x128xf32>
    %swap3A_34 = arith.constant 1 : index
    %swap3A_35 = arith.constant 0 : index
    %swap3A_36 = arith.constant 0 : index
    %swap3A_37 = vector.load %arg4[%swap3A_34, %swap3A_35, %swap3A_36] : memref<2x336x128xf32, #tpu.memory_space<vmem>>, vector<1x336x128xf32>
    %swap3A_38 = vector.shape_cast %swap3A_37 : vector<1x336x128xf32> to vector<336x128xf32>
    %swap3A_39 = vector.shape_cast %slice3A_33 : vector<336x128xf32> to vector<1x336x128xf32>
    tpu.vector_store %arg4[%swap3A_34, %swap3A_35, %swap3A_36], %swap3A_39 {strides = array<i32>} : memref<2x336x128xf32, #tpu.memory_space<vmem>>, vector<1x336x128xf32>,
    %broadcast_in_dim3A_40 = vector.shape_cast %select_n3A : vector<336x1xf32> to vector<336x1xf32>
    %broadcast_in_dim3A_41 = vector.broadcast %broadcast_in_dim3A_40 : vector<336x1xf32> to vector<336x8xf32>
    %swap3A_42 = arith.constant 0 : index
    %swap3A_43 = arith.constant 0 : index
    %swap3A_44 = vector.load %arg5[%swap3A_42, %swap3A_43] : memref<336x8xf32, #tpu.memory_space<vmem>>, vector<336x8xf32>
    tpu.vector_store %arg5[%swap3A_42, %swap3A_43], %broadcast_in_dim3A_41 {strides = array<i32>} : memref<336x8xf32, #tpu.memory_space<vmem>>, vector<336x8xf32>,
    return
  }
  func.func @transform_0(%arg0: i32) -> (i32, i32, i32) {
    %c0_i32 = arith.constant 0 : i32
    %c0_i32_0 = arith.constant 0 : i32
    %c0_i32_1 = arith.constant 0 : i32
    return %c0_i32, %arg0, %c0_i32_0 : i32, i32, i32
  }
  func.func @transform_1(%arg0: i32) -> (i32, i32) {
    %c0_i32 = arith.constant 0 : i32
    %c0_i32_0 = arith.constant 0 : i32
    return %arg0, %c0_i32 : i32, i32
  }
  func.func @transform_2(%arg0: i32) -> (i32, i32) {
    %c0_i32 = arith.constant 0 : i32
    %c0_i32_0 = arith.constant 0 : i32
    %c0_i32_1 = arith.constant 0 : i32
    return %c0_i32, %c0_i32_0 : i32, i32
  }
  func.func @transform_3(%arg0: i32) -> (i32, i32, i32) {
    %c0_i32 = arith.constant 0 : i32
    %c0_i32_0 = arith.constant 0 : i32
    %c0_i32_1 = arith.constant 0 : i32
    return %c0_i32, %arg0, %c0_i32_0 : i32, i32, i32
  }
  func.func @transform_4(%arg0: i32) -> (i32, i32) {
    %c0_i32 = arith.constant 0 : i32
    %c0_i32_0 = arith.constant 0 : i32
    return %arg0, %c0_i32 : i32, i32
  }
}

module attributes {stable_mosaic.version = 14 : i64} {
  func.func @_t2_body(%arg0: i32, %arg1: memref<2x336x128xf32, #tpu.memory_space<vmem>>, %arg2: memref<2x336x128xf32, #tpu.memory_space<vmem>>, %arg3: memref<336x8xf32, #tpu.memory_space<vmem>>, %arg4: memref<1x256xf32, #tpu.memory_space<vmem>>, %arg5: memref<256x256xf32, #tpu.memory_space<vmem>>, %arg6: memref<2x336x128xf32, #tpu.memory_space<vmem>>) attributes {dimension_semantics = [#tpu.dimension_semantics<arbitrary>], iteration_bounds = array<i64: 30>, scalar_prefetch = 0 : i64, scratch_operands = 0 : i64, tpu.core_type = #tpu.core_type<tc>, window_params = [{transform_indices = @transform_0, window_bounds = array<i64: 2, 336, 128>}, {transform_indices = @transform_1, window_bounds = array<i64: 2, 336, 128>}, {transform_indices = @transform_2, window_bounds = array<i64: 336, 8>}, {pipeline_mode = #tpu.pipeline_mode<synchronous>, transform_indices = @transform_3, window_bounds = array<i64: 1, 256>}, {pipeline_mode = #tpu.pipeline_mode<synchronous>, transform_indices = @transform_4, window_bounds = array<i64: 256, 256>}, {transform_indices = @transform_5, window_bounds = array<i64: 2, 336, 128>}]} {
    %get3A = arith.constant 0 : index
    %get3A_0 = arith.constant 0 : index
    %get3A_1 = vector.load %arg3[%get3A, %get3A_0] : memref<336x8xf32, #tpu.memory_space<vmem>>, vector<336x1xf32>
    %get3A_2 = arith.constant 0 : index
    %get3A_3 = arith.constant 0 : index
    %get3A_4 = arith.constant 0 : index
    %get3A_5 = vector.load %arg1[%get3A_2, %get3A_3, %get3A_4] : memref<2x336x128xf32, #tpu.memory_space<vmem>>, vector<1x336x128xf32>
    %get3A_6 = vector.shape_cast %get3A_5 : vector<1x336x128xf32> to vector<336x128xf32>
    %get3A_7 = arith.constant 0 : index
    %get3A_8 = arith.constant 0 : index
    %get3A_9 = arith.constant 0 : index
    %get3A_10 = vector.load %arg2[%get3A_7, %get3A_8, %get3A_9] : memref<2x336x128xf32, #tpu.memory_space<vmem>>, vector<1x336x128xf32>
    %get3A_11 = vector.shape_cast %get3A_10 : vector<1x336x128xf32> to vector<336x128xf32>
    %add3A = arith.addf %get3A_6, %get3A_11 : vector<336x128xf32>
    %get3A_12 = arith.constant 1 : index
    %get3A_13 = arith.constant 0 : index
    %get3A_14 = arith.constant 0 : index
    %get3A_15 = vector.load %arg1[%get3A_12, %get3A_13, %get3A_14] : memref<2x336x128xf32, #tpu.memory_space<vmem>>, vector<1x336x128xf32>
    %get3A_16 = vector.shape_cast %get3A_15 : vector<1x336x128xf32> to vector<336x128xf32>
    %get3A_17 = arith.constant 1 : index
    %get3A_18 = arith.constant 0 : index
    %get3A_19 = arith.constant 0 : index
    %get3A_20 = vector.load %arg2[%get3A_17, %get3A_18, %get3A_19] : memref<2x336x128xf32, #tpu.memory_space<vmem>>, vector<1x336x128xf32>
    %get3A_21 = vector.shape_cast %get3A_20 : vector<1x336x128xf32> to vector<336x128xf32>
    %add3A_22 = arith.addf %get3A_16, %get3A_21 : vector<336x128xf32>
    %concatenate3A = tpu.concatenate %add3A, %add3A_22 in 1 : vector<336x128xf32>, vector<336x128xf32> -> vector<336x256xf32>
    %mul3A = vector.broadcast %get3A_1 : vector<336x1xf32> to vector<336x256xf32>
    %mul3A_23 = arith.mulf %mul3A, %concatenate3A : vector<336x256xf32>
    %get3A_24 = arith.constant 0 : index
    %get3A_25 = arith.constant 0 : index
    %get3A_26 = vector.load %arg4[%get3A_24, %get3A_25] : memref<1x256xf32, #tpu.memory_space<vmem>>, vector<1x256xf32>
    %add3A_27 = vector.broadcast %get3A_26 : vector<1x256xf32> to vector<336x256xf32>
    %add3A_28 = arith.addf %mul3A_23, %add3A_27 : vector<336x256xf32>
    %max3A = arith.constant 0.000000e+00 : f32
    %max3A_29 = vector.broadcast %max3A : f32 to vector<336x256xf32>
    %max3A_30 = arith.maximumf %add3A_28, %max3A_29 : vector<336x256xf32>
    %get3A_31 = arith.constant 0 : index
    %get3A_32 = arith.constant 0 : index
    %get3A_33 = vector.load %arg5[%get3A_31, %get3A_32] : memref<256x256xf32, #tpu.memory_space<vmem>>, vector<256x256xf32>
    %dot_general3A = arith.constant dense<0.000000e+00> : vector<336x256xf32>
    %dot_general3A_34 = tpu.matmul %max3A_30, %get3A_33, %dot_general3A {dimension_numbers = #tpu.dot_dimension_numbers<[1], [0], [0], [1], [0, 0, 1, 1], [], []>, transpose_lhs_hint = false} : vector<336x256xf32>, vector<256x256xf32>, vector<336x256xf32> -> vector<336x256xf32>
    %mul3A_35 = vector.broadcast %get3A_1 : vector<336x1xf32> to vector<336x256xf32>
    %mul3A_36 = arith.mulf %dot_general3A_34, %mul3A_35 : vector<336x256xf32>
    %slice3A = vector.extract_strided_slice %mul3A_36 {offsets = [0, 0], sizes = [336, 128], strides = [1, 1]} : vector<336x256xf32> to vector<336x128xf32>
    %swap3A = arith.constant 0 : index
    %swap3A_37 = arith.constant 0 : index
    %swap3A_38 = arith.constant 0 : index
    %swap3A_39 = vector.load %arg6[%swap3A, %swap3A_37, %swap3A_38] : memref<2x336x128xf32, #tpu.memory_space<vmem>>, vector<1x336x128xf32>
    %swap3A_40 = vector.shape_cast %swap3A_39 : vector<1x336x128xf32> to vector<336x128xf32>
    %swap3A_41 = vector.shape_cast %slice3A : vector<336x128xf32> to vector<1x336x128xf32>
    tpu.vector_store %arg6[%swap3A, %swap3A_37, %swap3A_38], %swap3A_41 {strides = array<i32>} : memref<2x336x128xf32, #tpu.memory_space<vmem>>, vector<1x336x128xf32>,
    %slice3A_42 = vector.extract_strided_slice %mul3A_36 {offsets = [0, 128], sizes = [336, 128], strides = [1, 1]} : vector<336x256xf32> to vector<336x128xf32>
    %swap3A_43 = arith.constant 1 : index
    %swap3A_44 = arith.constant 0 : index
    %swap3A_45 = arith.constant 0 : index
    %swap3A_46 = vector.load %arg6[%swap3A_43, %swap3A_44, %swap3A_45] : memref<2x336x128xf32, #tpu.memory_space<vmem>>, vector<1x336x128xf32>
    %swap3A_47 = vector.shape_cast %swap3A_46 : vector<1x336x128xf32> to vector<336x128xf32>
    %swap3A_48 = vector.shape_cast %slice3A_42 : vector<336x128xf32> to vector<1x336x128xf32>
    tpu.vector_store %arg6[%swap3A_43, %swap3A_44, %swap3A_45], %swap3A_48 {strides = array<i32>} : memref<2x336x128xf32, #tpu.memory_space<vmem>>, vector<1x336x128xf32>,
    return
  }
  func.func @transform_0(%arg0: i32) -> (i32, i32, i32) {
    %c0_i32 = arith.constant 0 : i32
    %c0_i32_0 = arith.constant 0 : i32
    %c0_i32_1 = arith.constant 0 : i32
    return %c0_i32, %arg0, %c0_i32_0 : i32, i32, i32
  }
  func.func @transform_1(%arg0: i32) -> (i32, i32, i32) {
    %c0_i32 = arith.constant 0 : i32
    %c0_i32_0 = arith.constant 0 : i32
    %c0_i32_1 = arith.constant 0 : i32
    return %c0_i32, %arg0, %c0_i32_0 : i32, i32, i32
  }
  func.func @transform_2(%arg0: i32) -> (i32, i32) {
    %c0_i32 = arith.constant 0 : i32
    %c0_i32_0 = arith.constant 0 : i32
    return %arg0, %c0_i32 : i32, i32
  }
  func.func @transform_3(%arg0: i32) -> (i32, i32) {
    %c0_i32 = arith.constant 0 : i32
    %c0_i32_0 = arith.constant 0 : i32
    %c0_i32_1 = arith.constant 0 : i32
    return %c0_i32, %c0_i32_0 : i32, i32
  }
  func.func @transform_4(%arg0: i32) -> (i32, i32) {
    %c0_i32 = arith.constant 0 : i32
    %c0_i32_0 = arith.constant 0 : i32
    %c0_i32_1 = arith.constant 0 : i32
    return %c0_i32, %c0_i32_0 : i32, i32
  }
  func.func @transform_5(%arg0: i32) -> (i32, i32, i32) {
    %c0_i32 = arith.constant 0 : i32
    %c0_i32_0 = arith.constant 0 : i32
    %c0_i32_1 = arith.constant 0 : i32
    return %c0_i32, %arg0, %c0_i32_0 : i32, i32, i32
  }
}

module attributes {stable_mosaic.version = 14 : i64} {
  func.func @_t3_body(%arg0: i32, %arg1: memref<2x336x128xf32, #tpu.memory_space<vmem>>, %arg2: memref<2x336x128xf32, #tpu.memory_space<vmem>>, %arg3: memref<336x8xf32, #tpu.memory_space<vmem>>, %arg4: memref<1x256xf32, #tpu.memory_space<vmem>>, %arg5: memref<256x256xf32, #tpu.memory_space<vmem>>, %arg6: memref<1x256xf32, #tpu.memory_space<vmem>>, %arg7: memref<336x1xi32, #tpu.memory_space<vmem>>, %arg8: memref<256x128xf32, #tpu.memory_space<vmem>>, %arg9: memref<1x128xf32, #tpu.memory_space<vmem>>, %arg10: memref<128x2xf32, #tpu.memory_space<vmem>>, %arg11: memref<1x2xf32, #tpu.memory_space<vmem>>, %arg12: memref<64x2xf32, #tpu.memory_space<vmem>>, %arg13: memref<64x264xf32, #tpu.memory_space<vmem>>) attributes {dimension_semantics = [#tpu.dimension_semantics<arbitrary>], iteration_bounds = array<i64: 30>, scalar_prefetch = 0 : i64, scratch_operands = 1 : i64, tpu.core_type = #tpu.core_type<tc>, window_params = [{transform_indices = @transform_0, window_bounds = array<i64: 2, 336, 128>}, {transform_indices = @transform_1, window_bounds = array<i64: 2, 336, 128>}, {transform_indices = @transform_2, window_bounds = array<i64: 336, 8>}, {pipeline_mode = #tpu.pipeline_mode<synchronous>, transform_indices = @transform_3, window_bounds = array<i64: 1, 256>}, {pipeline_mode = #tpu.pipeline_mode<synchronous>, transform_indices = @transform_4, window_bounds = array<i64: 256, 256>}, {pipeline_mode = #tpu.pipeline_mode<synchronous>, transform_indices = @transform_5, window_bounds = array<i64: 1, 256>}, {transform_indices = @transform_6, window_bounds = array<i64: 336, 1>}, {pipeline_mode = #tpu.pipeline_mode<synchronous>, transform_indices = @transform_7, window_bounds = array<i64: 256, 128>}, {pipeline_mode = #tpu.pipeline_mode<synchronous>, transform_indices = @transform_8, window_bounds = array<i64: 1, 128>}, {pipeline_mode = #tpu.pipeline_mode<synchronous>, transform_indices = @transform_9, window_bounds = array<i64: 128, 2>}, {pipeline_mode = #tpu.pipeline_mode<synchronous>, transform_indices = @transform_10, window_bounds = array<i64: 1, 2>}, {pipeline_mode = #tpu.pipeline_mode<synchronous>, transform_indices = @transform_11, window_bounds = array<i64: 64, 2>}]} {
    %get3A = arith.constant 0 : index
    %get3A_0 = arith.constant 0 : index
    %get3A_1 = vector.load %arg3[%get3A, %get3A_0] : memref<336x8xf32, #tpu.memory_space<vmem>>, vector<336x1xf32>
    %get3A_2 = arith.constant 0 : index
    %get3A_3 = arith.constant 0 : index
    %get3A_4 = arith.constant 0 : index
    %get3A_5 = vector.load %arg1[%get3A_2, %get3A_3, %get3A_4] : memref<2x336x128xf32, #tpu.memory_space<vmem>>, vector<1x336x128xf32>
    %get3A_6 = vector.shape_cast %get3A_5 : vector<1x336x128xf32> to vector<336x128xf32>
    %get3A_7 = arith.constant 0 : index
    %get3A_8 = arith.constant 0 : index
    %get3A_9 = arith.constant 0 : index
    %get3A_10 = vector.load %arg2[%get3A_7, %get3A_8, %get3A_9] : memref<2x336x128xf32, #tpu.memory_space<vmem>>, vector<1x336x128xf32>
    %get3A_11 = vector.shape_cast %get3A_10 : vector<1x336x128xf32> to vector<336x128xf32>
    %add3A = arith.addf %get3A_6, %get3A_11 : vector<336x128xf32>
    %get3A_12 = arith.constant 1 : index
    %get3A_13 = arith.constant 0 : index
    %get3A_14 = arith.constant 0 : index
    %get3A_15 = vector.load %arg1[%get3A_12, %get3A_13, %get3A_14] : memref<2x336x128xf32, #tpu.memory_space<vmem>>, vector<1x336x128xf32>
    %get3A_16 = vector.shape_cast %get3A_15 : vector<1x336x128xf32> to vector<336x128xf32>
    %get3A_17 = arith.constant 1 : index
    %get3A_18 = arith.constant 0 : index
    %get3A_19 = arith.constant 0 : index
    %get3A_20 = vector.load %arg2[%get3A_17, %get3A_18, %get3A_19] : memref<2x336x128xf32, #tpu.memory_space<vmem>>, vector<1x336x128xf32>
    %get3A_21 = vector.shape_cast %get3A_20 : vector<1x336x128xf32> to vector<336x128xf32>
    %add3A_22 = arith.addf %get3A_16, %get3A_21 : vector<336x128xf32>
    %concatenate3A = tpu.concatenate %add3A, %add3A_22 in 1 : vector<336x128xf32>, vector<336x128xf32> -> vector<336x256xf32>
    %mul3A = vector.broadcast %get3A_1 : vector<336x1xf32> to vector<336x256xf32>
    %mul3A_23 = arith.mulf %mul3A, %concatenate3A : vector<336x256xf32>
    %get3A_24 = arith.constant 0 : index
    %get3A_25 = arith.constant 0 : index
    %get3A_26 = vector.load %arg4[%get3A_24, %get3A_25] : memref<1x256xf32, #tpu.memory_space<vmem>>, vector<1x256xf32>
    %add3A_27 = vector.broadcast %get3A_26 : vector<1x256xf32> to vector<336x256xf32>
    %add3A_28 = arith.addf %mul3A_23, %add3A_27 : vector<336x256xf32>
    %max3A = arith.constant 0.000000e+00 : f32
    %max3A_29 = vector.broadcast %max3A : f32 to vector<336x256xf32>
    %max3A_30 = arith.maximumf %add3A_28, %max3A_29 : vector<336x256xf32>
    %get3A_31 = arith.constant 0 : index
    %get3A_32 = arith.constant 0 : index
    %get3A_33 = vector.load %arg5[%get3A_31, %get3A_32] : memref<256x256xf32, #tpu.memory_space<vmem>>, vector<256x256xf32>
    %dot_general3A = arith.constant dense<0.000000e+00> : vector<336x256xf32>
    %dot_general3A_34 = tpu.matmul %max3A_30, %get3A_33, %dot_general3A {dimension_numbers = #tpu.dot_dimension_numbers<[1], [0], [0], [1], [0, 0, 1, 1], [], []>, transpose_lhs_hint = false} : vector<336x256xf32>, vector<256x256xf32>, vector<336x256xf32> -> vector<336x256xf32>
    %get3A_35 = arith.constant 0 : index
    %get3A_36 = arith.constant 0 : index
    %get3A_37 = vector.load %arg6[%get3A_35, %get3A_36] : memref<1x256xf32, #tpu.memory_space<vmem>>, vector<1x256xf32>
    %add3A_38 = vector.broadcast %get3A_37 : vector<1x256xf32> to vector<336x256xf32>
    %add3A_39 = arith.addf %dot_general3A_34, %add3A_38 : vector<336x256xf32>
    %neg3A = arith.constant 0.000000e+00 : f32
    %neg3A_40 = vector.broadcast %neg3A : f32 to vector<336x256xf32>
    %neg3A_41 = arith.subf %neg3A_40, %add3A_39 : vector<336x256xf32>
    %exp3A = math.exp %neg3A_41 : vector<336x256xf32>
    %add3A_42 = arith.constant 1.000000e+00 : f32
    %add3A_43 = vector.broadcast %add3A_42 : f32 to vector<336x256xf32>
    %add3A_44 = arith.addf %add3A_43, %exp3A : vector<336x256xf32>
    %div3A = arith.constant 1.000000e+00 : f32
    %div3A_45 = vector.broadcast %div3A : f32 to vector<336x256xf32>
    %div3A_46 = arith.divf %div3A_45, %add3A_44 : vector<336x256xf32>
    %mul3A_47 = arith.mulf %max3A_30, %div3A_46 : vector<336x256xf32>
    %broadcast_in_dim3A = arith.constant 1.000000e+00 : f32
    %broadcast_in_dim3A_48 = vector.broadcast %broadcast_in_dim3A : f32 to vector<336x8xf32>
    %concatenate3A_49 = tpu.concatenate %mul3A_47, %broadcast_in_dim3A_48 in 1 : vector<336x256xf32>, vector<336x8xf32> -> vector<336x264xf32>
    %get3A_50 = arith.constant 0 : index
    %get3A_51 = arith.constant 0 : index
    %get3A_52 = vector.load %arg7[%get3A_50, %get3A_51] : memref<336x1xi32, #tpu.memory_space<vmem>>, vector<336x1xi32>
    %iota3A = tpu.iota {dimensions = array<i32: 1>} : vector<336x64xi32>
    %eq3A = vector.broadcast %get3A_52 : vector<336x1xi32> to vector<336x64xi32>
    %eq3A_53 = arith.cmpi eq, %eq3A, %iota3A : vector<336x64xi32>
    %convert_element_type3A = arith.extui %eq3A_53 : vector<336x64xi1> to vector<336x64xi32>
    %convert_element_type3A_54 = arith.sitofp %convert_element_type3A : vector<336x64xi32> to vector<336x64xf32>
    %dot_general3A_55 = arith.constant dense<0.000000e+00> : vector<64x264xf32>
    %dot_general3A_56 = tpu.matmul %convert_element_type3A_54, %concatenate3A_49, %dot_general3A_55 {dimension_numbers = #tpu.dot_dimension_numbers<[0], [0], [1], [1], [0, 1, 1, 1], [], []>, transpose_lhs_hint = false} : vector<336x64xf32>, vector<336x264xf32>, vector<64x264xf32> -> vector<64x264xf32>
    %eq3A_57 = arith.constant 0 : i32
    %eq3A_58 = arith.cmpi eq, %arg0, %eq3A_57 : i32
    %convert_element_type3A_59 = arith.extui %eq3A_58 : i1 to i32
    %cond3A = arith.constant 0 : i32
    %cond3A_60 = arith.cmpi ne, %convert_element_type3A_59, %cond3A : i32
    scf.if %cond3A_60 {
      %broadcast_in_dim3A_72 = arith.constant 0.000000e+00 : f32
      %broadcast_in_dim3A_73 = vector.broadcast %broadcast_in_dim3A_72 : f32 to vector<64x264xf32>
      %swap3A_74 = arith.constant 0 : index
      %swap3A_75 = arith.constant 0 : index
      %swap3A_76 = vector.load %arg13[%swap3A_74, %swap3A_75] : memref<64x264xf32, #tpu.memory_space<vmem>>, vector<64x264xf32>
      tpu.vector_store %arg13[%swap3A_74, %swap3A_75], %broadcast_in_dim3A_73 {strides = array<i32>} : memref<64x264xf32, #tpu.memory_space<vmem>>, vector<64x264xf32>,
    } else {
    }
    %get3A_61 = arith.constant 0 : index
    %get3A_62 = arith.constant 0 : index
    %get3A_63 = vector.load %arg13[%get3A_61, %get3A_62] : memref<64x264xf32, #tpu.memory_space<vmem>>, vector<64x264xf32>
    %add3A_64 = arith.addf %get3A_63, %dot_general3A_56 : vector<64x264xf32>
    %swap3A = arith.constant 0 : index
    %swap3A_65 = arith.constant 0 : index
    %swap3A_66 = vector.load %arg13[%swap3A, %swap3A_65] : memref<64x264xf32, #tpu.memory_space<vmem>>, vector<64x264xf32>
    tpu.vector_store %arg13[%swap3A, %swap3A_65], %add3A_64 {strides = array<i32>} : memref<64x264xf32, #tpu.memory_space<vmem>>, vector<64x264xf32>,
    %eq3A_67 = arith.constant 29 : i32
    %eq3A_68 = arith.cmpi eq, %arg0, %eq3A_67 : i32
    %convert_element_type3A_69 = arith.extui %eq3A_68 : i1 to i32
    %cond3A_70 = arith.constant 0 : i32
    %cond3A_71 = arith.cmpi ne, %convert_element_type3A_69, %cond3A_70 : i32
    scf.if %cond3A_71 {
      %get3A_72 = arith.constant 0 : index
      %get3A_73 = arith.constant 0 : index
      %get3A_74 = vector.load %arg13[%get3A_72, %get3A_73] : memref<64x264xf32, #tpu.memory_space<vmem>>, vector<64x264xf32>
      %slice3A = vector.extract_strided_slice %get3A_74 {offsets = [0, 0], sizes = [64, 256], strides = [1, 1]} : vector<64x264xf32> to vector<64x256xf32>
      %slice3A_75 = vector.extract_strided_slice %get3A_74 {offsets = [0, 256], sizes = [64, 1], strides = [1, 1]} : vector<64x264xf32> to vector<64x1xf32>
      %max3A_76 = arith.constant 1.000000e+00 : f32
      %max3A_77 = vector.broadcast %max3A_76 : f32 to vector<64x1xf32>
      %max3A_78 = arith.maximumf %slice3A_75, %max3A_77 : vector<64x1xf32>
      %div3A_79 = vector.broadcast %max3A_78 : vector<64x1xf32> to vector<64x256xf32>
      %div3A_80 = arith.divf %slice3A, %div3A_79 : vector<64x256xf32>
      %get3A_81 = arith.constant 0 : index
      %get3A_82 = arith.constant 0 : index
      %get3A_83 = vector.load %arg8[%get3A_81, %get3A_82] : memref<256x128xf32, #tpu.memory_space<vmem>>, vector<256x128xf32>
      %dot_general3A_84 = arith.constant dense<0.000000e+00> : vector<64x128xf32>
      %dot_general3A_85 = tpu.matmul %div3A_80, %get3A_83, %dot_general3A_84 {dimension_numbers = #tpu.dot_dimension_numbers<[1], [0], [0], [1], [0, 0, 1, 1], [], []>, transpose_lhs_hint = false} : vector<64x256xf32>, vector<256x128xf32>, vector<64x128xf32> -> vector<64x128xf32>
      %get3A_86 = arith.constant 0 : index
      %get3A_87 = arith.constant 0 : index
      %get3A_88 = vector.load %arg9[%get3A_86, %get3A_87] : memref<1x128xf32, #tpu.memory_space<vmem>>, vector<1x128xf32>
      %add3A_89 = vector.broadcast %get3A_88 : vector<1x128xf32> to vector<64x128xf32>
      %add3A_90 = arith.addf %dot_general3A_85, %add3A_89 : vector<64x128xf32>
      %max3A_91 = arith.constant 0.000000e+00 : f32
      %max3A_92 = vector.broadcast %max3A_91 : f32 to vector<64x128xf32>
      %max3A_93 = arith.maximumf %add3A_90, %max3A_92 : vector<64x128xf32>
      %get3A_94 = arith.constant 0 : index
      %get3A_95 = arith.constant 0 : index
      %get3A_96 = vector.load %arg10[%get3A_94, %get3A_95] : memref<128x2xf32, #tpu.memory_space<vmem>>, vector<128x2xf32>
      %dot_general3A_97 = arith.constant dense<0.000000e+00> : vector<64x2xf32>
      %dot_general3A_98 = tpu.matmul %max3A_93, %get3A_96, %dot_general3A_97 {dimension_numbers = #tpu.dot_dimension_numbers<[1], [0], [0], [1], [0, 0, 1, 1], [], []>, transpose_lhs_hint = false} : vector<64x128xf32>, vector<128x2xf32>, vector<64x2xf32> -> vector<64x2xf32>
      %get3A_99 = arith.constant 0 : index
      %get3A_100 = arith.constant 0 : index
      %get3A_101 = vector.load %arg11[%get3A_99, %get3A_100] : memref<1x2xf32, #tpu.memory_space<vmem>>, vector<1x2xf32>
      %add3A_102 = vector.broadcast %get3A_101 : vector<1x2xf32> to vector<64x2xf32>
      %add3A_103 = arith.addf %dot_general3A_98, %add3A_102 : vector<64x2xf32>
      %swap3A_104 = arith.constant 0 : index
      %swap3A_105 = arith.constant 0 : index
      %swap3A_106 = vector.load %arg12[%swap3A_104, %swap3A_105] : memref<64x2xf32, #tpu.memory_space<vmem>>, vector<64x2xf32>
      tpu.vector_store %arg12[%swap3A_104, %swap3A_105], %add3A_103 {strides = array<i32>} : memref<64x2xf32, #tpu.memory_space<vmem>>, vector<64x2xf32>,
    } else {
    }
    return
  }
  func.func @transform_0(%arg0: i32) -> (i32, i32, i32) {
    %c0_i32 = arith.constant 0 : i32
    %c0_i32_0 = arith.constant 0 : i32
    %c0_i32_1 = arith.constant 0 : i32
    return %c0_i32, %arg0, %c0_i32_0 : i32, i32, i32
  }
  func.func @transform_1(%arg0: i32) -> (i32, i32, i32) {
    %c0_i32 = arith.constant 0 : i32
    %c0_i32_0 = arith.constant 0 : i32
    %c0_i32_1 = arith.constant 0 : i32
    return %c0_i32, %arg0, %c0_i32_0 : i32, i32, i32
  }
  func.func @transform_2(%arg0: i32) -> (i32, i32) {
    %c0_i32 = arith.constant 0 : i32
    %c0_i32_0 = arith.constant 0 : i32
    return %arg0, %c0_i32 : i32, i32
  }
  func.func @transform_3(%arg0: i32) -> (i32, i32) {
    %c0_i32 = arith.constant 0 : i32
    %c0_i32_0 = arith.constant 0 : i32
    %c0_i32_1 = arith.constant 0 : i32
    return %c0_i32, %c0_i32_0 : i32, i32
  }
  func.func @transform_4(%arg0: i32) -> (i32, i32) {
    %c0_i32 = arith.constant 0 : i32
    %c0_i32_0 = arith.constant 0 : i32
    %c0_i32_1 = arith.constant 0 : i32
    return %c0_i32, %c0_i32_0 : i32, i32
  }
  func.func @transform_5(%arg0: i32) -> (i32, i32) {
    %c0_i32 = arith.constant 0 : i32
    %c0_i32_0 = arith.constant 0 : i32
    %c0_i32_1 = arith.constant 0 : i32
    return %c0_i32, %c0_i32_0 : i32, i32
  }
  func.func @transform_6(%arg0: i32) -> (i32, i32) {
    %c0_i32 = arith.constant 0 : i32
    %c0_i32_0 = arith.constant 0 : i32
    return %arg0, %c0_i32 : i32, i32
  }
  func.func @transform_7(%arg0: i32) -> (i32, i32) {
    %c0_i32 = arith.constant 0 : i32
    %c0_i32_0 = arith.constant 0 : i32
    %c0_i32_1 = arith.constant 0 : i32
    return %c0_i32, %c0_i32_0 : i32, i32
  }
  func.func @transform_8(%arg0: i32) -> (i32, i32) {
    %c0_i32 = arith.constant 0 : i32
    %c0_i32_0 = arith.constant 0 : i32
    %c0_i32_1 = arith.constant 0 : i32
    return %c0_i32, %c0_i32_0 : i32, i32
  }
  func.func @transform_9(%arg0: i32) -> (i32, i32) {
    %c0_i32 = arith.constant 0 : i32
    %c0_i32_0 = arith.constant 0 : i32
    %c0_i32_1 = arith.constant 0 : i32
    return %c0_i32, %c0_i32_0 : i32, i32
  }
  func.func @transform_10(%arg0: i32) -> (i32, i32) {
    %c0_i32 = arith.constant 0 : i32
    %c0_i32_0 = arith.constant 0 : i32
    %c0_i32_1 = arith.constant 0 : i32
    return %c0_i32, %c0_i32_0 : i32, i32
  }
  func.func @transform_11(%arg0: i32) -> (i32, i32) {
    %c0_i32 = arith.constant 0 : i32
    %c0_i32_0 = arith.constant 0 : i32
    %c0_i32_1 = arith.constant 0 : i32
    return %c0_i32, %c0_i32_0 : i32, i32
  }
}

</mosaic_0001>

<sc_bundles>
// kernel: kernel.10.cloned.1.call-start
scs
__scs_entry_jumppad:
0x0: {  	(pc) =	sbr.rel $0x88, $3  }
0x1: {  	(tag) =	ssettag $0x0;
	lr =	simm.s32 $0x1  }
0x2: {  	[smem:$0x3F92] =	sst lr;
	_ =	strace $0xD0000000  }
0x3: {  	_ = 	snop  }
0x4: {  	_ = 	snop  }
0x5: {  	_ = 	snop  }
0x6: {  	_ = 	snop  }
0x7: {  	_ = 	snop  }
__scs_overlays_trampoline_lowered:
0x8: {  	[smem:$0x3FA1] =	sst s0  }
0x9: {  	[smem:$0x3FA2] =	sst s1  }
0xa: {  	[smem:$0x3FA3] =	sst s2  }
0xb: {  	[smem:$0x3FA4] =	sst s3  }
0xc: {  	[smem:$0x3FA5] =	sst s4  }
0xd: {  	[smem:$0x3FA6] =	sst s5  }
0xe: {  	[smem:$0x3FA7] =	sst s6  }
0xf: {  	[smem:$0x3FA8] =	sst s7  }
0x10: {  	[smem:$0x3FA9] =	sst s8  }
0x11: {  	[smem:$0x3FAA] =	sst s9;
	s0 =	simm.s32 @!p0 $0x0  }
0x12: {  	s1 =	sld [smem:$0x3F90];
	s0 =	simm.s32 @p0 $0x1  }
0x13: {  	[smem:$0x3FAB] =	sst s0;
	s0 =	simm.s32 @!p1 $0x0  }
0x14: {  	s2 =	sld [smem:$0x3F8F];
	s0 =	simm.s32 @p1 $0x1  }
0x15: {  	[smem:$0x3FAC] =	sst s0;
	s0 =	simm.s32 @!p2 $0x0  }
0x16: {  	s3 =	sld [smem:$0x3FDB];
	s0 =	simm.s32 @p2 $0x1  }
0x17: {  	s4 =	simm.s32 $0x1BF5;
	[smem:$0x3FAE] =	sst s0  }
0x18: {  	s0 =	sld [smem:$0x3F91];
	_ =	swait.ge [sflag:s4], $0x0  }
0x19: {  	s7 =	sld [smem:$0x3F92]  }
0x1a: {  	s8 =	sadd.s32 $0xFFFFE003, lr  }
0x1b: {  	s9 =	sadd.s32 $0xFFFFFEF7, lr;
	s5 =	simm.s32 $0xFFFFFFFF;
	p2 =	slt.u32 s8, $0xFFFFF086  }
0x1c: {  	p1 =	slt.u32 s9, $0xF7A;
	s5 =	simm.s32 @!p2 $0x0  }
0x1d: {  	s5 =	simm.s32 @p1 $0x1;
	p0 =	seq.s32 s7, s2  }
0x1e: {  	s7 =	smul.u32 @!p0 $0xF7A, s2;
	p2 =	seq.s32 @!p0 s5, $0x0  }
0x1f: {  	s9 =	smul.u32 $0xF7A, s1;
	s8 =	simm.s32 @!p0 $0x1BF5;
	p2 =	por !p2, p0  }
0x20: {  	[sflag:s8] =	ssyncset.s32 @!p0 $0xFFFFF086;
	s6 =	sadd.s32 @!p0 s3, s7;
	s7 =	simm.s32 @!p0 $0x108  }
0x21: {  	s3 =	sadd.s32 s3, s9;
	s6 =	sadd.s32 @!p0 $0x88, s6;
	s7 =	simm.s32 @p2 $0x1082  }
0x22: {  	[simem:s7], [sflag:s8] =	dma.local @!p0 [hbm:s6], $0xF7A  }
0x23: {  	s9 =	sor.u32 $0xD0000000, s2;
	s6 =	simm.s32 $0x108;
	_ =	swait.ge @!p0 [sflag:s8], $0x0  }
0x24: {  	s3 =	sadd.s32 $0x88, s3;
	s6 =	simm.s32 @!p1 $0x1082;
	[sflag:s4] =	ssyncset.s32 $0xFFFFF086  }
0x25: {  	[simem:s6], [sflag:s4] =	dma.local [hbm:s3], $0xF7A  }
0x26: {  	[smem:$0x3F92] =	sst s1;
	(tag) =	ssettag s2;
	_ =	strace s9  }
0x27: {  	s1 =	sld [smem:$0x3FA2]  }
0x28: {  	s2 =	sld [smem:$0x3FA3]  }
0x29: {  	s4 =	sld [smem:$0x3FA5]  }
0x2a: {  	p0 =	seq.s32 s5, $0x0;
	s5 =	sld [smem:$0x3FA6]  }
0x2b: {  	s6 =	sld [smem:$0x3FA7]  }
0x2c: {  	s7 =	sld [smem:$0x3FA8]  }
0x2d: {  	s3 =	simm.s32 $0x108;
	s8 =	sld [smem:$0x3FA9]  }
0x2e: {  	s3 =	simm.s32 @!p0 $0x1082;
	s9 =	sld [smem:$0x3FAA]  }
0x2f: {  	lr =	sadd.s32 s0, s3;
	s0 =	sld [smem:$0x3FA1]  }
0x30: {  	s3 =	sld [smem:$0x3FA4]  }
0x31: {  	[smem:$0x3FAD] =	sst s10  }
0x32: {  	s10 =	sld [smem:$0x3FAB];
	_ =	sdelay $0x3  }
0x33: {  	p0 =	seq.s32 s10, $0x1;
	s10 =	sld [smem:$0x3FAD];
	_ =	sdelay $0x3  }
0x34: {  	[smem:$0x3FAD] =	sst s10  }
0x35: {  	s10 =	sld [smem:$0x3FAC];
	_ =	sdelay $0x3  }
0x36: {  	p1 =	seq.s32 s10, $0x1;
	s10 =	sld [smem:$0x3FAD];
	_ =	sdelay $0x3  }
0x37: {  	[smem:$0x3FAD] =	sst s10  }
0x38: {  	s10 =	sld [smem:$0x3FAE]  }
0x39: {  	_ = 	snop;
	(pc) =	sbr.ind lr, $3  }
0x3a: {  	_ = 	snop  }
0x3b: {  	_ = 	snop  }
0x3c: {  	p2 =	seq.s32 s10, $0x1;
	s10 =	sld [smem:$0x3FAD]  }
0x3d: {  	_ =	shalt  }
0x3e: {  	_ =	shalt  }
0x3f: {  	_ =	shalt  }
0x40: {  	_ =	shalt  }
0x41: {  	_ =	shalt  }
0x42: {  	_ =	shalt  }
0x43: {  	_ =	shalt  }
0x44: {  	_ =	shalt  }
0x45: {  	_ =	shalt  }
0x46: {  	_ =	shalt  }
0x47: {  	_ =	shalt  }
0x48: {  	_ =	shalt  }
0x49: {  	_ =	shalt  }
0x4a: {  	_ =	shalt  }
0x4b: {  	_ =	shalt  }
0x4c: {  	_ =	shalt  }
0x4d: {  	_ =	shalt  }
0x4e: {  	_ =	shalt  }
0x4f: {  	_ =	shalt  }
0x50: {  	_ =	shalt  }
0x51: {  	_ =	shalt  }
0x52: {  	_ =	shalt  }
0x53: {  	_ =	shalt  }
0x54: {  	_ =	shalt  }
0x55: {  	_ =	shalt  }
0x56: {  	_ =	shalt  }
0x57: {  	_ =	shalt  }
0x58: {  	_ =	shalt  }
0x59: {  	_ =	shalt  }
0x5a: {  	_ =	shalt  }
0x5b: {  	_ =	shalt  }
0x5c: {  	_ =	shalt  }
0x5d: {  	_ =	shalt  }
0x5e: {  	_ =	shalt  }
0x5f: {  	_ =	shalt  }
0x60: {  	_ =	shalt  }
0x61: {  	_ =	shalt  }
0x62: {  	_ =	shalt  }
0x63: {  	_ =	shalt  }
0x64: {  	_ =	shalt  }
0x65: {  	_ =	shalt  }
0x66: {  	_ =	shalt  }
0x67: {  	_ =	shalt  }
0x68: {  	_ =	shalt  }
0x69: {  	_ =	shalt  }
0x6a: {  	_ =	shalt  }
0x6b: {  	_ =	shalt  }
0x6c: {  	_ =	shalt  }
0x6d: {  	_ =	shalt  }
0x6e: {  	_ =	shalt  }
0x6f: {  	_ =	shalt  }
0x70: {  	_ =	shalt  }
0x71: {  	_ =	shalt  }
0x72: {  	_ =	shalt  }
0x73: {  	_ =	shalt  }
0x74: {  	_ =	shalt  }
0x75: {  	_ =	shalt  }
0x76: {  	_ =	shalt  }
0x77: {  	_ =	shalt  }
0x78: {  	_ =	shalt  }
0x79: {  	_ =	shalt  }
0x7a: {  	_ =	shalt  }
0x7b: {  	_ =	shalt  }
0x7c: {  	_ =	shalt  }
0x7d: {  	_ =	shalt  }
0x7e: {  	_ =	shalt  }
0x7f: {  	_ =	shalt  }
0x80: {  	_ =	shalt  }
0x81: {  	_ =	shalt  }
0x82: {  	_ =	shalt  }
0x83: {  	_ =	shalt  }
0x84: {  	_ =	shalt  }
0x85: {  	_ =	shalt  }
0x86: {  	_ =	shalt  }
0x87: {  	_ =	shalt  }
.Lfunc_end0:
.L_simem_size_0:
called_computation_lowered:
.L_overlay_start_0:
0x88: {  	s2 =	sld [smem:$0x3FD9]  }
0x89: {  	s3 =	sld [smem:$0x3FFE];
	_ =	sdelay $0x1  }
0x8a: {  	s1 =	srdreg.scid  }
0x8b: {  	s0 =	sand.u32 $0x1, s1  }
0x8c: {  	s16 =	sshll.u32 s0, $0xA;
	s2 =	sadd.s32 s3, s2  }
0x8d: {  	s2 =	sadd.s32 s2, s16  }
0x8e: {  	[smem:$0x3FB9] =	sst s2  }
0x8f: {  	_ = 	snop  }
0x90: {  	(tm) =	ssettm $0x1  }
0x91: {  	s17 =	sld [smem:$0x3FFB];
	_ =	sdelay $0x3  }
0x92: {  	_ =	strace s17  }
0x93: {  	s2 =	sld [smem:$0x3FFC];
	_ =	sdelay $0x3  }
0x94: {  	_ =	strace s2  }
0x95: {  	s2 =	sld [smem:$0x3FFD];
	_ =	sdelay $0x3  }
0x96: {  	_ =	strace s2  }
0x97: {  	_ =	strace $0x8FFFFFFF  }
0x98: {  	s18 =	sld [smem:$0x3FDB];
	_ =	sdelay $0x1  }
0x99: {  	s19 =	simm.s32 $_scs_section_size  }
0x9a: {  	s4 =	simm.s32 $_size__tile_overlayer_lowered;
	s5 =	simm.s32 $_tile_overlayer_lowered  }
0x9b: {  	s22 =	simm.s32 $0x1BFF;
	s21 =	sshll.u32 s5, $0x1;
	s2 =	sadd.s32 s19, s18  }
0x9c: {  	s6 =	simm.s32 $0x0;
	s20 =	sshll.u32 s4, $0x1;
	s4 =	sadd.s32 s21, s2  }
0x9d: {  	[timem:s6], [sflag:s22] =	dma.local [hbm:s4], s20  }
0x9e: {  	_ =	swait.ge [sflag:s22], s20  }
0x9f: {  	s3 =	ssub.s32 $0x0, s20;
	[sflag:s22] =	ssyncset.done $0x0  }
0xa0: {  	[sflag:s22] =	ssyncadd.s32 s3;
	_ =	sdelay $0x1  }
0xa1: {  	s23 =	simm.s32 $0x1B8B  }
0xa2: {  	_ =	swait.ge [sflag:s23], $0x1  }
0xa3: {  	[sflag:s23] =	ssyncset.done $0x0  }
0xa4: {  	s25 =	simm.s32 $0x1B8E;
	s24 =	sld [smem:$0x3FFE];
	[sflag:s23] =	ssyncadd.s32 $0xFFFFFFFF  }
0xa5: {  	s26 =	simm.s32 $execute0_lowered;
	[smem:$0x3FD2] =	sst s25  }
0xa6: {  	s4 =	sshll.u32 s26, $0x1;
	_ =	strace $0x80000046;
	[dreg:$0x1] =	wrdreg $0xFFFFFFFF  }
0xa7: {  	s28 =	simm.s32 $_size_execute0_lowered;
	s2 =	sadd.s32 s2, s4;
	[dreg:$0x0] =	wrdreg $0x0  }
0xa8: {  	s4 =	sshll.u32 s28, $0x1;
	[dreg:$0x2] =	wrdreg s2  }
0xa9: {  	[dreg:$0x3] =	wrdreg s4  }
0xaa: {  	[dreg:$0x4] =	wrdreg $0xC0  }
0xab: {  	_ =	task [dreg:s6], $0x5FFFF  }
0xac: {  	[dreg:$0x1] =	wrdreg $0xFFFFFFFF  }
0xad: {  	[dreg:$0x0] =	wrdreg $0x60  }
0xae: {  	[dreg:$0x2] =	wrdreg s24  }
0xaf: {  	[dreg:$0x3] =	wrdreg $0x44800  }
0xb0: {  	[dreg:$0x4] =	wrdreg $0x9  }
0xb1: {  	_ =	task.clear_ibuf [dreg:s6], $0x5FFFF;
	_ =	strace $0x90000046  }
0xb2: {  	s29 =	simm.s32 $0x9;
	_ =	strace $0x80000048  }
0xb3: {  	_ =	swait.ge [sflag:s29], $0x1  }
0xb4: {  	[sflag:s29] =	ssyncadd.s32 $0xFFFFFFFF  }
0xb5: {  	_ =	strace $0x90000048  }
0xb6: {  	_ =	sfence  }
0xb7: {  	s30 =	sld [smem:$0x0];
	_ =	sdelay $0x2  }
0xb8: {  	s31 =	sshll.u32 s1, $0xD;
	s1 =	sshrl.u32 s1, $0x2  }
0xb9: {  	s3 =	sand.u32 $0x4000, s31;
	s1 =	sadd.s32 s1, s30  }
0xba: {  	s0 =	sor.u32 s3, s0;
	s1 =	sshll.u32 s1, $0x11  }
0xbb: {  	s0 =	sor.u32 s1, s0  }
0xbc: {  	s0 =	sadd.s32 $0x8F2B, s0  }
0xbd: {  	[sflag:s0] =	ssyncadd.remote.s32 $0x1  }
0xbe: {  	_ =	sfence.sel $0xFFFF  }
0xbf: {  	[dreg:$0x0] =	wrdreg $0xFFFFFFFF;
	(pc) =	sbr.abs _section_cstart, $3  }
0xc0: {  	[dreg:$0x1] =	wrdreg $0xFFFFFFFF  }
0xc1: {  	_ =	task.clear_ibuf [dreg:s6], $0x2FFFF;
	_ =	strace $0x9FFFFFFF  }
0xc2: {  	(tm) =	ssettm $0x7FFFFFFF  }
0xc3: {  	_ =	shalt  }
tec
execute0_lowered:
.L_overlay_start_1:
0x0: {  	(tag) =	ssettag $0x1  }
0x1: {  	s4 =	rddreg [dreg:$0x0]  }
0x2: {  	s2 =	rddreg [dreg:$0x1]  }
0x3: {  	s0 =	stileid.u32;
	s5 =	srdreg.scid  }
0x4: {  	s1 =	rddreg [dreg:$0x2];
	s3 =	simm.s32 $0x0;
	s6 =	smul.u32 $0x278, s0  }
0x5: {  	s13 =	simm.s32 $0x0;
	s5 =	sand.u32 $0x1, s5;
	s10 =	smul.u32 $0x500, s0  }
0x6: {  	[smem:$0x7FF] =	sst s3;
	s11 =	sshll.u32 s0, $0x6;
	s7 =	smul.u32 $0x13B000, s5  }
0x7: {  	_ =	strace $0x80000047;
	s8 =	smul.u32 $0x5000, s5;
	s6 =	smin.u32 s6, $0x24E8  }
0x8: {  	s5 =	ssub.s32 $0x2, s5;
	s11 =	sor.u32 $0x1C01, s11;
	s6 =	sshll.u32 s6, $0x7  }
0x9: {  	s9 =	sshrl.u32 s5, $0x1;
	s8 =	sadd.s32 s8, s4;
	s7 =	sadd.s32 s7, s6  }
0xa: {  	s9 =	ssub.s32 s5, s9;
	s31 =	sadd.s32 s10, s8;
	s7 =	sshrl.u32 s7, $0x3  }
0xb: {  	s8 =	simm.s32 $0x4080;
	s10 =	simm.s32 $0x80;
	s7 =	sadd.s32 s7, s4  }
0xc: {  	s4 =	sadd.s32 s6, s2;
	s6 =	smax.u32 s9, $0x1;
	s9 =	simm.s32 $0x1  }
0xd: {  	v0 =	vimm.f32 $1.000000000e+00;
	v1 =	vimm.f32 $0.0e+00;
	s5 =	sadd.s32 $0xCC00, s7;
	s7 =	sadd.s32 $0x2C00, s31;
	s12 =	sshrl.u32 s4, $0x3  }
.LBB2_1:
0xe: {  	[tilespmem:$0x80] =	vst v0  }
0xf: {  	[tilespmem:$0x100] =	vst v0  }
0x10: {  	[tilespmem:$0x180] =	vst v0  }
0x11: {  	[tilespmem:$0x200] =	vst v0  }
0x12: {  	[tilespmem:$0x280] =	vst v0  }
0x13: {  	[tilespmem:$0x300] =	vst v0  }
0x14: {  	[tilespmem:$0x380] =	vst v0  }
0x15: {  	[tilespmem:$0x400] =	vst v0  }
0x16: {  	[tilespmem:$0x480] =	vst v0  }
0x17: {  	[tilespmem:$0x500] =	vst v0  }
0x18: {  	[tilespmem:$0x580] =	vst v0  }
0x19: {  	[tilespmem:$0x600] =	vst v0  }
0x1a: {  	[tilespmem:$0x680] =	vst v0  }
0x1b: {  	[tilespmem:$0x700] =	vst v0  }
0x1c: {  	[tilespmem:$0x780] =	vst v0  }
0x1d: {  	[tilespmem:$0x800] =	vst v0  }
0x1e: {  	[tilespmem:$0x880] =	vst v0  }
0x1f: {  	[tilespmem:$0x900] =	vst v0  }
0x20: {  	[tilespmem:$0x980] =	vst v0  }
0x21: {  	[tilespmem:$0xA00] =	vst v0  }
0x22: {  	[tilespmem:$0xA80] =	vst v0  }
0x23: {  	[tilespmem:$0xB00] =	vst v0  }
0x24: {  	[tilespmem:$0xB80] =	vst v0  }
0x25: {  	[tilespmem:$0xC00] =	vst v0  }
0x26: {  	[tilespmem:$0xC80] =	vst v0  }
0x27: {  	[tilespmem:$0xD00] =	vst v0  }
0x28: {  	[tilespmem:$0xD80] =	vst v0  }
0x29: {  	[tilespmem:$0xE00] =	vst v0  }
0x2a: {  	[tilespmem:$0xE80] =	vst v0  }
0x2b: {  	[tilespmem:$0xF00] =	vst v0  }
0x2c: {  	[tilespmem:$0xF80] =	vst v0  }
0x2d: {  	[tilespmem:$0x1000] =	vst v0  }
0x2e: {  	[tilespmem:$0x1080] =	vst v0  }
0x2f: {  	[tilespmem:$0x1100] =	vst v0  }
0x30: {  	[tilespmem:$0x1180] =	vst v0  }
0x31: {  	[tilespmem:$0x1200] =	vst v0  }
0x32: {  	[tilespmem:$0x1280] =	vst v0  }
0x33: {  	[tilespmem:$0x1300] =	vst v0  }
0x34: {  	[tilespmem:$0x1380] =	vst v0  }
0x35: {  	[tilespmem:$0x1400] =	vst v0  }
0x36: {  	[tilespmem:$0x1480] =	vst v0  }
0x37: {  	[tilespmem:$0x1500] =	vst v0  }
0x38: {  	[tilespmem:$0x1580] =	vst v0  }
0x39: {  	[tilespmem:$0x1600] =	vst v0  }
0x3a: {  	[tilespmem:$0x1680] =	vst v0  }
0x3b: {  	[tilespmem:$0x1700] =	vst v0  }
0x3c: {  	[tilespmem:$0x1780] =	vst v0  }
0x3d: {  	[tilespmem:$0x1800] =	vst v0  }
0x3e: {  	[tilespmem:$0x1880] =	vst v0  }
0x3f: {  	[tilespmem:$0x1900] =	vst v0  }
0x40: {  	[tilespmem:$0x1980] =	vst v0  }
0x41: {  	[tilespmem:$0x1A00] =	vst v0  }
0x42: {  	[tilespmem:$0x1A80] =	vst v0  }
0x43: {  	[tilespmem:$0x1B00] =	vst v0  }
0x44: {  	[tilespmem:$0x1B80] =	vst v0  }
0x45: {  	[tilespmem:$0x1C00] =	vst v0  }
0x46: {  	[tilespmem:$0x1C80] =	vst v0  }
0x47: {  	[tilespmem:$0x1D00] =	vst v0  }
0x48: {  	[tilespmem:$0x1D80] =	vst v0  }
0x49: {  	[tilespmem:$0x1E00] =	vst v0  }
0x4a: {  	[tilespmem:$0x1E80] =	vst v0  }
0x4b: {  	[tilespmem:$0x1F00] =	vst v0  }
0x4c: {  	[tilespmem:$0x1F80] =	vst v0  }
0x4d: {  	[tilespmem:$0x2000] =	vst v0  }
0x4e: {  	[tilespmem:$0x2080] =	vst v0  }
0x4f: {  	[tilespmem:$0x2100] =	vst v0  }
0x50: {  	[tilespmem:$0x2180] =	vst v0  }
0x51: {  	[tilespmem:$0x2200] =	vst v0  }
0x52: {  	[tilespmem:$0x2280] =	vst v0  }
0x53: {  	[tilespmem:$0x2300] =	vst v0  }
0x54: {  	[tilespmem:$0x2380] =	vst v0  }
0x55: {  	[tilespmem:$0x2400] =	vst v0  }
0x56: {  	[tilespmem:$0x2480] =	vst v0  }
0x57: {  	[tilespmem:$0x2500] =	vst v0  }
0x58: {  	[tilespmem:$0x2580] =	vst v0  }
0x59: {  	[tilespmem:$0x2600] =	vst v0  }
0x5a: {  	[tilespmem:$0x2680] =	vst v0  }
0x5b: {  	[tilespmem:$0x2700] =	vst v0  }
0x5c: {  	[tilespmem:$0x2780] =	vst v0  }
0x5d: {  	[tilespmem:$0x2800] =	vst v0  }
0x5e: {  	[tilespmem:$0x2880] =	vst v0  }
0x5f: {  	[tilespmem:$0x2900] =	vst v0  }
0x60: {  	[tilespmem:$0x2980] =	vst v0  }
0x61: {  	[tilespmem:$0x2A00] =	vst v0  }
0x62: {  	[tilespmem:$0x2A80] =	vst v0  }
0x63: {  	[tilespmem:$0x2B00] =	vst v0  }
0x64: {  	[tilespmem:$0x2B80] =	vst v0  }
0x65: {  	[tilespmem:$0x2C00] =	vst v0  }
0x66: {  	[tilespmem:$0x2C80] =	vst v0  }
0x67: {  	[tilespmem:$0x2D00] =	vst v0  }
0x68: {  	[tilespmem:$0x2D80] =	vst v0  }
0x69: {  	[tilespmem:$0x2E00] =	vst v0  }
0x6a: {  	[tilespmem:$0x2E80] =	vst v0  }
0x6b: {  	[tilespmem:$0x2F00] =	vst v0  }
0x6c: {  	[tilespmem:$0x2F80] =	vst v0  }
0x6d: {  	[tilespmem:$0x3000] =	vst v0  }
0x6e: {  	[tilespmem:$0x3080] =	vst v0  }
0x6f: {  	[tilespmem:$0x3100] =	vst v0  }
0x70: {  	[tilespmem:$0x3180] =	vst v0  }
0x71: {  	[tilespmem:$0x3200] =	vst v0  }
0x72: {  	[tilespmem:$0x3280] =	vst v0  }
0x73: {  	[tilespmem:$0x3300] =	vst v0  }
0x74: {  	[tilespmem:$0x3380] =	vst v0  }
0x75: {  	[tilespmem:$0x3400] =	vst v0  }
0x76: {  	[tilespmem:$0x3480] =	vst v0  }
0x77: {  	[tilespmem:$0x3500] =	vst v0  }
0x78: {  	[tilespmem:$0x3580] =	vst v0  }
0x79: {  	[tilespmem:$0x3600] =	vst v0  }
0x7a: {  	[tilespmem:$0x3680] =	vst v0  }
0x7b: {  	[tilespmem:$0x3700] =	vst v0  }
0x7c: {  	[tilespmem:$0x3780] =	vst v0  }
0x7d: {  	[tilespmem:$0x3800] =	vst v0  }
0x7e: {  	[tilespmem:$0x3880] =	vst v0  }
0x7f: {  	[tilespmem:$0x3900] =	vst v0  }
0x80: {  	[tilespmem:$0x3980] =	vst v0  }
0x81: {  	[tilespmem:$0x3A00] =	vst v0  }
0x82: {  	[tilespmem:$0x3A80] =	vst v0  }
0x83: {  	[tilespmem:$0x3B00] =	vst v0  }
0x84: {  	[tilespmem:$0x3B80] =	vst v0  }
0x85: {  	[tilespmem:$0x3C00] =	vst v0  }
0x86: {  	[tilespmem:$0x3C80] =	vst v0  }
0x87: {  	[tilespmem:$0x3D00] =	vst v0  }
0x88: {  	[tilespmem:$0x3D80] =	vst v0  }
0x89: {  	[tilespmem:$0x3E00] =	vst v0  }
0x8a: {  	[tilespmem:$0x3E80] =	vst v0  }
0x8b: {  	[tilespmem:$0x3F00] =	vst v0  }
0x8c: {  	[tilespmem:$0x3F80] =	vst v0  }
0x8d: {  	[tilespmem:$0x4000] =	vst v0  }
0x8e: {  	[tilespmem:$0x4080] =	vst v1  }
0x8f: {  	[tilespmem:$0x4100] =	vst v1  }
0x90: {  	[tilespmem:$0x4180] =	vst v1  }
0x91: {  	[tilespmem:$0x4200] =	vst v1  }
0x92: {  	[tilespmem:$0x4280] =	vst v1  }
0x93: {  	[tilespmem:$0x4300] =	vst v1  }
0x94: {  	[tilespmem:$0x4380] =	vst v1  }
0x95: {  	[tilespmem:$0x4400] =	vst v1;
	s14 =	sadd.s32 $0x0, s4  }
0x96: {  	[spmem:s14] =	stream.linear.scatter [tilespmem:s8], [sflag:$0x1], $0x400, $0x38;
	[tilespmem:$0x6BE0] =	vst v63  }
0x97: {  	s14 =	simm.s32 $0x1000;
	_ =	swait.ge [sflag:s9], $0x400  }
.LBB2_2:
0x98: {  	s15 =	sshra.s32 s14, $0x2;
	[sflag:s9] =	ssyncset.done $0x0;
	p0 =	sne.s32 s14, $0x4E000  }
.Ltmp0:
0x99: {  	s15 =	sadd.s32 s15, s4;
	[sflag:s9] =	ssyncadd.s32 $0xFFFFFC00;
	(pc) =	sbr.rel @p0 .LBB2_2-.Ltmp0, $3  }
0x9a: {  	[spmem:s15] =	stream.linear.scatter [tilespmem:s8], [sflag:$0x1], $0x400, $0x38;
	[tilespmem:$0x6BE0] =	vst v63  }
0x9b: {  	s14 =	sadd.s32 $0x1000, s14;
	_ =	sdelay $0x1  }
0x9c: {  	_ =	swait.ge [sflag:s9], $0x400  }
0x9d: {  	[sflag:s9] =	ssyncset.done $0x0  }
0x9e: {  	[sflag:s9] =	ssyncadd.s32 $0xFFFFFC00  }
0x9f: {  	s14 =	sadd.s32 $0x0, s7;
	[bflag:$0x0] =	sbarrier.arrive $0xFFFF  }
0xa0: {  	[tilespmem:s3], [sflag:$0x1] =	stream.linear.gather [hbm4b:s14+s3], $0x80, $0x38;
	[tilespmem:$0x6BE0] =	vst v63  }
0xa1: {  	_ =	swait.ge [sflag:s9], $0x80  }
0xa2: {  	[sflag:s9] =	ssyncset.done $0x0  }
0xa3: {  	[sflag:s9] =	ssyncadd.s32 $0xFFFFFF80  }
0xa4: {  	[spmem:s2] =	stream.indirect.scatter.add.f32 [tilespmem:s10], [sflag:$0x1], $0x10, s3, s10, $0xb8;
	[tilespmem:$0x6BE0] =	vst v63  }
0xa5: {  	_ =	swait.ge [sflag:s9], $0x800  }
0xa6: {  	s15 =	simm.s32 $0x20;
	s14 =	simm.s32 $0x10;
	[sflag:s9] =	ssyncset.done $0x0  }
.LBB2_4:
0xa7: {  	s16 =	sadd.s32 s14, s7  }
0xa8: {  	[sflag:s9] =	ssyncadd.s32 $0xFFFFF800;
	s14 =	smov.u32 s15;
	s17 =	sadd.s32 $0x10, s15  }
0xa9: {  	[tilespmem:s3], [sflag:$0x1] =	stream.linear.gather [hbm4b:s16+s3], $0x80, $0x38;
	[tilespmem:$0x6BE0] =	vst v63  }
0xaa: {  	p0 =	sne.s32 s15, $0x4F0;
	_ =	swait.ge [sflag:s9], $0x80  }
.Ltmp1:
0xab: {  	[sflag:s9] =	ssyncset.done $0x0;
	(pc) =	sbr.rel @p0 .LBB2_4-.Ltmp1, $4  }
0xac: {  	[sflag:s9] =	ssyncadd.s32 $0xFFFFFF80  }
0xad: {  	[spmem:s2] =	stream.indirect.scatter.add.f32 [tilespmem:s10], [sflag:$0x1], $0x10, s3, s10, $0xb8;
	[tilespmem:$0x6BE0] =	vst v63  }
0xae: {  	_ =	swait.ge [sflag:s9], $0x800  }
0xaf: {  	s15 =	smov.u32 s17;
	[sflag:s9] =	ssyncset.done $0x0  }
0xb0: {  	s14 =	sadd.s32 s14, s7;
	[sflag:s9] =	ssyncadd.s32 $0xFFFFF800  }
0xb1: {  	[tilespmem:s3], [sflag:$0x1] =	stream.linear.gather [hbm4b:s14+s3], $0x80, $0x38;
	[tilespmem:$0x6BE0] =	vst v63  }
0xb2: {  	_ =	swait.ge [sflag:s9], $0x80  }
0xb3: {  	[sflag:s9] =	ssyncset.done $0x0  }
0xb4: {  	[sflag:s9] =	ssyncadd.s32 $0xFFFFFF80  }
0xb5: {  	[spmem:s2] =	stream.indirect.scatter.add.f32 [tilespmem:s10], [sflag:$0x1], $0x10, s3, s10, $0xb8;
	[tilespmem:$0x6BE0] =	vst v63  }
0xb6: {  	_ =	swait.ge [sflag:s9], $0x800  }
0xb7: {  	s13 =	sadd.s32 $0x1, s13;
	[sflag:s9] =	ssyncset.done $0x0  }
0xb8: {  	p0 =	sne.s32 s13, s6;
	[sflag:s9] =	ssyncadd.s32 $0xFFFFF800  }
.Ltmp2:
0xb9: {  	[bflag:$0x0] =	sbarrier.arrive $0xFFFF;
	(pc) =	sbr.rel @p0 .LBB2_1-.Ltmp2, $4  }
0xba: {  	[hbm:s5], [sflag:s11] =	dma.local [spmem:s12], $0x2780  }
0xbb: {  	_ =	swait.ge [sflag:s9], $0x2780  }
0xbc: {  	[sflag:s9] =	ssyncset.done $0x0  }
0xbd: {  	[sflag:s9] =	ssyncadd.s32 $0xFFFFD880  }
0xbe: {  	_ =	sfence.sel $0x180000  }
0xbf: {  	[bflag:$0x0] =	sbarrier.arrive $0xFFFF  }
0xc0: {  	p0 =	sne.s32 s0, $0x0;
	_ =	strace $0x90000047  }
0xc1: {  	s0 =	sadd.s32 @!p0 $0x100000, s1;
	[bflag:$0x2] =	sbarrier.arrive $0xFFFF  }
0xc2: {  	[sflag:s0] =	ssyncadd.tile.s32 @!p0 $0x1;
	_ =	shalt  }
.Lfunc_end2:
_tile_overlayer_lowered:
.L_overlay_start_2:
0xc3: {  	(tag) =	ssettag $0x2  }
0xc4: {  	s0 =	rddreg [dreg:$0x0];
	s2 =	stileid.u32  }
0xc5: {  	s1 =	rddreg [dreg:$0x1];
	p0 =	sne.s32 s2, $0x0  }
0xc6: {  	s3 =	rddreg [dreg:$0x2];
	[bflag:$0x3] =	sbarrier.arrive $0xFFFF;
	s2 =	simm.s32 @!p0 $0x1C01  }
0xc7: {  	[timem:s3], [sflag:s2] =	dma.local @!p0 [hbm:s0], s1  }
0xc8: {  	s0 =	simm.s32 @!p0 $0x1  }
0xc9: {  	_ =	swait.ge @!p0 [sflag:s0], s1  }
0xca: {  	s1 =	ssub.s32 @!p0 $0x0, s1;
	[sflag:s0] =	ssyncset.done @!p0 $0x0  }
0xcb: {  	[sflag:s0] =	ssyncadd.s32 @!p0 s1  }
0xcc: {  	[bflag:$0x3] =	sbarrier.arrive $0xFFFF  }
0xcd: {  	_ =	shalt  }

// kernel: kernel.13.cloned.1.call-start
scs
__scs_entry_jumppad:
0x0: {  	(pc) =	sbr.rel $0x88, $3  }
0x1: {  	(tag) =	ssettag $0x0;
	lr =	simm.s32 $0x1  }
0x2: {  	[smem:$0x3F92] =	sst lr;
	_ =	strace $0xD0000000  }
0x3: {  	_ = 	snop  }
0x4: {  	_ = 	snop  }
0x5: {  	_ = 	snop  }
0x6: {  	_ = 	snop  }
0x7: {  	_ = 	snop  }
__scs_overlays_trampoline_lowered:
0x8: {  	[smem:$0x3FA1] =	sst s0  }
0x9: {  	[smem:$0x3FA2] =	sst s1  }
0xa: {  	[smem:$0x3FA3] =	sst s2  }
0xb: {  	[smem:$0x3FA4] =	sst s3  }
0xc: {  	[smem:$0x3FA5] =	sst s4  }
0xd: {  	[smem:$0x3FA6] =	sst s5  }
0xe: {  	[smem:$0x3FA7] =	sst s6  }
0xf: {  	[smem:$0x3FA8] =	sst s7  }
0x10: {  	[smem:$0x3FA9] =	sst s8  }
0x11: {  	[smem:$0x3FAA] =	sst s9;
	s0 =	simm.s32 @!p0 $0x0  }
0x12: {  	s1 =	sld [smem:$0x3F90];
	s0 =	simm.s32 @p0 $0x1  }
0x13: {  	[smem:$0x3FAB] =	sst s0;
	s0 =	simm.s32 @!p1 $0x0  }
0x14: {  	s2 =	sld [smem:$0x3F8F];
	s0 =	simm.s32 @p1 $0x1  }
0x15: {  	[smem:$0x3FAC] =	sst s0;
	s0 =	simm.s32 @!p2 $0x0  }
0x16: {  	s3 =	sld [smem:$0x3FDB];
	s0 =	simm.s32 @p2 $0x1  }
0x17: {  	s4 =	simm.s32 $0x1BF5;
	[smem:$0x3FAE] =	sst s0  }
0x18: {  	s0 =	sld [smem:$0x3F91];
	_ =	swait.ge [sflag:s4], $0x0  }
0x19: {  	s7 =	sld [smem:$0x3F92]  }
0x1a: {  	s8 =	sadd.s32 $0xFFFFE003, lr  }
0x1b: {  	s9 =	sadd.s32 $0xFFFFFEF7, lr;
	s5 =	simm.s32 $0xFFFFFFFF;
	p2 =	slt.u32 s8, $0xFFFFF086  }
0x1c: {  	p1 =	slt.u32 s9, $0xF7A;
	s5 =	simm.s32 @!p2 $0x0  }
0x1d: {  	s5 =	simm.s32 @p1 $0x1;
	p0 =	seq.s32 s7, s2  }
0x1e: {  	s7 =	smul.u32 @!p0 $0xF7A, s2;
	p2 =	seq.s32 @!p0 s5, $0x0  }
0x1f: {  	s9 =	smul.u32 $0xF7A, s1;
	s8 =	simm.s32 @!p0 $0x1BF5;
	p2 =	por !p2, p0  }
0x20: {  	[sflag:s8] =	ssyncset.s32 @!p0 $0xFFFFF086;
	s6 =	sadd.s32 @!p0 s3, s7;
	s7 =	simm.s32 @!p0 $0x108  }
0x21: {  	s3 =	sadd.s32 s3, s9;
	s6 =	sadd.s32 @!p0 $0x88, s6;
	s7 =	simm.s32 @p2 $0x1082  }
0x22: {  	[simem:s7], [sflag:s8] =	dma.local @!p0 [hbm:s6], $0xF7A  }
0x23: {  	s9 =	sor.u32 $0xD0000000, s2;
	s6 =	simm.s32 $0x108;
	_ =	swait.ge @!p0 [sflag:s8], $0x0  }
0x24: {  	s3 =	sadd.s32 $0x88, s3;
	s6 =	simm.s32 @!p1 $0x1082;
	[sflag:s4] =	ssyncset.s32 $0xFFFFF086  }
0x25: {  	[simem:s6], [sflag:s4] =	dma.local [hbm:s3], $0xF7A  }
0x26: {  	[smem:$0x3F92] =	sst s1;
	(tag) =	ssettag s2;
	_ =	strace s9  }
0x27: {  	s1 =	sld [smem:$0x3FA2]  }
0x28: {  	s2 =	sld [smem:$0x3FA3]  }
0x29: {  	s4 =	sld [smem:$0x3FA5]  }
0x2a: {  	p0 =	seq.s32 s5, $0x0;
	s5 =	sld [smem:$0x3FA6]  }
0x2b: {  	s6 =	sld [smem:$0x3FA7]  }
0x2c: {  	s7 =	sld [smem:$0x3FA8]  }
0x2d: {  	s3 =	simm.s32 $0x108;
	s8 =	sld [smem:$0x3FA9]  }
0x2e: {  	s3 =	simm.s32 @!p0 $0x1082;
	s9 =	sld [smem:$0x3FAA]  }
0x2f: {  	lr =	sadd.s32 s0, s3;
	s0 =	sld [smem:$0x3FA1]  }
0x30: {  	s3 =	sld [smem:$0x3FA4]  }
0x31: {  	[smem:$0x3FAD] =	sst s10  }
0x32: {  	s10 =	sld [smem:$0x3FAB];
	_ =	sdelay $0x3  }
0x33: {  	p0 =	seq.s32 s10, $0x1;
	s10 =	sld [smem:$0x3FAD];
	_ =	sdelay $0x3  }
0x34: {  	[smem:$0x3FAD] =	sst s10  }
0x35: {  	s10 =	sld [smem:$0x3FAC];
	_ =	sdelay $0x3  }
0x36: {  	p1 =	seq.s32 s10, $0x1;
	s10 =	sld [smem:$0x3FAD];
	_ =	sdelay $0x3  }
0x37: {  	[smem:$0x3FAD] =	sst s10  }
0x38: {  	s10 =	sld [smem:$0x3FAE]  }
0x39: {  	_ = 	snop;
	(pc) =	sbr.ind lr, $3  }
0x3a: {  	_ = 	snop  }
0x3b: {  	_ = 	snop  }
0x3c: {  	p2 =	seq.s32 s10, $0x1;
	s10 =	sld [smem:$0x3FAD]  }
0x3d: {  	_ =	shalt  }
0x3e: {  	_ =	shalt  }
0x3f: {  	_ =	shalt  }
0x40: {  	_ =	shalt  }
0x41: {  	_ =	shalt  }
0x42: {  	_ =	shalt  }
0x43: {  	_ =	shalt  }
0x44: {  	_ =	shalt  }
0x45: {  	_ =	shalt  }
0x46: {  	_ =	shalt  }
0x47: {  	_ =	shalt  }
0x48: {  	_ =	shalt  }
0x49: {  	_ =	shalt  }
0x4a: {  	_ =	shalt  }
0x4b: {  	_ =	shalt  }
0x4c: {  	_ =	shalt  }
0x4d: {  	_ =	shalt  }
0x4e: {  	_ =	shalt  }
0x4f: {  	_ =	shalt  }
0x50: {  	_ =	shalt  }
0x51: {  	_ =	shalt  }
0x52: {  	_ =	shalt  }
0x53: {  	_ =	shalt  }
0x54: {  	_ =	shalt  }
0x55: {  	_ =	shalt  }
0x56: {  	_ =	shalt  }
0x57: {  	_ =	shalt  }
0x58: {  	_ =	shalt  }
0x59: {  	_ =	shalt  }
0x5a: {  	_ =	shalt  }
0x5b: {  	_ =	shalt  }
0x5c: {  	_ =	shalt  }
0x5d: {  	_ =	shalt  }
0x5e: {  	_ =	shalt  }
0x5f: {  	_ =	shalt  }
0x60: {  	_ =	shalt  }
0x61: {  	_ =	shalt  }
0x62: {  	_ =	shalt  }
0x63: {  	_ =	shalt  }
0x64: {  	_ =	shalt  }
0x65: {  	_ =	shalt  }
0x66: {  	_ =	shalt  }
0x67: {  	_ =	shalt  }
0x68: {  	_ =	shalt  }
0x69: {  	_ =	shalt  }
0x6a: {  	_ =	shalt  }
0x6b: {  	_ =	shalt  }
0x6c: {  	_ =	shalt  }
0x6d: {  	_ =	shalt  }
0x6e: {  	_ =	shalt  }
0x6f: {  	_ =	shalt  }
0x70: {  	_ =	shalt  }
0x71: {  	_ =	shalt  }
0x72: {  	_ =	shalt  }
0x73: {  	_ =	shalt  }
0x74: {  	_ =	shalt  }
0x75: {  	_ =	shalt  }
0x76: {  	_ =	shalt  }
0x77: {  	_ =	shalt  }
0x78: {  	_ =	shalt  }
0x79: {  	_ =	shalt  }
0x7a: {  	_ =	shalt  }
0x7b: {  	_ =	shalt  }
0x7c: {  	_ =	shalt  }
0x7d: {  	_ =	shalt  }
0x7e: {  	_ =	shalt  }
0x7f: {  	_ =	shalt  }
0x80: {  	_ =	shalt  }
0x81: {  	_ =	shalt  }
0x82: {  	_ =	shalt  }
0x83: {  	_ =	shalt  }
0x84: {  	_ =	shalt  }
0x85: {  	_ =	shalt  }
0x86: {  	_ =	shalt  }
0x87: {  	_ =	shalt  }
.Lfunc_end0:
.L_simem_size_0:
called_computation.1_lowered:
.L_overlay_start_0:
0x88: {  	s2 =	sld [smem:$0x3FD9]  }
0x89: {  	s3 =	sld [smem:$0x3FFE];
	_ =	sdelay $0x1  }
0x8a: {  	s1 =	srdreg.scid  }
0x8b: {  	s0 =	sand.u32 $0x1, s1  }
0x8c: {  	s16 =	sshll.u32 s0, $0xA;
	s2 =	sadd.s32 s3, s2  }
0x8d: {  	s2 =	sadd.s32 s2, s16  }
0x8e: {  	[smem:$0x3FB9] =	sst s2  }
0x8f: {  	_ = 	snop  }
0x90: {  	(tm) =	ssettm $0x1  }
0x91: {  	s17 =	sld [smem:$0x3FFB];
	_ =	sdelay $0x3  }
0x92: {  	_ =	strace s17  }
0x93: {  	s2 =	sld [smem:$0x3FFC];
	_ =	sdelay $0x3  }
0x94: {  	_ =	strace s2  }
0x95: {  	s2 =	sld [smem:$0x3FFD];
	_ =	sdelay $0x3  }
0x96: {  	_ =	strace s2  }
0x97: {  	_ =	strace $0x8FFFFFFF  }
0x98: {  	s18 =	sld [smem:$0x3FDB];
	_ =	sdelay $0x1  }
0x99: {  	s19 =	simm.s32 $_scs_section_size  }
0x9a: {  	s4 =	simm.s32 $_size__tile_overlayer_lowered;
	s5 =	simm.s32 $_tile_overlayer_lowered  }
0x9b: {  	s22 =	simm.s32 $0x1BFF;
	s21 =	sshll.u32 s5, $0x1;
	s2 =	sadd.s32 s19, s18  }
0x9c: {  	s6 =	simm.s32 $0x0;
	s20 =	sshll.u32 s4, $0x1;
	s4 =	sadd.s32 s21, s2  }
0x9d: {  	[timem:s6], [sflag:s22] =	dma.local [hbm:s4], s20  }
0x9e: {  	_ =	swait.ge [sflag:s22], s20  }
0x9f: {  	s3 =	ssub.s32 $0x0, s20;
	[sflag:s22] =	ssyncset.done $0x0  }
0xa0: {  	[sflag:s22] =	ssyncadd.s32 s3;
	_ =	sdelay $0x1  }
0xa1: {  	s23 =	simm.s32 $0x1B8B  }
0xa2: {  	_ =	swait.ge [sflag:s23], $0x1  }
0xa3: {  	[sflag:s23] =	ssyncset.done $0x0  }
0xa4: {  	s25 =	simm.s32 $0x1B8E;
	s24 =	sld [smem:$0x3FFE];
	[sflag:s23] =	ssyncadd.s32 $0xFFFFFFFF  }
0xa5: {  	s26 =	simm.s32 $execute0_lowered;
	[smem:$0x3FD2] =	sst s25  }
0xa6: {  	s4 =	sshll.u32 s26, $0x1;
	_ =	strace $0x80000049;
	[dreg:$0x1] =	wrdreg $0xFFFFFFFF  }
0xa7: {  	s28 =	simm.s32 $_size_execute0_lowered;
	s2 =	sadd.s32 s2, s4;
	[dreg:$0x0] =	wrdreg $0x0  }
0xa8: {  	s4 =	sshll.u32 s28, $0x1;
	[dreg:$0x2] =	wrdreg s2  }
0xa9: {  	[dreg:$0x3] =	wrdreg s4  }
0xaa: {  	[dreg:$0x4] =	wrdreg $0xC0  }
0xab: {  	_ =	task [dreg:s6], $0x5FFFF  }
0xac: {  	[dreg:$0x1] =	wrdreg $0xFFFFFFFF  }
0xad: {  	[dreg:$0x0] =	wrdreg $0x60  }
0xae: {  	[dreg:$0x2] =	wrdreg s24  }
0xaf: {  	[dreg:$0x3] =	wrdreg $0x86000  }
0xb0: {  	[dreg:$0x4] =	wrdreg $0x9  }
0xb1: {  	_ =	task.clear_ibuf [dreg:s6], $0x5FFFF;
	_ =	strace $0x90000049  }
0xb2: {  	s29 =	simm.s32 $0x9;
	_ =	strace $0x8000004B  }
0xb3: {  	_ =	swait.ge [sflag:s29], $0x1  }
0xb4: {  	[sflag:s29] =	ssyncadd.s32 $0xFFFFFFFF  }
0xb5: {  	_ =	strace $0x9000004B  }
0xb6: {  	_ =	sfence  }
0xb7: {  	s30 =	sld [smem:$0x0];
	_ =	sdelay $0x2  }
0xb8: {  	s31 =	sshll.u32 s1, $0xD;
	s1 =	sshrl.u32 s1, $0x2  }
0xb9: {  	s3 =	sand.u32 $0x4000, s31;
	s1 =	sadd.s32 s1, s30  }
0xba: {  	s0 =	sor.u32 s3, s0;
	s1 =	sshll.u32 s1, $0x11  }
0xbb: {  	s0 =	sor.u32 s1, s0  }
0xbc: {  	s0 =	sadd.s32 $0x8F2B, s0  }
0xbd: {  	[sflag:s0] =	ssyncadd.remote.s32 $0x1  }
0xbe: {  	_ =	sfence.sel $0xFFFF  }
0xbf: {  	[dreg:$0x0] =	wrdreg $0xFFFFFFFF;
	(pc) =	sbr.abs _section_cstart, $3  }
0xc0: {  	[dreg:$0x1] =	wrdreg $0xFFFFFFFF  }
0xc1: {  	_ =	task.clear_ibuf [dreg:s6], $0x2FFFF;
	_ =	strace $0x9FFFFFFF  }
0xc2: {  	(tm) =	ssettm $0x7FFFFFFF  }
0xc3: {  	_ =	shalt  }
tec
execute0_lowered:
.L_overlay_start_1:
0x0: {  	(tag) =	ssettag $0x1  }
0x1: {  	s4 =	rddreg [dreg:$0x0]  }
0x2: {  	s2 =	rddreg [dreg:$0x1];
	s0 =	stileid.u32  }
0x3: {  	s5 =	srdreg.scid;
	s1 =	rddreg [dreg:$0x2]  }
0x4: {  	s3 =	simm.s32 $0x0;
	s11 =	simm.s32 $0x3;
	s12 =	simm.s32 $0x80  }
0x5: {  	s13 =	simm.s32 $0x200;
	s14 =	simm.s32 $0x100;
	s15 =	simm.s32 $0x4200  }
0x6: {  	s16 =	simm.s32 $0x180;
	s17 =	simm.s32 $0x1;
	s18 =	simm.s32 $0x2  }
0x7: {  	s20 =	simm.s32 $0x0;
	s6 =	smul.u32 $0x278, s0;
	s5 =	sand.u32 $0x1, s5  }
0x8: {  	[smem:$0x7FF] =	sst s3;
	s8 =	smul.u32 $0xA00, s0;
	s19 =	sshll.u32 s0, $0x6  }
0x9: {  	s7 =	smul.u32 $0x13B000, s5;
	_ =	strace $0x8000004A;
	s6 =	smin.u32 s6, $0x24E8  }
0xa: {  	s9 =	smul.u32 $0x27600, s5;
	s5 =	ssub.s32 $0x2, s5;
	s6 =	sshll.u32 s6, $0x7  }
0xb: {  	s19 =	sor.u32 $0x1C03, s19;
	s10 =	sadd.s32 s8, s4;
	s7 =	sadd.s32 s7, s6  }
0xc: {  	s31 =	sshrl.u32 s5, $0x1;
	s9 =	sadd.s32 s9, s4;
	s7 =	sshrl.u32 s7, $0x3  }
0xd: {  	s8 =	ssub.s32 s5, s31;
	s5 =	sadd.s32 $0xCC00, s9;
	s7 =	sadd.s32 s7, s4  }
0xe: {  	s9 =	sadd.s32 $0x2C00, s10;
	s4 =	sadd.s32 s6, s2;
	s6 =	sadd.s32 $0x65800, s7  }
0xf: {  	v0 =	vimm.f32 $0.0e+00;
	s7 =	smax.u32 s8, $0x1;
	s8 =	sadd.s32 $0x5B800, s10;
	s10 =	simm.s32 $0x8200  }
.LBB2_1:
0x10: {  	[tilespmem:$0x8200] =	vst v0  }
0x11: {  	[tilespmem:$0x8210] =	vst v0  }
0x12: {  	[tilespmem:$0x8220] =	vst v0  }
0x13: {  	[tilespmem:$0x8230] =	vst v0  }
0x14: {  	[tilespmem:$0x8240] =	vst v0  }
0x15: {  	[tilespmem:$0x8250] =	vst v0  }
0x16: {  	[tilespmem:$0x8260] =	vst v0  }
0x17: {  	[tilespmem:$0x8270] =	vst v0  }
0x18: {  	[tilespmem:$0x8280] =	vst v0  }
0x19: {  	[tilespmem:$0x8290] =	vst v0  }
0x1a: {  	[tilespmem:$0x82A0] =	vst v0  }
0x1b: {  	[tilespmem:$0x82B0] =	vst v0  }
0x1c: {  	[tilespmem:$0x82C0] =	vst v0  }
0x1d: {  	[tilespmem:$0x82D0] =	vst v0  }
0x1e: {  	[tilespmem:$0x82E0] =	vst v0  }
0x1f: {  	[tilespmem:$0x82F0] =	vst v0  }
0x20: {  	[tilespmem:$0x8300] =	vst v0  }
0x21: {  	[tilespmem:$0x8310] =	vst v0  }
0x22: {  	[tilespmem:$0x8320] =	vst v0  }
0x23: {  	[tilespmem:$0x8330] =	vst v0  }
0x24: {  	[tilespmem:$0x8340] =	vst v0  }
0x25: {  	[tilespmem:$0x8350] =	vst v0  }
0x26: {  	[tilespmem:$0x8360] =	vst v0  }
0x27: {  	[tilespmem:$0x8370] =	vst v0  }
0x28: {  	[tilespmem:$0x8380] =	vst v0  }
0x29: {  	[tilespmem:$0x8390] =	vst v0  }
0x2a: {  	[tilespmem:$0x83A0] =	vst v0  }
0x2b: {  	[tilespmem:$0x83B0] =	vst v0  }
0x2c: {  	[tilespmem:$0x83C0] =	vst v0  }
0x2d: {  	[tilespmem:$0x83D0] =	vst v0  }
0x2e: {  	[tilespmem:$0x83E0] =	vst v0  }
0x2f: {  	[tilespmem:$0x83F0] =	vst v0  }
0x30: {  	[tilespmem:$0x8400] =	vst v0  }
0x31: {  	[tilespmem:$0x8410] =	vst v0  }
0x32: {  	[tilespmem:$0x8420] =	vst v0  }
0x33: {  	[tilespmem:$0x8430] =	vst v0  }
0x34: {  	[tilespmem:$0x8440] =	vst v0  }
0x35: {  	[tilespmem:$0x8450] =	vst v0  }
0x36: {  	[tilespmem:$0x8460] =	vst v0  }
0x37: {  	[tilespmem:$0x8470] =	vst v0  }
0x38: {  	[tilespmem:$0x8480] =	vst v0  }
0x39: {  	[tilespmem:$0x8490] =	vst v0  }
0x3a: {  	[tilespmem:$0x84A0] =	vst v0  }
0x3b: {  	[tilespmem:$0x84B0] =	vst v0  }
0x3c: {  	[tilespmem:$0x84C0] =	vst v0  }
0x3d: {  	[tilespmem:$0x84D0] =	vst v0  }
0x3e: {  	[tilespmem:$0x84E0] =	vst v0  }
0x3f: {  	[tilespmem:$0x84F0] =	vst v0  }
0x40: {  	[tilespmem:$0x8500] =	vst v0  }
0x41: {  	[tilespmem:$0x8510] =	vst v0  }
0x42: {  	[tilespmem:$0x8520] =	vst v0  }
0x43: {  	[tilespmem:$0x8530] =	vst v0  }
0x44: {  	[tilespmem:$0x8540] =	vst v0  }
0x45: {  	[tilespmem:$0x8550] =	vst v0  }
0x46: {  	[tilespmem:$0x8560] =	vst v0  }
0x47: {  	[tilespmem:$0x8570] =	vst v0  }
0x48: {  	[tilespmem:$0x8580] =	vst v0  }
0x49: {  	[tilespmem:$0x8590] =	vst v0  }
0x4a: {  	[tilespmem:$0x85A0] =	vst v0  }
0x4b: {  	[tilespmem:$0x85B0] =	vst v0  }
0x4c: {  	[tilespmem:$0x85C0] =	vst v0  }
0x4d: {  	[tilespmem:$0x85D0] =	vst v0  }
0x4e: {  	[tilespmem:$0x85E0] =	vst v0  }
0x4f: {  	[tilespmem:$0x85F0] =	vst v0;
	s21 =	sadd.s32 $0x0, s4  }
0x50: {  	[spmem:s21] =	stream.linear.scatter [tilespmem:s10], [sflag:$0x3], $0x400, $0x38;
	[tilespmem:$0x1C100] =	vst v63  }
0x51: {  	s21 =	simm.s32 $0x1000;
	_ =	swait.ge [sflag:s11], $0x400  }
.LBB2_2:
0x52: {  	s22 =	sshra.s32 s21, $0x2;
	[sflag:s11] =	ssyncset.done $0x0;
	p0 =	sne.s32 s21, $0x4E000  }
.Ltmp0:
0x53: {  	s22 =	sadd.s32 s22, s4;
	[sflag:s11] =	ssyncadd.s32 $0xFFFFFC00;
	(pc) =	sbr.rel @p0 .LBB2_2-.Ltmp0, $3  }
0x54: {  	[spmem:s22] =	stream.linear.scatter [tilespmem:s10], [sflag:$0x3], $0x400, $0x38;
	[tilespmem:$0x1C100] =	vst v63  }
0x55: {  	s21 =	sadd.s32 $0x1000, s21;
	_ =	sdelay $0x1  }
0x56: {  	_ =	swait.ge [sflag:s11], $0x400  }
0x57: {  	[sflag:s11] =	ssyncset.done $0x0  }
0x58: {  	[sflag:s11] =	ssyncadd.s32 $0xFFFFFC00  }
0x59: {  	s21 =	sadd.s32 $0x0, s8;
	[bflag:$0x0] =	sbarrier.arrive $0xFFFF  }
0x5a: {  	[tilespmem:s3], [sflag:$0x3] =	stream.linear.gather [hbm4b:s21+s3], $0x80, $0x38;
	[tilespmem:$0x1C100] =	vst v63  }
0x5b: {  	_ =	swait.ge [sflag:s11], $0x80  }
0x5c: {  	[sflag:s11] =	ssyncset.done $0x0  }
0x5d: {  	[sflag:s11] =	ssyncadd.s32 $0xFFFFFF80  }
0x5e: {  	[tilespmem:s13], [sflag:$0x1] =	stream.indirect.gather [hbm4b:s5+s12], $0x80, s3, s12, $0xb8;
	[tilespmem:$0x1C100] =	vst v63  }
0x5f: {  	s21 =	sadd.s32 $0x10, s21  }
0x60: {  	[tilespmem:s14], [sflag:$0x3] =	stream.linear.gather [hbm4b:s21+s3], $0x80, $0x38;
	[tilespmem:$0x1C100] =	vst v63  }
0x61: {  	_ =	swait.ge [sflag:s11], $0x80  }
0x62: {  	[sflag:s11] =	ssyncset.done $0x0  }
0x63: {  	[sflag:s11] =	ssyncadd.s32 $0xFFFFFF80  }
0x64: {  	[tilespmem:s15], [sflag:$0x2] =	stream.indirect.gather [hbm4b:s5+s12], $0x80, s14, s12, $0xb8;
	[tilespmem:$0x1C100] =	vst v63  }
0x65: {  	s31 =	sadd.s32 $0x0, s9  }
0x66: {  	[tilespmem:s12], [sflag:$0x3] =	stream.linear.gather [hbm4b:s31+s3], $0x80, $0x38;
	[tilespmem:$0x1C100] =	vst v63  }
0x67: {  	_ =	swait.ge [sflag:s11], $0x80  }
0x68: {  	[sflag:s11] =	ssyncset.done $0x0  }
0x69: {  	s21 =	sadd.s32 $0x10, s31;
	[sflag:s11] =	ssyncadd.s32 $0xFFFFFF80  }
0x6a: {  	[tilespmem:s16], [sflag:$0x3] =	stream.linear.gather [hbm4b:s21+s3], $0x80, $0x38;
	[tilespmem:$0x1C100] =	vst v63  }
0x6b: {  	_ =	swait.ge [sflag:s11], $0x80  }
0x6c: {  	[sflag:s11] =	ssyncset.done $0x0  }
0x6d: {  	[sflag:s11] =	ssyncadd.s32 $0xFFFFFF80  }
0x6e: {  	_ =	swait.ge [sflag:s17], $0x4000  }
0x6f: {  	[sflag:s17] =	ssyncset.done $0x0  }
0x70: {  	[sflag:s17] =	ssyncadd.s32 $0xFFFFC000  }
0x71: {  	[spmem:s2] =	stream.indirect.scatter.add.f32 [tilespmem:s13], [sflag:$0x3], $0x80, s12, s12, $0xb8;
	[tilespmem:$0x1C100] =	vst v63  }
0x72: {  	_ =	swait.ge [sflag:s11], $0x4000  }
0x73: {  	[sflag:s11] =	ssyncset.done $0x0  }
0x74: {  	[sflag:s11] =	ssyncadd.s32 $0xFFFFC000  }
0x75: {  	_ =	swait.ge [sflag:s18], $0x4000  }
0x76: {  	[sflag:s18] =	ssyncset.done $0x0  }
0x77: {  	[sflag:s18] =	ssyncadd.s32 $0xFFFFC000  }
0x78: {  	[spmem:s2] =	stream.indirect.scatter.add.f32 [tilespmem:s15], [sflag:$0x3], $0x80, s16, s12, $0xb8;
	[tilespmem:$0x1C100] =	vst v63  }
0x79: {  	_ =	swait.ge [sflag:s11], $0x4000  }
0x7a: {  	s23 =	simm.s32 $0x40;
	s21 =	simm.s32 $0x20;
	[sflag:s11] =	ssyncset.done $0x0  }
.LBB2_4:
0x7b: {  	s24 =	sadd.s32 s21, s8  }
0x7c: {  	[sflag:s11] =	ssyncadd.s32 $0xFFFFC000;
	s25 =	smov.u32 s23;
	s22 =	sadd.s32 $0x20, s23  }
0x7d: {  	[tilespmem:s3], [sflag:$0x3] =	stream.linear.gather [hbm4b:s24+s3], $0x80, $0x38;
	[tilespmem:$0x1C100] =	vst v63  }
0x7e: {  	p0 =	sne.s32 s23, $0x9E0;
	_ =	swait.ge [sflag:s11], $0x80  }
0x7f: {  	[sflag:s11] =	ssyncset.done $0x0  }
0x80: {  	[sflag:s11] =	ssyncadd.s32 $0xFFFFFF80  }
0x81: {  	[tilespmem:s13], [sflag:$0x1] =	stream.indirect.gather [hbm4b:s5+s12], $0x80, s3, s12, $0xb8;
	[tilespmem:$0x1C100] =	vst v63  }
0x82: {  	s23 =	sadd.s32 $0x10, s24  }
0x83: {  	[tilespmem:s14], [sflag:$0x3] =	stream.linear.gather [hbm4b:s23+s3], $0x80, $0x38;
	[tilespmem:$0x1C100] =	vst v63  }
0x84: {  	_ =	swait.ge [sflag:s11], $0x80  }
0x85: {  	[sflag:s11] =	ssyncset.done $0x0  }
0x86: {  	[sflag:s11] =	ssyncadd.s32 $0xFFFFFF80  }
0x87: {  	[tilespmem:s15], [sflag:$0x2] =	stream.indirect.gather [hbm4b:s5+s12], $0x80, s14, s12, $0xb8;
	[tilespmem:$0x1C100] =	vst v63  }
0x88: {  	s23 =	sadd.s32 s21, s9;
	s21 =	smov.u32 s25  }
0x89: {  	[tilespmem:s12], [sflag:$0x3] =	stream.linear.gather [hbm4b:s23+s3], $0x80, $0x38;
	[tilespmem:$0x1C100] =	vst v63  }
0x8a: {  	_ =	swait.ge [sflag:s11], $0x80  }
0x8b: {  	[sflag:s11] =	ssyncset.done $0x0  }
0x8c: {  	s23 =	sadd.s32 $0x10, s23;
	[sflag:s11] =	ssyncadd.s32 $0xFFFFFF80  }
0x8d: {  	[tilespmem:s16], [sflag:$0x3] =	stream.linear.gather [hbm4b:s23+s3], $0x80, $0x38;
	[tilespmem:$0x1C100] =	vst v63  }
0x8e: {  	_ =	swait.ge [sflag:s11], $0x80  }
0x8f: {  	[sflag:s11] =	ssyncset.done $0x0  }
0x90: {  	[sflag:s11] =	ssyncadd.s32 $0xFFFFFF80  }
0x91: {  	_ =	swait.ge [sflag:s17], $0x4000  }
0x92: {  	[sflag:s17] =	ssyncset.done $0x0  }
0x93: {  	[sflag:s17] =	ssyncadd.s32 $0xFFFFC000  }
0x94: {  	[spmem:s2] =	stream.indirect.scatter.add.f32 [tilespmem:s13], [sflag:$0x3], $0x80, s12, s12, $0xb8;
	[tilespmem:$0x1C100] =	vst v63  }
0x95: {  	_ =	swait.ge [sflag:s11], $0x4000  }
0x96: {  	[sflag:s11] =	ssyncset.done $0x0  }
0x97: {  	[sflag:s11] =	ssyncadd.s32 $0xFFFFC000  }
0x98: {  	_ =	swait.ge [sflag:s18], $0x4000  }
.Ltmp1:
0x99: {  	[sflag:s18] =	ssyncset.done $0x0;
	(pc) =	sbr.rel @p0 .LBB2_4-.Ltmp1, $4  }
0x9a: {  	[sflag:s18] =	ssyncadd.s32 $0xFFFFC000  }
0x9b: {  	[spmem:s2] =	stream.indirect.scatter.add.f32 [tilespmem:s15], [sflag:$0x3], $0x80, s16, s12, $0xb8;
	[tilespmem:$0x1C100] =	vst v63  }
0x9c: {  	_ =	swait.ge [sflag:s11], $0x4000  }
0x9d: {  	s23 =	smov.u32 s22;
	[sflag:s11] =	ssyncset.done $0x0  }
0x9e: {  	s22 =	sadd.s32 s21, s8;
	[sflag:s11] =	ssyncadd.s32 $0xFFFFC000  }
0x9f: {  	[tilespmem:s3], [sflag:$0x3] =	stream.linear.gather [hbm4b:s22+s3], $0x80, $0x38;
	[tilespmem:$0x1C100] =	vst v63  }
0xa0: {  	_ =	swait.ge [sflag:s11], $0x80  }
0xa1: {  	[sflag:s11] =	ssyncset.done $0x0  }
0xa2: {  	[sflag:s11] =	ssyncadd.s32 $0xFFFFFF80  }
0xa3: {  	[tilespmem:s13], [sflag:$0x1] =	stream.indirect.gather [hbm4b:s5+s12], $0x80, s3, s12, $0xb8;
	[tilespmem:$0x1C100] =	vst v63  }
0xa4: {  	s22 =	sadd.s32 $0x10, s22  }
0xa5: {  	[tilespmem:s14], [sflag:$0x3] =	stream.linear.gather [hbm4b:s22+s3], $0x80, $0x38;
	[tilespmem:$0x1C100] =	vst v63  }
0xa6: {  	_ =	swait.ge [sflag:s11], $0x80  }
0xa7: {  	[sflag:s11] =	ssyncset.done $0x0  }
0xa8: {  	[sflag:s11] =	ssyncadd.s32 $0xFFFFFF80  }
0xa9: {  	[tilespmem:s15], [sflag:$0x2] =	stream.indirect.gather [hbm4b:s5+s12], $0x80, s14, s12, $0xb8;
	[tilespmem:$0x1C100] =	vst v63  }
0xaa: {  	s30 =	sadd.s32 s21, s9  }
0xab: {  	[tilespmem:s12], [sflag:$0x3] =	stream.linear.gather [hbm4b:s30+s3], $0x80, $0x38;
	[tilespmem:$0x1C100] =	vst v63  }
0xac: {  	_ =	swait.ge [sflag:s11], $0x80  }
0xad: {  	[sflag:s11] =	ssyncset.done $0x0  }
0xae: {  	s21 =	sadd.s32 $0x10, s30;
	[sflag:s11] =	ssyncadd.s32 $0xFFFFFF80  }
0xaf: {  	[tilespmem:s16], [sflag:$0x3] =	stream.linear.gather [hbm4b:s21+s3], $0x80, $0x38;
	[tilespmem:$0x1C100] =	vst v63  }
0xb0: {  	_ =	swait.ge [sflag:s11], $0x80  }
0xb1: {  	[sflag:s11] =	ssyncset.done $0x0  }
0xb2: {  	[sflag:s11] =	ssyncadd.s32 $0xFFFFFF80  }
0xb3: {  	_ =	swait.ge [sflag:s17], $0x4000  }
0xb4: {  	[sflag:s17] =	ssyncset.done $0x0  }
0xb5: {  	[sflag:s17] =	ssyncadd.s32 $0xFFFFC000  }
0xb6: {  	[spmem:s2] =	stream.indirect.scatter.add.f32 [tilespmem:s13], [sflag:$0x3], $0x80, s12, s12, $0xb8;
	[tilespmem:$0x1C100] =	vst v63  }
0xb7: {  	_ =	swait.ge [sflag:s11], $0x4000  }
0xb8: {  	[sflag:s11] =	ssyncset.done $0x0  }
0xb9: {  	[sflag:s11] =	ssyncadd.s32 $0xFFFFC000  }
0xba: {  	_ =	swait.ge [sflag:s18], $0x4000  }
0xbb: {  	[sflag:s18] =	ssyncset.done $0x0  }
0xbc: {  	[sflag:s18] =	ssyncadd.s32 $0xFFFFC000  }
0xbd: {  	[spmem:s2] =	stream.indirect.scatter.add.f32 [tilespmem:s15], [sflag:$0x3], $0x80, s16, s12, $0xb8;
	[tilespmem:$0x1C100] =	vst v63  }
0xbe: {  	_ =	swait.ge [sflag:s11], $0x4000  }
0xbf: {  	s20 =	sadd.s32 $0x1, s20;
	[sflag:s11] =	ssyncset.done $0x0  }
0xc0: {  	p0 =	sne.s32 s20, s7;
	[sflag:s11] =	ssyncadd.s32 $0xFFFFC000  }
.Ltmp2:
0xc1: {  	s31 =	sshrl.u32 s4, $0x3;
	[bflag:$0x0] =	sbarrier.arrive $0xFFFF;
	(pc) =	sbr.rel @p0 .LBB2_1-.Ltmp2, $4  }
0xc2: {  	[hbm:s6], [sflag:s19] =	dma.local [spmem:s31], $0x2780  }
0xc3: {  	_ =	swait.ge [sflag:s11], $0x2780  }
0xc4: {  	[sflag:s11] =	ssyncset.done $0x0  }
0xc5: {  	[sflag:s11] =	ssyncadd.s32 $0xFFFFD880  }
0xc6: {  	_ =	sfence.sel $0x180000  }
0xc7: {  	[bflag:$0x0] =	sbarrier.arrive $0xFFFF  }
0xc8: {  	p0 =	sne.s32 s0, $0x0;
	_ =	strace $0x9000004A  }
0xc9: {  	s0 =	sadd.s32 @!p0 $0x100000, s1;
	[bflag:$0x2] =	sbarrier.arrive $0xFFFF  }
0xca: {  	[sflag:s0] =	ssyncadd.tile.s32 @!p0 $0x1;
	_ =	shalt  }
.Lfunc_end2:
_tile_overlayer_lowered:
.L_overlay_start_2:
0xcb: {  	(tag) =	ssettag $0x2  }
0xcc: {  	s0 =	rddreg [dreg:$0x0];
	s2 =	stileid.u32  }
0xcd: {  	s1 =	rddreg [dreg:$0x1];
	p0 =	sne.s32 s2, $0x0  }
0xce: {  	s3 =	rddreg [dreg:$0x2];
	[bflag:$0x3] =	sbarrier.arrive $0xFFFF;
	s2 =	simm.s32 @!p0 $0x1C03  }
0xcf: {  	[timem:s3], [sflag:s2] =	dma.local @!p0 [hbm:s0], s1  }
0xd0: {  	s0 =	simm.s32 @!p0 $0x3  }
0xd1: {  	_ =	swait.ge @!p0 [sflag:s0], s1  }
0xd2: {  	s1 =	ssub.s32 @!p0 $0x0, s1;
	[sflag:s0] =	ssyncset.done @!p0 $0x0  }
0xd3: {  	[sflag:s0] =	ssyncadd.s32 @!p0 s1  }
0xd4: {  	[bflag:$0x3] =	sbarrier.arrive $0xFFFF  }
0xd5: {  	_ =	shalt  }

// kernel: kernel.16.cloned.1.call-start
scs
__scs_entry_jumppad:
0x0: {  	(pc) =	sbr.rel $0x88, $3  }
0x1: {  	(tag) =	ssettag $0x0;
	lr =	simm.s32 $0x1  }
0x2: {  	[smem:$0x3F92] =	sst lr;
	_ =	strace $0xD0000000  }
0x3: {  	_ = 	snop  }
0x4: {  	_ = 	snop  }
0x5: {  	_ = 	snop  }
0x6: {  	_ = 	snop  }
0x7: {  	_ = 	snop  }
__scs_overlays_trampoline_lowered:
0x8: {  	[smem:$0x3FA1] =	sst s0  }
0x9: {  	[smem:$0x3FA2] =	sst s1  }
0xa: {  	[smem:$0x3FA3] =	sst s2  }
0xb: {  	[smem:$0x3FA4] =	sst s3  }
0xc: {  	[smem:$0x3FA5] =	sst s4  }
0xd: {  	[smem:$0x3FA6] =	sst s5  }
0xe: {  	[smem:$0x3FA7] =	sst s6  }
0xf: {  	[smem:$0x3FA8] =	sst s7  }
0x10: {  	[smem:$0x3FA9] =	sst s8  }
0x11: {  	[smem:$0x3FAA] =	sst s9;
	s0 =	simm.s32 @!p0 $0x0  }
0x12: {  	s1 =	sld [smem:$0x3F90];
	s0 =	simm.s32 @p0 $0x1  }
0x13: {  	[smem:$0x3FAB] =	sst s0;
	s0 =	simm.s32 @!p1 $0x0  }
0x14: {  	s2 =	sld [smem:$0x3F8F];
	s0 =	simm.s32 @p1 $0x1  }
0x15: {  	[smem:$0x3FAC] =	sst s0;
	s0 =	simm.s32 @!p2 $0x0  }
0x16: {  	s3 =	sld [smem:$0x3FDB];
	s0 =	simm.s32 @p2 $0x1  }
0x17: {  	s4 =	simm.s32 $0x1BF5;
	[smem:$0x3FAE] =	sst s0  }
0x18: {  	s0 =	sld [smem:$0x3F91];
	_ =	swait.ge [sflag:s4], $0x0  }
0x19: {  	s7 =	sld [smem:$0x3F92]  }
0x1a: {  	s8 =	sadd.s32 $0xFFFFE003, lr  }
0x1b: {  	s9 =	sadd.s32 $0xFFFFFEF7, lr;
	s5 =	simm.s32 $0xFFFFFFFF;
	p2 =	slt.u32 s8, $0xFFFFF086  }
0x1c: {  	p1 =	slt.u32 s9, $0xF7A;
	s5 =	simm.s32 @!p2 $0x0  }
0x1d: {  	s5 =	simm.s32 @p1 $0x1;
	p0 =	seq.s32 s7, s2  }
0x1e: {  	s7 =	smul.u32 @!p0 $0xF7A, s2;
	p2 =	seq.s32 @!p0 s5, $0x0  }
0x1f: {  	s9 =	smul.u32 $0xF7A, s1;
	s8 =	simm.s32 @!p0 $0x1BF5;
	p2 =	por !p2, p0  }
0x20: {  	[sflag:s8] =	ssyncset.s32 @!p0 $0xFFFFF086;
	s6 =	sadd.s32 @!p0 s3, s7;
	s7 =	simm.s32 @!p0 $0x108  }
0x21: {  	s3 =	sadd.s32 s3, s9;
	s6 =	sadd.s32 @!p0 $0x88, s6;
	s7 =	simm.s32 @p2 $0x1082  }
0x22: {  	[simem:s7], [sflag:s8] =	dma.local @!p0 [hbm:s6], $0xF7A  }
0x23: {  	s9 =	sor.u32 $0xD0000000, s2;
	s6 =	simm.s32 $0x108;
	_ =	swait.ge @!p0 [sflag:s8], $0x0  }
0x24: {  	s3 =	sadd.s32 $0x88, s3;
	s6 =	simm.s32 @!p1 $0x1082;
	[sflag:s4] =	ssyncset.s32 $0xFFFFF086  }
0x25: {  	[simem:s6], [sflag:s4] =	dma.local [hbm:s3], $0xF7A  }
0x26: {  	[smem:$0x3F92] =	sst s1;
	(tag) =	ssettag s2;
	_ =	strace s9  }
0x27: {  	s1 =	sld [smem:$0x3FA2]  }
0x28: {  	s2 =	sld [smem:$0x3FA3]  }
0x29: {  	s4 =	sld [smem:$0x3FA5]  }
0x2a: {  	p0 =	seq.s32 s5, $0x0;
	s5 =	sld [smem:$0x3FA6]  }
0x2b: {  	s6 =	sld [smem:$0x3FA7]  }
0x2c: {  	s7 =	sld [smem:$0x3FA8]  }
0x2d: {  	s3 =	simm.s32 $0x108;
	s8 =	sld [smem:$0x3FA9]  }
0x2e: {  	s3 =	simm.s32 @!p0 $0x1082;
	s9 =	sld [smem:$0x3FAA]  }
0x2f: {  	lr =	sadd.s32 s0, s3;
	s0 =	sld [smem:$0x3FA1]  }
0x30: {  	s3 =	sld [smem:$0x3FA4]  }
0x31: {  	[smem:$0x3FAD] =	sst s10  }
0x32: {  	s10 =	sld [smem:$0x3FAB];
	_ =	sdelay $0x3  }
0x33: {  	p0 =	seq.s32 s10, $0x1;
	s10 =	sld [smem:$0x3FAD];
	_ =	sdelay $0x3  }
0x34: {  	[smem:$0x3FAD] =	sst s10  }
0x35: {  	s10 =	sld [smem:$0x3FAC];
	_ =	sdelay $0x3  }
0x36: {  	p1 =	seq.s32 s10, $0x1;
	s10 =	sld [smem:$0x3FAD];
	_ =	sdelay $0x3  }
0x37: {  	[smem:$0x3FAD] =	sst s10  }
0x38: {  	s10 =	sld [smem:$0x3FAE]  }
0x39: {  	_ = 	snop;
	(pc) =	sbr.ind lr, $3  }
0x3a: {  	_ = 	snop  }
0x3b: {  	_ = 	snop  }
0x3c: {  	p2 =	seq.s32 s10, $0x1;
	s10 =	sld [smem:$0x3FAD]  }
0x3d: {  	_ =	shalt  }
0x3e: {  	_ =	shalt  }
0x3f: {  	_ =	shalt  }
0x40: {  	_ =	shalt  }
0x41: {  	_ =	shalt  }
0x42: {  	_ =	shalt  }
0x43: {  	_ =	shalt  }
0x44: {  	_ =	shalt  }
0x45: {  	_ =	shalt  }
0x46: {  	_ =	shalt  }
0x47: {  	_ =	shalt  }
0x48: {  	_ =	shalt  }
0x49: {  	_ =	shalt  }
0x4a: {  	_ =	shalt  }
0x4b: {  	_ =	shalt  }
0x4c: {  	_ =	shalt  }
0x4d: {  	_ =	shalt  }
0x4e: {  	_ =	shalt  }
0x4f: {  	_ =	shalt  }
0x50: {  	_ =	shalt  }
0x51: {  	_ =	shalt  }
0x52: {  	_ =	shalt  }
0x53: {  	_ =	shalt  }
0x54: {  	_ =	shalt  }
0x55: {  	_ =	shalt  }
0x56: {  	_ =	shalt  }
0x57: {  	_ =	shalt  }
0x58: {  	_ =	shalt  }
0x59: {  	_ =	shalt  }
0x5a: {  	_ =	shalt  }
0x5b: {  	_ =	shalt  }
0x5c: {  	_ =	shalt  }
0x5d: {  	_ =	shalt  }
0x5e: {  	_ =	shalt  }
0x5f: {  	_ =	shalt  }
0x60: {  	_ =	shalt  }
0x61: {  	_ =	shalt  }
0x62: {  	_ =	shalt  }
0x63: {  	_ =	shalt  }
0x64: {  	_ =	shalt  }
0x65: {  	_ =	shalt  }
0x66: {  	_ =	shalt  }
0x67: {  	_ =	shalt  }
0x68: {  	_ =	shalt  }
0x69: {  	_ =	shalt  }
0x6a: {  	_ =	shalt  }
0x6b: {  	_ =	shalt  }
0x6c: {  	_ =	shalt  }
0x6d: {  	_ =	shalt  }
0x6e: {  	_ =	shalt  }
0x6f: {  	_ =	shalt  }
0x70: {  	_ =	shalt  }
0x71: {  	_ =	shalt  }
0x72: {  	_ =	shalt  }
0x73: {  	_ =	shalt  }
0x74: {  	_ =	shalt  }
0x75: {  	_ =	shalt  }
0x76: {  	_ =	shalt  }
0x77: {  	_ =	shalt  }
0x78: {  	_ =	shalt  }
0x79: {  	_ =	shalt  }
0x7a: {  	_ =	shalt  }
0x7b: {  	_ =	shalt  }
0x7c: {  	_ =	shalt  }
0x7d: {  	_ =	shalt  }
0x7e: {  	_ =	shalt  }
0x7f: {  	_ =	shalt  }
0x80: {  	_ =	shalt  }
0x81: {  	_ =	shalt  }
0x82: {  	_ =	shalt  }
0x83: {  	_ =	shalt  }
0x84: {  	_ =	shalt  }
0x85: {  	_ =	shalt  }
0x86: {  	_ =	shalt  }
0x87: {  	_ =	shalt  }
.Lfunc_end0:
.L_simem_size_0:
called_computation.2_lowered:
.L_overlay_start_0:
0x88: {  	s2 =	sld [smem:$0x3FD9]  }
0x89: {  	s3 =	sld [smem:$0x3FFE];
	_ =	sdelay $0x1  }
0x8a: {  	s1 =	srdreg.scid  }
0x8b: {  	s0 =	sand.u32 $0x1, s1  }
0x8c: {  	s16 =	sshll.u32 s0, $0xA;
	s2 =	sadd.s32 s3, s2  }
0x8d: {  	s2 =	sadd.s32 s2, s16  }
0x8e: {  	[smem:$0x3FB9] =	sst s2  }
0x8f: {  	_ = 	snop  }
0x90: {  	(tm) =	ssettm $0x1  }
0x91: {  	s17 =	sld [smem:$0x3FFB];
	_ =	sdelay $0x3  }
0x92: {  	_ =	strace s17  }
0x93: {  	s2 =	sld [smem:$0x3FFC];
	_ =	sdelay $0x3  }
0x94: {  	_ =	strace s2  }
0x95: {  	s2 =	sld [smem:$0x3FFD];
	_ =	sdelay $0x3  }
0x96: {  	_ =	strace s2  }
0x97: {  	_ =	strace $0x8FFFFFFF  }
0x98: {  	s18 =	sld [smem:$0x3FDB];
	_ =	sdelay $0x1  }
0x99: {  	s19 =	simm.s32 $_scs_section_size  }
0x9a: {  	s4 =	simm.s32 $_size__tile_overlayer_lowered;
	s5 =	simm.s32 $_tile_overlayer_lowered  }
0x9b: {  	s22 =	simm.s32 $0x1BFF;
	s21 =	sshll.u32 s5, $0x1;
	s2 =	sadd.s32 s19, s18  }
0x9c: {  	s6 =	simm.s32 $0x0;
	s20 =	sshll.u32 s4, $0x1;
	s4 =	sadd.s32 s21, s2  }
0x9d: {  	[timem:s6], [sflag:s22] =	dma.local [hbm:s4], s20  }
0x9e: {  	_ =	swait.ge [sflag:s22], s20  }
0x9f: {  	s3 =	ssub.s32 $0x0, s20;
	[sflag:s22] =	ssyncset.done $0x0  }
0xa0: {  	[sflag:s22] =	ssyncadd.s32 s3;
	_ =	sdelay $0x1  }
0xa1: {  	s23 =	simm.s32 $0x1B8B  }
0xa2: {  	_ =	swait.ge [sflag:s23], $0x1  }
0xa3: {  	[sflag:s23] =	ssyncset.done $0x0  }
0xa4: {  	s25 =	simm.s32 $0x1B8E;
	s24 =	sld [smem:$0x3FFE];
	[sflag:s23] =	ssyncadd.s32 $0xFFFFFFFF  }
0xa5: {  	s26 =	simm.s32 $execute0_lowered;
	[smem:$0x3FD2] =	sst s25  }
0xa6: {  	s4 =	sshll.u32 s26, $0x1;
	_ =	strace $0x8000004C;
	[dreg:$0x1] =	wrdreg $0xFFFFFFFF  }
0xa7: {  	s28 =	simm.s32 $_size_execute0_lowered;
	s2 =	sadd.s32 s2, s4;
	[dreg:$0x0] =	wrdreg $0x0  }
0xa8: {  	s4 =	sshll.u32 s28, $0x1;
	[dreg:$0x2] =	wrdreg s2  }
0xa9: {  	[dreg:$0x3] =	wrdreg s4  }
0xaa: {  	[dreg:$0x4] =	wrdreg $0xC0  }
0xab: {  	_ =	task [dreg:s6], $0x5FFFF  }
0xac: {  	[dreg:$0x1] =	wrdreg $0xFFFFFFFF  }
0xad: {  	[dreg:$0x0] =	wrdreg $0x60  }
0xae: {  	[dreg:$0x2] =	wrdreg s24  }
0xaf: {  	[dreg:$0x3] =	wrdreg $0x86000  }
0xb0: {  	[dreg:$0x4] =	wrdreg $0x9  }
0xb1: {  	_ =	task.clear_ibuf [dreg:s6], $0x5FFFF;
	_ =	strace $0x9000004C  }
0xb2: {  	s29 =	simm.s32 $0x9;
	_ =	strace $0x8000004E  }
0xb3: {  	_ =	swait.ge [sflag:s29], $0x1  }
0xb4: {  	[sflag:s29] =	ssyncadd.s32 $0xFFFFFFFF  }
0xb5: {  	_ =	strace $0x9000004E  }
0xb6: {  	_ =	sfence  }
0xb7: {  	s30 =	sld [smem:$0x0];
	_ =	sdelay $0x2  }
0xb8: {  	s31 =	sshll.u32 s1, $0xD;
	s1 =	sshrl.u32 s1, $0x2  }
0xb9: {  	s3 =	sand.u32 $0x4000, s31;
	s1 =	sadd.s32 s1, s30  }
0xba: {  	s0 =	sor.u32 s3, s0;
	s1 =	sshll.u32 s1, $0x11  }
0xbb: {  	s0 =	sor.u32 s1, s0  }
0xbc: {  	s0 =	sadd.s32 $0x8F2B, s0  }
0xbd: {  	[sflag:s0] =	ssyncadd.remote.s32 $0x1  }
0xbe: {  	_ =	sfence.sel $0xFFFF  }
0xbf: {  	[dreg:$0x0] =	wrdreg $0xFFFFFFFF;
	(pc) =	sbr.abs _section_cstart, $3  }
0xc0: {  	[dreg:$0x1] =	wrdreg $0xFFFFFFFF  }
0xc1: {  	_ =	task.clear_ibuf [dreg:s6], $0x2FFFF;
	_ =	strace $0x9FFFFFFF  }
0xc2: {  	(tm) =	ssettm $0x7FFFFFFF  }
0xc3: {  	_ =	shalt  }
tec
execute0_lowered:
.L_overlay_start_1:
0x0: {  	(tag) =	ssettag $0x1  }
0x1: {  	s4 =	rddreg [dreg:$0x0]  }
0x2: {  	s2 =	rddreg [dreg:$0x1];
	s0 =	stileid.u32  }
0x3: {  	s5 =	srdreg.scid;
	s1 =	rddreg [dreg:$0x2]  }
0x4: {  	s3 =	simm.s32 $0x0;
	s11 =	simm.s32 $0x3;
	s12 =	simm.s32 $0x80  }
0x5: {  	s13 =	simm.s32 $0x200;
	s14 =	simm.s32 $0x100;
	s15 =	simm.s32 $0x4200  }
0x6: {  	s16 =	simm.s32 $0x180;
	s17 =	simm.s32 $0x1;
	s18 =	simm.s32 $0x2  }
0x7: {  	s20 =	simm.s32 $0x0;
	s6 =	smul.u32 $0x278, s0;
	s5 =	sand.u32 $0x1, s5  }
0x8: {  	[smem:$0x7FF] =	sst s3;
	s8 =	smul.u32 $0xA00, s0;
	s19 =	sshll.u32 s0, $0x6  }
0x9: {  	s7 =	smul.u32 $0x13B000, s5;
	_ =	strace $0x8000004D;
	s6 =	smin.u32 s6, $0x24E8  }
0xa: {  	s9 =	smul.u32 $0x27600, s5;
	s5 =	ssub.s32 $0x2, s5;
	s6 =	sshll.u32 s6, $0x7  }
0xb: {  	s19 =	sor.u32 $0x1C03, s19;
	s10 =	sadd.s32 s8, s4;
	s7 =	sadd.s32 s7, s6  }
0xc: {  	s31 =	sshrl.u32 s5, $0x1;
	s9 =	sadd.s32 s9, s4;
	s7 =	sshrl.u32 s7, $0x3  }
0xd: {  	s8 =	ssub.s32 s5, s31;
	s5 =	sadd.s32 $0xCC00, s9;
	s7 =	sadd.s32 s7, s4  }
0xe: {  	s9 =	sadd.s32 $0x2C00, s10;
	s4 =	sadd.s32 s6, s2;
	s6 =	sadd.s32 $0x65800, s7  }
0xf: {  	v0 =	vimm.f32 $0.0e+00;
	s7 =	smax.u32 s8, $0x1;
	s8 =	sadd.s32 $0x5B800, s10;
	s10 =	simm.s32 $0x8200  }
.LBB2_1:
0x10: {  	[tilespmem:$0x8200] =	vst v0  }
0x11: {  	[tilespmem:$0x8210] =	vst v0  }
0x12: {  	[tilespmem:$0x8220] =	vst v0  }
0x13: {  	[tilespmem:$0x8230] =	vst v0  }
0x14: {  	[tilespmem:$0x8240] =	vst v0  }
0x15: {  	[tilespmem:$0x8250] =	vst v0  }
0x16: {  	[tilespmem:$0x8260] =	vst v0  }
0x17: {  	[tilespmem:$0x8270] =	vst v0  }
0x18: {  	[tilespmem:$0x8280] =	vst v0  }
0x19: {  	[tilespmem:$0x8290] =	vst v0  }
0x1a: {  	[tilespmem:$0x82A0] =	vst v0  }
0x1b: {  	[tilespmem:$0x82B0] =	vst v0  }
0x1c: {  	[tilespmem:$0x82C0] =	vst v0  }
0x1d: {  	[tilespmem:$0x82D0] =	vst v0  }
0x1e: {  	[tilespmem:$0x82E0] =	vst v0  }
0x1f: {  	[tilespmem:$0x82F0] =	vst v0  }
0x20: {  	[tilespmem:$0x8300] =	vst v0  }
0x21: {  	[tilespmem:$0x8310] =	vst v0  }
0x22: {  	[tilespmem:$0x8320] =	vst v0  }
0x23: {  	[tilespmem:$0x8330] =	vst v0  }
0x24: {  	[tilespmem:$0x8340] =	vst v0  }
0x25: {  	[tilespmem:$0x8350] =	vst v0  }
0x26: {  	[tilespmem:$0x8360] =	vst v0  }
0x27: {  	[tilespmem:$0x8370] =	vst v0  }
0x28: {  	[tilespmem:$0x8380] =	vst v0  }
0x29: {  	[tilespmem:$0x8390] =	vst v0  }
0x2a: {  	[tilespmem:$0x83A0] =	vst v0  }
0x2b: {  	[tilespmem:$0x83B0] =	vst v0  }
0x2c: {  	[tilespmem:$0x83C0] =	vst v0  }
0x2d: {  	[tilespmem:$0x83D0] =	vst v0  }
0x2e: {  	[tilespmem:$0x83E0] =	vst v0  }
0x2f: {  	[tilespmem:$0x83F0] =	vst v0  }
0x30: {  	[tilespmem:$0x8400] =	vst v0  }
0x31: {  	[tilespmem:$0x8410] =	vst v0  }
0x32: {  	[tilespmem:$0x8420] =	vst v0  }
0x33: {  	[tilespmem:$0x8430] =	vst v0  }
0x34: {  	[tilespmem:$0x8440] =	vst v0  }
0x35: {  	[tilespmem:$0x8450] =	vst v0  }
0x36: {  	[tilespmem:$0x8460] =	vst v0  }
0x37: {  	[tilespmem:$0x8470] =	vst v0  }
0x38: {  	[tilespmem:$0x8480] =	vst v0  }
0x39: {  	[tilespmem:$0x8490] =	vst v0  }
0x3a: {  	[tilespmem:$0x84A0] =	vst v0  }
0x3b: {  	[tilespmem:$0x84B0] =	vst v0  }
0x3c: {  	[tilespmem:$0x84C0] =	vst v0  }
0x3d: {  	[tilespmem:$0x84D0] =	vst v0  }
0x3e: {  	[tilespmem:$0x84E0] =	vst v0  }
0x3f: {  	[tilespmem:$0x84F0] =	vst v0  }
0x40: {  	[tilespmem:$0x8500] =	vst v0  }
0x41: {  	[tilespmem:$0x8510] =	vst v0  }
0x42: {  	[tilespmem:$0x8520] =	vst v0  }
0x43: {  	[tilespmem:$0x8530] =	vst v0  }
0x44: {  	[tilespmem:$0x8540] =	vst v0  }
0x45: {  	[tilespmem:$0x8550] =	vst v0  }
0x46: {  	[tilespmem:$0x8560] =	vst v0  }
0x47: {  	[tilespmem:$0x8570] =	vst v0  }
0x48: {  	[tilespmem:$0x8580] =	vst v0  }
0x49: {  	[tilespmem:$0x8590] =	vst v0  }
0x4a: {  	[tilespmem:$0x85A0] =	vst v0  }
0x4b: {  	[tilespmem:$0x85B0] =	vst v0  }
0x4c: {  	[tilespmem:$0x85C0] =	vst v0  }
0x4d: {  	[tilespmem:$0x85D0] =	vst v0  }
0x4e: {  	[tilespmem:$0x85E0] =	vst v0  }
0x4f: {  	[tilespmem:$0x85F0] =	vst v0;
	s21 =	sadd.s32 $0x0, s4  }
0x50: {  	[spmem:s21] =	stream.linear.scatter [tilespmem:s10], [sflag:$0x3], $0x400, $0x38;
	[tilespmem:$0x1C100] =	vst v63  }
0x51: {  	s21 =	simm.s32 $0x1000;
	_ =	swait.ge [sflag:s11], $0x400  }
.LBB2_2:
0x52: {  	s22 =	sshra.s32 s21, $0x2;
	[sflag:s11] =	ssyncset.done $0x0;
	p0 =	sne.s32 s21, $0x4E000  }
.Ltmp0:
0x53: {  	s22 =	sadd.s32 s22, s4;
	[sflag:s11] =	ssyncadd.s32 $0xFFFFFC00;
	(pc) =	sbr.rel @p0 .LBB2_2-.Ltmp0, $3  }
0x54: {  	[spmem:s22] =	stream.linear.scatter [tilespmem:s10], [sflag:$0x3], $0x400, $0x38;
	[tilespmem:$0x1C100] =	vst v63  }
0x55: {  	s21 =	sadd.s32 $0x1000, s21;
	_ =	sdelay $0x1  }
0x56: {  	_ =	swait.ge [sflag:s11], $0x400  }
0x57: {  	[sflag:s11] =	ssyncset.done $0x0  }
0x58: {  	[sflag:s11] =	ssyncadd.s32 $0xFFFFFC00  }
0x59: {  	s21 =	sadd.s32 $0x0, s8;
	[bflag:$0x0] =	sbarrier.arrive $0xFFFF  }
0x5a: {  	[tilespmem:s3], [sflag:$0x3] =	stream.linear.gather [hbm4b:s21+s3], $0x80, $0x38;
	[tilespmem:$0x1C100] =	vst v63  }
0x5b: {  	_ =	swait.ge [sflag:s11], $0x80  }
0x5c: {  	[sflag:s11] =	ssyncset.done $0x0  }
0x5d: {  	[sflag:s11] =	ssyncadd.s32 $0xFFFFFF80  }
0x5e: {  	[tilespmem:s13], [sflag:$0x1] =	stream.indirect.gather [hbm4b:s5+s12], $0x80, s3, s12, $0xb8;
	[tilespmem:$0x1C100] =	vst v63  }
0x5f: {  	s21 =	sadd.s32 $0x10, s21  }
0x60: {  	[tilespmem:s14], [sflag:$0x3] =	stream.linear.gather [hbm4b:s21+s3], $0x80, $0x38;
	[tilespmem:$0x1C100] =	vst v63  }
0x61: {  	_ =	swait.ge [sflag:s11], $0x80  }
0x62: {  	[sflag:s11] =	ssyncset.done $0x0  }
0x63: {  	[sflag:s11] =	ssyncadd.s32 $0xFFFFFF80  }
0x64: {  	[tilespmem:s15], [sflag:$0x2] =	stream.indirect.gather [hbm4b:s5+s12], $0x80, s14, s12, $0xb8;
	[tilespmem:$0x1C100] =	vst v63  }
0x65: {  	s31 =	sadd.s32 $0x0, s9  }
0x66: {  	[tilespmem:s12], [sflag:$0x3] =	stream.linear.gather [hbm4b:s31+s3], $0x80, $0x38;
	[tilespmem:$0x1C100] =	vst v63  }
0x67: {  	_ =	swait.ge [sflag:s11], $0x80  }
0x68: {  	[sflag:s11] =	ssyncset.done $0x0  }
0x69: {  	s21 =	sadd.s32 $0x10, s31;
	[sflag:s11] =	ssyncadd.s32 $0xFFFFFF80  }
0x6a: {  	[tilespmem:s16], [sflag:$0x3] =	stream.linear.gather [hbm4b:s21+s3], $0x80, $0x38;
	[tilespmem:$0x1C100] =	vst v63  }
0x6b: {  	_ =	swait.ge [sflag:s11], $0x80  }
0x6c: {  	[sflag:s11] =	ssyncset.done $0x0  }
0x6d: {  	[sflag:s11] =	ssyncadd.s32 $0xFFFFFF80  }
0x6e: {  	_ =	swait.ge [sflag:s17], $0x4000  }
0x6f: {  	[sflag:s17] =	ssyncset.done $0x0  }
0x70: {  	[sflag:s17] =	ssyncadd.s32 $0xFFFFC000  }
0x71: {  	[spmem:s2] =	stream.indirect.scatter.add.f32 [tilespmem:s13], [sflag:$0x3], $0x80, s12, s12, $0xb8;
	[tilespmem:$0x1C100] =	vst v63  }
0x72: {  	_ =	swait.ge [sflag:s11], $0x4000  }
0x73: {  	[sflag:s11] =	ssyncset.done $0x0  }
0x74: {  	[sflag:s11] =	ssyncadd.s32 $0xFFFFC000  }
0x75: {  	_ =	swait.ge [sflag:s18], $0x4000  }
0x76: {  	[sflag:s18] =	ssyncset.done $0x0  }
0x77: {  	[sflag:s18] =	ssyncadd.s32 $0xFFFFC000  }
0x78: {  	[spmem:s2] =	stream.indirect.scatter.add.f32 [tilespmem:s15], [sflag:$0x3], $0x80, s16, s12, $0xb8;
	[tilespmem:$0x1C100] =	vst v63  }
0x79: {  	_ =	swait.ge [sflag:s11], $0x4000  }
0x7a: {  	s23 =	simm.s32 $0x40;
	s21 =	simm.s32 $0x20;
	[sflag:s11] =	ssyncset.done $0x0  }
.LBB2_4:
0x7b: {  	s24 =	sadd.s32 s21, s8  }
0x7c: {  	[sflag:s11] =	ssyncadd.s32 $0xFFFFC000;
	s25 =	smov.u32 s23;
	s22 =	sadd.s32 $0x20, s23  }
0x7d: {  	[tilespmem:s3], [sflag:$0x3] =	stream.linear.gather [hbm4b:s24+s3], $0x80, $0x38;
	[tilespmem:$0x1C100] =	vst v63  }
0x7e: {  	p0 =	sne.s32 s23, $0x9E0;
	_ =	swait.ge [sflag:s11], $0x80  }
0x7f: {  	[sflag:s11] =	ssyncset.done $0x0  }
0x80: {  	[sflag:s11] =	ssyncadd.s32 $0xFFFFFF80  }
0x81: {  	[tilespmem:s13], [sflag:$0x1] =	stream.indirect.gather [hbm4b:s5+s12], $0x80, s3, s12, $0xb8;
	[tilespmem:$0x1C100] =	vst v63  }
0x82: {  	s23 =	sadd.s32 $0x10, s24  }
0x83: {  	[tilespmem:s14], [sflag:$0x3] =	stream.linear.gather [hbm4b:s23+s3], $0x80, $0x38;
	[tilespmem:$0x1C100] =	vst v63  }
0x84: {  	_ =	swait.ge [sflag:s11], $0x80  }
0x85: {  	[sflag:s11] =	ssyncset.done $0x0  }
0x86: {  	[sflag:s11] =	ssyncadd.s32 $0xFFFFFF80  }
0x87: {  	[tilespmem:s15], [sflag:$0x2] =	stream.indirect.gather [hbm4b:s5+s12], $0x80, s14, s12, $0xb8;
	[tilespmem:$0x1C100] =	vst v63  }
0x88: {  	s23 =	sadd.s32 s21, s9;
	s21 =	smov.u32 s25  }
0x89: {  	[tilespmem:s12], [sflag:$0x3] =	stream.linear.gather [hbm4b:s23+s3], $0x80, $0x38;
	[tilespmem:$0x1C100] =	vst v63  }
0x8a: {  	_ =	swait.ge [sflag:s11], $0x80  }
0x8b: {  	[sflag:s11] =	ssyncset.done $0x0  }
0x8c: {  	s23 =	sadd.s32 $0x10, s23;
	[sflag:s11] =	ssyncadd.s32 $0xFFFFFF80  }
0x8d: {  	[tilespmem:s16], [sflag:$0x3] =	stream.linear.gather [hbm4b:s23+s3], $0x80, $0x38;
	[tilespmem:$0x1C100] =	vst v63  }
0x8e: {  	_ =	swait.ge [sflag:s11], $0x80  }
0x8f: {  	[sflag:s11] =	ssyncset.done $0x0  }
0x90: {  	[sflag:s11] =	ssyncadd.s32 $0xFFFFFF80  }
0x91: {  	_ =	swait.ge [sflag:s17], $0x4000  }
0x92: {  	[sflag:s17] =	ssyncset.done $0x0  }
0x93: {  	[sflag:s17] =	ssyncadd.s32 $0xFFFFC000  }
0x94: {  	[spmem:s2] =	stream.indirect.scatter.add.f32 [tilespmem:s13], [sflag:$0x3], $0x80, s12, s12, $0xb8;
	[tilespmem:$0x1C100] =	vst v63  }
0x95: {  	_ =	swait.ge [sflag:s11], $0x4000  }
0x96: {  	[sflag:s11] =	ssyncset.done $0x0  }
0x97: {  	[sflag:s11] =	ssyncadd.s32 $0xFFFFC000  }
0x98: {  	_ =	swait.ge [sflag:s18], $0x4000  }
.Ltmp1:
0x99: {  	[sflag:s18] =	ssyncset.done $0x0;
	(pc) =	sbr.rel @p0 .LBB2_4-.Ltmp1, $4  }
0x9a: {  	[sflag:s18] =	ssyncadd.s32 $0xFFFFC000  }
0x9b: {  	[spmem:s2] =	stream.indirect.scatter.add.f32 [tilespmem:s15], [sflag:$0x3], $0x80, s16, s12, $0xb8;
	[tilespmem:$0x1C100] =	vst v63  }
0x9c: {  	_ =	swait.ge [sflag:s11], $0x4000  }
0x9d: {  	s23 =	smov.u32 s22;
	[sflag:s11] =	ssyncset.done $0x0  }
0x9e: {  	s22 =	sadd.s32 s21, s8;
	[sflag:s11] =	ssyncadd.s32 $0xFFFFC000  }
0x9f: {  	[tilespmem:s3], [sflag:$0x3] =	stream.linear.gather [hbm4b:s22+s3], $0x80, $0x38;
	[tilespmem:$0x1C100] =	vst v63  }
0xa0: {  	_ =	swait.ge [sflag:s11], $0x80  }
0xa1: {  	[sflag:s11] =	ssyncset.done $0x0  }
0xa2: {  	[sflag:s11] =	ssyncadd.s32 $0xFFFFFF80  }
0xa3: {  	[tilespmem:s13], [sflag:$0x1] =	stream.indirect.gather [hbm4b:s5+s12], $0x80, s3, s12, $0xb8;
	[tilespmem:$0x1C100] =	vst v63  }
0xa4: {  	s22 =	sadd.s32 $0x10, s22  }
0xa5: {  	[tilespmem:s14], [sflag:$0x3] =	stream.linear.gather [hbm4b:s22+s3], $0x80, $0x38;
	[tilespmem:$0x1C100] =	vst v63  }
0xa6: {  	_ =	swait.ge [sflag:s11], $0x80  }
0xa7: {  	[sflag:s11] =	ssyncset.done $0x0  }
0xa8: {  	[sflag:s11] =	ssyncadd.s32 $0xFFFFFF80  }
0xa9: {  	[tilespmem:s15], [sflag:$0x2] =	stream.indirect.gather [hbm4b:s5+s12], $0x80, s14, s12, $0xb8;
	[tilespmem:$0x1C100] =	vst v63  }
0xaa: {  	s30 =	sadd.s32 s21, s9  }
0xab: {  	[tilespmem:s12], [sflag:$0x3] =	stream.linear.gather [hbm4b:s30+s3], $0x80, $0x38;
	[tilespmem:$0x1C100] =	vst v63  }
0xac: {  	_ =	swait.ge [sflag:s11], $0x80  }
0xad: {  	[sflag:s11] =	ssyncset.done $0x0  }
0xae: {  	s21 =	sadd.s32 $0x10, s30;
	[sflag:s11] =	ssyncadd.s32 $0xFFFFFF80  }
0xaf: {  	[tilespmem:s16], [sflag:$0x3] =	stream.linear.gather [hbm4b:s21+s3], $0x80, $0x38;
	[tilespmem:$0x1C100] =	vst v63  }
0xb0: {  	_ =	swait.ge [sflag:s11], $0x80  }
0xb1: {  	[sflag:s11] =	ssyncset.done $0x0  }
0xb2: {  	[sflag:s11] =	ssyncadd.s32 $0xFFFFFF80  }
0xb3: {  	_ =	swait.ge [sflag:s17], $0x4000  }
0xb4: {  	[sflag:s17] =	ssyncset.done $0x0  }
0xb5: {  	[sflag:s17] =	ssyncadd.s32 $0xFFFFC000  }
0xb6: {  	[spmem:s2] =	stream.indirect.scatter.add.f32 [tilespmem:s13], [sflag:$0x3], $0x80, s12, s12, $0xb8;
	[tilespmem:$0x1C100] =	vst v63  }
0xb7: {  	_ =	swait.ge [sflag:s11], $0x4000  }
0xb8: {  	[sflag:s11] =	ssyncset.done $0x0  }
0xb9: {  	[sflag:s11] =	ssyncadd.s32 $0xFFFFC000  }
0xba: {  	_ =	swait.ge [sflag:s18], $0x4000  }
0xbb: {  	[sflag:s18] =	ssyncset.done $0x0  }
0xbc: {  	[sflag:s18] =	ssyncadd.s32 $0xFFFFC000  }
0xbd: {  	[spmem:s2] =	stream.indirect.scatter.add.f32 [tilespmem:s15], [sflag:$0x3], $0x80, s16, s12, $0xb8;
	[tilespmem:$0x1C100] =	vst v63  }
0xbe: {  	_ =	swait.ge [sflag:s11], $0x4000  }
0xbf: {  	s20 =	sadd.s32 $0x1, s20;
	[sflag:s11] =	ssyncset.done $0x0  }
0xc0: {  	p0 =	sne.s32 s20, s7;
	[sflag:s11] =	ssyncadd.s32 $0xFFFFC000  }
.Ltmp2:
0xc1: {  	s31 =	sshrl.u32 s4, $0x3;
	[bflag:$0x0] =	sbarrier.arrive $0xFFFF;
	(pc) =	sbr.rel @p0 .LBB2_1-.Ltmp2, $4  }
0xc2: {  	[hbm:s6], [sflag:s19] =	dma.local [spmem:s31], $0x2780  }
0xc3: {  	_ =	swait.ge [sflag:s11], $0x2780  }
0xc4: {  	[sflag:s11] =	ssyncset.done $0x0  }
0xc5: {  	[sflag:s11] =	ssyncadd.s32 $0xFFFFD880  }
0xc6: {  	_ =	sfence.sel $0x180000  }
0xc7: {  	[bflag:$0x0] =	sbarrier.arrive $0xFFFF  }
0xc8: {  	p0 =	sne.s32 s0, $0x0;
	_ =	strace $0x9000004D  }
0xc9: {  	s0 =	sadd.s32 @!p0 $0x100000, s1;
	[bflag:$0x2] =	sbarrier.arrive $0xFFFF  }
0xca: {  	[sflag:s0] =	ssyncadd.tile.s32 @!p0 $0x1;
	_ =	shalt  }
.Lfunc_end2:
_tile_overlayer_lowered:
.L_overlay_start_2:
0xcb: {  	(tag) =	ssettag $0x2  }
0xcc: {  	s0 =	rddreg [dreg:$0x0];
	s2 =	stileid.u32  }
0xcd: {  	s1 =	rddreg [dreg:$0x1];
	p0 =	sne.s32 s2, $0x0  }
0xce: {  	s3 =	rddreg [dreg:$0x2];
	[bflag:$0x3] =	sbarrier.arrive $0xFFFF;
	s2 =	simm.s32 @!p0 $0x1C03  }
0xcf: {  	[timem:s3], [sflag:s2] =	dma.local @!p0 [hbm:s0], s1  }
0xd0: {  	s0 =	simm.s32 @!p0 $0x3  }
0xd1: {  	_ =	swait.ge @!p0 [sflag:s0], s1  }
0xd2: {  	s1 =	ssub.s32 @!p0 $0x0, s1;
	[sflag:s0] =	ssyncset.done @!p0 $0x0  }
0xd3: {  	[sflag:s0] =	ssyncadd.s32 @!p0 s1  }
0xd4: {  	[bflag:$0x3] =	sbarrier.arrive $0xFFFF  }
0xd5: {  	_ =	shalt  }

// kernel: kernel.19.cloned.1.call-start
scs
__scs_entry_jumppad:
0x0: {  	(pc) =	sbr.rel $0x88, $3  }
0x1: {  	(tag) =	ssettag $0x0;
	lr =	simm.s32 $0x1  }
0x2: {  	[smem:$0x3F92] =	sst lr;
	_ =	strace $0xD0000000  }
0x3: {  	_ = 	snop  }
0x4: {  	_ = 	snop  }
0x5: {  	_ = 	snop  }
0x6: {  	_ = 	snop  }
0x7: {  	_ = 	snop  }
__scs_overlays_trampoline_lowered:
0x8: {  	[smem:$0x3FA1] =	sst s0  }
0x9: {  	[smem:$0x3FA2] =	sst s1  }
0xa: {  	[smem:$0x3FA3] =	sst s2  }
0xb: {  	[smem:$0x3FA4] =	sst s3  }
0xc: {  	[smem:$0x3FA5] =	sst s4  }
0xd: {  	[smem:$0x3FA6] =	sst s5  }
0xe: {  	[smem:$0x3FA7] =	sst s6  }
0xf: {  	[smem:$0x3FA8] =	sst s7  }
0x10: {  	[smem:$0x3FA9] =	sst s8  }
0x11: {  	[smem:$0x3FAA] =	sst s9;
	s0 =	simm.s32 @!p0 $0x0  }
0x12: {  	s1 =	sld [smem:$0x3F90];
	s0 =	simm.s32 @p0 $0x1  }
0x13: {  	[smem:$0x3FAB] =	sst s0;
	s0 =	simm.s32 @!p1 $0x0  }
0x14: {  	s2 =	sld [smem:$0x3F8F];
	s0 =	simm.s32 @p1 $0x1  }
0x15: {  	[smem:$0x3FAC] =	sst s0;
	s0 =	simm.s32 @!p2 $0x0  }
0x16: {  	s3 =	sld [smem:$0x3FDB];
	s0 =	simm.s32 @p2 $0x1  }
0x17: {  	s4 =	simm.s32 $0x1BF5;
	[smem:$0x3FAE] =	sst s0  }
0x18: {  	s0 =	sld [smem:$0x3F91];
	_ =	swait.ge [sflag:s4], $0x0  }
0x19: {  	s7 =	sld [smem:$0x3F92]  }
0x1a: {  	s8 =	sadd.s32 $0xFFFFE003, lr  }
0x1b: {  	s9 =	sadd.s32 $0xFFFFFEF7, lr;
	s5 =	simm.s32 $0xFFFFFFFF;
	p2 =	slt.u32 s8, $0xFFFFF086  }
0x1c: {  	p1 =	slt.u32 s9, $0xF7A;
	s5 =	simm.s32 @!p2 $0x0  }
0x1d: {  	s5 =	simm.s32 @p1 $0x1;
	p0 =	seq.s32 s7, s2  }
0x1e: {  	s7 =	smul.u32 @!p0 $0xF7A, s2;
	p2 =	seq.s32 @!p0 s5, $0x0  }
0x1f: {  	s9 =	smul.u32 $0xF7A, s1;
	s8 =	simm.s32 @!p0 $0x1BF5;
	p2 =	por !p2, p0  }
0x20: {  	[sflag:s8] =	ssyncset.s32 @!p0 $0xFFFFF086;
	s6 =	sadd.s32 @!p0 s3, s7;
	s7 =	simm.s32 @!p0 $0x108  }
0x21: {  	s3 =	sadd.s32 s3, s9;
	s6 =	sadd.s32 @!p0 $0x88, s6;
	s7 =	simm.s32 @p2 $0x1082  }
0x22: {  	[simem:s7], [sflag:s8] =	dma.local @!p0 [hbm:s6], $0xF7A  }
0x23: {  	s9 =	sor.u32 $0xD0000000, s2;
	s6 =	simm.s32 $0x108;
	_ =	swait.ge @!p0 [sflag:s8], $0x0  }
0x24: {  	s3 =	sadd.s32 $0x88, s3;
	s6 =	simm.s32 @!p1 $0x1082;
	[sflag:s4] =	ssyncset.s32 $0xFFFFF086  }
0x25: {  	[simem:s6], [sflag:s4] =	dma.local [hbm:s3], $0xF7A  }
0x26: {  	[smem:$0x3F92] =	sst s1;
	(tag) =	ssettag s2;
	_ =	strace s9  }
0x27: {  	s1 =	sld [smem:$0x3FA2]  }
0x28: {  	s2 =	sld [smem:$0x3FA3]  }
0x29: {  	s4 =	sld [smem:$0x3FA5]  }
0x2a: {  	p0 =	seq.s32 s5, $0x0;
	s5 =	sld [smem:$0x3FA6]  }
0x2b: {  	s6 =	sld [smem:$0x3FA7]  }
0x2c: {  	s7 =	sld [smem:$0x3FA8]  }
0x2d: {  	s3 =	simm.s32 $0x108;
	s8 =	sld [smem:$0x3FA9]  }
0x2e: {  	s3 =	simm.s32 @!p0 $0x1082;
	s9 =	sld [smem:$0x3FAA]  }
0x2f: {  	lr =	sadd.s32 s0, s3;
	s0 =	sld [smem:$0x3FA1]  }
0x30: {  	s3 =	sld [smem:$0x3FA4]  }
0x31: {  	[smem:$0x3FAD] =	sst s10  }
0x32: {  	s10 =	sld [smem:$0x3FAB];
	_ =	sdelay $0x3  }
0x33: {  	p0 =	seq.s32 s10, $0x1;
	s10 =	sld [smem:$0x3FAD];
	_ =	sdelay $0x3  }
0x34: {  	[smem:$0x3FAD] =	sst s10  }
0x35: {  	s10 =	sld [smem:$0x3FAC];
	_ =	sdelay $0x3  }
0x36: {  	p1 =	seq.s32 s10, $0x1;
	s10 =	sld [smem:$0x3FAD];
	_ =	sdelay $0x3  }
0x37: {  	[smem:$0x3FAD] =	sst s10  }
0x38: {  	s10 =	sld [smem:$0x3FAE]  }
0x39: {  	_ = 	snop;
	(pc) =	sbr.ind lr, $3  }
0x3a: {  	_ = 	snop  }
0x3b: {  	_ = 	snop  }
0x3c: {  	p2 =	seq.s32 s10, $0x1;
	s10 =	sld [smem:$0x3FAD]  }
0x3d: {  	_ =	shalt  }
0x3e: {  	_ =	shalt  }
0x3f: {  	_ =	shalt  }
0x40: {  	_ =	shalt  }
0x41: {  	_ =	shalt  }
0x42: {  	_ =	shalt  }
0x43: {  	_ =	shalt  }
0x44: {  	_ =	shalt  }
0x45: {  	_ =	shalt  }
0x46: {  	_ =	shalt  }
0x47: {  	_ =	shalt  }
0x48: {  	_ =	shalt  }
0x49: {  	_ =	shalt  }
0x4a: {  	_ =	shalt  }
0x4b: {  	_ =	shalt  }
0x4c: {  	_ =	shalt  }
0x4d: {  	_ =	shalt  }
0x4e: {  	_ =	shalt  }
0x4f: {  	_ =	shalt  }
0x50: {  	_ =	shalt  }
0x51: {  	_ =	shalt  }
0x52: {  	_ =	shalt  }
0x53: {  	_ =	shalt  }
0x54: {  	_ =	shalt  }
0x55: {  	_ =	shalt  }
0x56: {  	_ =	shalt  }
0x57: {  	_ =	shalt  }
0x58: {  	_ =	shalt  }
0x59: {  	_ =	shalt  }
0x5a: {  	_ =	shalt  }
0x5b: {  	_ =	shalt  }
0x5c: {  	_ =	shalt  }
0x5d: {  	_ =	shalt  }
0x5e: {  	_ =	shalt  }
0x5f: {  	_ =	shalt  }
0x60: {  	_ =	shalt  }
0x61: {  	_ =	shalt  }
0x62: {  	_ =	shalt  }
0x63: {  	_ =	shalt  }
0x64: {  	_ =	shalt  }
0x65: {  	_ =	shalt  }
0x66: {  	_ =	shalt  }
0x67: {  	_ =	shalt  }
0x68: {  	_ =	shalt  }
0x69: {  	_ =	shalt  }
0x6a: {  	_ =	shalt  }
0x6b: {  	_ =	shalt  }
0x6c: {  	_ =	shalt  }
0x6d: {  	_ =	shalt  }
0x6e: {  	_ =	shalt  }
0x6f: {  	_ =	shalt  }
0x70: {  	_ =	shalt  }
0x71: {  	_ =	shalt  }
0x72: {  	_ =	shalt  }
0x73: {  	_ =	shalt  }
0x74: {  	_ =	shalt  }
0x75: {  	_ =	shalt  }
0x76: {  	_ =	shalt  }
0x77: {  	_ =	shalt  }
0x78: {  	_ =	shalt  }
0x79: {  	_ =	shalt  }
0x7a: {  	_ =	shalt  }
0x7b: {  	_ =	shalt  }
0x7c: {  	_ =	shalt  }
0x7d: {  	_ =	shalt  }
0x7e: {  	_ =	shalt  }
0x7f: {  	_ =	shalt  }
0x80: {  	_ =	shalt  }
0x81: {  	_ =	shalt  }
0x82: {  	_ =	shalt  }
0x83: {  	_ =	shalt  }
0x84: {  	_ =	shalt  }
0x85: {  	_ =	shalt  }
0x86: {  	_ =	shalt  }
0x87: {  	_ =	shalt  }
.Lfunc_end0:
.L_simem_size_0:
called_computation.3_lowered:
.L_overlay_start_0:
0x88: {  	s2 =	sld [smem:$0x3FD9]  }
0x89: {  	s3 =	sld [smem:$0x3FFE];
	_ =	sdelay $0x1  }
0x8a: {  	s1 =	srdreg.scid  }
0x8b: {  	s0 =	sand.u32 $0x1, s1  }
0x8c: {  	s16 =	sshll.u32 s0, $0xA;
	s2 =	sadd.s32 s3, s2  }
0x8d: {  	s2 =	sadd.s32 s2, s16  }
0x8e: {  	[smem:$0x3FB9] =	sst s2  }
0x8f: {  	_ = 	snop  }
0x90: {  	(tm) =	ssettm $0x1  }
0x91: {  	s17 =	sld [smem:$0x3FFB];
	_ =	sdelay $0x3  }
0x92: {  	_ =	strace s17  }
0x93: {  	s2 =	sld [smem:$0x3FFC];
	_ =	sdelay $0x3  }
0x94: {  	_ =	strace s2  }
0x95: {  	s2 =	sld [smem:$0x3FFD];
	_ =	sdelay $0x3  }
0x96: {  	_ =	strace s2  }
0x97: {  	_ =	strace $0x8FFFFFFF  }
0x98: {  	s18 =	sld [smem:$0x3FDB];
	_ =	sdelay $0x1  }
0x99: {  	s19 =	simm.s32 $_scs_section_size  }
0x9a: {  	s4 =	simm.s32 $_size__tile_overlayer_lowered;
	s5 =	simm.s32 $_tile_overlayer_lowered  }
0x9b: {  	s22 =	simm.s32 $0x1BFF;
	s21 =	sshll.u32 s5, $0x1;
	s2 =	sadd.s32 s19, s18  }
0x9c: {  	s6 =	simm.s32 $0x0;
	s20 =	sshll.u32 s4, $0x1;
	s4 =	sadd.s32 s21, s2  }
0x9d: {  	[timem:s6], [sflag:s22] =	dma.local [hbm:s4], s20  }
0x9e: {  	_ =	swait.ge [sflag:s22], s20  }
0x9f: {  	s3 =	ssub.s32 $0x0, s20;
	[sflag:s22] =	ssyncset.done $0x0  }
0xa0: {  	[sflag:s22] =	ssyncadd.s32 s3;
	_ =	sdelay $0x1  }
0xa1: {  	s23 =	simm.s32 $0x1B8B  }
0xa2: {  	_ =	swait.ge [sflag:s23], $0x1  }
0xa3: {  	[sflag:s23] =	ssyncset.done $0x0  }
0xa4: {  	s25 =	simm.s32 $0x1B8E;
	s24 =	sld [smem:$0x3FFE];
	[sflag:s23] =	ssyncadd.s32 $0xFFFFFFFF  }
0xa5: {  	s26 =	simm.s32 $execute0_lowered;
	[smem:$0x3FD2] =	sst s25  }
0xa6: {  	s4 =	sshll.u32 s26, $0x1;
	_ =	strace $0x8000004F;
	[dreg:$0x1] =	wrdreg $0xFFFFFFFF  }
0xa7: {  	s28 =	simm.s32 $_size_execute0_lowered;
	s2 =	sadd.s32 s2, s4;
	[dreg:$0x0] =	wrdreg $0x0  }
0xa8: {  	s4 =	sshll.u32 s28, $0x1;
	[dreg:$0x2] =	wrdreg s2  }
0xa9: {  	[dreg:$0x3] =	wrdreg s4  }
0xaa: {  	[dreg:$0x4] =	wrdreg $0xC0  }
0xab: {  	_ =	task [dreg:s6], $0x5FFFF  }
0xac: {  	[dreg:$0x1] =	wrdreg $0xFFFFFFFF  }
0xad: {  	[dreg:$0x0] =	wrdreg $0x60  }
0xae: {  	[dreg:$0x2] =	wrdreg s24  }
0xaf: {  	[dreg:$0x3] =	wrdreg $0x86000  }
0xb0: {  	[dreg:$0x4] =	wrdreg $0x9  }
0xb1: {  	_ =	task.clear_ibuf [dreg:s6], $0x5FFFF;
	_ =	strace $0x9000004F  }
0xb2: {  	s29 =	simm.s32 $0x9;
	_ =	strace $0x80000051  }
0xb3: {  	_ =	swait.ge [sflag:s29], $0x1  }
0xb4: {  	[sflag:s29] =	ssyncadd.s32 $0xFFFFFFFF  }
0xb5: {  	_ =	strace $0x90000051  }
0xb6: {  	_ =	sfence  }
0xb7: {  	s30 =	sld [smem:$0x0];
	_ =	sdelay $0x2  }
0xb8: {  	s31 =	sshll.u32 s1, $0xD;
	s1 =	sshrl.u32 s1, $0x2  }
0xb9: {  	s3 =	sand.u32 $0x4000, s31;
	s1 =	sadd.s32 s1, s30  }
0xba: {  	s0 =	sor.u32 s3, s0;
	s1 =	sshll.u32 s1, $0x11  }
0xbb: {  	s0 =	sor.u32 s1, s0  }
0xbc: {  	s0 =	sadd.s32 $0x8F2B, s0  }
0xbd: {  	[sflag:s0] =	ssyncadd.remote.s32 $0x1  }
0xbe: {  	_ =	sfence.sel $0xFFFF  }
0xbf: {  	[dreg:$0x0] =	wrdreg $0xFFFFFFFF;
	(pc) =	sbr.abs _section_cstart, $3  }
0xc0: {  	[dreg:$0x1] =	wrdreg $0xFFFFFFFF  }
0xc1: {  	_ =	task.clear_ibuf [dreg:s6], $0x2FFFF;
	_ =	strace $0x9FFFFFFF  }
0xc2: {  	(tm) =	ssettm $0x7FFFFFFF  }
0xc3: {  	_ =	shalt  }
tec
execute0_lowered:
.L_overlay_start_1:
0x0: {  	(tag) =	ssettag $0x1  }
0x1: {  	s4 =	rddreg [dreg:$0x0]  }
0x2: {  	s2 =	rddreg [dreg:$0x1];
	s0 =	stileid.u32  }
0x3: {  	s5 =	srdreg.scid;
	s1 =	rddreg [dreg:$0x2]  }
0x4: {  	s3 =	simm.s32 $0x0;
	s11 =	simm.s32 $0x3;
	s12 =	simm.s32 $0x80  }
0x5: {  	s13 =	simm.s32 $0x200;
	s14 =	simm.s32 $0x100;
	s15 =	simm.s32 $0x4200  }
0x6: {  	s16 =	simm.s32 $0x180;
	s17 =	simm.s32 $0x1;
	s18 =	simm.s32 $0x2  }
0x7: {  	s20 =	simm.s32 $0x0;
	s6 =	smul.u32 $0x278, s0;
	s5 =	sand.u32 $0x1, s5  }
0x8: {  	[smem:$0x7FF] =	sst s3;
	s8 =	smul.u32 $0xA00, s0;
	s19 =	sshll.u32 s0, $0x6  }
0x9: {  	s7 =	smul.u32 $0x13B000, s5;
	_ =	strace $0x80000050;
	s6 =	smin.u32 s6, $0x24E8  }
0xa: {  	s9 =	smul.u32 $0x27600, s5;
	s5 =	ssub.s32 $0x2, s5;
	s6 =	sshll.u32 s6, $0x7  }
0xb: {  	s19 =	sor.u32 $0x1C03, s19;
	s10 =	sadd.s32 s8, s4;
	s7 =	sadd.s32 s7, s6  }
0xc: {  	s31 =	sshrl.u32 s5, $0x1;
	s9 =	sadd.s32 s9, s4;
	s7 =	sshrl.u32 s7, $0x3  }
0xd: {  	s8 =	ssub.s32 s5, s31;
	s5 =	sadd.s32 $0xCC00, s9;
	s7 =	sadd.s32 s7, s4  }
0xe: {  	s9 =	sadd.s32 $0x2C00, s10;
	s4 =	sadd.s32 s6, s2;
	s6 =	sadd.s32 $0x65800, s7  }
0xf: {  	v0 =	vimm.f32 $0.0e+00;
	s7 =	smax.u32 s8, $0x1;
	s8 =	sadd.s32 $0x5B800, s10;
	s10 =	simm.s32 $0x8200  }
.LBB2_1:
0x10: {  	[tilespmem:$0x8200] =	vst v0  }
0x11: {  	[tilespmem:$0x8210] =	vst v0  }
0x12: {  	[tilespmem:$0x8220] =	vst v0  }
0x13: {  	[tilespmem:$0x8230] =	vst v0  }
0x14: {  	[tilespmem:$0x8240] =	vst v0  }
0x15: {  	[tilespmem:$0x8250] =	vst v0  }
0x16: {  	[tilespmem:$0x8260] =	vst v0  }
0x17: {  	[tilespmem:$0x8270] =	vst v0  }
0x18: {  	[tilespmem:$0x8280] =	vst v0  }
0x19: {  	[tilespmem:$0x8290] =	vst v0  }
0x1a: {  	[tilespmem:$0x82A0] =	vst v0  }
0x1b: {  	[tilespmem:$0x82B0] =	vst v0  }
0x1c: {  	[tilespmem:$0x82C0] =	vst v0  }
0x1d: {  	[tilespmem:$0x82D0] =	vst v0  }
0x1e: {  	[tilespmem:$0x82E0] =	vst v0  }
0x1f: {  	[tilespmem:$0x82F0] =	vst v0  }
0x20: {  	[tilespmem:$0x8300] =	vst v0  }
0x21: {  	[tilespmem:$0x8310] =	vst v0  }
0x22: {  	[tilespmem:$0x8320] =	vst v0  }
0x23: {  	[tilespmem:$0x8330] =	vst v0  }
0x24: {  	[tilespmem:$0x8340] =	vst v0  }
0x25: {  	[tilespmem:$0x8350] =	vst v0  }
0x26: {  	[tilespmem:$0x8360] =	vst v0  }
0x27: {  	[tilespmem:$0x8370] =	vst v0  }
0x28: {  	[tilespmem:$0x8380] =	vst v0  }
0x29: {  	[tilespmem:$0x8390] =	vst v0  }
0x2a: {  	[tilespmem:$0x83A0] =	vst v0  }
0x2b: {  	[tilespmem:$0x83B0] =	vst v0  }
0x2c: {  	[tilespmem:$0x83C0] =	vst v0  }
0x2d: {  	[tilespmem:$0x83D0] =	vst v0  }
0x2e: {  	[tilespmem:$0x83E0] =	vst v0  }
0x2f: {  	[tilespmem:$0x83F0] =	vst v0  }
0x30: {  	[tilespmem:$0x8400] =	vst v0  }
0x31: {  	[tilespmem:$0x8410] =	vst v0  }
0x32: {  	[tilespmem:$0x8420] =	vst v0  }
0x33: {  	[tilespmem:$0x8430] =	vst v0  }
0x34: {  	[tilespmem:$0x8440] =	vst v0  }
0x35: {  	[tilespmem:$0x8450] =	vst v0  }
0x36: {  	[tilespmem:$0x8460] =	vst v0  }
0x37: {  	[tilespmem:$0x8470] =	vst v0  }
0x38: {  	[tilespmem:$0x8480] =	vst v0  }
0x39: {  	[tilespmem:$0x8490] =	vst v0  }
0x3a: {  	[tilespmem:$0x84A0] =	vst v0  }
0x3b: {  	[tilespmem:$0x84B0] =	vst v0  }
0x3c: {  	[tilespmem:$0x84C0] =	vst v0  }
0x3d: {  	[tilespmem:$0x84D0] =	vst v0  }
0x3e: {  	[tilespmem:$0x84E0] =	vst v0  }
0x3f: {  	[tilespmem:$0x84F0] =	vst v0  }
0x40: {  	[tilespmem:$0x8500] =	vst v0  }
0x41: {  	[tilespmem:$0x8510] =	vst v0  }
0x42: {  	[tilespmem:$0x8520] =	vst v0  }
0x43: {  	[tilespmem:$0x8530] =	vst v0  }
0x44: {  	[tilespmem:$0x8540] =	vst v0  }
0x45: {  	[tilespmem:$0x8550] =	vst v0  }
0x46: {  	[tilespmem:$0x8560] =	vst v0  }
0x47: {  	[tilespmem:$0x8570] =	vst v0  }
0x48: {  	[tilespmem:$0x8580] =	vst v0  }
0x49: {  	[tilespmem:$0x8590] =	vst v0  }
0x4a: {  	[tilespmem:$0x85A0] =	vst v0  }
0x4b: {  	[tilespmem:$0x85B0] =	vst v0  }
0x4c: {  	[tilespmem:$0x85C0] =	vst v0  }
0x4d: {  	[tilespmem:$0x85D0] =	vst v0  }
0x4e: {  	[tilespmem:$0x85E0] =	vst v0  }
0x4f: {  	[tilespmem:$0x85F0] =	vst v0;
	s21 =	sadd.s32 $0x0, s4  }
0x50: {  	[spmem:s21] =	stream.linear.scatter [tilespmem:s10], [sflag:$0x3], $0x400, $0x38;
	[tilespmem:$0x1C100] =	vst v63  }
0x51: {  	s21 =	simm.s32 $0x1000;
	_ =	swait.ge [sflag:s11], $0x400  }
.LBB2_2:
0x52: {  	s22 =	sshra.s32 s21, $0x2;
	[sflag:s11] =	ssyncset.done $0x0;
	p0 =	sne.s32 s21, $0x4E000  }
.Ltmp0:
0x53: {  	s22 =	sadd.s32 s22, s4;
	[sflag:s11] =	ssyncadd.s32 $0xFFFFFC00;
	(pc) =	sbr.rel @p0 .LBB2_2-.Ltmp0, $3  }
0x54: {  	[spmem:s22] =	stream.linear.scatter [tilespmem:s10], [sflag:$0x3], $0x400, $0x38;
	[tilespmem:$0x1C100] =	vst v63  }
0x55: {  	s21 =	sadd.s32 $0x1000, s21;
	_ =	sdelay $0x1  }
0x56: {  	_ =	swait.ge [sflag:s11], $0x400  }
0x57: {  	[sflag:s11] =	ssyncset.done $0x0  }
0x58: {  	[sflag:s11] =	ssyncadd.s32 $0xFFFFFC00  }
0x59: {  	s21 =	sadd.s32 $0x0, s8;
	[bflag:$0x0] =	sbarrier.arrive $0xFFFF  }
0x5a: {  	[tilespmem:s3], [sflag:$0x3] =	stream.linear.gather [hbm4b:s21+s3], $0x80, $0x38;
	[tilespmem:$0x1C100] =	vst v63  }
0x5b: {  	_ =	swait.ge [sflag:s11], $0x80  }
0x5c: {  	[sflag:s11] =	ssyncset.done $0x0  }
0x5d: {  	[sflag:s11] =	ssyncadd.s32 $0xFFFFFF80  }
0x5e: {  	[tilespmem:s13], [sflag:$0x1] =	stream.indirect.gather [hbm4b:s5+s12], $0x80, s3, s12, $0xb8;
	[tilespmem:$0x1C100] =	vst v63  }
0x5f: {  	s21 =	sadd.s32 $0x10, s21  }
0x60: {  	[tilespmem:s14], [sflag:$0x3] =	stream.linear.gather [hbm4b:s21+s3], $0x80, $0x38;
	[tilespmem:$0x1C100] =	vst v63  }
0x61: {  	_ =	swait.ge [sflag:s11], $0x80  }
0x62: {  	[sflag:s11] =	ssyncset.done $0x0  }
0x63: {  	[sflag:s11] =	ssyncadd.s32 $0xFFFFFF80  }
0x64: {  	[tilespmem:s15], [sflag:$0x2] =	stream.indirect.gather [hbm4b:s5+s12], $0x80, s14, s12, $0xb8;
	[tilespmem:$0x1C100] =	vst v63  }
0x65: {  	s31 =	sadd.s32 $0x0, s9  }
0x66: {  	[tilespmem:s12], [sflag:$0x3] =	stream.linear.gather [hbm4b:s31+s3], $0x80, $0x38;
	[tilespmem:$0x1C100] =	vst v63  }
0x67: {  	_ =	swait.ge [sflag:s11], $0x80  }
0x68: {  	[sflag:s11] =	ssyncset.done $0x0  }
0x69: {  	s21 =	sadd.s32 $0x10, s31;
	[sflag:s11] =	ssyncadd.s32 $0xFFFFFF80  }
0x6a: {  	[tilespmem:s16], [sflag:$0x3] =	stream.linear.gather [hbm4b:s21+s3], $0x80, $0x38;
	[tilespmem:$0x1C100] =	vst v63  }
0x6b: {  	_ =	swait.ge [sflag:s11], $0x80  }
0x6c: {  	[sflag:s11] =	ssyncset.done $0x0  }
0x6d: {  	[sflag:s11] =	ssyncadd.s32 $0xFFFFFF80  }
0x6e: {  	_ =	swait.ge [sflag:s17], $0x4000  }
0x6f: {  	[sflag:s17] =	ssyncset.done $0x0  }
0x70: {  	[sflag:s17] =	ssyncadd.s32 $0xFFFFC000  }
0x71: {  	[spmem:s2] =	stream.indirect.scatter.add.f32 [tilespmem:s13], [sflag:$0x3], $0x80, s12, s12, $0xb8;
	[tilespmem:$0x1C100] =	vst v63  }
0x72: {  	_ =	swait.ge [sflag:s11], $0x4000  }
0x73: {  	[sflag:s11] =	ssyncset.done $0x0  }
0x74: {  	[sflag:s11] =	ssyncadd.s32 $0xFFFFC000  }
0x75: {  	_ =	swait.ge [sflag:s18], $0x4000  }
0x76: {  	[sflag:s18] =	ssyncset.done $0x0  }
0x77: {  	[sflag:s18] =	ssyncadd.s32 $0xFFFFC000  }
0x78: {  	[spmem:s2] =	stream.indirect.scatter.add.f32 [tilespmem:s15], [sflag:$0x3], $0x80, s16, s12, $0xb8;
	[tilespmem:$0x1C100] =	vst v63  }
0x79: {  	_ =	swait.ge [sflag:s11], $0x4000  }
0x7a: {  	s23 =	simm.s32 $0x40;
	s21 =	simm.s32 $0x20;
	[sflag:s11] =	ssyncset.done $0x0  }
.LBB2_4:
0x7b: {  	s24 =	sadd.s32 s21, s8  }
0x7c: {  	[sflag:s11] =	ssyncadd.s32 $0xFFFFC000;
	s25 =	smov.u32 s23;
	s22 =	sadd.s32 $0x20, s23  }
0x7d: {  	[tilespmem:s3], [sflag:$0x3] =	stream.linear.gather [hbm4b:s24+s3], $0x80, $0x38;
	[tilespmem:$0x1C100] =	vst v63  }
0x7e: {  	p0 =	sne.s32 s23, $0x9E0;
	_ =	swait.ge [sflag:s11], $0x80  }
0x7f: {  	[sflag:s11] =	ssyncset.done $0x0  }
0x80: {  	[sflag:s11] =	ssyncadd.s32 $0xFFFFFF80  }
0x81: {  	[tilespmem:s13], [sflag:$0x1] =	stream.indirect.gather [hbm4b:s5+s12], $0x80, s3, s12, $0xb8;
	[tilespmem:$0x1C100] =	vst v63  }
0x82: {  	s23 =	sadd.s32 $0x10, s24  }
0x83: {  	[tilespmem:s14], [sflag:$0x3] =	stream.linear.gather [hbm4b:s23+s3], $0x80, $0x38;
	[tilespmem:$0x1C100] =	vst v63  }
0x84: {  	_ =	swait.ge [sflag:s11], $0x80  }
0x85: {  	[sflag:s11] =	ssyncset.done $0x0  }
0x86: {  	[sflag:s11] =	ssyncadd.s32 $0xFFFFFF80  }
0x87: {  	[tilespmem:s15], [sflag:$0x2] =	stream.indirect.gather [hbm4b:s5+s12], $0x80, s14, s12, $0xb8;
	[tilespmem:$0x1C100] =	vst v63  }
0x88: {  	s23 =	sadd.s32 s21, s9;
	s21 =	smov.u32 s25  }
0x89: {  	[tilespmem:s12], [sflag:$0x3] =	stream.linear.gather [hbm4b:s23+s3], $0x80, $0x38;
	[tilespmem:$0x1C100] =	vst v63  }
0x8a: {  	_ =	swait.ge [sflag:s11], $0x80  }
0x8b: {  	[sflag:s11] =	ssyncset.done $0x0  }
0x8c: {  	s23 =	sadd.s32 $0x10, s23;
	[sflag:s11] =	ssyncadd.s32 $0xFFFFFF80  }
0x8d: {  	[tilespmem:s16], [sflag:$0x3] =	stream.linear.gather [hbm4b:s23+s3], $0x80, $0x38;
	[tilespmem:$0x1C100] =	vst v63  }
0x8e: {  	_ =	swait.ge [sflag:s11], $0x80  }
0x8f: {  	[sflag:s11] =	ssyncset.done $0x0  }
0x90: {  	[sflag:s11] =	ssyncadd.s32 $0xFFFFFF80  }
0x91: {  	_ =	swait.ge [sflag:s17], $0x4000  }
0x92: {  	[sflag:s17] =	ssyncset.done $0x0  }
0x93: {  	[sflag:s17] =	ssyncadd.s32 $0xFFFFC000  }
0x94: {  	[spmem:s2] =	stream.indirect.scatter.add.f32 [tilespmem:s13], [sflag:$0x3], $0x80, s12, s12, $0xb8;
	[tilespmem:$0x1C100] =	vst v63  }
0x95: {  	_ =	swait.ge [sflag:s11], $0x4000  }
0x96: {  	[sflag:s11] =	ssyncset.done $0x0  }
0x97: {  	[sflag:s11] =	ssyncadd.s32 $0xFFFFC000  }
0x98: {  	_ =	swait.ge [sflag:s18], $0x4000  }
.Ltmp1:
0x99: {  	[sflag:s18] =	ssyncset.done $0x0;
	(pc) =	sbr.rel @p0 .LBB2_4-.Ltmp1, $4  }
0x9a: {  	[sflag:s18] =	ssyncadd.s32 $0xFFFFC000  }
0x9b: {  	[spmem:s2] =	stream.indirect.scatter.add.f32 [tilespmem:s15], [sflag:$0x3], $0x80, s16, s12, $0xb8;
	[tilespmem:$0x1C100] =	vst v63  }
0x9c: {  	_ =	swait.ge [sflag:s11], $0x4000  }
0x9d: {  	s23 =	smov.u32 s22;
	[sflag:s11] =	ssyncset.done $0x0  }
0x9e: {  	s22 =	sadd.s32 s21, s8;
	[sflag:s11] =	ssyncadd.s32 $0xFFFFC000  }
0x9f: {  	[tilespmem:s3], [sflag:$0x3] =	stream.linear.gather [hbm4b:s22+s3], $0x80, $0x38;
	[tilespmem:$0x1C100] =	vst v63  }
0xa0: {  	_ =	swait.ge [sflag:s11], $0x80  }
0xa1: {  	[sflag:s11] =	ssyncset.done $0x0  }
0xa2: {  	[sflag:s11] =	ssyncadd.s32 $0xFFFFFF80  }
0xa3: {  	[tilespmem:s13], [sflag:$0x1] =	stream.indirect.gather [hbm4b:s5+s12], $0x80, s3, s12, $0xb8;
	[tilespmem:$0x1C100] =	vst v63  }
0xa4: {  	s22 =	sadd.s32 $0x10, s22  }
0xa5: {  	[tilespmem:s14], [sflag:$0x3] =	stream.linear.gather [hbm4b:s22+s3], $0x80, $0x38;
	[tilespmem:$0x1C100] =	vst v63  }
0xa6: {  	_ =	swait.ge [sflag:s11], $0x80  }
0xa7: {  	[sflag:s11] =	ssyncset.done $0x0  }
0xa8: {  	[sflag:s11] =	ssyncadd.s32 $0xFFFFFF80  }
0xa9: {  	[tilespmem:s15], [sflag:$0x2] =	stream.indirect.gather [hbm4b:s5+s12], $0x80, s14, s12, $0xb8;
	[tilespmem:$0x1C100] =	vst v63  }
0xaa: {  	s30 =	sadd.s32 s21, s9  }
0xab: {  	[tilespmem:s12], [sflag:$0x3] =	stream.linear.gather [hbm4b:s30+s3], $0x80, $0x38;
	[tilespmem:$0x1C100] =	vst v63  }
0xac: {  	_ =	swait.ge [sflag:s11], $0x80  }
0xad: {  	[sflag:s11] =	ssyncset.done $0x0  }
0xae: {  	s21 =	sadd.s32 $0x10, s30;
	[sflag:s11] =	ssyncadd.s32 $0xFFFFFF80  }
0xaf: {  	[tilespmem:s16], [sflag:$0x3] =	stream.linear.gather [hbm4b:s21+s3], $0x80, $0x38;
	[tilespmem:$0x1C100] =	vst v63  }
0xb0: {  	_ =	swait.ge [sflag:s11], $0x80  }
0xb1: {  	[sflag:s11] =	ssyncset.done $0x0  }
0xb2: {  	[sflag:s11] =	ssyncadd.s32 $0xFFFFFF80  }
0xb3: {  	_ =	swait.ge [sflag:s17], $0x4000  }
0xb4: {  	[sflag:s17] =	ssyncset.done $0x0  }
0xb5: {  	[sflag:s17] =	ssyncadd.s32 $0xFFFFC000  }
0xb6: {  	[spmem:s2] =	stream.indirect.scatter.add.f32 [tilespmem:s13], [sflag:$0x3], $0x80, s12, s12, $0xb8;
	[tilespmem:$0x1C100] =	vst v63  }
0xb7: {  	_ =	swait.ge [sflag:s11], $0x4000  }
0xb8: {  	[sflag:s11] =	ssyncset.done $0x0  }
0xb9: {  	[sflag:s11] =	ssyncadd.s32 $0xFFFFC000  }
0xba: {  	_ =	swait.ge [sflag:s18], $0x4000  }
0xbb: {  	[sflag:s18] =	ssyncset.done $0x0  }
0xbc: {  	[sflag:s18] =	ssyncadd.s32 $0xFFFFC000  }
0xbd: {  	[spmem:s2] =	stream.indirect.scatter.add.f32 [tilespmem:s15], [sflag:$0x3], $0x80, s16, s12, $0xb8;
	[tilespmem:$0x1C100] =	vst v63  }
0xbe: {  	_ =	swait.ge [sflag:s11], $0x4000  }
0xbf: {  	s20 =	sadd.s32 $0x1, s20;
	[sflag:s11] =	ssyncset.done $0x0  }
0xc0: {  	p0 =	sne.s32 s20, s7;
	[sflag:s11] =	ssyncadd.s32 $0xFFFFC000  }
.Ltmp2:
0xc1: {  	s31 =	sshrl.u32 s4, $0x3;
	[bflag:$0x0] =	sbarrier.arrive $0xFFFF;
	(pc) =	sbr.rel @p0 .LBB2_1-.Ltmp2, $4  }
0xc2: {  	[hbm:s6], [sflag:s19] =	dma.local [spmem:s31], $0x2780  }
0xc3: {  	_ =	swait.ge [sflag:s11], $0x2780  }
0xc4: {  	[sflag:s11] =	ssyncset.done $0x0  }
0xc5: {  	[sflag:s11] =	ssyncadd.s32 $0xFFFFD880  }
0xc6: {  	_ =	sfence.sel $0x180000  }
0xc7: {  	[bflag:$0x0] =	sbarrier.arrive $0xFFFF  }
0xc8: {  	p0 =	sne.s32 s0, $0x0;
	_ =	strace $0x90000050  }
0xc9: {  	s0 =	sadd.s32 @!p0 $0x100000, s1;
	[bflag:$0x2] =	sbarrier.arrive $0xFFFF  }
0xca: {  	[sflag:s0] =	ssyncadd.tile.s32 @!p0 $0x1;
	_ =	shalt  }
.Lfunc_end2:
_tile_overlayer_lowered:
.L_overlay_start_2:
0xcb: {  	(tag) =	ssettag $0x2  }
0xcc: {  	s0 =	rddreg [dreg:$0x0];
	s2 =	stileid.u32  }
0xcd: {  	s1 =	rddreg [dreg:$0x1];
	p0 =	sne.s32 s2, $0x0  }
0xce: {  	s3 =	rddreg [dreg:$0x2];
	[bflag:$0x3] =	sbarrier.arrive $0xFFFF;
	s2 =	simm.s32 @!p0 $0x1C03  }
0xcf: {  	[timem:s3], [sflag:s2] =	dma.local @!p0 [hbm:s0], s1  }
0xd0: {  	s0 =	simm.s32 @!p0 $0x3  }
0xd1: {  	_ =	swait.ge @!p0 [sflag:s0], s1  }
0xd2: {  	s1 =	ssub.s32 @!p0 $0x0, s1;
	[sflag:s0] =	ssyncset.done @!p0 $0x0  }
0xd3: {  	[sflag:s0] =	ssyncadd.s32 @!p0 s1  }
0xd4: {  	[bflag:$0x3] =	sbarrier.arrive $0xFFFF  }
0xd5: {  	_ =	shalt  }

</sc_bundles>
